<compile_context>
chip_gen: v7x
topology: tpu7x:2x2x1
jax: 0.10.2.dev20260603
libtpu: 0.0.44.dev20260713+nightly
codegen_flags: <defaults>
</compile_context>

<pallas_src>
import functools

import jax
import jax.numpy as jnp
from jax import lax
from jax.experimental import pallas as pl
from jax.experimental.pallas import tpu as pltpu
from jax.experimental.pallas import tpu_sc as plsc

N = 10000
E = 320000
D = 128
L = 16

NC = 2
NS = 16
NW = NC * NS
CHUNK = 128
K = 32
E2 = 2 * E
CPW0 = 256
CPW1 = 64
TOT_CHUNKS = NS * (CPW0 + CPW1)
EPAD = TOT_CHUNKS * CHUNK
ACC_N = 10112

_BM = 1000


def _table_body(x_ref, w_ref, blab_ref, o_ref):
    xw = jnp.dot(x_ref[...], w_ref[...], preferred_element_type=jnp.float32)
    msg = xw[:, None, :] + blab_ref[...][None, :, :]
    o_ref[...] = msg.reshape(_BM * L, D)


def _build_table(x, w_dir, b_lab):
    return pl.pallas_call(
        _table_body,
        grid=(N // _BM,),
        in_specs=[pl.BlockSpec((_BM, D), lambda i: (i, 0)),
                  pl.BlockSpec((D, D), lambda i: (0, 0)),
                  pl.BlockSpec((L, D), lambda i: (0, 0))],
        out_specs=pl.BlockSpec((_BM * L, D), lambda i: (i, 0)),
        out_shape=jax.ShapeDtypeStruct((N * L, D), jnp.float32),
    )(x, w_dir, b_lab)


def _final_body(x_ref, wl_ref, b_ref, p0_ref, p1_ref, o_ref):
    xl = lax.dot_general(x_ref[...], wl_ref[...],
                         (((1,), (1,)), ((), ())),
                         preferred_element_type=jnp.float32)
    o_ref[...] = jnp.maximum(xl + b_ref[...] + p0_ref[...] + p1_ref[...], 0.0)


def _final(x, w_lin, b_lin, p0, p1):
    return pl.pallas_call(
        _final_body,
        grid=(N // _BM,),
        in_specs=[pl.BlockSpec((_BM, D), lambda i: (i, 0)),
                  pl.BlockSpec((D, D), lambda i: (0, 0)),
                  pl.BlockSpec((1, D), lambda i: (0, 0)),
                  pl.BlockSpec((_BM, D), lambda i: (i, 0)),
                  pl.BlockSpec((_BM, D), lambda i: (i, 0))],
        out_specs=pl.BlockSpec((_BM, D), lambda i: (i, 0)),
        out_shape=jax.ShapeDtypeStruct((N, D), jnp.float32),
    )(x, w_lin, b_lin.reshape(1, D), p0, p1)


_sc_mesh = plsc.VectorSubcoreMesh(core_axis_name="c", subcore_axis_name="s")


@functools.partial(
    pl.kernel,
    out_type=jax.ShapeDtypeStruct((NC, ACC_N, D), jnp.float32),
    mesh=_sc_mesh,
    scratch_types=[
        pltpu.VMEM((K, CHUNK), jnp.int32),
        pltpu.VMEM((K, CHUNK), jnp.int32),
        pltpu.VMEM((CHUNK, D), jnp.float32),
        pltpu.VMEM((CHUNK, D), jnp.float32),
        pltpu.VMEM_SHARED((ACC_N, D), jnp.float32),
        pltpu.SemaphoreType.DMA,
        pltpu.SemaphoreType.DMA,
    ],
)
def _sc_scatter(table_hbm, gsrc_hbm, dst_hbm, zeros_hbm, out_hbm,
                gidx_v, didx_v, rows_a, rows_b, acc, sga, sgb):
    c = lax.axis_index("c")
    s = lax.axis_index("s")

    zrows = ACC_N // NS
    pltpu.sync_copy(zeros_hbm.at[pl.ds(s * zrows, zrows)],
                    acc.at[pl.ds(s * zrows, zrows)])
    plsc.subcore_barrier()

    rows = (rows_a, rows_b)
    g_sems = (sga, sgb)

    my_cpw = jnp.where(c == 0, CPW0, CPW1)
    my_nb = my_cpw // K
    base = c * (NS * CPW0) + s * my_cpw

    def block_body(kb, carry):
        pltpu.sync_copy(gsrc_hbm.at[pl.ds(base + kb * K, K)], gidx_v)
        pltpu.sync_copy(dst_hbm.at[pl.ds(base + kb * K, K)], didx_v)

        desc = pltpu.async_copy(table_hbm.at[gidx_v.at[0]], rows[0],
                                g_sems[0])
        for j in range(K):
            p = j % 2
            if j + 1 < K:
                ndesc = pltpu.async_copy(
                    table_hbm.at[gidx_v.at[j + 1]], rows[1 - p],
                    g_sems[1 - p])
            desc.wait()
            pltpu.sync_copy(rows[p], acc.at[didx_v.at[j]], add=True)
            if j + 1 < K:
                desc = ndesc
        return carry

    lax.fori_loop(0, my_nb, block_body, 0)

    plsc.subcore_barrier()

    pltpu.sync_copy(acc.at[pl.ds(s * zrows, zrows)],
                    out_hbm.at[c, pl.ds(s * zrows, zrows)])


def kernel(x, edge_index, edge_label, W_dir, b_lab, W_lin, b_lin):
    table = _build_table(x, W_dir, b_lab)

    src = jnp.concatenate([edge_index[0], edge_index[1]])
    dst = jnp.concatenate([edge_index[1], edge_index[0]])
    lab = jnp.concatenate([edge_label, edge_label])
    gsrc = src * jnp.int32(L) + lab

    pad = EPAD - E2
    padz = jnp.zeros((pad,), jnp.int32)
    padn = jnp.full((pad,), N, jnp.int32)
    gsrc_full = jnp.concatenate([gsrc, padz]).reshape(TOT_CHUNKS, CHUNK)
    dst_full = jnp.concatenate([dst, padn]).reshape(TOT_CHUNKS, CHUNK)

    zeros = jnp.zeros((ACC_N, D), jnp.float32)

    partials = _sc_scatter(table, gsrc_full, dst_full, zeros)
    return _final(x, W_lin, b_lin, partials[0], partials[1])

# --- scband reference (transcript-rebuilt; emitter-appended) ---
"""Pipeline reference for scband-sgcnconv-76647986365162 (READ-ONLY COPY).

The authoritative reference and input builder live on the scoring server;
editing this copy changes nothing except your own understanding.
"""

import jax, jax.numpy as jnp
import numpy as np

N = 10000
E = 320000
D_IN = 128
D_OUT = 128
L = 16


def setup_inputs(seed: int = 0) -> dict:
    key = jax.random.key(seed)
    ks = jax.random.split(key, 7)
    x = jax.random.normal(ks[0], (N, D_IN), dtype=jnp.float32)
    edge_index = jax.random.randint(ks[1], (2, E), 0, N, dtype=jnp.int32)
    edge_label = jax.random.randint(ks[2], (E,), 0, L, dtype=jnp.int32)
    # SGCNDir params (uniform(-1, 1) init, matching torch)
    W_dir = jax.random.uniform(ks[3], (D_IN, D_OUT), minval=-1.0, maxval=1.0, dtype=jnp.float32)
    b_lab = jax.random.uniform(ks[4], (L, D_OUT), minval=-1.0, maxval=1.0, dtype=jnp.float32)
    # SGCNLoop nn.Linear params (kaiming-uniform-like bound)
    bound = 1.0 / np.sqrt(D_IN)
    W_lin = jax.random.uniform(ks[5], (D_OUT, D_IN), minval=-bound, maxval=bound, dtype=jnp.float32)
    b_lin = jax.random.uniform(ks[6], (D_OUT,), minval=-bound, maxval=bound, dtype=jnp.float32)
    return {"x": x, "edge_index": edge_index, "edge_label": edge_label,
            "W_dir": W_dir, "b_lab": b_lab, "W_lin": W_lin, "b_lin": b_lin}


def reference(x, edge_index, edge_label, W_dir, b_lab, W_lin, b_lin):
    # SGCNLoop (no gating): x_loop = Linear(x)
    x_loop = x @ W_lin.T + b_lin
    # undirected: concat edges with flipped (src/dst swapped), double labels
    ei = jnp.concatenate([edge_index, edge_index[::-1, :]], axis=1)
    el = jnp.concatenate([edge_label, edge_label], axis=0)
    src, dst = ei[0], ei[1]
    # message: x_j @ W_dir + b_lab[edge_label]  (matmul hoisted before gather, same math)
    xw = x @ W_dir
    msg = jnp.take(xw, src, axis=0) + jnp.take(b_lab, el, axis=0)
    # aggr='add': scatter-add messages at dst nodes
    x_dir = jax.ops.segment_sum(msg, dst, num_segments=N)
    return jax.nn.relu(x_loop + x_dir)

if __name__ == "__main__":
    import jax
    _d = setup_inputs()
    print(jax.jit(kernel)(*tuple(_d.values())))

</pallas_src>

<mosaic_0001>
#map = affine_map<(d0, d1) -> (0, 0)>
#map1 = affine_map<(d0, d1) -> (0, 0, 0)>
module attributes {stable_mosaic.version = 14 : i64} {
  func.func @_sc_scatter(%arg0: i32, %arg1: i32, %arg2: memref<160000x128xf32, #tpu.memory_space<hbm>>, %arg3: memref<5120x128xi32, #tpu.memory_space<hbm>>, %arg4: memref<5120x128xi32, #tpu.memory_space<hbm>>, %arg5: memref<10112x128xf32, #tpu.memory_space<hbm>>, %arg6: memref<2x10112x128xf32, #tpu.memory_space<hbm>>, %arg7: memref<32x128xi32, #tpu.memory_space<vmem>>, %arg8: memref<32x128xi32, #tpu.memory_space<vmem>>, %arg9: memref<128x128xf32, #tpu.memory_space<vmem>>, %arg10: memref<128x128xf32, #tpu.memory_space<vmem>>, %arg11: memref<10112x128xf32, #tpu.memory_space<vmem_shared>>, %arg12: memref<!tpu.dma_semaphore, #tpu.memory_space<semaphore_mem>>, %arg13: memref<!tpu.dma_semaphore, #tpu.memory_space<semaphore_mem>>) attributes {dimension_semantics = [#tpu.dimension_semantics<core_parallel>, #tpu.dimension_semantics<subcore_parallel>], iteration_bounds = array<i64: 2, 16>, scalar_prefetch = 0 : i64, scratch_operands = 7 : i64, tpu.core_type = #tpu.core_type<sc_vector_subcore>, window_params = [{transform_indices = #map}, {transform_indices = #map}, {transform_indices = #map}, {transform_indices = #map}, {transform_indices = #map1}]} {
    %mul3A = arith.constant 632 : i32
    %mul3A_0 = arith.muli %arg1, %mul3A : i32
    %mul3A_1 = arith.constant 632 : i32
    %mul3A_2 = arith.muli %arg1, %mul3A_1 : i32
    "tpu.region"() ({
      %run_scoped3A = tpu.sem_alloc : memref<!tpu.dma_semaphore, #tpu.memory_space<semaphore_mem>>
      %dma_start3A = arith.constant 0 : i32
      %dma_start3A_40 = tpu.memref_slice %arg11[%mul3A_2, %dma_start3A] : memref<10112x128xf32, #tpu.memory_space<vmem_shared>> -> memref<632x128xf32, #tpu.memory_space<vmem_shared>>
      %dma_start3A_41 = arith.constant 0 : i32
      %dma_start3A_42 = tpu.memref_slice %arg5[%mul3A_0, %dma_start3A_41] : memref<10112x128xf32, #tpu.memory_space<hbm>> -> memref<632x128xf32, #tpu.memory_space<hbm>>
      tpu.enqueue_dma source(%dma_start3A_42 : memref<632x128xf32, #tpu.memory_space<hbm>>) target(%dma_start3A_40 : memref<632x128xf32, #tpu.memory_space<vmem_shared>>) target_semaphore(%run_scoped3A : memref<!tpu.dma_semaphore, #tpu.memory_space<semaphore_mem>>)
      %dma_wait3A = arith.constant 0 : i32
      %dma_wait3A_43 = tpu.memref_slice %arg11[%mul3A_2, %dma_wait3A] : memref<10112x128xf32, #tpu.memory_space<vmem_shared>> -> memref<632x128xf32, #tpu.memory_space<vmem_shared>>
      %dma_wait3A_44 = arith.constant 0 : i32
      %dma_wait3A_45 = tpu.memref_slice %arg5[%mul3A_0, %dma_wait3A_44] : memref<10112x128xf32, #tpu.memory_space<hbm>> -> memref<632x128xf32, #tpu.memory_space<hbm>>
      tpu.wait_dma2 semaphore(%run_scoped3A : memref<!tpu.dma_semaphore, #tpu.memory_space<semaphore_mem>>) src(%dma_wait3A_45 : memref<632x128xf32, #tpu.memory_space<hbm>>) dst(%dma_wait3A_43 : memref<632x128xf32, #tpu.memory_space<vmem_shared>>)
      tpu.yield
    }) : () -> ()
    %barrier3A = arith.constant 0 : index
    tpu.barrier barrier_id(%barrier3A)
    %eq3A = arith.constant 0 : i32
    %eq3A_3 = arith.cmpi eq, %arg0, %eq3A : i32
    %jit3A = arith.constant 256 : i32
    %jit3A_4 = arith.constant 64 : i32
    %select_n3A = arith.select %eq3A_3, %jit3A, %jit3A_4 : i32
    %jit3A_5 = arith.constant 32 : i32
    %div3A = arith.divsi %select_n3A, %jit3A_5 : i32
    %sign3A = arith.constant 0 : i32
    %sign3A_6 = arith.cmpi sgt, %select_n3A, %sign3A : i32
    %sign3A_7 = arith.extui %sign3A_6 : i1 to i32
    %sign3A_8 = arith.constant 0 : i32
    %sign3A_9 = arith.cmpi slt, %select_n3A, %sign3A_8 : i32
    %sign3A_10 = arith.extui %sign3A_9 : i1 to i32
    %sign3A_11 = arith.subi %sign3A_7, %sign3A_10 : i32
    %sign3A_12 = arith.constant 0 : i32
    %sign3A_13 = arith.cmpi sgt, %jit3A_5, %sign3A_12 : i32
    %sign3A_14 = arith.extui %sign3A_13 : i1 to i32
    %sign3A_15 = arith.constant 0 : i32
    %sign3A_16 = arith.cmpi slt, %jit3A_5, %sign3A_15 : i32
    %sign3A_17 = arith.extui %sign3A_16 : i1 to i32
    %sign3A_18 = arith.subi %sign3A_14, %sign3A_17 : i32
    %ne3A = arith.cmpi ne, %sign3A_11, %sign3A_18 : i32
    %rem3A = arith.remsi %select_n3A, %jit3A_5 : i32
    %ne3A_19 = arith.constant 0 : i32
    %ne3A_20 = arith.cmpi ne, %rem3A, %ne3A_19 : i32
    %and3A = arith.andi %ne3A, %ne3A_20 : i1
    %sub3A = arith.constant 1 : i32
    %sub3A_21 = arith.subi %div3A, %sub3A : i32
    %select_n3A_22 = arith.select %and3A, %sub3A_21, %div3A : i32
    %mul3A_23 = arith.constant 4096 : i32
    %mul3A_24 = arith.muli %arg0, %mul3A_23 : i32
    %mul3A_25 = arith.muli %arg1, %select_n3A : i32
    %add3A = arith.addi %mul3A_24, %mul3A_25 : i32
    %while3A = arith.constant 0 : i32
    %while3A_26 = arith.constant 0 : i32
    %while3A_27 = arith.subi %select_n3A_22, %while3A_26 : i32
    %while3A_28 = arith.addi %while3A_26, %while3A_27 : i32
    %while3A_29 = arith.constant 1 : i32
    %while3A_30 = arith.divsi %while3A_27, %while3A_29 : i32
    %while3A_31 = arith.muli %while3A_30, %while3A_29 : i32
    %while3A_32 = arith.addi %while3A_26, %while3A_31 : i32
    %while3A_33 = arith.constant 1 : i32
    scf.for %while3A_40 = %while3A_26 to %while3A_32 step %while3A_33  : i32 {
      %mul3A_41 = arith.constant 32 : i32
      %mul3A_42 = arith.muli %while3A_40, %mul3A_41 : i32
      %add3A_43 = arith.addi %add3A, %mul3A_42 : i32
      "tpu.region"() ({
        %run_scoped3A_524 = tpu.sem_alloc : memref<!tpu.dma_semaphore, #tpu.memory_space<semaphore_mem>>
        %dma_start3A_525 = arith.constant 0 : i32
        %dma_start3A_526 = tpu.memref_slice %arg3[%add3A_43, %dma_start3A_525] : memref<5120x128xi32, #tpu.memory_space<hbm>> -> memref<32x128xi32, #tpu.memory_space<hbm>>
        %dma_start3A_527 = arith.constant 0 : i32
        %dma_start3A_528 = tpu.memref_slice %arg3[%add3A_43, %dma_start3A_527] : memref<5120x128xi32, #tpu.memory_space<hbm>> -> memref<32x128xi32, #tpu.memory_space<hbm>>
        tpu.enqueue_dma source(%dma_start3A_528 : memref<32x128xi32, #tpu.memory_space<hbm>>) target(%arg7 : memref<32x128xi32, #tpu.memory_space<vmem>>) target_semaphore(%run_scoped3A_524 : memref<!tpu.dma_semaphore, #tpu.memory_space<semaphore_mem>>)
        %dma_wait3A_529 = arith.constant 0 : i32
        %dma_wait3A_530 = tpu.memref_slice %arg3[%add3A_43, %dma_wait3A_529] : memref<5120x128xi32, #tpu.memory_space<hbm>> -> memref<32x128xi32, #tpu.memory_space<hbm>>
        %dma_wait3A_531 = arith.constant 0 : i32
        %dma_wait3A_532 = tpu.memref_slice %arg3[%add3A_43, %dma_wait3A_531] : memref<5120x128xi32, #tpu.memory_space<hbm>> -> memref<32x128xi32, #tpu.memory_space<hbm>>
        tpu.wait_dma2 semaphore(%run_scoped3A_524 : memref<!tpu.dma_semaphore, #tpu.memory_space<semaphore_mem>>) src(%dma_wait3A_532 : memref<32x128xi32, #tpu.memory_space<hbm>>) dst(%arg7 : memref<32x128xi32, #tpu.memory_space<vmem>>)
        tpu.yield
      }) : () -> ()
      %mul3A_44 = arith.constant 32 : i32
      %mul3A_45 = arith.muli %while3A_40, %mul3A_44 : i32
      %add3A_46 = arith.addi %add3A, %mul3A_45 : i32
      "tpu.region"() ({
        %run_scoped3A_524 = tpu.sem_alloc : memref<!tpu.dma_semaphore, #tpu.memory_space<semaphore_mem>>
        %dma_start3A_525 = arith.constant 0 : i32
        %dma_start3A_526 = tpu.memref_slice %arg4[%add3A_46, %dma_start3A_525] : memref<5120x128xi32, #tpu.memory_space<hbm>> -> memref<32x128xi32, #tpu.memory_space<hbm>>
        %dma_start3A_527 = arith.constant 0 : i32
        %dma_start3A_528 = tpu.memref_slice %arg4[%add3A_46, %dma_start3A_527] : memref<5120x128xi32, #tpu.memory_space<hbm>> -> memref<32x128xi32, #tpu.memory_space<hbm>>
        tpu.enqueue_dma source(%dma_start3A_528 : memref<32x128xi32, #tpu.memory_space<hbm>>) target(%arg8 : memref<32x128xi32, #tpu.memory_space<vmem>>) target_semaphore(%run_scoped3A_524 : memref<!tpu.dma_semaphore, #tpu.memory_space<semaphore_mem>>)
        %dma_wait3A_529 = arith.constant 0 : i32
        %dma_wait3A_530 = tpu.memref_slice %arg4[%add3A_46, %dma_wait3A_529] : memref<5120x128xi32, #tpu.memory_space<hbm>> -> memref<32x128xi32, #tpu.memory_space<hbm>>
        %dma_wait3A_531 = arith.constant 0 : i32
        %dma_wait3A_532 = tpu.memref_slice %arg4[%add3A_46, %dma_wait3A_531] : memref<5120x128xi32, #tpu.memory_space<hbm>> -> memref<32x128xi32, #tpu.memory_space<hbm>>
        tpu.wait_dma2 semaphore(%run_scoped3A_524 : memref<!tpu.dma_semaphore, #tpu.memory_space<semaphore_mem>>) src(%dma_wait3A_532 : memref<32x128xi32, #tpu.memory_space<hbm>>) dst(%arg8 : memref<32x128xi32, #tpu.memory_space<vmem>>)
        tpu.yield
      }) : () -> ()
      %dma_start3A = arith.constant 0 : i32
      %dma_start3A_47 = arith.constant 0 : i32
      %dma_start3A_48 = tpu.memref_slice %arg7[%dma_start3A, %dma_start3A_47] : memref<32x128xi32, #tpu.memory_space<vmem>> -> memref<1x128xi32, #tpu.memory_space<vmem>>
      %dma_start3A_49 = tpu.memref_squeeze %dma_start3A_48 : memref<1x128xi32, #tpu.memory_space<vmem>> -> memref<128xi32, #tpu.memory_space<vmem>>
      %dma_start3A_50 = arith.constant 0 : i32
      %dma_start3A_51 = arith.constant 0 : i32
      %dma_start3A_52 = tpu.memref_slice %arg2[%dma_start3A_50, %dma_start3A_51] : memref<160000x128xf32, #tpu.memory_space<hbm>> -> memref<160000x128xf32, #tpu.memory_space<hbm>>
      tpu.enqueue_indirect_dma source(%dma_start3A_52 : memref<160000x128xf32, #tpu.memory_space<hbm>>) target(%arg9 : memref<128x128xf32, #tpu.memory_space<vmem>>) offsets(%dma_start3A_49 : memref<128xi32, #tpu.memory_space<vmem>>) semaphore(%arg12 : memref<!tpu.dma_semaphore, #tpu.memory_space<semaphore_mem>>)
      %dma_start3A_53 = arith.constant 1 : i32
      %dma_start3A_54 = arith.constant 0 : i32
      %dma_start3A_55 = tpu.memref_slice %arg7[%dma_start3A_53, %dma_start3A_54] : memref<32x128xi32, #tpu.memory_space<vmem>> -> memref<1x128xi32, #tpu.memory_space<vmem>>
      %dma_start3A_56 = tpu.memref_squeeze %dma_start3A_55 : memref<1x128xi32, #tpu.memory_space<vmem>> -> memref<128xi32, #tpu.memory_space<vmem>>
      %dma_start3A_57 = arith.constant 0 : i32
      %dma_start3A_58 = arith.constant 0 : i32
      %dma_start3A_59 = tpu.memref_slice %arg2[%dma_start3A_57, %dma_start3A_58] : memref<160000x128xf32, #tpu.memory_space<hbm>> -> memref<160000x128xf32, #tpu.memory_space<hbm>>
      tpu.enqueue_indirect_dma source(%dma_start3A_59 : memref<160000x128xf32, #tpu.memory_space<hbm>>) target(%arg10 : memref<128x128xf32, #tpu.memory_space<vmem>>) offsets(%dma_start3A_56 : memref<128xi32, #tpu.memory_space<vmem>>) semaphore(%arg13 : memref<!tpu.dma_semaphore, #tpu.memory_space<semaphore_mem>>)
      %dma_wait3A = arith.constant 0 : i32
      %dma_wait3A_60 = arith.constant 0 : i32
      %dma_wait3A_61 = tpu.memref_slice %arg7[%dma_wait3A, %dma_wait3A_60] : memref<32x128xi32, #tpu.memory_space<vmem>> -> memref<1x128xi32, #tpu.memory_space<vmem>>
      %dma_wait3A_62 = tpu.memref_squeeze %dma_wait3A_61 : memref<1x128xi32, #tpu.memory_space<vmem>> -> memref<128xi32, #tpu.memory_space<vmem>>
      %dma_wait3A_63 = arith.constant 0 : i32
      %dma_wait3A_64 = arith.constant 0 : i32
      %dma_wait3A_65 = tpu.memref_slice %arg2[%dma_wait3A_63, %dma_wait3A_64] : memref<160000x128xf32, #tpu.memory_space<hbm>> -> memref<160000x128xf32, #tpu.memory_space<hbm>>
      tpu.wait_indirect_dma semaphore(%arg12 : memref<!tpu.dma_semaphore, #tpu.memory_space<semaphore_mem>>) src(%dma_wait3A_65 : memref<160000x128xf32, #tpu.memory_space<hbm>>) dst(%arg9 : memref<128x128xf32, #tpu.memory_space<vmem>>)
      %run_scoped3A = arith.constant 0 : i32
      "tpu.region"() ({
        %run_scoped3A_524 = tpu.sem_alloc : memref<!tpu.dma_semaphore, #tpu.memory_space<semaphore_mem>>
        %dma_start3A_525 = arith.constant 0 : i32
        %dma_start3A_526 = tpu.memref_slice %arg8[%run_scoped3A, %dma_start3A_525] : memref<32x128xi32, #tpu.memory_space<vmem>> -> memref<1x128xi32, #tpu.memory_space<vmem>>
        %dma_start3A_527 = tpu.memref_squeeze %dma_start3A_526 : memref<1x128xi32, #tpu.memory_space<vmem>> -> memref<128xi32, #tpu.memory_space<vmem>>
        %dma_start3A_528 = arith.constant 0 : i32
        %dma_start3A_529 = arith.constant 0 : i32
        %dma_start3A_530 = tpu.memref_slice %arg11[%dma_start3A_528, %dma_start3A_529] : memref<10112x128xf32, #tpu.memory_space<vmem_shared>> -> memref<10112x128xf32, #tpu.memory_space<vmem_shared>>
        tpu.enqueue_indirect_dma source(%arg9 : memref<128x128xf32, #tpu.memory_space<vmem>>) target(%dma_start3A_530 : memref<10112x128xf32, #tpu.memory_space<vmem_shared>>) offsets(%dma_start3A_527 : memref<128xi32, #tpu.memory_space<vmem>>) semaphore(%run_scoped3A_524 : memref<!tpu.dma_semaphore, #tpu.memory_space<semaphore_mem>>) {add = true}
        %dma_wait3A_531 = arith.constant 0 : i32
        %dma_wait3A_532 = tpu.memref_slice %arg8[%run_scoped3A, %dma_wait3A_531] : memref<32x128xi32, #tpu.memory_space<vmem>> -> memref<1x128xi32, #tpu.memory_space<vmem>>
        %dma_wait3A_533 = tpu.memref_squeeze %dma_wait3A_532 : memref<1x128xi32, #tpu.memory_space<vmem>> -> memref<128xi32, #tpu.memory_space<vmem>>
        %dma_wait3A_534 = arith.constant 0 : i32
        %dma_wait3A_535 = arith.constant 0 : i32
        %dma_wait3A_536 = tpu.memref_slice %arg11[%dma_wait3A_534, %dma_wait3A_535] : memref<10112x128xf32, #tpu.memory_space<vmem_shared>> -> memref<10112x128xf32, #tpu.memory_space<vmem_shared>>
        tpu.wait_indirect_dma semaphore(%run_scoped3A_524 : memref<!tpu.dma_semaphore, #tpu.memory_space<semaphore_mem>>) src(%arg9 : memref<128x128xf32, #tpu.memory_space<vmem>>) dst(%dma_wait3A_536 : memref<10112x128xf32, #tpu.memory_space<vmem_shared>>)
        tpu.yield
      }) : () -> ()
      %dma_start3A_66 = arith.constant 2 : i32
      %dma_start3A_67 = arith.constant 0 : i32
      %dma_start3A_68 = tpu.memref_slice %arg7[%dma_start3A_66, %dma_start3A_67] : memref<32x128xi32, #tpu.memory_space<vmem>> -> memref<1x128xi32, #tpu.memory_space<vmem>>
      %dma_start3A_69 = tpu.memref_squeeze %dma_start3A_68 : memref<1x128xi32, #tpu.memory_space<vmem>> -> memref<128xi32, #tpu.memory_space<vmem>>
      %dma_start3A_70 = arith.constant 0 : i32
      %dma_start3A_71 = arith.constant 0 : i32
      %dma_start3A_72 = tpu.memref_slice %arg2[%dma_start3A_70, %dma_start3A_71] : memref<160000x128xf32, #tpu.memory_space<hbm>> -> memref<160000x128xf32, #tpu.memory_space<hbm>>
      tpu.enqueue_indirect_dma source(%dma_start3A_72 : memref<160000x128xf32, #tpu.memory_space<hbm>>) target(%arg9 : memref<128x128xf32, #tpu.memory_space<vmem>>) offsets(%dma_start3A_69 : memref<128xi32, #tpu.memory_space<vmem>>) semaphore(%arg12 : memref<!tpu.dma_semaphore, #tpu.memory_space<semaphore_mem>>)
      %dma_wait3A_73 = arith.constant 1 : i32
      %dma_wait3A_74 = arith.constant 0 : i32
      %dma_wait3A_75 = tpu.memref_slice %arg7[%dma_wait3A_73, %dma_wait3A_74] : memref<32x128xi32, #tpu.memory_space<vmem>> -> memref<1x128xi32, #tpu.memory_space<vmem>>
      %dma_wait3A_76 = tpu.memref_squeeze %dma_wait3A_75 : memref<1x128xi32, #tpu.memory_space<vmem>> -> memref<128xi32, #tpu.memory_space<vmem>>
      %dma_wait3A_77 = arith.constant 0 : i32
      %dma_wait3A_78 = arith.constant 0 : i32
      %dma_wait3A_79 = tpu.memref_slice %arg2[%dma_wait3A_77, %dma_wait3A_78] : memref<160000x128xf32, #tpu.memory_space<hbm>> -> memref<160000x128xf32, #tpu.memory_space<hbm>>
      tpu.wait_indirect_dma semaphore(%arg13 : memref<!tpu.dma_semaphore, #tpu.memory_space<semaphore_mem>>) src(%dma_wait3A_79 : memref<160000x128xf32, #tpu.memory_space<hbm>>) dst(%arg10 : memref<128x128xf32, #tpu.memory_space<vmem>>)
      %run_scoped3A_80 = arith.constant 1 : i32
      "tpu.region"() ({
        %run_scoped3A_524 = tpu.sem_alloc : memref<!tpu.dma_semaphore, #tpu.memory_space<semaphore_mem>>
        %dma_start3A_525 = arith.constant 0 : i32
        %dma_start3A_526 = tpu.memref_slice %arg8[%run_scoped3A_80, %dma_start3A_525] : memref<32x128xi32, #tpu.memory_space<vmem>> -> memref<1x128xi32, #tpu.memory_space<vmem>>
        %dma_start3A_527 = tpu.memref_squeeze %dma_start3A_526 : memref<1x128xi32, #tpu.memory_space<vmem>> -> memref<128xi32, #tpu.memory_space<vmem>>
        %dma_start3A_528 = arith.constant 0 : i32
        %dma_start3A_529 = arith.constant 0 : i32
        %dma_start3A_530 = tpu.memref_slice %arg11[%dma_start3A_528, %dma_start3A_529] : memref<10112x128xf32, #tpu.memory_space<vmem_shared>> -> memref<10112x128xf32, #tpu.memory_space<vmem_shared>>
        tpu.enqueue_indirect_dma source(%arg10 : memref<128x128xf32, #tpu.memory_space<vmem>>) target(%dma_start3A_530 : memref<10112x128xf32, #tpu.memory_space<vmem_shared>>) offsets(%dma_start3A_527 : memref<128xi32, #tpu.memory_space<vmem>>) semaphore(%run_scoped3A_524 : memref<!tpu.dma_semaphore, #tpu.memory_space<semaphore_mem>>) {add = true}
        %dma_wait3A_531 = arith.constant 0 : i32
        %dma_wait3A_532 = tpu.memref_slice %arg8[%run_scoped3A_80, %dma_wait3A_531] : memref<32x128xi32, #tpu.memory_space<vmem>> -> memref<1x128xi32, #tpu.memory_space<vmem>>
        %dma_wait3A_533 = tpu.memref_squeeze %dma_wait3A_532 : memref<1x128xi32, #tpu.memory_space<vmem>> -> memref<128xi32, #tpu.memory_space<vmem>>
        %dma_wait3A_534 = arith.constant 0 : i32
        %dma_wait3A_535 = arith.constant 0 : i32
        %dma_wait3A_536 = tpu.memref_slice %arg11[%dma_wait3A_534, %dma_wait3A_535] : memref<10112x128xf32, #tpu.memory_space<vmem_shared>> -> memref<10112x128xf32, #tpu.memory_space<vmem_shared>>
        tpu.wait_indirect_dma semaphore(%run_scoped3A_524 : memref<!tpu.dma_semaphore, #tpu.memory_space<semaphore_mem>>) src(%arg10 : memref<128x128xf32, #tpu.memory_space<vmem>>) dst(%dma_wait3A_536 : memref<10112x128xf32, #tpu.memory_space<vmem_shared>>)
        tpu.yield
      }) : () -> ()
      %dma_start3A_81 = arith.constant 3 : i32
      %dma_start3A_82 = arith.constant 0 : i32
      %dma_start3A_83 = tpu.memref_slice %arg7[%dma_start3A_81, %dma_start3A_82] : memref<32x128xi32, #tpu.memory_space<vmem>> -> memref<1x128xi32, #tpu.memory_space<vmem>>
      %dma_start3A_84 = tpu.memref_squeeze %dma_start3A_83 : memref<1x128xi32, #tpu.memory_space<vmem>> -> memref<128xi32, #tpu.memory_space<vmem>>
      %dma_start3A_85 = arith.constant 0 : i32
      %dma_start3A_86 = arith.constant 0 : i32
      %dma_start3A_87 = tpu.memref_slice %arg2[%dma_start3A_85, %dma_start3A_86] : memref<160000x128xf32, #tpu.memory_space<hbm>> -> memref<160000x128xf32, #tpu.memory_space<hbm>>
      tpu.enqueue_indirect_dma source(%dma_start3A_87 : memref<160000x128xf32, #tpu.memory_space<hbm>>) target(%arg10 : memref<128x128xf32, #tpu.memory_space<vmem>>) offsets(%dma_start3A_84 : memref<128xi32, #tpu.memory_space<vmem>>) semaphore(%arg13 : memref<!tpu.dma_semaphore, #tpu.memory_space<semaphore_mem>>)
      %dma_wait3A_88 = arith.constant 2 : i32
      %dma_wait3A_89 = arith.constant 0 : i32
      %dma_wait3A_90 = tpu.memref_slice %arg7[%dma_wait3A_88, %dma_wait3A_89] : memref<32x128xi32, #tpu.memory_space<vmem>> -> memref<1x128xi32, #tpu.memory_space<vmem>>
      %dma_wait3A_91 = tpu.memref_squeeze %dma_wait3A_90 : memref<1x128xi32, #tpu.memory_space<vmem>> -> memref<128xi32, #tpu.memory_space<vmem>>
      %dma_wait3A_92 = arith.constant 0 : i32
      %dma_wait3A_93 = arith.constant 0 : i32
      %dma_wait3A_94 = tpu.memref_slice %arg2[%dma_wait3A_92, %dma_wait3A_93] : memref<160000x128xf32, #tpu.memory_space<hbm>> -> memref<160000x128xf32, #tpu.memory_space<hbm>>
      tpu.wait_indirect_dma semaphore(%arg12 : memref<!tpu.dma_semaphore, #tpu.memory_space<semaphore_mem>>) src(%dma_wait3A_94 : memref<160000x128xf32, #tpu.memory_space<hbm>>) dst(%arg9 : memref<128x128xf32, #tpu.memory_space<vmem>>)
      %run_scoped3A_95 = arith.constant 2 : i32
      "tpu.region"() ({
        %run_scoped3A_524 = tpu.sem_alloc : memref<!tpu.dma_semaphore, #tpu.memory_space<semaphore_mem>>
        %dma_start3A_525 = arith.constant 0 : i32
        %dma_start3A_526 = tpu.memref_slice %arg8[%run_scoped3A_95, %dma_start3A_525] : memref<32x128xi32, #tpu.memory_space<vmem>> -> memref<1x128xi32, #tpu.memory_space<vmem>>
        %dma_start3A_527 = tpu.memref_squeeze %dma_start3A_526 : memref<1x128xi32, #tpu.memory_space<vmem>> -> memref<128xi32, #tpu.memory_space<vmem>>
        %dma_start3A_528 = arith.constant 0 : i32
        %dma_start3A_529 = arith.constant 0 : i32
        %dma_start3A_530 = tpu.memref_slice %arg11[%dma_start3A_528, %dma_start3A_529] : memref<10112x128xf32, #tpu.memory_space<vmem_shared>> -> memref<10112x128xf32, #tpu.memory_space<vmem_shared>>
        tpu.enqueue_indirect_dma source(%arg9 : memref<128x128xf32, #tpu.memory_space<vmem>>) target(%dma_start3A_530 : memref<10112x128xf32, #tpu.memory_space<vmem_shared>>) offsets(%dma_start3A_527 : memref<128xi32, #tpu.memory_space<vmem>>) semaphore(%run_scoped3A_524 : memref<!tpu.dma_semaphore, #tpu.memory_space<semaphore_mem>>) {add = true}
        %dma_wait3A_531 = arith.constant 0 : i32
        %dma_wait3A_532 = tpu.memref_slice %arg8[%run_scoped3A_95, %dma_wait3A_531] : memref<32x128xi32, #tpu.memory_space<vmem>> -> memref<1x128xi32, #tpu.memory_space<vmem>>
        %dma_wait3A_533 = tpu.memref_squeeze %dma_wait3A_532 : memref<1x128xi32, #tpu.memory_space<vmem>> -> memref<128xi32, #tpu.memory_space<vmem>>
        %dma_wait3A_534 = arith.constant 0 : i32
        %dma_wait3A_535 = arith.constant 0 : i32
        %dma_wait3A_536 = tpu.memref_slice %arg11[%dma_wait3A_534, %dma_wait3A_535] : memref<10112x128xf32, #tpu.memory_space<vmem_shared>> -> memref<10112x128xf32, #tpu.memory_space<vmem_shared>>
        tpu.wait_indirect_dma semaphore(%run_scoped3A_524 : memref<!tpu.dma_semaphore, #tpu.memory_space<semaphore_mem>>) src(%arg9 : memref<128x128xf32, #tpu.memory_space<vmem>>) dst(%dma_wait3A_536 : memref<10112x128xf32, #tpu.memory_space<vmem_shared>>)
        tpu.yield
      }) : () -> ()
      %dma_start3A_96 = arith.constant 4 : i32
      %dma_start3A_97 = arith.constant 0 : i32
      %dma_start3A_98 = tpu.memref_slice %arg7[%dma_start3A_96, %dma_start3A_97] : memref<32x128xi32, #tpu.memory_space<vmem>> -> memref<1x128xi32, #tpu.memory_space<vmem>>
      %dma_start3A_99 = tpu.memref_squeeze %dma_start3A_98 : memref<1x128xi32, #tpu.memory_space<vmem>> -> memref<128xi32, #tpu.memory_space<vmem>>
      %dma_start3A_100 = arith.constant 0 : i32
      %dma_start3A_101 = arith.constant 0 : i32
      %dma_start3A_102 = tpu.memref_slice %arg2[%dma_start3A_100, %dma_start3A_101] : memref<160000x128xf32, #tpu.memory_space<hbm>> -> memref<160000x128xf32, #tpu.memory_space<hbm>>
      tpu.enqueue_indirect_dma source(%dma_start3A_102 : memref<160000x128xf32, #tpu.memory_space<hbm>>) target(%arg9 : memref<128x128xf32, #tpu.memory_space<vmem>>) offsets(%dma_start3A_99 : memref<128xi32, #tpu.memory_space<vmem>>) semaphore(%arg12 : memref<!tpu.dma_semaphore, #tpu.memory_space<semaphore_mem>>)
      %dma_wait3A_103 = arith.constant 3 : i32
      %dma_wait3A_104 = arith.constant 0 : i32
      %dma_wait3A_105 = tpu.memref_slice %arg7[%dma_wait3A_103, %dma_wait3A_104] : memref<32x128xi32, #tpu.memory_space<vmem>> -> memref<1x128xi32, #tpu.memory_space<vmem>>
      %dma_wait3A_106 = tpu.memref_squeeze %dma_wait3A_105 : memref<1x128xi32, #tpu.memory_space<vmem>> -> memref<128xi32, #tpu.memory_space<vmem>>
      %dma_wait3A_107 = arith.constant 0 : i32
      %dma_wait3A_108 = arith.constant 0 : i32
      %dma_wait3A_109 = tpu.memref_slice %arg2[%dma_wait3A_107, %dma_wait3A_108] : memref<160000x128xf32, #tpu.memory_space<hbm>> -> memref<160000x128xf32, #tpu.memory_space<hbm>>
      tpu.wait_indirect_dma semaphore(%arg13 : memref<!tpu.dma_semaphore, #tpu.memory_space<semaphore_mem>>) src(%dma_wait3A_109 : memref<160000x128xf32, #tpu.memory_space<hbm>>) dst(%arg10 : memref<128x128xf32, #tpu.memory_space<vmem>>)
      %run_scoped3A_110 = arith.constant 3 : i32
      "tpu.region"() ({
        %run_scoped3A_524 = tpu.sem_alloc : memref<!tpu.dma_semaphore, #tpu.memory_space<semaphore_mem>>
        %dma_start3A_525 = arith.constant 0 : i32
        %dma_start3A_526 = tpu.memref_slice %arg8[%run_scoped3A_110, %dma_start3A_525] : memref<32x128xi32, #tpu.memory_space<vmem>> -> memref<1x128xi32, #tpu.memory_space<vmem>>
        %dma_start3A_527 = tpu.memref_squeeze %dma_start3A_526 : memref<1x128xi32, #tpu.memory_space<vmem>> -> memref<128xi32, #tpu.memory_space<vmem>>
        %dma_start3A_528 = arith.constant 0 : i32
        %dma_start3A_529 = arith.constant 0 : i32
        %dma_start3A_530 = tpu.memref_slice %arg11[%dma_start3A_528, %dma_start3A_529] : memref<10112x128xf32, #tpu.memory_space<vmem_shared>> -> memref<10112x128xf32, #tpu.memory_space<vmem_shared>>
        tpu.enqueue_indirect_dma source(%arg10 : memref<128x128xf32, #tpu.memory_space<vmem>>) target(%dma_start3A_530 : memref<10112x128xf32, #tpu.memory_space<vmem_shared>>) offsets(%dma_start3A_527 : memref<128xi32, #tpu.memory_space<vmem>>) semaphore(%run_scoped3A_524 : memref<!tpu.dma_semaphore, #tpu.memory_space<semaphore_mem>>) {add = true}
        %dma_wait3A_531 = arith.constant 0 : i32
        %dma_wait3A_532 = tpu.memref_slice %arg8[%run_scoped3A_110, %dma_wait3A_531] : memref<32x128xi32, #tpu.memory_space<vmem>> -> memref<1x128xi32, #tpu.memory_space<vmem>>
        %dma_wait3A_533 = tpu.memref_squeeze %dma_wait3A_532 : memref<1x128xi32, #tpu.memory_space<vmem>> -> memref<128xi32, #tpu.memory_space<vmem>>
        %dma_wait3A_534 = arith.constant 0 : i32
        %dma_wait3A_535 = arith.constant 0 : i32
        %dma_wait3A_536 = tpu.memref_slice %arg11[%dma_wait3A_534, %dma_wait3A_535] : memref<10112x128xf32, #tpu.memory_space<vmem_shared>> -> memref<10112x128xf32, #tpu.memory_space<vmem_shared>>
        tpu.wait_indirect_dma semaphore(%run_scoped3A_524 : memref<!tpu.dma_semaphore, #tpu.memory_space<semaphore_mem>>) src(%arg10 : memref<128x128xf32, #tpu.memory_space<vmem>>) dst(%dma_wait3A_536 : memref<10112x128xf32, #tpu.memory_space<vmem_shared>>)
        tpu.yield
      }) : () -> ()
      %dma_start3A_111 = arith.constant 5 : i32
      %dma_start3A_112 = arith.constant 0 : i32
      %dma_start3A_113 = tpu.memref_slice %arg7[%dma_start3A_111, %dma_start3A_112] : memref<32x128xi32, #tpu.memory_space<vmem>> -> memref<1x128xi32, #tpu.memory_space<vmem>>
      %dma_start3A_114 = tpu.memref_squeeze %dma_start3A_113 : memref<1x128xi32, #tpu.memory_space<vmem>> -> memref<128xi32, #tpu.memory_space<vmem>>
      %dma_start3A_115 = arith.constant 0 : i32
      %dma_start3A_116 = arith.constant 0 : i32
      %dma_start3A_117 = tpu.memref_slice %arg2[%dma_start3A_115, %dma_start3A_116] : memref<160000x128xf32, #tpu.memory_space<hbm>> -> memref<160000x128xf32, #tpu.memory_space<hbm>>
      tpu.enqueue_indirect_dma source(%dma_start3A_117 : memref<160000x128xf32, #tpu.memory_space<hbm>>) target(%arg10 : memref<128x128xf32, #tpu.memory_space<vmem>>) offsets(%dma_start3A_114 : memref<128xi32, #tpu.memory_space<vmem>>) semaphore(%arg13 : memref<!tpu.dma_semaphore, #tpu.memory_space<semaphore_mem>>)
      %dma_wait3A_118 = arith.constant 4 : i32
      %dma_wait3A_119 = arith.constant 0 : i32
      %dma_wait3A_120 = tpu.memref_slice %arg7[%dma_wait3A_118, %dma_wait3A_119] : memref<32x128xi32, #tpu.memory_space<vmem>> -> memref<1x128xi32, #tpu.memory_space<vmem>>
      %dma_wait3A_121 = tpu.memref_squeeze %dma_wait3A_120 : memref<1x128xi32, #tpu.memory_space<vmem>> -> memref<128xi32, #tpu.memory_space<vmem>>
      %dma_wait3A_122 = arith.constant 0 : i32
      %dma_wait3A_123 = arith.constant 0 : i32
      %dma_wait3A_124 = tpu.memref_slice %arg2[%dma_wait3A_122, %dma_wait3A_123] : memref<160000x128xf32, #tpu.memory_space<hbm>> -> memref<160000x128xf32, #tpu.memory_space<hbm>>
      tpu.wait_indirect_dma semaphore(%arg12 : memref<!tpu.dma_semaphore, #tpu.memory_space<semaphore_mem>>) src(%dma_wait3A_124 : memref<160000x128xf32, #tpu.memory_space<hbm>>) dst(%arg9 : memref<128x128xf32, #tpu.memory_space<vmem>>)
      %run_scoped3A_125 = arith.constant 4 : i32
      "tpu.region"() ({
        %run_scoped3A_524 = tpu.sem_alloc : memref<!tpu.dma_semaphore, #tpu.memory_space<semaphore_mem>>
        %dma_start3A_525 = arith.constant 0 : i32
        %dma_start3A_526 = tpu.memref_slice %arg8[%run_scoped3A_125, %dma_start3A_525] : memref<32x128xi32, #tpu.memory_space<vmem>> -> memref<1x128xi32, #tpu.memory_space<vmem>>
        %dma_start3A_527 = tpu.memref_squeeze %dma_start3A_526 : memref<1x128xi32, #tpu.memory_space<vmem>> -> memref<128xi32, #tpu.memory_space<vmem>>
        %dma_start3A_528 = arith.constant 0 : i32
        %dma_start3A_529 = arith.constant 0 : i32
        %dma_start3A_530 = tpu.memref_slice %arg11[%dma_start3A_528, %dma_start3A_529] : memref<10112x128xf32, #tpu.memory_space<vmem_shared>> -> memref<10112x128xf32, #tpu.memory_space<vmem_shared>>
        tpu.enqueue_indirect_dma source(%arg9 : memref<128x128xf32, #tpu.memory_space<vmem>>) target(%dma_start3A_530 : memref<10112x128xf32, #tpu.memory_space<vmem_shared>>) offsets(%dma_start3A_527 : memref<128xi32, #tpu.memory_space<vmem>>) semaphore(%run_scoped3A_524 : memref<!tpu.dma_semaphore, #tpu.memory_space<semaphore_mem>>) {add = true}
        %dma_wait3A_531 = arith.constant 0 : i32
        %dma_wait3A_532 = tpu.memref_slice %arg8[%run_scoped3A_125, %dma_wait3A_531] : memref<32x128xi32, #tpu.memory_space<vmem>> -> memref<1x128xi32, #tpu.memory_space<vmem>>
        %dma_wait3A_533 = tpu.memref_squeeze %dma_wait3A_532 : memref<1x128xi32, #tpu.memory_space<vmem>> -> memref<128xi32, #tpu.memory_space<vmem>>
        %dma_wait3A_534 = arith.constant 0 : i32
        %dma_wait3A_535 = arith.constant 0 : i32
        %dma_wait3A_536 = tpu.memref_slice %arg11[%dma_wait3A_534, %dma_wait3A_535] : memref<10112x128xf32, #tpu.memory_space<vmem_shared>> -> memref<10112x128xf32, #tpu.memory_space<vmem_shared>>
        tpu.wait_indirect_dma semaphore(%run_scoped3A_524 : memref<!tpu.dma_semaphore, #tpu.memory_space<semaphore_mem>>) src(%arg9 : memref<128x128xf32, #tpu.memory_space<vmem>>) dst(%dma_wait3A_536 : memref<10112x128xf32, #tpu.memory_space<vmem_shared>>)
        tpu.yield
      }) : () -> ()
      %dma_start3A_126 = arith.constant 6 : i32
      %dma_start3A_127 = arith.constant 0 : i32
      %dma_start3A_128 = tpu.memref_slice %arg7[%dma_start3A_126, %dma_start3A_127] : memref<32x128xi32, #tpu.memory_space<vmem>> -> memref<1x128xi32, #tpu.memory_space<vmem>>
      %dma_start3A_129 = tpu.memref_squeeze %dma_start3A_128 : memref<1x128xi32, #tpu.memory_space<vmem>> -> memref<128xi32, #tpu.memory_space<vmem>>
      %dma_start3A_130 = arith.constant 0 : i32
      %dma_start3A_131 = arith.constant 0 : i32
      %dma_start3A_132 = tpu.memref_slice %arg2[%dma_start3A_130, %dma_start3A_131] : memref<160000x128xf32, #tpu.memory_space<hbm>> -> memref<160000x128xf32, #tpu.memory_space<hbm>>
      tpu.enqueue_indirect_dma source(%dma_start3A_132 : memref<160000x128xf32, #tpu.memory_space<hbm>>) target(%arg9 : memref<128x128xf32, #tpu.memory_space<vmem>>) offsets(%dma_start3A_129 : memref<128xi32, #tpu.memory_space<vmem>>) semaphore(%arg12 : memref<!tpu.dma_semaphore, #tpu.memory_space<semaphore_mem>>)
      %dma_wait3A_133 = arith.constant 5 : i32
      %dma_wait3A_134 = arith.constant 0 : i32
      %dma_wait3A_135 = tpu.memref_slice %arg7[%dma_wait3A_133, %dma_wait3A_134] : memref<32x128xi32, #tpu.memory_space<vmem>> -> memref<1x128xi32, #tpu.memory_space<vmem>>
      %dma_wait3A_136 = tpu.memref_squeeze %dma_wait3A_135 : memref<1x128xi32, #tpu.memory_space<vmem>> -> memref<128xi32, #tpu.memory_space<vmem>>
      %dma_wait3A_137 = arith.constant 0 : i32
      %dma_wait3A_138 = arith.constant 0 : i32
      %dma_wait3A_139 = tpu.memref_slice %arg2[%dma_wait3A_137, %dma_wait3A_138] : memref<160000x128xf32, #tpu.memory_space<hbm>> -> memref<160000x128xf32, #tpu.memory_space<hbm>>
      tpu.wait_indirect_dma semaphore(%arg13 : memref<!tpu.dma_semaphore, #tpu.memory_space<semaphore_mem>>) src(%dma_wait3A_139 : memref<160000x128xf32, #tpu.memory_space<hbm>>) dst(%arg10 : memref<128x128xf32, #tpu.memory_space<vmem>>)
      %run_scoped3A_140 = arith.constant 5 : i32
      "tpu.region"() ({
        %run_scoped3A_524 = tpu.sem_alloc : memref<!tpu.dma_semaphore, #tpu.memory_space<semaphore_mem>>
        %dma_start3A_525 = arith.constant 0 : i32
        %dma_start3A_526 = tpu.memref_slice %arg8[%run_scoped3A_140, %dma_start3A_525] : memref<32x128xi32, #tpu.memory_space<vmem>> -> memref<1x128xi32, #tpu.memory_space<vmem>>
        %dma_start3A_527 = tpu.memref_squeeze %dma_start3A_526 : memref<1x128xi32, #tpu.memory_space<vmem>> -> memref<128xi32, #tpu.memory_space<vmem>>
        %dma_start3A_528 = arith.constant 0 : i32
        %dma_start3A_529 = arith.constant 0 : i32
        %dma_start3A_530 = tpu.memref_slice %arg11[%dma_start3A_528, %dma_start3A_529] : memref<10112x128xf32, #tpu.memory_space<vmem_shared>> -> memref<10112x128xf32, #tpu.memory_space<vmem_shared>>
        tpu.enqueue_indirect_dma source(%arg10 : memref<128x128xf32, #tpu.memory_space<vmem>>) target(%dma_start3A_530 : memref<10112x128xf32, #tpu.memory_space<vmem_shared>>) offsets(%dma_start3A_527 : memref<128xi32, #tpu.memory_space<vmem>>) semaphore(%run_scoped3A_524 : memref<!tpu.dma_semaphore, #tpu.memory_space<semaphore_mem>>) {add = true}
        %dma_wait3A_531 = arith.constant 0 : i32
        %dma_wait3A_532 = tpu.memref_slice %arg8[%run_scoped3A_140, %dma_wait3A_531] : memref<32x128xi32, #tpu.memory_space<vmem>> -> memref<1x128xi32, #tpu.memory_space<vmem>>
        %dma_wait3A_533 = tpu.memref_squeeze %dma_wait3A_532 : memref<1x128xi32, #tpu.memory_space<vmem>> -> memref<128xi32, #tpu.memory_space<vmem>>
        %dma_wait3A_534 = arith.constant 0 : i32
        %dma_wait3A_535 = arith.constant 0 : i32
        %dma_wait3A_536 = tpu.memref_slice %arg11[%dma_wait3A_534, %dma_wait3A_535] : memref<10112x128xf32, #tpu.memory_space<vmem_shared>> -> memref<10112x128xf32, #tpu.memory_space<vmem_shared>>
        tpu.wait_indirect_dma semaphore(%run_scoped3A_524 : memref<!tpu.dma_semaphore, #tpu.memory_space<semaphore_mem>>) src(%arg10 : memref<128x128xf32, #tpu.memory_space<vmem>>) dst(%dma_wait3A_536 : memref<10112x128xf32, #tpu.memory_space<vmem_shared>>)
        tpu.yield
      }) : () -> ()
      %dma_start3A_141 = arith.constant 7 : i32
      %dma_start3A_142 = arith.constant 0 : i32
      %dma_start3A_143 = tpu.memref_slice %arg7[%dma_start3A_141, %dma_start3A_142] : memref<32x128xi32, #tpu.memory_space<vmem>> -> memref<1x128xi32, #tpu.memory_space<vmem>>
      %dma_start3A_144 = tpu.memref_squeeze %dma_start3A_143 : memref<1x128xi32, #tpu.memory_space<vmem>> -> memref<128xi32, #tpu.memory_space<vmem>>
      %dma_start3A_145 = arith.constant 0 : i32
      %dma_start3A_146 = arith.constant 0 : i32
      %dma_start3A_147 = tpu.memref_slice %arg2[%dma_start3A_145, %dma_start3A_146] : memref<160000x128xf32, #tpu.memory_space<hbm>> -> memref<160000x128xf32, #tpu.memory_space<hbm>>
      tpu.enqueue_indirect_dma source(%dma_start3A_147 : memref<160000x128xf32, #tpu.memory_space<hbm>>) target(%arg10 : memref<128x128xf32, #tpu.memory_space<vmem>>) offsets(%dma_start3A_144 : memref<128xi32, #tpu.memory_space<vmem>>) semaphore(%arg13 : memref<!tpu.dma_semaphore, #tpu.memory_space<semaphore_mem>>)
      %dma_wait3A_148 = arith.constant 6 : i32
      %dma_wait3A_149 = arith.constant 0 : i32
      %dma_wait3A_150 = tpu.memref_slice %arg7[%dma_wait3A_148, %dma_wait3A_149] : memref<32x128xi32, #tpu.memory_space<vmem>> -> memref<1x128xi32, #tpu.memory_space<vmem>>
      %dma_wait3A_151 = tpu.memref_squeeze %dma_wait3A_150 : memref<1x128xi32, #tpu.memory_space<vmem>> -> memref<128xi32, #tpu.memory_space<vmem>>
      %dma_wait3A_152 = arith.constant 0 : i32
      %dma_wait3A_153 = arith.constant 0 : i32
      %dma_wait3A_154 = tpu.memref_slice %arg2[%dma_wait3A_152, %dma_wait3A_153] : memref<160000x128xf32, #tpu.memory_space<hbm>> -> memref<160000x128xf32, #tpu.memory_space<hbm>>
      tpu.wait_indirect_dma semaphore(%arg12 : memref<!tpu.dma_semaphore, #tpu.memory_space<semaphore_mem>>) src(%dma_wait3A_154 : memref<160000x128xf32, #tpu.memory_space<hbm>>) dst(%arg9 : memref<128x128xf32, #tpu.memory_space<vmem>>)
      %run_scoped3A_155 = arith.constant 6 : i32
      "tpu.region"() ({
        %run_scoped3A_524 = tpu.sem_alloc : memref<!tpu.dma_semaphore, #tpu.memory_space<semaphore_mem>>
        %dma_start3A_525 = arith.constant 0 : i32
        %dma_start3A_526 = tpu.memref_slice %arg8[%run_scoped3A_155, %dma_start3A_525] : memref<32x128xi32, #tpu.memory_space<vmem>> -> memref<1x128xi32, #tpu.memory_space<vmem>>
        %dma_start3A_527 = tpu.memref_squeeze %dma_start3A_526 : memref<1x128xi32, #tpu.memory_space<vmem>> -> memref<128xi32, #tpu.memory_space<vmem>>
        %dma_start3A_528 = arith.constant 0 : i32
        %dma_start3A_529 = arith.constant 0 : i32
        %dma_start3A_530 = tpu.memref_slice %arg11[%dma_start3A_528, %dma_start3A_529] : memref<10112x128xf32, #tpu.memory_space<vmem_shared>> -> memref<10112x128xf32, #tpu.memory_space<vmem_shared>>
        tpu.enqueue_indirect_dma source(%arg9 : memref<128x128xf32, #tpu.memory_space<vmem>>) target(%dma_start3A_530 : memref<10112x128xf32, #tpu.memory_space<vmem_shared>>) offsets(%dma_start3A_527 : memref<128xi32, #tpu.memory_space<vmem>>) semaphore(%run_scoped3A_524 : memref<!tpu.dma_semaphore, #tpu.memory_space<semaphore_mem>>) {add = true}
        %dma_wait3A_531 = arith.constant 0 : i32
        %dma_wait3A_532 = tpu.memref_slice %arg8[%run_scoped3A_155, %dma_wait3A_531] : memref<32x128xi32, #tpu.memory_space<vmem>> -> memref<1x128xi32, #tpu.memory_space<vmem>>
        %dma_wait3A_533 = tpu.memref_squeeze %dma_wait3A_532 : memref<1x128xi32, #tpu.memory_space<vmem>> -> memref<128xi32, #tpu.memory_space<vmem>>
        %dma_wait3A_534 = arith.constant 0 : i32
        %dma_wait3A_535 = arith.constant 0 : i32
        %dma_wait3A_536 = tpu.memref_slice %arg11[%dma_wait3A_534, %dma_wait3A_535] : memref<10112x128xf32, #tpu.memory_space<vmem_shared>> -> memref<10112x128xf32, #tpu.memory_space<vmem_shared>>
        tpu.wait_indirect_dma semaphore(%run_scoped3A_524 : memref<!tpu.dma_semaphore, #tpu.memory_space<semaphore_mem>>) src(%arg9 : memref<128x128xf32, #tpu.memory_space<vmem>>) dst(%dma_wait3A_536 : memref<10112x128xf32, #tpu.memory_space<vmem_shared>>)
        tpu.yield
      }) : () -> ()
      %dma_start3A_156 = arith.constant 8 : i32
      %dma_start3A_157 = arith.constant 0 : i32
      %dma_start3A_158 = tpu.memref_slice %arg7[%dma_start3A_156, %dma_start3A_157] : memref<32x128xi32, #tpu.memory_space<vmem>> -> memref<1x128xi32, #tpu.memory_space<vmem>>
      %dma_start3A_159 = tpu.memref_squeeze %dma_start3A_158 : memref<1x128xi32, #tpu.memory_space<vmem>> -> memref<128xi32, #tpu.memory_space<vmem>>
      %dma_start3A_160 = arith.constant 0 : i32
      %dma_start3A_161 = arith.constant 0 : i32
      %dma_start3A_162 = tpu.memref_slice %arg2[%dma_start3A_160, %dma_start3A_161] : memref<160000x128xf32, #tpu.memory_space<hbm>> -> memref<160000x128xf32, #tpu.memory_space<hbm>>
      tpu.enqueue_indirect_dma source(%dma_start3A_162 : memref<160000x128xf32, #tpu.memory_space<hbm>>) target(%arg9 : memref<128x128xf32, #tpu.memory_space<vmem>>) offsets(%dma_start3A_159 : memref<128xi32, #tpu.memory_space<vmem>>) semaphore(%arg12 : memref<!tpu.dma_semaphore, #tpu.memory_space<semaphore_mem>>)
      %dma_wait3A_163 = arith.constant 7 : i32
      %dma_wait3A_164 = arith.constant 0 : i32
      %dma_wait3A_165 = tpu.memref_slice %arg7[%dma_wait3A_163, %dma_wait3A_164] : memref<32x128xi32, #tpu.memory_space<vmem>> -> memref<1x128xi32, #tpu.memory_space<vmem>>
      %dma_wait3A_166 = tpu.memref_squeeze %dma_wait3A_165 : memref<1x128xi32, #tpu.memory_space<vmem>> -> memref<128xi32, #tpu.memory_space<vmem>>
      %dma_wait3A_167 = arith.constant 0 : i32
      %dma_wait3A_168 = arith.constant 0 : i32
      %dma_wait3A_169 = tpu.memref_slice %arg2[%dma_wait3A_167, %dma_wait3A_168] : memref<160000x128xf32, #tpu.memory_space<hbm>> -> memref<160000x128xf32, #tpu.memory_space<hbm>>
      tpu.wait_indirect_dma semaphore(%arg13 : memref<!tpu.dma_semaphore, #tpu.memory_space<semaphore_mem>>) src(%dma_wait3A_169 : memref<160000x128xf32, #tpu.memory_space<hbm>>) dst(%arg10 : memref<128x128xf32, #tpu.memory_space<vmem>>)
      %run_scoped3A_170 = arith.constant 7 : i32
      "tpu.region"() ({
        %run_scoped3A_524 = tpu.sem_alloc : memref<!tpu.dma_semaphore, #tpu.memory_space<semaphore_mem>>
        %dma_start3A_525 = arith.constant 0 : i32
        %dma_start3A_526 = tpu.memref_slice %arg8[%run_scoped3A_170, %dma_start3A_525] : memref<32x128xi32, #tpu.memory_space<vmem>> -> memref<1x128xi32, #tpu.memory_space<vmem>>
        %dma_start3A_527 = tpu.memref_squeeze %dma_start3A_526 : memref<1x128xi32, #tpu.memory_space<vmem>> -> memref<128xi32, #tpu.memory_space<vmem>>
        %dma_start3A_528 = arith.constant 0 : i32
        %dma_start3A_529 = arith.constant 0 : i32
        %dma_start3A_530 = tpu.memref_slice %arg11[%dma_start3A_528, %dma_start3A_529] : memref<10112x128xf32, #tpu.memory_space<vmem_shared>> -> memref<10112x128xf32, #tpu.memory_space<vmem_shared>>
        tpu.enqueue_indirect_dma source(%arg10 : memref<128x128xf32, #tpu.memory_space<vmem>>) target(%dma_start3A_530 : memref<10112x128xf32, #tpu.memory_space<vmem_shared>>) offsets(%dma_start3A_527 : memref<128xi32, #tpu.memory_space<vmem>>) semaphore(%run_scoped3A_524 : memref<!tpu.dma_semaphore, #tpu.memory_space<semaphore_mem>>) {add = true}
        %dma_wait3A_531 = arith.constant 0 : i32
        %dma_wait3A_532 = tpu.memref_slice %arg8[%run_scoped3A_170, %dma_wait3A_531] : memref<32x128xi32, #tpu.memory_space<vmem>> -> memref<1x128xi32, #tpu.memory_space<vmem>>
        %dma_wait3A_533 = tpu.memref_squeeze %dma_wait3A_532 : memref<1x128xi32, #tpu.memory_space<vmem>> -> memref<128xi32, #tpu.memory_space<vmem>>
        %dma_wait3A_534 = arith.constant 0 : i32
        %dma_wait3A_535 = arith.constant 0 : i32
        %dma_wait3A_536 = tpu.memref_slice %arg11[%dma_wait3A_534, %dma_wait3A_535] : memref<10112x128xf32, #tpu.memory_space<vmem_shared>> -> memref<10112x128xf32, #tpu.memory_space<vmem_shared>>
        tpu.wait_indirect_dma semaphore(%run_scoped3A_524 : memref<!tpu.dma_semaphore, #tpu.memory_space<semaphore_mem>>) src(%arg10 : memref<128x128xf32, #tpu.memory_space<vmem>>) dst(%dma_wait3A_536 : memref<10112x128xf32, #tpu.memory_space<vmem_shared>>)
        tpu.yield
      }) : () -> ()
      %dma_start3A_171 = arith.constant 9 : i32
      %dma_start3A_172 = arith.constant 0 : i32
      %dma_start3A_173 = tpu.memref_slice %arg7[%dma_start3A_171, %dma_start3A_172] : memref<32x128xi32, #tpu.memory_space<vmem>> -> memref<1x128xi32, #tpu.memory_space<vmem>>
      %dma_start3A_174 = tpu.memref_squeeze %dma_start3A_173 : memref<1x128xi32, #tpu.memory_space<vmem>> -> memref<128xi32, #tpu.memory_space<vmem>>
      %dma_start3A_175 = arith.constant 0 : i32
      %dma_start3A_176 = arith.constant 0 : i32
      %dma_start3A_177 = tpu.memref_slice %arg2[%dma_start3A_175, %dma_start3A_176] : memref<160000x128xf32, #tpu.memory_space<hbm>> -> memref<160000x128xf32, #tpu.memory_space<hbm>>
      tpu.enqueue_indirect_dma source(%dma_start3A_177 : memref<160000x128xf32, #tpu.memory_space<hbm>>) target(%arg10 : memref<128x128xf32, #tpu.memory_space<vmem>>) offsets(%dma_start3A_174 : memref<128xi32, #tpu.memory_space<vmem>>) semaphore(%arg13 : memref<!tpu.dma_semaphore, #tpu.memory_space<semaphore_mem>>)
      %dma_wait3A_178 = arith.constant 8 : i32
      %dma_wait3A_179 = arith.constant 0 : i32
      %dma_wait3A_180 = tpu.memref_slice %arg7[%dma_wait3A_178, %dma_wait3A_179] : memref<32x128xi32, #tpu.memory_space<vmem>> -> memref<1x128xi32, #tpu.memory_space<vmem>>
      %dma_wait3A_181 = tpu.memref_squeeze %dma_wait3A_180 : memref<1x128xi32, #tpu.memory_space<vmem>> -> memref<128xi32, #tpu.memory_space<vmem>>
      %dma_wait3A_182 = arith.constant 0 : i32
      %dma_wait3A_183 = arith.constant 0 : i32
      %dma_wait3A_184 = tpu.memref_slice %arg2[%dma_wait3A_182, %dma_wait3A_183] : memref<160000x128xf32, #tpu.memory_space<hbm>> -> memref<160000x128xf32, #tpu.memory_space<hbm>>
      tpu.wait_indirect_dma semaphore(%arg12 : memref<!tpu.dma_semaphore, #tpu.memory_space<semaphore_mem>>) src(%dma_wait3A_184 : memref<160000x128xf32, #tpu.memory_space<hbm>>) dst(%arg9 : memref<128x128xf32, #tpu.memory_space<vmem>>)
      %run_scoped3A_185 = arith.constant 8 : i32
      "tpu.region"() ({
        %run_scoped3A_524 = tpu.sem_alloc : memref<!tpu.dma_semaphore, #tpu.memory_space<semaphore_mem>>
        %dma_start3A_525 = arith.constant 0 : i32
        %dma_start3A_526 = tpu.memref_slice %arg8[%run_scoped3A_185, %dma_start3A_525] : memref<32x128xi32, #tpu.memory_space<vmem>> -> memref<1x128xi32, #tpu.memory_space<vmem>>
        %dma_start3A_527 = tpu.memref_squeeze %dma_start3A_526 : memref<1x128xi32, #tpu.memory_space<vmem>> -> memref<128xi32, #tpu.memory_space<vmem>>
        %dma_start3A_528 = arith.constant 0 : i32
        %dma_start3A_529 = arith.constant 0 : i32
        %dma_start3A_530 = tpu.memref_slice %arg11[%dma_start3A_528, %dma_start3A_529] : memref<10112x128xf32, #tpu.memory_space<vmem_shared>> -> memref<10112x128xf32, #tpu.memory_space<vmem_shared>>
        tpu.enqueue_indirect_dma source(%arg9 : memref<128x128xf32, #tpu.memory_space<vmem>>) target(%dma_start3A_530 : memref<10112x128xf32, #tpu.memory_space<vmem_shared>>) offsets(%dma_start3A_527 : memref<128xi32, #tpu.memory_space<vmem>>) semaphore(%run_scoped3A_524 : memref<!tpu.dma_semaphore, #tpu.memory_space<semaphore_mem>>) {add = true}
        %dma_wait3A_531 = arith.constant 0 : i32
        %dma_wait3A_532 = tpu.memref_slice %arg8[%run_scoped3A_185, %dma_wait3A_531] : memref<32x128xi32, #tpu.memory_space<vmem>> -> memref<1x128xi32, #tpu.memory_space<vmem>>
        %dma_wait3A_533 = tpu.memref_squeeze %dma_wait3A_532 : memref<1x128xi32, #tpu.memory_space<vmem>> -> memref<128xi32, #tpu.memory_space<vmem>>
        %dma_wait3A_534 = arith.constant 0 : i32
        %dma_wait3A_535 = arith.constant 0 : i32
        %dma_wait3A_536 = tpu.memref_slice %arg11[%dma_wait3A_534, %dma_wait3A_535] : memref<10112x128xf32, #tpu.memory_space<vmem_shared>> -> memref<10112x128xf32, #tpu.memory_space<vmem_shared>>
        tpu.wait_indirect_dma semaphore(%run_scoped3A_524 : memref<!tpu.dma_semaphore, #tpu.memory_space<semaphore_mem>>) src(%arg9 : memref<128x128xf32, #tpu.memory_space<vmem>>) dst(%dma_wait3A_536 : memref<10112x128xf32, #tpu.memory_space<vmem_shared>>)
        tpu.yield
      }) : () -> ()
      %dma_start3A_186 = arith.constant 10 : i32
      %dma_start3A_187 = arith.constant 0 : i32
      %dma_start3A_188 = tpu.memref_slice %arg7[%dma_start3A_186, %dma_start3A_187] : memref<32x128xi32, #tpu.memory_space<vmem>> -> memref<1x128xi32, #tpu.memory_space<vmem>>
      %dma_start3A_189 = tpu.memref_squeeze %dma_start3A_188 : memref<1x128xi32, #tpu.memory_space<vmem>> -> memref<128xi32, #tpu.memory_space<vmem>>
      %dma_start3A_190 = arith.constant 0 : i32
      %dma_start3A_191 = arith.constant 0 : i32
      %dma_start3A_192 = tpu.memref_slice %arg2[%dma_start3A_190, %dma_start3A_191] : memref<160000x128xf32, #tpu.memory_space<hbm>> -> memref<160000x128xf32, #tpu.memory_space<hbm>>
      tpu.enqueue_indirect_dma source(%dma_start3A_192 : memref<160000x128xf32, #tpu.memory_space<hbm>>) target(%arg9 : memref<128x128xf32, #tpu.memory_space<vmem>>) offsets(%dma_start3A_189 : memref<128xi32, #tpu.memory_space<vmem>>) semaphore(%arg12 : memref<!tpu.dma_semaphore, #tpu.memory_space<semaphore_mem>>)
      %dma_wait3A_193 = arith.constant 9 : i32
      %dma_wait3A_194 = arith.constant 0 : i32
      %dma_wait3A_195 = tpu.memref_slice %arg7[%dma_wait3A_193, %dma_wait3A_194] : memref<32x128xi32, #tpu.memory_space<vmem>> -> memref<1x128xi32, #tpu.memory_space<vmem>>
      %dma_wait3A_196 = tpu.memref_squeeze %dma_wait3A_195 : memref<1x128xi32, #tpu.memory_space<vmem>> -> memref<128xi32, #tpu.memory_space<vmem>>
      %dma_wait3A_197 = arith.constant 0 : i32
      %dma_wait3A_198 = arith.constant 0 : i32
      %dma_wait3A_199 = tpu.memref_slice %arg2[%dma_wait3A_197, %dma_wait3A_198] : memref<160000x128xf32, #tpu.memory_space<hbm>> -> memref<160000x128xf32, #tpu.memory_space<hbm>>
      tpu.wait_indirect_dma semaphore(%arg13 : memref<!tpu.dma_semaphore, #tpu.memory_space<semaphore_mem>>) src(%dma_wait3A_199 : memref<160000x128xf32, #tpu.memory_space<hbm>>) dst(%arg10 : memref<128x128xf32, #tpu.memory_space<vmem>>)
      %run_scoped3A_200 = arith.constant 9 : i32
      "tpu.region"() ({
        %run_scoped3A_524 = tpu.sem_alloc : memref<!tpu.dma_semaphore, #tpu.memory_space<semaphore_mem>>
        %dma_start3A_525 = arith.constant 0 : i32
        %dma_start3A_526 = tpu.memref_slice %arg8[%run_scoped3A_200, %dma_start3A_525] : memref<32x128xi32, #tpu.memory_space<vmem>> -> memref<1x128xi32, #tpu.memory_space<vmem>>
        %dma_start3A_527 = tpu.memref_squeeze %dma_start3A_526 : memref<1x128xi32, #tpu.memory_space<vmem>> -> memref<128xi32, #tpu.memory_space<vmem>>
        %dma_start3A_528 = arith.constant 0 : i32
        %dma_start3A_529 = arith.constant 0 : i32
        %dma_start3A_530 = tpu.memref_slice %arg11[%dma_start3A_528, %dma_start3A_529] : memref<10112x128xf32, #tpu.memory_space<vmem_shared>> -> memref<10112x128xf32, #tpu.memory_space<vmem_shared>>
        tpu.enqueue_indirect_dma source(%arg10 : memref<128x128xf32, #tpu.memory_space<vmem>>) target(%dma_start3A_530 : memref<10112x128xf32, #tpu.memory_space<vmem_shared>>) offsets(%dma_start3A_527 : memref<128xi32, #tpu.memory_space<vmem>>) semaphore(%run_scoped3A_524 : memref<!tpu.dma_semaphore, #tpu.memory_space<semaphore_mem>>) {add = true}
        %dma_wait3A_531 = arith.constant 0 : i32
        %dma_wait3A_532 = tpu.memref_slice %arg8[%run_scoped3A_200, %dma_wait3A_531] : memref<32x128xi32, #tpu.memory_space<vmem>> -> memref<1x128xi32, #tpu.memory_space<vmem>>
        %dma_wait3A_533 = tpu.memref_squeeze %dma_wait3A_532 : memref<1x128xi32, #tpu.memory_space<vmem>> -> memref<128xi32, #tpu.memory_space<vmem>>
        %dma_wait3A_534 = arith.constant 0 : i32
        %dma_wait3A_535 = arith.constant 0 : i32
        %dma_wait3A_536 = tpu.memref_slice %arg11[%dma_wait3A_534, %dma_wait3A_535] : memref<10112x128xf32, #tpu.memory_space<vmem_shared>> -> memref<10112x128xf32, #tpu.memory_space<vmem_shared>>
        tpu.wait_indirect_dma semaphore(%run_scoped3A_524 : memref<!tpu.dma_semaphore, #tpu.memory_space<semaphore_mem>>) src(%arg10 : memref<128x128xf32, #tpu.memory_space<vmem>>) dst(%dma_wait3A_536 : memref<10112x128xf32, #tpu.memory_space<vmem_shared>>)
        tpu.yield
      }) : () -> ()
      %dma_start3A_201 = arith.constant 11 : i32
      %dma_start3A_202 = arith.constant 0 : i32
      %dma_start3A_203 = tpu.memref_slice %arg7[%dma_start3A_201, %dma_start3A_202] : memref<32x128xi32, #tpu.memory_space<vmem>> -> memref<1x128xi32, #tpu.memory_space<vmem>>
      %dma_start3A_204 = tpu.memref_squeeze %dma_start3A_203 : memref<1x128xi32, #tpu.memory_space<vmem>> -> memref<128xi32, #tpu.memory_space<vmem>>
      %dma_start3A_205 = arith.constant 0 : i32
      %dma_start3A_206 = arith.constant 0 : i32
      %dma_start3A_207 = tpu.memref_slice %arg2[%dma_start3A_205, %dma_start3A_206] : memref<160000x128xf32, #tpu.memory_space<hbm>> -> memref<160000x128xf32, #tpu.memory_space<hbm>>
      tpu.enqueue_indirect_dma source(%dma_start3A_207 : memref<160000x128xf32, #tpu.memory_space<hbm>>) target(%arg10 : memref<128x128xf32, #tpu.memory_space<vmem>>) offsets(%dma_start3A_204 : memref<128xi32, #tpu.memory_space<vmem>>) semaphore(%arg13 : memref<!tpu.dma_semaphore, #tpu.memory_space<semaphore_mem>>)
      %dma_wait3A_208 = arith.constant 10 : i32
      %dma_wait3A_209 = arith.constant 0 : i32
      %dma_wait3A_210 = tpu.memref_slice %arg7[%dma_wait3A_208, %dma_wait3A_209] : memref<32x128xi32, #tpu.memory_space<vmem>> -> memref<1x128xi32, #tpu.memory_space<vmem>>
      %dma_wait3A_211 = tpu.memref_squeeze %dma_wait3A_210 : memref<1x128xi32, #tpu.memory_space<vmem>> -> memref<128xi32, #tpu.memory_space<vmem>>
      %dma_wait3A_212 = arith.constant 0 : i32
      %dma_wait3A_213 = arith.constant 0 : i32
      %dma_wait3A_214 = tpu.memref_slice %arg2[%dma_wait3A_212, %dma_wait3A_213] : memref<160000x128xf32, #tpu.memory_space<hbm>> -> memref<160000x128xf32, #tpu.memory_space<hbm>>
      tpu.wait_indirect_dma semaphore(%arg12 : memref<!tpu.dma_semaphore, #tpu.memory_space<semaphore_mem>>) src(%dma_wait3A_214 : memref<160000x128xf32, #tpu.memory_space<hbm>>) dst(%arg9 : memref<128x128xf32, #tpu.memory_space<vmem>>)
      %run_scoped3A_215 = arith.constant 10 : i32
      "tpu.region"() ({
        %run_scoped3A_524 = tpu.sem_alloc : memref<!tpu.dma_semaphore, #tpu.memory_space<semaphore_mem>>
        %dma_start3A_525 = arith.constant 0 : i32
        %dma_start3A_526 = tpu.memref_slice %arg8[%run_scoped3A_215, %dma_start3A_525] : memref<32x128xi32, #tpu.memory_space<vmem>> -> memref<1x128xi32, #tpu.memory_space<vmem>>
        %dma_start3A_527 = tpu.memref_squeeze %dma_start3A_526 : memref<1x128xi32, #tpu.memory_space<vmem>> -> memref<128xi32, #tpu.memory_space<vmem>>
        %dma_start3A_528 = arith.constant 0 : i32
        %dma_start3A_529 = arith.constant 0 : i32
        %dma_start3A_530 = tpu.memref_slice %arg11[%dma_start3A_528, %dma_start3A_529] : memref<10112x128xf32, #tpu.memory_space<vmem_shared>> -> memref<10112x128xf32, #tpu.memory_space<vmem_shared>>
        tpu.enqueue_indirect_dma source(%arg9 : memref<128x128xf32, #tpu.memory_space<vmem>>) target(%dma_start3A_530 : memref<10112x128xf32, #tpu.memory_space<vmem_shared>>) offsets(%dma_start3A_527 : memref<128xi32, #tpu.memory_space<vmem>>) semaphore(%run_scoped3A_524 : memref<!tpu.dma_semaphore, #tpu.memory_space<semaphore_mem>>) {add = true}
        %dma_wait3A_531 = arith.constant 0 : i32
        %dma_wait3A_532 = tpu.memref_slice %arg8[%run_scoped3A_215, %dma_wait3A_531] : memref<32x128xi32, #tpu.memory_space<vmem>> -> memref<1x128xi32, #tpu.memory_space<vmem>>
        %dma_wait3A_533 = tpu.memref_squeeze %dma_wait3A_532 : memref<1x128xi32, #tpu.memory_space<vmem>> -> memref<128xi32, #tpu.memory_space<vmem>>
        %dma_wait3A_534 = arith.constant 0 : i32
        %dma_wait3A_535 = arith.constant 0 : i32
        %dma_wait3A_536 = tpu.memref_slice %arg11[%dma_wait3A_534, %dma_wait3A_535] : memref<10112x128xf32, #tpu.memory_space<vmem_shared>> -> memref<10112x128xf32, #tpu.memory_space<vmem_shared>>
        tpu.wait_indirect_dma semaphore(%run_scoped3A_524 : memref<!tpu.dma_semaphore, #tpu.memory_space<semaphore_mem>>) src(%arg9 : memref<128x128xf32, #tpu.memory_space<vmem>>) dst(%dma_wait3A_536 : memref<10112x128xf32, #tpu.memory_space<vmem_shared>>)
        tpu.yield
      }) : () -> ()
      %dma_start3A_216 = arith.constant 12 : i32
      %dma_start3A_217 = arith.constant 0 : i32
      %dma_start3A_218 = tpu.memref_slice %arg7[%dma_start3A_216, %dma_start3A_217] : memref<32x128xi32, #tpu.memory_space<vmem>> -> memref<1x128xi32, #tpu.memory_space<vmem>>
      %dma_start3A_219 = tpu.memref_squeeze %dma_start3A_218 : memref<1x128xi32, #tpu.memory_space<vmem>> -> memref<128xi32, #tpu.memory_space<vmem>>
      %dma_start3A_220 = arith.constant 0 : i32
      %dma_start3A_221 = arith.constant 0 : i32
      %dma_start3A_222 = tpu.memref_slice %arg2[%dma_start3A_220, %dma_start3A_221] : memref<160000x128xf32, #tpu.memory_space<hbm>> -> memref<160000x128xf32, #tpu.memory_space<hbm>>
      tpu.enqueue_indirect_dma source(%dma_start3A_222 : memref<160000x128xf32, #tpu.memory_space<hbm>>) target(%arg9 : memref<128x128xf32, #tpu.memory_space<vmem>>) offsets(%dma_start3A_219 : memref<128xi32, #tpu.memory_space<vmem>>) semaphore(%arg12 : memref<!tpu.dma_semaphore, #tpu.memory_space<semaphore_mem>>)
      %dma_wait3A_223 = arith.constant 11 : i32
      %dma_wait3A_224 = arith.constant 0 : i32
      %dma_wait3A_225 = tpu.memref_slice %arg7[%dma_wait3A_223, %dma_wait3A_224] : memref<32x128xi32, #tpu.memory_space<vmem>> -> memref<1x128xi32, #tpu.memory_space<vmem>>
      %dma_wait3A_226 = tpu.memref_squeeze %dma_wait3A_225 : memref<1x128xi32, #tpu.memory_space<vmem>> -> memref<128xi32, #tpu.memory_space<vmem>>
      %dma_wait3A_227 = arith.constant 0 : i32
      %dma_wait3A_228 = arith.constant 0 : i32
      %dma_wait3A_229 = tpu.memref_slice %arg2[%dma_wait3A_227, %dma_wait3A_228] : memref<160000x128xf32, #tpu.memory_space<hbm>> -> memref<160000x128xf32, #tpu.memory_space<hbm>>
      tpu.wait_indirect_dma semaphore(%arg13 : memref<!tpu.dma_semaphore, #tpu.memory_space<semaphore_mem>>) src(%dma_wait3A_229 : memref<160000x128xf32, #tpu.memory_space<hbm>>) dst(%arg10 : memref<128x128xf32, #tpu.memory_space<vmem>>)
      %run_scoped3A_230 = arith.constant 11 : i32
      "tpu.region"() ({
        %run_scoped3A_524 = tpu.sem_alloc : memref<!tpu.dma_semaphore, #tpu.memory_space<semaphore_mem>>
        %dma_start3A_525 = arith.constant 0 : i32
        %dma_start3A_526 = tpu.memref_slice %arg8[%run_scoped3A_230, %dma_start3A_525] : memref<32x128xi32, #tpu.memory_space<vmem>> -> memref<1x128xi32, #tpu.memory_space<vmem>>
        %dma_start3A_527 = tpu.memref_squeeze %dma_start3A_526 : memref<1x128xi32, #tpu.memory_space<vmem>> -> memref<128xi32, #tpu.memory_space<vmem>>
        %dma_start3A_528 = arith.constant 0 : i32
        %dma_start3A_529 = arith.constant 0 : i32
        %dma_start3A_530 = tpu.memref_slice %arg11[%dma_start3A_528, %dma_start3A_529] : memref<10112x128xf32, #tpu.memory_space<vmem_shared>> -> memref<10112x128xf32, #tpu.memory_space<vmem_shared>>
        tpu.enqueue_indirect_dma source(%arg10 : memref<128x128xf32, #tpu.memory_space<vmem>>) target(%dma_start3A_530 : memref<10112x128xf32, #tpu.memory_space<vmem_shared>>) offsets(%dma_start3A_527 : memref<128xi32, #tpu.memory_space<vmem>>) semaphore(%run_scoped3A_524 : memref<!tpu.dma_semaphore, #tpu.memory_space<semaphore_mem>>) {add = true}
        %dma_wait3A_531 = arith.constant 0 : i32
        %dma_wait3A_532 = tpu.memref_slice %arg8[%run_scoped3A_230, %dma_wait3A_531] : memref<32x128xi32, #tpu.memory_space<vmem>> -> memref<1x128xi32, #tpu.memory_space<vmem>>
        %dma_wait3A_533 = tpu.memref_squeeze %dma_wait3A_532 : memref<1x128xi32, #tpu.memory_space<vmem>> -> memref<128xi32, #tpu.memory_space<vmem>>
        %dma_wait3A_534 = arith.constant 0 : i32
        %dma_wait3A_535 = arith.constant 0 : i32
        %dma_wait3A_536 = tpu.memref_slice %arg11[%dma_wait3A_534, %dma_wait3A_535] : memref<10112x128xf32, #tpu.memory_space<vmem_shared>> -> memref<10112x128xf32, #tpu.memory_space<vmem_shared>>
        tpu.wait_indirect_dma semaphore(%run_scoped3A_524 : memref<!tpu.dma_semaphore, #tpu.memory_space<semaphore_mem>>) src(%arg10 : memref<128x128xf32, #tpu.memory_space<vmem>>) dst(%dma_wait3A_536 : memref<10112x128xf32, #tpu.memory_space<vmem_shared>>)
        tpu.yield
      }) : () -> ()
      %dma_start3A_231 = arith.constant 13 : i32
      %dma_start3A_232 = arith.constant 0 : i32
      %dma_start3A_233 = tpu.memref_slice %arg7[%dma_start3A_231, %dma_start3A_232] : memref<32x128xi32, #tpu.memory_space<vmem>> -> memref<1x128xi32, #tpu.memory_space<vmem>>
      %dma_start3A_234 = tpu.memref_squeeze %dma_start3A_233 : memref<1x128xi32, #tpu.memory_space<vmem>> -> memref<128xi32, #tpu.memory_space<vmem>>
      %dma_start3A_235 = arith.constant 0 : i32
      %dma_start3A_236 = arith.constant 0 : i32
      %dma_start3A_237 = tpu.memref_slice %arg2[%dma_start3A_235, %dma_start3A_236] : memref<160000x128xf32, #tpu.memory_space<hbm>> -> memref<160000x128xf32, #tpu.memory_space<hbm>>
      tpu.enqueue_indirect_dma source(%dma_start3A_237 : memref<160000x128xf32, #tpu.memory_space<hbm>>) target(%arg10 : memref<128x128xf32, #tpu.memory_space<vmem>>) offsets(%dma_start3A_234 : memref<128xi32, #tpu.memory_space<vmem>>) semaphore(%arg13 : memref<!tpu.dma_semaphore, #tpu.memory_space<semaphore_mem>>)
      %dma_wait3A_238 = arith.constant 12 : i32
      %dma_wait3A_239 = arith.constant 0 : i32
      %dma_wait3A_240 = tpu.memref_slice %arg7[%dma_wait3A_238, %dma_wait3A_239] : memref<32x128xi32, #tpu.memory_space<vmem>> -> memref<1x128xi32, #tpu.memory_space<vmem>>
      %dma_wait3A_241 = tpu.memref_squeeze %dma_wait3A_240 : memref<1x128xi32, #tpu.memory_space<vmem>> -> memref<128xi32, #tpu.memory_space<vmem>>
      %dma_wait3A_242 = arith.constant 0 : i32
      %dma_wait3A_243 = arith.constant 0 : i32
      %dma_wait3A_244 = tpu.memref_slice %arg2[%dma_wait3A_242, %dma_wait3A_243] : memref<160000x128xf32, #tpu.memory_space<hbm>> -> memref<160000x128xf32, #tpu.memory_space<hbm>>
      tpu.wait_indirect_dma semaphore(%arg12 : memref<!tpu.dma_semaphore, #tpu.memory_space<semaphore_mem>>) src(%dma_wait3A_244 : memref<160000x128xf32, #tpu.memory_space<hbm>>) dst(%arg9 : memref<128x128xf32, #tpu.memory_space<vmem>>)
      %run_scoped3A_245 = arith.constant 12 : i32
      "tpu.region"() ({
        %run_scoped3A_524 = tpu.sem_alloc : memref<!tpu.dma_semaphore, #tpu.memory_space<semaphore_mem>>
        %dma_start3A_525 = arith.constant 0 : i32
        %dma_start3A_526 = tpu.memref_slice %arg8[%run_scoped3A_245, %dma_start3A_525] : memref<32x128xi32, #tpu.memory_space<vmem>> -> memref<1x128xi32, #tpu.memory_space<vmem>>
        %dma_start3A_527 = tpu.memref_squeeze %dma_start3A_526 : memref<1x128xi32, #tpu.memory_space<vmem>> -> memref<128xi32, #tpu.memory_space<vmem>>
        %dma_start3A_528 = arith.constant 0 : i32
        %dma_start3A_529 = arith.constant 0 : i32
        %dma_start3A_530 = tpu.memref_slice %arg11[%dma_start3A_528, %dma_start3A_529] : memref<10112x128xf32, #tpu.memory_space<vmem_shared>> -> memref<10112x128xf32, #tpu.memory_space<vmem_shared>>
        tpu.enqueue_indirect_dma source(%arg9 : memref<128x128xf32, #tpu.memory_space<vmem>>) target(%dma_start3A_530 : memref<10112x128xf32, #tpu.memory_space<vmem_shared>>) offsets(%dma_start3A_527 : memref<128xi32, #tpu.memory_space<vmem>>) semaphore(%run_scoped3A_524 : memref<!tpu.dma_semaphore, #tpu.memory_space<semaphore_mem>>) {add = true}
        %dma_wait3A_531 = arith.constant 0 : i32
        %dma_wait3A_532 = tpu.memref_slice %arg8[%run_scoped3A_245, %dma_wait3A_531] : memref<32x128xi32, #tpu.memory_space<vmem>> -> memref<1x128xi32, #tpu.memory_space<vmem>>
        %dma_wait3A_533 = tpu.memref_squeeze %dma_wait3A_532 : memref<1x128xi32, #tpu.memory_space<vmem>> -> memref<128xi32, #tpu.memory_space<vmem>>
        %dma_wait3A_534 = arith.constant 0 : i32
        %dma_wait3A_535 = arith.constant 0 : i32
        %dma_wait3A_536 = tpu.memref_slice %arg11[%dma_wait3A_534, %dma_wait3A_535] : memref<10112x128xf32, #tpu.memory_space<vmem_shared>> -> memref<10112x128xf32, #tpu.memory_space<vmem_shared>>
        tpu.wait_indirect_dma semaphore(%run_scoped3A_524 : memref<!tpu.dma_semaphore, #tpu.memory_space<semaphore_mem>>) src(%arg9 : memref<128x128xf32, #tpu.memory_space<vmem>>) dst(%dma_wait3A_536 : memref<10112x128xf32, #tpu.memory_space<vmem_shared>>)
        tpu.yield
      }) : () -> ()
      %dma_start3A_246 = arith.constant 14 : i32
      %dma_start3A_247 = arith.constant 0 : i32
      %dma_start3A_248 = tpu.memref_slice %arg7[%dma_start3A_246, %dma_start3A_247] : memref<32x128xi32, #tpu.memory_space<vmem>> -> memref<1x128xi32, #tpu.memory_space<vmem>>
      %dma_start3A_249 = tpu.memref_squeeze %dma_start3A_248 : memref<1x128xi32, #tpu.memory_space<vmem>> -> memref<128xi32, #tpu.memory_space<vmem>>
      %dma_start3A_250 = arith.constant 0 : i32
      %dma_start3A_251 = arith.constant 0 : i32
      %dma_start3A_252 = tpu.memref_slice %arg2[%dma_start3A_250, %dma_start3A_251] : memref<160000x128xf32, #tpu.memory_space<hbm>> -> memref<160000x128xf32, #tpu.memory_space<hbm>>
      tpu.enqueue_indirect_dma source(%dma_start3A_252 : memref<160000x128xf32, #tpu.memory_space<hbm>>) target(%arg9 : memref<128x128xf32, #tpu.memory_space<vmem>>) offsets(%dma_start3A_249 : memref<128xi32, #tpu.memory_space<vmem>>) semaphore(%arg12 : memref<!tpu.dma_semaphore, #tpu.memory_space<semaphore_mem>>)
      %dma_wait3A_253 = arith.constant 13 : i32
      %dma_wait3A_254 = arith.constant 0 : i32
      %dma_wait3A_255 = tpu.memref_slice %arg7[%dma_wait3A_253, %dma_wait3A_254] : memref<32x128xi32, #tpu.memory_space<vmem>> -> memref<1x128xi32, #tpu.memory_space<vmem>>
      %dma_wait3A_256 = tpu.memref_squeeze %dma_wait3A_255 : memref<1x128xi32, #tpu.memory_space<vmem>> -> memref<128xi32, #tpu.memory_space<vmem>>
      %dma_wait3A_257 = arith.constant 0 : i32
      %dma_wait3A_258 = arith.constant 0 : i32
      %dma_wait3A_259 = tpu.memref_slice %arg2[%dma_wait3A_257, %dma_wait3A_258] : memref<160000x128xf32, #tpu.memory_space<hbm>> -> memref<160000x128xf32, #tpu.memory_space<hbm>>
      tpu.wait_indirect_dma semaphore(%arg13 : memref<!tpu.dma_semaphore, #tpu.memory_space<semaphore_mem>>) src(%dma_wait3A_259 : memref<160000x128xf32, #tpu.memory_space<hbm>>) dst(%arg10 : memref<128x128xf32, #tpu.memory_space<vmem>>)
      %run_scoped3A_260 = arith.constant 13 : i32
      "tpu.region"() ({
        %run_scoped3A_524 = tpu.sem_alloc : memref<!tpu.dma_semaphore, #tpu.memory_space<semaphore_mem>>
        %dma_start3A_525 = arith.constant 0 : i32
        %dma_start3A_526 = tpu.memref_slice %arg8[%run_scoped3A_260, %dma_start3A_525] : memref<32x128xi32, #tpu.memory_space<vmem>> -> memref<1x128xi32, #tpu.memory_space<vmem>>
        %dma_start3A_527 = tpu.memref_squeeze %dma_start3A_526 : memref<1x128xi32, #tpu.memory_space<vmem>> -> memref<128xi32, #tpu.memory_space<vmem>>
        %dma_start3A_528 = arith.constant 0 : i32
        %dma_start3A_529 = arith.constant 0 : i32
        %dma_start3A_530 = tpu.memref_slice %arg11[%dma_start3A_528, %dma_start3A_529] : memref<10112x128xf32, #tpu.memory_space<vmem_shared>> -> memref<10112x128xf32, #tpu.memory_space<vmem_shared>>
        tpu.enqueue_indirect_dma source(%arg10 : memref<128x128xf32, #tpu.memory_space<vmem>>) target(%dma_start3A_530 : memref<10112x128xf32, #tpu.memory_space<vmem_shared>>) offsets(%dma_start3A_527 : memref<128xi32, #tpu.memory_space<vmem>>) semaphore(%run_scoped3A_524 : memref<!tpu.dma_semaphore, #tpu.memory_space<semaphore_mem>>) {add = true}
        %dma_wait3A_531 = arith.constant 0 : i32
        %dma_wait3A_532 = tpu.memref_slice %arg8[%run_scoped3A_260, %dma_wait3A_531] : memref<32x128xi32, #tpu.memory_space<vmem>> -> memref<1x128xi32, #tpu.memory_space<vmem>>
        %dma_wait3A_533 = tpu.memref_squeeze %dma_wait3A_532 : memref<1x128xi32, #tpu.memory_space<vmem>> -> memref<128xi32, #tpu.memory_space<vmem>>
        %dma_wait3A_534 = arith.constant 0 : i32
        %dma_wait3A_535 = arith.constant 0 : i32
        %dma_wait3A_536 = tpu.memref_slice %arg11[%dma_wait3A_534, %dma_wait3A_535] : memref<10112x128xf32, #tpu.memory_space<vmem_shared>> -> memref<10112x128xf32, #tpu.memory_space<vmem_shared>>
        tpu.wait_indirect_dma semaphore(%run_scoped3A_524 : memref<!tpu.dma_semaphore, #tpu.memory_space<semaphore_mem>>) src(%arg10 : memref<128x128xf32, #tpu.memory_space<vmem>>) dst(%dma_wait3A_536 : memref<10112x128xf32, #tpu.memory_space<vmem_shared>>)
        tpu.yield
      }) : () -> ()
      %dma_start3A_261 = arith.constant 15 : i32
      %dma_start3A_262 = arith.constant 0 : i32
      %dma_start3A_263 = tpu.memref_slice %arg7[%dma_start3A_261, %dma_start3A_262] : memref<32x128xi32, #tpu.memory_space<vmem>> -> memref<1x128xi32, #tpu.memory_space<vmem>>
      %dma_start3A_264 = tpu.memref_squeeze %dma_start3A_263 : memref<1x128xi32, #tpu.memory_space<vmem>> -> memref<128xi32, #tpu.memory_space<vmem>>
      %dma_start3A_265 = arith.constant 0 : i32
      %dma_start3A_266 = arith.constant 0 : i32
      %dma_start3A_267 = tpu.memref_slice %arg2[%dma_start3A_265, %dma_start3A_266] : memref<160000x128xf32, #tpu.memory_space<hbm>> -> memref<160000x128xf32, #tpu.memory_space<hbm>>
      tpu.enqueue_indirect_dma source(%dma_start3A_267 : memref<160000x128xf32, #tpu.memory_space<hbm>>) target(%arg10 : memref<128x128xf32, #tpu.memory_space<vmem>>) offsets(%dma_start3A_264 : memref<128xi32, #tpu.memory_space<vmem>>) semaphore(%arg13 : memref<!tpu.dma_semaphore, #tpu.memory_space<semaphore_mem>>)
      %dma_wait3A_268 = arith.constant 14 : i32
      %dma_wait3A_269 = arith.constant 0 : i32
      %dma_wait3A_270 = tpu.memref_slice %arg7[%dma_wait3A_268, %dma_wait3A_269] : memref<32x128xi32, #tpu.memory_space<vmem>> -> memref<1x128xi32, #tpu.memory_space<vmem>>
      %dma_wait3A_271 = tpu.memref_squeeze %dma_wait3A_270 : memref<1x128xi32, #tpu.memory_space<vmem>> -> memref<128xi32, #tpu.memory_space<vmem>>
      %dma_wait3A_272 = arith.constant 0 : i32
      %dma_wait3A_273 = arith.constant 0 : i32
      %dma_wait3A_274 = tpu.memref_slice %arg2[%dma_wait3A_272, %dma_wait3A_273] : memref<160000x128xf32, #tpu.memory_space<hbm>> -> memref<160000x128xf32, #tpu.memory_space<hbm>>
      tpu.wait_indirect_dma semaphore(%arg12 : memref<!tpu.dma_semaphore, #tpu.memory_space<semaphore_mem>>) src(%dma_wait3A_274 : memref<160000x128xf32, #tpu.memory_space<hbm>>) dst(%arg9 : memref<128x128xf32, #tpu.memory_space<vmem>>)
      %run_scoped3A_275 = arith.constant 14 : i32
      "tpu.region"() ({
        %run_scoped3A_524 = tpu.sem_alloc : memref<!tpu.dma_semaphore, #tpu.memory_space<semaphore_mem>>
        %dma_start3A_525 = arith.constant 0 : i32
        %dma_start3A_526 = tpu.memref_slice %arg8[%run_scoped3A_275, %dma_start3A_525] : memref<32x128xi32, #tpu.memory_space<vmem>> -> memref<1x128xi32, #tpu.memory_space<vmem>>
        %dma_start3A_527 = tpu.memref_squeeze %dma_start3A_526 : memref<1x128xi32, #tpu.memory_space<vmem>> -> memref<128xi32, #tpu.memory_space<vmem>>
        %dma_start3A_528 = arith.constant 0 : i32
        %dma_start3A_529 = arith.constant 0 : i32
        %dma_start3A_530 = tpu.memref_slice %arg11[%dma_start3A_528, %dma_start3A_529] : memref<10112x128xf32, #tpu.memory_space<vmem_shared>> -> memref<10112x128xf32, #tpu.memory_space<vmem_shared>>
        tpu.enqueue_indirect_dma source(%arg9 : memref<128x128xf32, #tpu.memory_space<vmem>>) target(%dma_start3A_530 : memref<10112x128xf32, #tpu.memory_space<vmem_shared>>) offsets(%dma_start3A_527 : memref<128xi32, #tpu.memory_space<vmem>>) semaphore(%run_scoped3A_524 : memref<!tpu.dma_semaphore, #tpu.memory_space<semaphore_mem>>) {add = true}
        %dma_wait3A_531 = arith.constant 0 : i32
        %dma_wait3A_532 = tpu.memref_slice %arg8[%run_scoped3A_275, %dma_wait3A_531] : memref<32x128xi32, #tpu.memory_space<vmem>> -> memref<1x128xi32, #tpu.memory_space<vmem>>
        %dma_wait3A_533 = tpu.memref_squeeze %dma_wait3A_532 : memref<1x128xi32, #tpu.memory_space<vmem>> -> memref<128xi32, #tpu.memory_space<vmem>>
        %dma_wait3A_534 = arith.constant 0 : i32
        %dma_wait3A_535 = arith.constant 0 : i32
        %dma_wait3A_536 = tpu.memref_slice %arg11[%dma_wait3A_534, %dma_wait3A_535] : memref<10112x128xf32, #tpu.memory_space<vmem_shared>> -> memref<10112x128xf32, #tpu.memory_space<vmem_shared>>
        tpu.wait_indirect_dma semaphore(%run_scoped3A_524 : memref<!tpu.dma_semaphore, #tpu.memory_space<semaphore_mem>>) src(%arg9 : memref<128x128xf32, #tpu.memory_space<vmem>>) dst(%dma_wait3A_536 : memref<10112x128xf32, #tpu.memory_space<vmem_shared>>)
        tpu.yield
      }) : () -> ()
      %dma_start3A_276 = arith.constant 16 : i32
      %dma_start3A_277 = arith.constant 0 : i32
      %dma_start3A_278 = tpu.memref_slice %arg7[%dma_start3A_276, %dma_start3A_277] : memref<32x128xi32, #tpu.memory_space<vmem>> -> memref<1x128xi32, #tpu.memory_space<vmem>>
      %dma_start3A_279 = tpu.memref_squeeze %dma_start3A_278 : memref<1x128xi32, #tpu.memory_space<vmem>> -> memref<128xi32, #tpu.memory_space<vmem>>
      %dma_start3A_280 = arith.constant 0 : i32
      %dma_start3A_281 = arith.constant 0 : i32
      %dma_start3A_282 = tpu.memref_slice %arg2[%dma_start3A_280, %dma_start3A_281] : memref<160000x128xf32, #tpu.memory_space<hbm>> -> memref<160000x128xf32, #tpu.memory_space<hbm>>
      tpu.enqueue_indirect_dma source(%dma_start3A_282 : memref<160000x128xf32, #tpu.memory_space<hbm>>) target(%arg9 : memref<128x128xf32, #tpu.memory_space<vmem>>) offsets(%dma_start3A_279 : memref<128xi32, #tpu.memory_space<vmem>>) semaphore(%arg12 : memref<!tpu.dma_semaphore, #tpu.memory_space<semaphore_mem>>)
      %dma_wait3A_283 = arith.constant 15 : i32
      %dma_wait3A_284 = arith.constant 0 : i32
      %dma_wait3A_285 = tpu.memref_slice %arg7[%dma_wait3A_283, %dma_wait3A_284] : memref<32x128xi32, #tpu.memory_space<vmem>> -> memref<1x128xi32, #tpu.memory_space<vmem>>
      %dma_wait3A_286 = tpu.memref_squeeze %dma_wait3A_285 : memref<1x128xi32, #tpu.memory_space<vmem>> -> memref<128xi32, #tpu.memory_space<vmem>>
      %dma_wait3A_287 = arith.constant 0 : i32
      %dma_wait3A_288 = arith.constant 0 : i32
      %dma_wait3A_289 = tpu.memref_slice %arg2[%dma_wait3A_287, %dma_wait3A_288] : memref<160000x128xf32, #tpu.memory_space<hbm>> -> memref<160000x128xf32, #tpu.memory_space<hbm>>
      tpu.wait_indirect_dma semaphore(%arg13 : memref<!tpu.dma_semaphore, #tpu.memory_space<semaphore_mem>>) src(%dma_wait3A_289 : memref<160000x128xf32, #tpu.memory_space<hbm>>) dst(%arg10 : memref<128x128xf32, #tpu.memory_space<vmem>>)
      %run_scoped3A_290 = arith.constant 15 : i32
      "tpu.region"() ({
        %run_scoped3A_524 = tpu.sem_alloc : memref<!tpu.dma_semaphore, #tpu.memory_space<semaphore_mem>>
        %dma_start3A_525 = arith.constant 0 : i32
        %dma_start3A_526 = tpu.memref_slice %arg8[%run_scoped3A_290, %dma_start3A_525] : memref<32x128xi32, #tpu.memory_space<vmem>> -> memref<1x128xi32, #tpu.memory_space<vmem>>
        %dma_start3A_527 = tpu.memref_squeeze %dma_start3A_526 : memref<1x128xi32, #tpu.memory_space<vmem>> -> memref<128xi32, #tpu.memory_space<vmem>>
        %dma_start3A_528 = arith.constant 0 : i32
        %dma_start3A_529 = arith.constant 0 : i32
        %dma_start3A_530 = tpu.memref_slice %arg11[%dma_start3A_528, %dma_start3A_529] : memref<10112x128xf32, #tpu.memory_space<vmem_shared>> -> memref<10112x128xf32, #tpu.memory_space<vmem_shared>>
        tpu.enqueue_indirect_dma source(%arg10 : memref<128x128xf32, #tpu.memory_space<vmem>>) target(%dma_start3A_530 : memref<10112x128xf32, #tpu.memory_space<vmem_shared>>) offsets(%dma_start3A_527 : memref<128xi32, #tpu.memory_space<vmem>>) semaphore(%run_scoped3A_524 : memref<!tpu.dma_semaphore, #tpu.memory_space<semaphore_mem>>) {add = true}
        %dma_wait3A_531 = arith.constant 0 : i32
        %dma_wait3A_532 = tpu.memref_slice %arg8[%run_scoped3A_290, %dma_wait3A_531] : memref<32x128xi32, #tpu.memory_space<vmem>> -> memref<1x128xi32, #tpu.memory_space<vmem>>
        %dma_wait3A_533 = tpu.memref_squeeze %dma_wait3A_532 : memref<1x128xi32, #tpu.memory_space<vmem>> -> memref<128xi32, #tpu.memory_space<vmem>>
        %dma_wait3A_534 = arith.constant 0 : i32
        %dma_wait3A_535 = arith.constant 0 : i32
        %dma_wait3A_536 = tpu.memref_slice %arg11[%dma_wait3A_534, %dma_wait3A_535] : memref<10112x128xf32, #tpu.memory_space<vmem_shared>> -> memref<10112x128xf32, #tpu.memory_space<vmem_shared>>
        tpu.wait_indirect_dma semaphore(%run_scoped3A_524 : memref<!tpu.dma_semaphore, #tpu.memory_space<semaphore_mem>>) src(%arg10 : memref<128x128xf32, #tpu.memory_space<vmem>>) dst(%dma_wait3A_536 : memref<10112x128xf32, #tpu.memory_space<vmem_shared>>)
        tpu.yield
      }) : () -> ()
      %dma_start3A_291 = arith.constant 17 : i32
      %dma_start3A_292 = arith.constant 0 : i32
      %dma_start3A_293 = tpu.memref_slice %arg7[%dma_start3A_291, %dma_start3A_292] : memref<32x128xi32, #tpu.memory_space<vmem>> -> memref<1x128xi32, #tpu.memory_space<vmem>>
      %dma_start3A_294 = tpu.memref_squeeze %dma_start3A_293 : memref<1x128xi32, #tpu.memory_space<vmem>> -> memref<128xi32, #tpu.memory_space<vmem>>
      %dma_start3A_295 = arith.constant 0 : i32
      %dma_start3A_296 = arith.constant 0 : i32
      %dma_start3A_297 = tpu.memref_slice %arg2[%dma_start3A_295, %dma_start3A_296] : memref<160000x128xf32, #tpu.memory_space<hbm>> -> memref<160000x128xf32, #tpu.memory_space<hbm>>
      tpu.enqueue_indirect_dma source(%dma_start3A_297 : memref<160000x128xf32, #tpu.memory_space<hbm>>) target(%arg10 : memref<128x128xf32, #tpu.memory_space<vmem>>) offsets(%dma_start3A_294 : memref<128xi32, #tpu.memory_space<vmem>>) semaphore(%arg13 : memref<!tpu.dma_semaphore, #tpu.memory_space<semaphore_mem>>)
      %dma_wait3A_298 = arith.constant 16 : i32
      %dma_wait3A_299 = arith.constant 0 : i32
      %dma_wait3A_300 = tpu.memref_slice %arg7[%dma_wait3A_298, %dma_wait3A_299] : memref<32x128xi32, #tpu.memory_space<vmem>> -> memref<1x128xi32, #tpu.memory_space<vmem>>
      %dma_wait3A_301 = tpu.memref_squeeze %dma_wait3A_300 : memref<1x128xi32, #tpu.memory_space<vmem>> -> memref<128xi32, #tpu.memory_space<vmem>>
      %dma_wait3A_302 = arith.constant 0 : i32
      %dma_wait3A_303 = arith.constant 0 : i32
      %dma_wait3A_304 = tpu.memref_slice %arg2[%dma_wait3A_302, %dma_wait3A_303] : memref<160000x128xf32, #tpu.memory_space<hbm>> -> memref<160000x128xf32, #tpu.memory_space<hbm>>
      tpu.wait_indirect_dma semaphore(%arg12 : memref<!tpu.dma_semaphore, #tpu.memory_space<semaphore_mem>>) src(%dma_wait3A_304 : memref<160000x128xf32, #tpu.memory_space<hbm>>) dst(%arg9 : memref<128x128xf32, #tpu.memory_space<vmem>>)
      %run_scoped3A_305 = arith.constant 16 : i32
      "tpu.region"() ({
        %run_scoped3A_524 = tpu.sem_alloc : memref<!tpu.dma_semaphore, #tpu.memory_space<semaphore_mem>>
        %dma_start3A_525 = arith.constant 0 : i32
        %dma_start3A_526 = tpu.memref_slice %arg8[%run_scoped3A_305, %dma_start3A_525] : memref<32x128xi32, #tpu.memory_space<vmem>> -> memref<1x128xi32, #tpu.memory_space<vmem>>
        %dma_start3A_527 = tpu.memref_squeeze %dma_start3A_526 : memref<1x128xi32, #tpu.memory_space<vmem>> -> memref<128xi32, #tpu.memory_space<vmem>>
        %dma_start3A_528 = arith.constant 0 : i32
        %dma_start3A_529 = arith.constant 0 : i32
        %dma_start3A_530 = tpu.memref_slice %arg11[%dma_start3A_528, %dma_start3A_529] : memref<10112x128xf32, #tpu.memory_space<vmem_shared>> -> memref<10112x128xf32, #tpu.memory_space<vmem_shared>>
        tpu.enqueue_indirect_dma source(%arg9 : memref<128x128xf32, #tpu.memory_space<vmem>>) target(%dma_start3A_530 : memref<10112x128xf32, #tpu.memory_space<vmem_shared>>) offsets(%dma_start3A_527 : memref<128xi32, #tpu.memory_space<vmem>>) semaphore(%run_scoped3A_524 : memref<!tpu.dma_semaphore, #tpu.memory_space<semaphore_mem>>) {add = true}
        %dma_wait3A_531 = arith.constant 0 : i32
        %dma_wait3A_532 = tpu.memref_slice %arg8[%run_scoped3A_305, %dma_wait3A_531] : memref<32x128xi32, #tpu.memory_space<vmem>> -> memref<1x128xi32, #tpu.memory_space<vmem>>
        %dma_wait3A_533 = tpu.memref_squeeze %dma_wait3A_532 : memref<1x128xi32, #tpu.memory_space<vmem>> -> memref<128xi32, #tpu.memory_space<vmem>>
        %dma_wait3A_534 = arith.constant 0 : i32
        %dma_wait3A_535 = arith.constant 0 : i32
        %dma_wait3A_536 = tpu.memref_slice %arg11[%dma_wait3A_534, %dma_wait3A_535] : memref<10112x128xf32, #tpu.memory_space<vmem_shared>> -> memref<10112x128xf32, #tpu.memory_space<vmem_shared>>
        tpu.wait_indirect_dma semaphore(%run_scoped3A_524 : memref<!tpu.dma_semaphore, #tpu.memory_space<semaphore_mem>>) src(%arg9 : memref<128x128xf32, #tpu.memory_space<vmem>>) dst(%dma_wait3A_536 : memref<10112x128xf32, #tpu.memory_space<vmem_shared>>)
        tpu.yield
      }) : () -> ()
      %dma_start3A_306 = arith.constant 18 : i32
      %dma_start3A_307 = arith.constant 0 : i32
      %dma_start3A_308 = tpu.memref_slice %arg7[%dma_start3A_306, %dma_start3A_307] : memref<32x128xi32, #tpu.memory_space<vmem>> -> memref<1x128xi32, #tpu.memory_space<vmem>>
      %dma_start3A_309 = tpu.memref_squeeze %dma_start3A_308 : memref<1x128xi32, #tpu.memory_space<vmem>> -> memref<128xi32, #tpu.memory_space<vmem>>
      %dma_start3A_310 = arith.constant 0 : i32
      %dma_start3A_311 = arith.constant 0 : i32
      %dma_start3A_312 = tpu.memref_slice %arg2[%dma_start3A_310, %dma_start3A_311] : memref<160000x128xf32, #tpu.memory_space<hbm>> -> memref<160000x128xf32, #tpu.memory_space<hbm>>
      tpu.enqueue_indirect_dma source(%dma_start3A_312 : memref<160000x128xf32, #tpu.memory_space<hbm>>) target(%arg9 : memref<128x128xf32, #tpu.memory_space<vmem>>) offsets(%dma_start3A_309 : memref<128xi32, #tpu.memory_space<vmem>>) semaphore(%arg12 : memref<!tpu.dma_semaphore, #tpu.memory_space<semaphore_mem>>)
      %dma_wait3A_313 = arith.constant 17 : i32
      %dma_wait3A_314 = arith.constant 0 : i32
      %dma_wait3A_315 = tpu.memref_slice %arg7[%dma_wait3A_313, %dma_wait3A_314] : memref<32x128xi32, #tpu.memory_space<vmem>> -> memref<1x128xi32, #tpu.memory_space<vmem>>
      %dma_wait3A_316 = tpu.memref_squeeze %dma_wait3A_315 : memref<1x128xi32, #tpu.memory_space<vmem>> -> memref<128xi32, #tpu.memory_space<vmem>>
      %dma_wait3A_317 = arith.constant 0 : i32
      %dma_wait3A_318 = arith.constant 0 : i32
      %dma_wait3A_319 = tpu.memref_slice %arg2[%dma_wait3A_317, %dma_wait3A_318] : memref<160000x128xf32, #tpu.memory_space<hbm>> -> memref<160000x128xf32, #tpu.memory_space<hbm>>
      tpu.wait_indirect_dma semaphore(%arg13 : memref<!tpu.dma_semaphore, #tpu.memory_space<semaphore_mem>>) src(%dma_wait3A_319 : memref<160000x128xf32, #tpu.memory_space<hbm>>) dst(%arg10 : memref<128x128xf32, #tpu.memory_space<vmem>>)
      %run_scoped3A_320 = arith.constant 17 : i32
      "tpu.region"() ({
        %run_scoped3A_524 = tpu.sem_alloc : memref<!tpu.dma_semaphore, #tpu.memory_space<semaphore_mem>>
        %dma_start3A_525 = arith.constant 0 : i32
        %dma_start3A_526 = tpu.memref_slice %arg8[%run_scoped3A_320, %dma_start3A_525] : memref<32x128xi32, #tpu.memory_space<vmem>> -> memref<1x128xi32, #tpu.memory_space<vmem>>
        %dma_start3A_527 = tpu.memref_squeeze %dma_start3A_526 : memref<1x128xi32, #tpu.memory_space<vmem>> -> memref<128xi32, #tpu.memory_space<vmem>>
        %dma_start3A_528 = arith.constant 0 : i32
        %dma_start3A_529 = arith.constant 0 : i32
        %dma_start3A_530 = tpu.memref_slice %arg11[%dma_start3A_528, %dma_start3A_529] : memref<10112x128xf32, #tpu.memory_space<vmem_shared>> -> memref<10112x128xf32, #tpu.memory_space<vmem_shared>>
        tpu.enqueue_indirect_dma source(%arg10 : memref<128x128xf32, #tpu.memory_space<vmem>>) target(%dma_start3A_530 : memref<10112x128xf32, #tpu.memory_space<vmem_shared>>) offsets(%dma_start3A_527 : memref<128xi32, #tpu.memory_space<vmem>>) semaphore(%run_scoped3A_524 : memref<!tpu.dma_semaphore, #tpu.memory_space<semaphore_mem>>) {add = true}
        %dma_wait3A_531 = arith.constant 0 : i32
        %dma_wait3A_532 = tpu.memref_slice %arg8[%run_scoped3A_320, %dma_wait3A_531] : memref<32x128xi32, #tpu.memory_space<vmem>> -> memref<1x128xi32, #tpu.memory_space<vmem>>
        %dma_wait3A_533 = tpu.memref_squeeze %dma_wait3A_532 : memref<1x128xi32, #tpu.memory_space<vmem>> -> memref<128xi32, #tpu.memory_space<vmem>>
        %dma_wait3A_534 = arith.constant 0 : i32
        %dma_wait3A_535 = arith.constant 0 : i32
        %dma_wait3A_536 = tpu.memref_slice %arg11[%dma_wait3A_534, %dma_wait3A_535] : memref<10112x128xf32, #tpu.memory_space<vmem_shared>> -> memref<10112x128xf32, #tpu.memory_space<vmem_shared>>
        tpu.wait_indirect_dma semaphore(%run_scoped3A_524 : memref<!tpu.dma_semaphore, #tpu.memory_space<semaphore_mem>>) src(%arg10 : memref<128x128xf32, #tpu.memory_space<vmem>>) dst(%dma_wait3A_536 : memref<10112x128xf32, #tpu.memory_space<vmem_shared>>)
        tpu.yield
      }) : () -> ()
      %dma_start3A_321 = arith.constant 19 : i32
      %dma_start3A_322 = arith.constant 0 : i32
      %dma_start3A_323 = tpu.memref_slice %arg7[%dma_start3A_321, %dma_start3A_322] : memref<32x128xi32, #tpu.memory_space<vmem>> -> memref<1x128xi32, #tpu.memory_space<vmem>>
      %dma_start3A_324 = tpu.memref_squeeze %dma_start3A_323 : memref<1x128xi32, #tpu.memory_space<vmem>> -> memref<128xi32, #tpu.memory_space<vmem>>
      %dma_start3A_325 = arith.constant 0 : i32
      %dma_start3A_326 = arith.constant 0 : i32
      %dma_start3A_327 = tpu.memref_slice %arg2[%dma_start3A_325, %dma_start3A_326] : memref<160000x128xf32, #tpu.memory_space<hbm>> -> memref<160000x128xf32, #tpu.memory_space<hbm>>
      tpu.enqueue_indirect_dma source(%dma_start3A_327 : memref<160000x128xf32, #tpu.memory_space<hbm>>) target(%arg10 : memref<128x128xf32, #tpu.memory_space<vmem>>) offsets(%dma_start3A_324 : memref<128xi32, #tpu.memory_space<vmem>>) semaphore(%arg13 : memref<!tpu.dma_semaphore, #tpu.memory_space<semaphore_mem>>)
      %dma_wait3A_328 = arith.constant 18 : i32
      %dma_wait3A_329 = arith.constant 0 : i32
      %dma_wait3A_330 = tpu.memref_slice %arg7[%dma_wait3A_328, %dma_wait3A_329] : memref<32x128xi32, #tpu.memory_space<vmem>> -> memref<1x128xi32, #tpu.memory_space<vmem>>
      %dma_wait3A_331 = tpu.memref_squeeze %dma_wait3A_330 : memref<1x128xi32, #tpu.memory_space<vmem>> -> memref<128xi32, #tpu.memory_space<vmem>>
      %dma_wait3A_332 = arith.constant 0 : i32
      %dma_wait3A_333 = arith.constant 0 : i32
      %dma_wait3A_334 = tpu.memref_slice %arg2[%dma_wait3A_332, %dma_wait3A_333] : memref<160000x128xf32, #tpu.memory_space<hbm>> -> memref<160000x128xf32, #tpu.memory_space<hbm>>
      tpu.wait_indirect_dma semaphore(%arg12 : memref<!tpu.dma_semaphore, #tpu.memory_space<semaphore_mem>>) src(%dma_wait3A_334 : memref<160000x128xf32, #tpu.memory_space<hbm>>) dst(%arg9 : memref<128x128xf32, #tpu.memory_space<vmem>>)
      %run_scoped3A_335 = arith.constant 18 : i32
      "tpu.region"() ({
        %run_scoped3A_524 = tpu.sem_alloc : memref<!tpu.dma_semaphore, #tpu.memory_space<semaphore_mem>>
        %dma_start3A_525 = arith.constant 0 : i32
        %dma_start3A_526 = tpu.memref_slice %arg8[%run_scoped3A_335, %dma_start3A_525] : memref<32x128xi32, #tpu.memory_space<vmem>> -> memref<1x128xi32, #tpu.memory_space<vmem>>
        %dma_start3A_527 = tpu.memref_squeeze %dma_start3A_526 : memref<1x128xi32, #tpu.memory_space<vmem>> -> memref<128xi32, #tpu.memory_space<vmem>>
        %dma_start3A_528 = arith.constant 0 : i32
        %dma_start3A_529 = arith.constant 0 : i32
        %dma_start3A_530 = tpu.memref_slice %arg11[%dma_start3A_528, %dma_start3A_529] : memref<10112x128xf32, #tpu.memory_space<vmem_shared>> -> memref<10112x128xf32, #tpu.memory_space<vmem_shared>>
        tpu.enqueue_indirect_dma source(%arg9 : memref<128x128xf32, #tpu.memory_space<vmem>>) target(%dma_start3A_530 : memref<10112x128xf32, #tpu.memory_space<vmem_shared>>) offsets(%dma_start3A_527 : memref<128xi32, #tpu.memory_space<vmem>>) semaphore(%run_scoped3A_524 : memref<!tpu.dma_semaphore, #tpu.memory_space<semaphore_mem>>) {add = true}
        %dma_wait3A_531 = arith.constant 0 : i32
        %dma_wait3A_532 = tpu.memref_slice %arg8[%run_scoped3A_335, %dma_wait3A_531] : memref<32x128xi32, #tpu.memory_space<vmem>> -> memref<1x128xi32, #tpu.memory_space<vmem>>
        %dma_wait3A_533 = tpu.memref_squeeze %dma_wait3A_532 : memref<1x128xi32, #tpu.memory_space<vmem>> -> memref<128xi32, #tpu.memory_space<vmem>>
        %dma_wait3A_534 = arith.constant 0 : i32
        %dma_wait3A_535 = arith.constant 0 : i32
        %dma_wait3A_536 = tpu.memref_slice %arg11[%dma_wait3A_534, %dma_wait3A_535] : memref<10112x128xf32, #tpu.memory_space<vmem_shared>> -> memref<10112x128xf32, #tpu.memory_space<vmem_shared>>
        tpu.wait_indirect_dma semaphore(%run_scoped3A_524 : memref<!tpu.dma_semaphore, #tpu.memory_space<semaphore_mem>>) src(%arg9 : memref<128x128xf32, #tpu.memory_space<vmem>>) dst(%dma_wait3A_536 : memref<10112x128xf32, #tpu.memory_space<vmem_shared>>)
        tpu.yield
      }) : () -> ()
      %dma_start3A_336 = arith.constant 20 : i32
      %dma_start3A_337 = arith.constant 0 : i32
      %dma_start3A_338 = tpu.memref_slice %arg7[%dma_start3A_336, %dma_start3A_337] : memref<32x128xi32, #tpu.memory_space<vmem>> -> memref<1x128xi32, #tpu.memory_space<vmem>>
      %dma_start3A_339 = tpu.memref_squeeze %dma_start3A_338 : memref<1x128xi32, #tpu.memory_space<vmem>> -> memref<128xi32, #tpu.memory_space<vmem>>
      %dma_start3A_340 = arith.constant 0 : i32
      %dma_start3A_341 = arith.constant 0 : i32
      %dma_start3A_342 = tpu.memref_slice %arg2[%dma_start3A_340, %dma_start3A_341] : memref<160000x128xf32, #tpu.memory_space<hbm>> -> memref<160000x128xf32, #tpu.memory_space<hbm>>
      tpu.enqueue_indirect_dma source(%dma_start3A_342 : memref<160000x128xf32, #tpu.memory_space<hbm>>) target(%arg9 : memref<128x128xf32, #tpu.memory_space<vmem>>) offsets(%dma_start3A_339 : memref<128xi32, #tpu.memory_space<vmem>>) semaphore(%arg12 : memref<!tpu.dma_semaphore, #tpu.memory_space<semaphore_mem>>)
      %dma_wait3A_343 = arith.constant 19 : i32
      %dma_wait3A_344 = arith.constant 0 : i32
      %dma_wait3A_345 = tpu.memref_slice %arg7[%dma_wait3A_343, %dma_wait3A_344] : memref<32x128xi32, #tpu.memory_space<vmem>> -> memref<1x128xi32, #tpu.memory_space<vmem>>
      %dma_wait3A_346 = tpu.memref_squeeze %dma_wait3A_345 : memref<1x128xi32, #tpu.memory_space<vmem>> -> memref<128xi32, #tpu.memory_space<vmem>>
      %dma_wait3A_347 = arith.constant 0 : i32
      %dma_wait3A_348 = arith.constant 0 : i32
      %dma_wait3A_349 = tpu.memref_slice %arg2[%dma_wait3A_347, %dma_wait3A_348] : memref<160000x128xf32, #tpu.memory_space<hbm>> -> memref<160000x128xf32, #tpu.memory_space<hbm>>
      tpu.wait_indirect_dma semaphore(%arg13 : memref<!tpu.dma_semaphore, #tpu.memory_space<semaphore_mem>>) src(%dma_wait3A_349 : memref<160000x128xf32, #tpu.memory_space<hbm>>) dst(%arg10 : memref<128x128xf32, #tpu.memory_space<vmem>>)
      %run_scoped3A_350 = arith.constant 19 : i32
      "tpu.region"() ({
        %run_scoped3A_524 = tpu.sem_alloc : memref<!tpu.dma_semaphore, #tpu.memory_space<semaphore_mem>>
        %dma_start3A_525 = arith.constant 0 : i32
        %dma_start3A_526 = tpu.memref_slice %arg8[%run_scoped3A_350, %dma_start3A_525] : memref<32x128xi32, #tpu.memory_space<vmem>> -> memref<1x128xi32, #tpu.memory_space<vmem>>
        %dma_start3A_527 = tpu.memref_squeeze %dma_start3A_526 : memref<1x128xi32, #tpu.memory_space<vmem>> -> memref<128xi32, #tpu.memory_space<vmem>>
        %dma_start3A_528 = arith.constant 0 : i32
        %dma_start3A_529 = arith.constant 0 : i32
        %dma_start3A_530 = tpu.memref_slice %arg11[%dma_start3A_528, %dma_start3A_529] : memref<10112x128xf32, #tpu.memory_space<vmem_shared>> -> memref<10112x128xf32, #tpu.memory_space<vmem_shared>>
        tpu.enqueue_indirect_dma source(%arg10 : memref<128x128xf32, #tpu.memory_space<vmem>>) target(%dma_start3A_530 : memref<10112x128xf32, #tpu.memory_space<vmem_shared>>) offsets(%dma_start3A_527 : memref<128xi32, #tpu.memory_space<vmem>>) semaphore(%run_scoped3A_524 : memref<!tpu.dma_semaphore, #tpu.memory_space<semaphore_mem>>) {add = true}
        %dma_wait3A_531 = arith.constant 0 : i32
        %dma_wait3A_532 = tpu.memref_slice %arg8[%run_scoped3A_350, %dma_wait3A_531] : memref<32x128xi32, #tpu.memory_space<vmem>> -> memref<1x128xi32, #tpu.memory_space<vmem>>
        %dma_wait3A_533 = tpu.memref_squeeze %dma_wait3A_532 : memref<1x128xi32, #tpu.memory_space<vmem>> -> memref<128xi32, #tpu.memory_space<vmem>>
        %dma_wait3A_534 = arith.constant 0 : i32
        %dma_wait3A_535 = arith.constant 0 : i32
        %dma_wait3A_536 = tpu.memref_slice %arg11[%dma_wait3A_534, %dma_wait3A_535] : memref<10112x128xf32, #tpu.memory_space<vmem_shared>> -> memref<10112x128xf32, #tpu.memory_space<vmem_shared>>
        tpu.wait_indirect_dma semaphore(%run_scoped3A_524 : memref<!tpu.dma_semaphore, #tpu.memory_space<semaphore_mem>>) src(%arg10 : memref<128x128xf32, #tpu.memory_space<vmem>>) dst(%dma_wait3A_536 : memref<10112x128xf32, #tpu.memory_space<vmem_shared>>)
        tpu.yield
      }) : () -> ()
      %dma_start3A_351 = arith.constant 21 : i32
      %dma_start3A_352 = arith.constant 0 : i32
      %dma_start3A_353 = tpu.memref_slice %arg7[%dma_start3A_351, %dma_start3A_352] : memref<32x128xi32, #tpu.memory_space<vmem>> -> memref<1x128xi32, #tpu.memory_space<vmem>>
      %dma_start3A_354 = tpu.memref_squeeze %dma_start3A_353 : memref<1x128xi32, #tpu.memory_space<vmem>> -> memref<128xi32, #tpu.memory_space<vmem>>
      %dma_start3A_355 = arith.constant 0 : i32
      %dma_start3A_356 = arith.constant 0 : i32
      %dma_start3A_357 = tpu.memref_slice %arg2[%dma_start3A_355, %dma_start3A_356] : memref<160000x128xf32, #tpu.memory_space<hbm>> -> memref<160000x128xf32, #tpu.memory_space<hbm>>
      tpu.enqueue_indirect_dma source(%dma_start3A_357 : memref<160000x128xf32, #tpu.memory_space<hbm>>) target(%arg10 : memref<128x128xf32, #tpu.memory_space<vmem>>) offsets(%dma_start3A_354 : memref<128xi32, #tpu.memory_space<vmem>>) semaphore(%arg13 : memref<!tpu.dma_semaphore, #tpu.memory_space<semaphore_mem>>)
      %dma_wait3A_358 = arith.constant 20 : i32
      %dma_wait3A_359 = arith.constant 0 : i32
      %dma_wait3A_360 = tpu.memref_slice %arg7[%dma_wait3A_358, %dma_wait3A_359] : memref<32x128xi32, #tpu.memory_space<vmem>> -> memref<1x128xi32, #tpu.memory_space<vmem>>
      %dma_wait3A_361 = tpu.memref_squeeze %dma_wait3A_360 : memref<1x128xi32, #tpu.memory_space<vmem>> -> memref<128xi32, #tpu.memory_space<vmem>>
      %dma_wait3A_362 = arith.constant 0 : i32
      %dma_wait3A_363 = arith.constant 0 : i32
      %dma_wait3A_364 = tpu.memref_slice %arg2[%dma_wait3A_362, %dma_wait3A_363] : memref<160000x128xf32, #tpu.memory_space<hbm>> -> memref<160000x128xf32, #tpu.memory_space<hbm>>
      tpu.wait_indirect_dma semaphore(%arg12 : memref<!tpu.dma_semaphore, #tpu.memory_space<semaphore_mem>>) src(%dma_wait3A_364 : memref<160000x128xf32, #tpu.memory_space<hbm>>) dst(%arg9 : memref<128x128xf32, #tpu.memory_space<vmem>>)
      %run_scoped3A_365 = arith.constant 20 : i32
      "tpu.region"() ({
        %run_scoped3A_524 = tpu.sem_alloc : memref<!tpu.dma_semaphore, #tpu.memory_space<semaphore_mem>>
        %dma_start3A_525 = arith.constant 0 : i32
        %dma_start3A_526 = tpu.memref_slice %arg8[%run_scoped3A_365, %dma_start3A_525] : memref<32x128xi32, #tpu.memory_space<vmem>> -> memref<1x128xi32, #tpu.memory_space<vmem>>
        %dma_start3A_527 = tpu.memref_squeeze %dma_start3A_526 : memref<1x128xi32, #tpu.memory_space<vmem>> -> memref<128xi32, #tpu.memory_space<vmem>>
        %dma_start3A_528 = arith.constant 0 : i32
        %dma_start3A_529 = arith.constant 0 : i32
        %dma_start3A_530 = tpu.memref_slice %arg11[%dma_start3A_528, %dma_start3A_529] : memref<10112x128xf32, #tpu.memory_space<vmem_shared>> -> memref<10112x128xf32, #tpu.memory_space<vmem_shared>>
        tpu.enqueue_indirect_dma source(%arg9 : memref<128x128xf32, #tpu.memory_space<vmem>>) target(%dma_start3A_530 : memref<10112x128xf32, #tpu.memory_space<vmem_shared>>) offsets(%dma_start3A_527 : memref<128xi32, #tpu.memory_space<vmem>>) semaphore(%run_scoped3A_524 : memref<!tpu.dma_semaphore, #tpu.memory_space<semaphore_mem>>) {add = true}
        %dma_wait3A_531 = arith.constant 0 : i32
        %dma_wait3A_532 = tpu.memref_slice %arg8[%run_scoped3A_365, %dma_wait3A_531] : memref<32x128xi32, #tpu.memory_space<vmem>> -> memref<1x128xi32, #tpu.memory_space<vmem>>
        %dma_wait3A_533 = tpu.memref_squeeze %dma_wait3A_532 : memref<1x128xi32, #tpu.memory_space<vmem>> -> memref<128xi32, #tpu.memory_space<vmem>>
        %dma_wait3A_534 = arith.constant 0 : i32
        %dma_wait3A_535 = arith.constant 0 : i32
        %dma_wait3A_536 = tpu.memref_slice %arg11[%dma_wait3A_534, %dma_wait3A_535] : memref<10112x128xf32, #tpu.memory_space<vmem_shared>> -> memref<10112x128xf32, #tpu.memory_space<vmem_shared>>
        tpu.wait_indirect_dma semaphore(%run_scoped3A_524 : memref<!tpu.dma_semaphore, #tpu.memory_space<semaphore_mem>>) src(%arg9 : memref<128x128xf32, #tpu.memory_space<vmem>>) dst(%dma_wait3A_536 : memref<10112x128xf32, #tpu.memory_space<vmem_shared>>)
        tpu.yield
      }) : () -> ()
      %dma_start3A_366 = arith.constant 22 : i32
      %dma_start3A_367 = arith.constant 0 : i32
      %dma_start3A_368 = tpu.memref_slice %arg7[%dma_start3A_366, %dma_start3A_367] : memref<32x128xi32, #tpu.memory_space<vmem>> -> memref<1x128xi32, #tpu.memory_space<vmem>>
      %dma_start3A_369 = tpu.memref_squeeze %dma_start3A_368 : memref<1x128xi32, #tpu.memory_space<vmem>> -> memref<128xi32, #tpu.memory_space<vmem>>
      %dma_start3A_370 = arith.constant 0 : i32
      %dma_start3A_371 = arith.constant 0 : i32
      %dma_start3A_372 = tpu.memref_slice %arg2[%dma_start3A_370, %dma_start3A_371] : memref<160000x128xf32, #tpu.memory_space<hbm>> -> memref<160000x128xf32, #tpu.memory_space<hbm>>
      tpu.enqueue_indirect_dma source(%dma_start3A_372 : memref<160000x128xf32, #tpu.memory_space<hbm>>) target(%arg9 : memref<128x128xf32, #tpu.memory_space<vmem>>) offsets(%dma_start3A_369 : memref<128xi32, #tpu.memory_space<vmem>>) semaphore(%arg12 : memref<!tpu.dma_semaphore, #tpu.memory_space<semaphore_mem>>)
      %dma_wait3A_373 = arith.constant 21 : i32
      %dma_wait3A_374 = arith.constant 0 : i32
      %dma_wait3A_375 = tpu.memref_slice %arg7[%dma_wait3A_373, %dma_wait3A_374] : memref<32x128xi32, #tpu.memory_space<vmem>> -> memref<1x128xi32, #tpu.memory_space<vmem>>
      %dma_wait3A_376 = tpu.memref_squeeze %dma_wait3A_375 : memref<1x128xi32, #tpu.memory_space<vmem>> -> memref<128xi32, #tpu.memory_space<vmem>>
      %dma_wait3A_377 = arith.constant 0 : i32
      %dma_wait3A_378 = arith.constant 0 : i32
      %dma_wait3A_379 = tpu.memref_slice %arg2[%dma_wait3A_377, %dma_wait3A_378] : memref<160000x128xf32, #tpu.memory_space<hbm>> -> memref<160000x128xf32, #tpu.memory_space<hbm>>
      tpu.wait_indirect_dma semaphore(%arg13 : memref<!tpu.dma_semaphore, #tpu.memory_space<semaphore_mem>>) src(%dma_wait3A_379 : memref<160000x128xf32, #tpu.memory_space<hbm>>) dst(%arg10 : memref<128x128xf32, #tpu.memory_space<vmem>>)
      %run_scoped3A_380 = arith.constant 21 : i32
      "tpu.region"() ({
        %run_scoped3A_524 = tpu.sem_alloc : memref<!tpu.dma_semaphore, #tpu.memory_space<semaphore_mem>>
        %dma_start3A_525 = arith.constant 0 : i32
        %dma_start3A_526 = tpu.memref_slice %arg8[%run_scoped3A_380, %dma_start3A_525] : memref<32x128xi32, #tpu.memory_space<vmem>> -> memref<1x128xi32, #tpu.memory_space<vmem>>
        %dma_start3A_527 = tpu.memref_squeeze %dma_start3A_526 : memref<1x128xi32, #tpu.memory_space<vmem>> -> memref<128xi32, #tpu.memory_space<vmem>>
        %dma_start3A_528 = arith.constant 0 : i32
        %dma_start3A_529 = arith.constant 0 : i32
        %dma_start3A_530 = tpu.memref_slice %arg11[%dma_start3A_528, %dma_start3A_529] : memref<10112x128xf32, #tpu.memory_space<vmem_shared>> -> memref<10112x128xf32, #tpu.memory_space<vmem_shared>>
        tpu.enqueue_indirect_dma source(%arg10 : memref<128x128xf32, #tpu.memory_space<vmem>>) target(%dma_start3A_530 : memref<10112x128xf32, #tpu.memory_space<vmem_shared>>) offsets(%dma_start3A_527 : memref<128xi32, #tpu.memory_space<vmem>>) semaphore(%run_scoped3A_524 : memref<!tpu.dma_semaphore, #tpu.memory_space<semaphore_mem>>) {add = true}
        %dma_wait3A_531 = arith.constant 0 : i32
        %dma_wait3A_532 = tpu.memref_slice %arg8[%run_scoped3A_380, %dma_wait3A_531] : memref<32x128xi32, #tpu.memory_space<vmem>> -> memref<1x128xi32, #tpu.memory_space<vmem>>
        %dma_wait3A_533 = tpu.memref_squeeze %dma_wait3A_532 : memref<1x128xi32, #tpu.memory_space<vmem>> -> memref<128xi32, #tpu.memory_space<vmem>>
        %dma_wait3A_534 = arith.constant 0 : i32
        %dma_wait3A_535 = arith.constant 0 : i32
        %dma_wait3A_536 = tpu.memref_slice %arg11[%dma_wait3A_534, %dma_wait3A_535] : memref<10112x128xf32, #tpu.memory_space<vmem_shared>> -> memref<10112x128xf32, #tpu.memory_space<vmem_shared>>
        tpu.wait_indirect_dma semaphore(%run_scoped3A_524 : memref<!tpu.dma_semaphore, #tpu.memory_space<semaphore_mem>>) src(%arg10 : memref<128x128xf32, #tpu.memory_space<vmem>>) dst(%dma_wait3A_536 : memref<10112x128xf32, #tpu.memory_space<vmem_shared>>)
        tpu.yield
      }) : () -> ()
      %dma_start3A_381 = arith.constant 23 : i32
      %dma_start3A_382 = arith.constant 0 : i32
      %dma_start3A_383 = tpu.memref_slice %arg7[%dma_start3A_381, %dma_start3A_382] : memref<32x128xi32, #tpu.memory_space<vmem>> -> memref<1x128xi32, #tpu.memory_space<vmem>>
      %dma_start3A_384 = tpu.memref_squeeze %dma_start3A_383 : memref<1x128xi32, #tpu.memory_space<vmem>> -> memref<128xi32, #tpu.memory_space<vmem>>
      %dma_start3A_385 = arith.constant 0 : i32
      %dma_start3A_386 = arith.constant 0 : i32
      %dma_start3A_387 = tpu.memref_slice %arg2[%dma_start3A_385, %dma_start3A_386] : memref<160000x128xf32, #tpu.memory_space<hbm>> -> memref<160000x128xf32, #tpu.memory_space<hbm>>
      tpu.enqueue_indirect_dma source(%dma_start3A_387 : memref<160000x128xf32, #tpu.memory_space<hbm>>) target(%arg10 : memref<128x128xf32, #tpu.memory_space<vmem>>) offsets(%dma_start3A_384 : memref<128xi32, #tpu.memory_space<vmem>>) semaphore(%arg13 : memref<!tpu.dma_semaphore, #tpu.memory_space<semaphore_mem>>)
      %dma_wait3A_388 = arith.constant 22 : i32
      %dma_wait3A_389 = arith.constant 0 : i32
      %dma_wait3A_390 = tpu.memref_slice %arg7[%dma_wait3A_388, %dma_wait3A_389] : memref<32x128xi32, #tpu.memory_space<vmem>> -> memref<1x128xi32, #tpu.memory_space<vmem>>
      %dma_wait3A_391 = tpu.memref_squeeze %dma_wait3A_390 : memref<1x128xi32, #tpu.memory_space<vmem>> -> memref<128xi32, #tpu.memory_space<vmem>>
      %dma_wait3A_392 = arith.constant 0 : i32
      %dma_wait3A_393 = arith.constant 0 : i32
      %dma_wait3A_394 = tpu.memref_slice %arg2[%dma_wait3A_392, %dma_wait3A_393] : memref<160000x128xf32, #tpu.memory_space<hbm>> -> memref<160000x128xf32, #tpu.memory_space<hbm>>
      tpu.wait_indirect_dma semaphore(%arg12 : memref<!tpu.dma_semaphore, #tpu.memory_space<semaphore_mem>>) src(%dma_wait3A_394 : memref<160000x128xf32, #tpu.memory_space<hbm>>) dst(%arg9 : memref<128x128xf32, #tpu.memory_space<vmem>>)
      %run_scoped3A_395 = arith.constant 22 : i32
      "tpu.region"() ({
        %run_scoped3A_524 = tpu.sem_alloc : memref<!tpu.dma_semaphore, #tpu.memory_space<semaphore_mem>>
        %dma_start3A_525 = arith.constant 0 : i32
        %dma_start3A_526 = tpu.memref_slice %arg8[%run_scoped3A_395, %dma_start3A_525] : memref<32x128xi32, #tpu.memory_space<vmem>> -> memref<1x128xi32, #tpu.memory_space<vmem>>
        %dma_start3A_527 = tpu.memref_squeeze %dma_start3A_526 : memref<1x128xi32, #tpu.memory_space<vmem>> -> memref<128xi32, #tpu.memory_space<vmem>>
        %dma_start3A_528 = arith.constant 0 : i32
        %dma_start3A_529 = arith.constant 0 : i32
        %dma_start3A_530 = tpu.memref_slice %arg11[%dma_start3A_528, %dma_start3A_529] : memref<10112x128xf32, #tpu.memory_space<vmem_shared>> -> memref<10112x128xf32, #tpu.memory_space<vmem_shared>>
        tpu.enqueue_indirect_dma source(%arg9 : memref<128x128xf32, #tpu.memory_space<vmem>>) target(%dma_start3A_530 : memref<10112x128xf32, #tpu.memory_space<vmem_shared>>) offsets(%dma_start3A_527 : memref<128xi32, #tpu.memory_space<vmem>>) semaphore(%run_scoped3A_524 : memref<!tpu.dma_semaphore, #tpu.memory_space<semaphore_mem>>) {add = true}
        %dma_wait3A_531 = arith.constant 0 : i32
        %dma_wait3A_532 = tpu.memref_slice %arg8[%run_scoped3A_395, %dma_wait3A_531] : memref<32x128xi32, #tpu.memory_space<vmem>> -> memref<1x128xi32, #tpu.memory_space<vmem>>
        %dma_wait3A_533 = tpu.memref_squeeze %dma_wait3A_532 : memref<1x128xi32, #tpu.memory_space<vmem>> -> memref<128xi32, #tpu.memory_space<vmem>>
        %dma_wait3A_534 = arith.constant 0 : i32
        %dma_wait3A_535 = arith.constant 0 : i32
        %dma_wait3A_536 = tpu.memref_slice %arg11[%dma_wait3A_534, %dma_wait3A_535] : memref<10112x128xf32, #tpu.memory_space<vmem_shared>> -> memref<10112x128xf32, #tpu.memory_space<vmem_shared>>
        tpu.wait_indirect_dma semaphore(%run_scoped3A_524 : memref<!tpu.dma_semaphore, #tpu.memory_space<semaphore_mem>>) src(%arg9 : memref<128x128xf32, #tpu.memory_space<vmem>>) dst(%dma_wait3A_536 : memref<10112x128xf32, #tpu.memory_space<vmem_shared>>)
        tpu.yield
      }) : () -> ()
      %dma_start3A_396 = arith.constant 24 : i32
      %dma_start3A_397 = arith.constant 0 : i32
      %dma_start3A_398 = tpu.memref_slice %arg7[%dma_start3A_396, %dma_start3A_397] : memref<32x128xi32, #tpu.memory_space<vmem>> -> memref<1x128xi32, #tpu.memory_space<vmem>>
      %dma_start3A_399 = tpu.memref_squeeze %dma_start3A_398 : memref<1x128xi32, #tpu.memory_space<vmem>> -> memref<128xi32, #tpu.memory_space<vmem>>
      %dma_start3A_400 = arith.constant 0 : i32
      %dma_start3A_401 = arith.constant 0 : i32
      %dma_start3A_402 = tpu.memref_slice %arg2[%dma_start3A_400, %dma_start3A_401] : memref<160000x128xf32, #tpu.memory_space<hbm>> -> memref<160000x128xf32, #tpu.memory_space<hbm>>
      tpu.enqueue_indirect_dma source(%dma_start3A_402 : memref<160000x128xf32, #tpu.memory_space<hbm>>) target(%arg9 : memref<128x128xf32, #tpu.memory_space<vmem>>) offsets(%dma_start3A_399 : memref<128xi32, #tpu.memory_space<vmem>>) semaphore(%arg12 : memref<!tpu.dma_semaphore, #tpu.memory_space<semaphore_mem>>)
      %dma_wait3A_403 = arith.constant 23 : i32
      %dma_wait3A_404 = arith.constant 0 : i32
      %dma_wait3A_405 = tpu.memref_slice %arg7[%dma_wait3A_403, %dma_wait3A_404] : memref<32x128xi32, #tpu.memory_space<vmem>> -> memref<1x128xi32, #tpu.memory_space<vmem>>
      %dma_wait3A_406 = tpu.memref_squeeze %dma_wait3A_405 : memref<1x128xi32, #tpu.memory_space<vmem>> -> memref<128xi32, #tpu.memory_space<vmem>>
      %dma_wait3A_407 = arith.constant 0 : i32
      %dma_wait3A_408 = arith.constant 0 : i32
      %dma_wait3A_409 = tpu.memref_slice %arg2[%dma_wait3A_407, %dma_wait3A_408] : memref<160000x128xf32, #tpu.memory_space<hbm>> -> memref<160000x128xf32, #tpu.memory_space<hbm>>
      tpu.wait_indirect_dma semaphore(%arg13 : memref<!tpu.dma_semaphore, #tpu.memory_space<semaphore_mem>>) src(%dma_wait3A_409 : memref<160000x128xf32, #tpu.memory_space<hbm>>) dst(%arg10 : memref<128x128xf32, #tpu.memory_space<vmem>>)
      %run_scoped3A_410 = arith.constant 23 : i32
      "tpu.region"() ({
        %run_scoped3A_524 = tpu.sem_alloc : memref<!tpu.dma_semaphore, #tpu.memory_space<semaphore_mem>>
        %dma_start3A_525 = arith.constant 0 : i32
        %dma_start3A_526 = tpu.memref_slice %arg8[%run_scoped3A_410, %dma_start3A_525] : memref<32x128xi32, #tpu.memory_space<vmem>> -> memref<1x128xi32, #tpu.memory_space<vmem>>
        %dma_start3A_527 = tpu.memref_squeeze %dma_start3A_526 : memref<1x128xi32, #tpu.memory_space<vmem>> -> memref<128xi32, #tpu.memory_space<vmem>>
        %dma_start3A_528 = arith.constant 0 : i32
        %dma_start3A_529 = arith.constant 0 : i32
        %dma_start3A_530 = tpu.memref_slice %arg11[%dma_start3A_528, %dma_start3A_529] : memref<10112x128xf32, #tpu.memory_space<vmem_shared>> -> memref<10112x128xf32, #tpu.memory_space<vmem_shared>>
        tpu.enqueue_indirect_dma source(%arg10 : memref<128x128xf32, #tpu.memory_space<vmem>>) target(%dma_start3A_530 : memref<10112x128xf32, #tpu.memory_space<vmem_shared>>) offsets(%dma_start3A_527 : memref<128xi32, #tpu.memory_space<vmem>>) semaphore(%run_scoped3A_524 : memref<!tpu.dma_semaphore, #tpu.memory_space<semaphore_mem>>) {add = true}
        %dma_wait3A_531 = arith.constant 0 : i32
        %dma_wait3A_532 = tpu.memref_slice %arg8[%run_scoped3A_410, %dma_wait3A_531] : memref<32x128xi32, #tpu.memory_space<vmem>> -> memref<1x128xi32, #tpu.memory_space<vmem>>
        %dma_wait3A_533 = tpu.memref_squeeze %dma_wait3A_532 : memref<1x128xi32, #tpu.memory_space<vmem>> -> memref<128xi32, #tpu.memory_space<vmem>>
        %dma_wait3A_534 = arith.constant 0 : i32
        %dma_wait3A_535 = arith.constant 0 : i32
        %dma_wait3A_536 = tpu.memref_slice %arg11[%dma_wait3A_534, %dma_wait3A_535] : memref<10112x128xf32, #tpu.memory_space<vmem_shared>> -> memref<10112x128xf32, #tpu.memory_space<vmem_shared>>
        tpu.wait_indirect_dma semaphore(%run_scoped3A_524 : memref<!tpu.dma_semaphore, #tpu.memory_space<semaphore_mem>>) src(%arg10 : memref<128x128xf32, #tpu.memory_space<vmem>>) dst(%dma_wait3A_536 : memref<10112x128xf32, #tpu.memory_space<vmem_shared>>)
        tpu.yield
      }) : () -> ()
      %dma_start3A_411 = arith.constant 25 : i32
      %dma_start3A_412 = arith.constant 0 : i32
      %dma_start3A_413 = tpu.memref_slice %arg7[%dma_start3A_411, %dma_start3A_412] : memref<32x128xi32, #tpu.memory_space<vmem>> -> memref<1x128xi32, #tpu.memory_space<vmem>>
      %dma_start3A_414 = tpu.memref_squeeze %dma_start3A_413 : memref<1x128xi32, #tpu.memory_space<vmem>> -> memref<128xi32, #tpu.memory_space<vmem>>
      %dma_start3A_415 = arith.constant 0 : i32
      %dma_start3A_416 = arith.constant 0 : i32
      %dma_start3A_417 = tpu.memref_slice %arg2[%dma_start3A_415, %dma_start3A_416] : memref<160000x128xf32, #tpu.memory_space<hbm>> -> memref<160000x128xf32, #tpu.memory_space<hbm>>
      tpu.enqueue_indirect_dma source(%dma_start3A_417 : memref<160000x128xf32, #tpu.memory_space<hbm>>) target(%arg10 : memref<128x128xf32, #tpu.memory_space<vmem>>) offsets(%dma_start3A_414 : memref<128xi32, #tpu.memory_space<vmem>>) semaphore(%arg13 : memref<!tpu.dma_semaphore, #tpu.memory_space<semaphore_mem>>)
      %dma_wait3A_418 = arith.constant 24 : i32
      %dma_wait3A_419 = arith.constant 0 : i32
      %dma_wait3A_420 = tpu.memref_slice %arg7[%dma_wait3A_418, %dma_wait3A_419] : memref<32x128xi32, #tpu.memory_space<vmem>> -> memref<1x128xi32, #tpu.memory_space<vmem>>
      %dma_wait3A_421 = tpu.memref_squeeze %dma_wait3A_420 : memref<1x128xi32, #tpu.memory_space<vmem>> -> memref<128xi32, #tpu.memory_space<vmem>>
      %dma_wait3A_422 = arith.constant 0 : i32
      %dma_wait3A_423 = arith.constant 0 : i32
      %dma_wait3A_424 = tpu.memref_slice %arg2[%dma_wait3A_422, %dma_wait3A_423] : memref<160000x128xf32, #tpu.memory_space<hbm>> -> memref<160000x128xf32, #tpu.memory_space<hbm>>
      tpu.wait_indirect_dma semaphore(%arg12 : memref<!tpu.dma_semaphore, #tpu.memory_space<semaphore_mem>>) src(%dma_wait3A_424 : memref<160000x128xf32, #tpu.memory_space<hbm>>) dst(%arg9 : memref<128x128xf32, #tpu.memory_space<vmem>>)
      %run_scoped3A_425 = arith.constant 24 : i32
      "tpu.region"() ({
        %run_scoped3A_524 = tpu.sem_alloc : memref<!tpu.dma_semaphore, #tpu.memory_space<semaphore_mem>>
        %dma_start3A_525 = arith.constant 0 : i32
        %dma_start3A_526 = tpu.memref_slice %arg8[%run_scoped3A_425, %dma_start3A_525] : memref<32x128xi32, #tpu.memory_space<vmem>> -> memref<1x128xi32, #tpu.memory_space<vmem>>
        %dma_start3A_527 = tpu.memref_squeeze %dma_start3A_526 : memref<1x128xi32, #tpu.memory_space<vmem>> -> memref<128xi32, #tpu.memory_space<vmem>>
        %dma_start3A_528 = arith.constant 0 : i32
        %dma_start3A_529 = arith.constant 0 : i32
        %dma_start3A_530 = tpu.memref_slice %arg11[%dma_start3A_528, %dma_start3A_529] : memref<10112x128xf32, #tpu.memory_space<vmem_shared>> -> memref<10112x128xf32, #tpu.memory_space<vmem_shared>>
        tpu.enqueue_indirect_dma source(%arg9 : memref<128x128xf32, #tpu.memory_space<vmem>>) target(%dma_start3A_530 : memref<10112x128xf32, #tpu.memory_space<vmem_shared>>) offsets(%dma_start3A_527 : memref<128xi32, #tpu.memory_space<vmem>>) semaphore(%run_scoped3A_524 : memref<!tpu.dma_semaphore, #tpu.memory_space<semaphore_mem>>) {add = true}
        %dma_wait3A_531 = arith.constant 0 : i32
        %dma_wait3A_532 = tpu.memref_slice %arg8[%run_scoped3A_425, %dma_wait3A_531] : memref<32x128xi32, #tpu.memory_space<vmem>> -> memref<1x128xi32, #tpu.memory_space<vmem>>
        %dma_wait3A_533 = tpu.memref_squeeze %dma_wait3A_532 : memref<1x128xi32, #tpu.memory_space<vmem>> -> memref<128xi32, #tpu.memory_space<vmem>>
        %dma_wait3A_534 = arith.constant 0 : i32
        %dma_wait3A_535 = arith.constant 0 : i32
        %dma_wait3A_536 = tpu.memref_slice %arg11[%dma_wait3A_534, %dma_wait3A_535] : memref<10112x128xf32, #tpu.memory_space<vmem_shared>> -> memref<10112x128xf32, #tpu.memory_space<vmem_shared>>
        tpu.wait_indirect_dma semaphore(%run_scoped3A_524 : memref<!tpu.dma_semaphore, #tpu.memory_space<semaphore_mem>>) src(%arg9 : memref<128x128xf32, #tpu.memory_space<vmem>>) dst(%dma_wait3A_536 : memref<10112x128xf32, #tpu.memory_space<vmem_shared>>)
        tpu.yield
      }) : () -> ()
      %dma_start3A_426 = arith.constant 26 : i32
      %dma_start3A_427 = arith.constant 0 : i32
      %dma_start3A_428 = tpu.memref_slice %arg7[%dma_start3A_426, %dma_start3A_427] : memref<32x128xi32, #tpu.memory_space<vmem>> -> memref<1x128xi32, #tpu.memory_space<vmem>>
      %dma_start3A_429 = tpu.memref_squeeze %dma_start3A_428 : memref<1x128xi32, #tpu.memory_space<vmem>> -> memref<128xi32, #tpu.memory_space<vmem>>
      %dma_start3A_430 = arith.constant 0 : i32
      %dma_start3A_431 = arith.constant 0 : i32
      %dma_start3A_432 = tpu.memref_slice %arg2[%dma_start3A_430, %dma_start3A_431] : memref<160000x128xf32, #tpu.memory_space<hbm>> -> memref<160000x128xf32, #tpu.memory_space<hbm>>
      tpu.enqueue_indirect_dma source(%dma_start3A_432 : memref<160000x128xf32, #tpu.memory_space<hbm>>) target(%arg9 : memref<128x128xf32, #tpu.memory_space<vmem>>) offsets(%dma_start3A_429 : memref<128xi32, #tpu.memory_space<vmem>>) semaphore(%arg12 : memref<!tpu.dma_semaphore, #tpu.memory_space<semaphore_mem>>)
      %dma_wait3A_433 = arith.constant 25 : i32
      %dma_wait3A_434 = arith.constant 0 : i32
      %dma_wait3A_435 = tpu.memref_slice %arg7[%dma_wait3A_433, %dma_wait3A_434] : memref<32x128xi32, #tpu.memory_space<vmem>> -> memref<1x128xi32, #tpu.memory_space<vmem>>
      %dma_wait3A_436 = tpu.memref_squeeze %dma_wait3A_435 : memref<1x128xi32, #tpu.memory_space<vmem>> -> memref<128xi32, #tpu.memory_space<vmem>>
      %dma_wait3A_437 = arith.constant 0 : i32
      %dma_wait3A_438 = arith.constant 0 : i32
      %dma_wait3A_439 = tpu.memref_slice %arg2[%dma_wait3A_437, %dma_wait3A_438] : memref<160000x128xf32, #tpu.memory_space<hbm>> -> memref<160000x128xf32, #tpu.memory_space<hbm>>
      tpu.wait_indirect_dma semaphore(%arg13 : memref<!tpu.dma_semaphore, #tpu.memory_space<semaphore_mem>>) src(%dma_wait3A_439 : memref<160000x128xf32, #tpu.memory_space<hbm>>) dst(%arg10 : memref<128x128xf32, #tpu.memory_space<vmem>>)
      %run_scoped3A_440 = arith.constant 25 : i32
      "tpu.region"() ({
        %run_scoped3A_524 = tpu.sem_alloc : memref<!tpu.dma_semaphore, #tpu.memory_space<semaphore_mem>>
        %dma_start3A_525 = arith.constant 0 : i32
        %dma_start3A_526 = tpu.memref_slice %arg8[%run_scoped3A_440, %dma_start3A_525] : memref<32x128xi32, #tpu.memory_space<vmem>> -> memref<1x128xi32, #tpu.memory_space<vmem>>
        %dma_start3A_527 = tpu.memref_squeeze %dma_start3A_526 : memref<1x128xi32, #tpu.memory_space<vmem>> -> memref<128xi32, #tpu.memory_space<vmem>>
        %dma_start3A_528 = arith.constant 0 : i32
        %dma_start3A_529 = arith.constant 0 : i32
        %dma_start3A_530 = tpu.memref_slice %arg11[%dma_start3A_528, %dma_start3A_529] : memref<10112x128xf32, #tpu.memory_space<vmem_shared>> -> memref<10112x128xf32, #tpu.memory_space<vmem_shared>>
        tpu.enqueue_indirect_dma source(%arg10 : memref<128x128xf32, #tpu.memory_space<vmem>>) target(%dma_start3A_530 : memref<10112x128xf32, #tpu.memory_space<vmem_shared>>) offsets(%dma_start3A_527 : memref<128xi32, #tpu.memory_space<vmem>>) semaphore(%run_scoped3A_524 : memref<!tpu.dma_semaphore, #tpu.memory_space<semaphore_mem>>) {add = true}
        %dma_wait3A_531 = arith.constant 0 : i32
        %dma_wait3A_532 = tpu.memref_slice %arg8[%run_scoped3A_440, %dma_wait3A_531] : memref<32x128xi32, #tpu.memory_space<vmem>> -> memref<1x128xi32, #tpu.memory_space<vmem>>
        %dma_wait3A_533 = tpu.memref_squeeze %dma_wait3A_532 : memref<1x128xi32, #tpu.memory_space<vmem>> -> memref<128xi32, #tpu.memory_space<vmem>>
        %dma_wait3A_534 = arith.constant 0 : i32
        %dma_wait3A_535 = arith.constant 0 : i32
        %dma_wait3A_536 = tpu.memref_slice %arg11[%dma_wait3A_534, %dma_wait3A_535] : memref<10112x128xf32, #tpu.memory_space<vmem_shared>> -> memref<10112x128xf32, #tpu.memory_space<vmem_shared>>
        tpu.wait_indirect_dma semaphore(%run_scoped3A_524 : memref<!tpu.dma_semaphore, #tpu.memory_space<semaphore_mem>>) src(%arg10 : memref<128x128xf32, #tpu.memory_space<vmem>>) dst(%dma_wait3A_536 : memref<10112x128xf32, #tpu.memory_space<vmem_shared>>)
        tpu.yield
      }) : () -> ()
      %dma_start3A_441 = arith.constant 27 : i32
      %dma_start3A_442 = arith.constant 0 : i32
      %dma_start3A_443 = tpu.memref_slice %arg7[%dma_start3A_441, %dma_start3A_442] : memref<32x128xi32, #tpu.memory_space<vmem>> -> memref<1x128xi32, #tpu.memory_space<vmem>>
      %dma_start3A_444 = tpu.memref_squeeze %dma_start3A_443 : memref<1x128xi32, #tpu.memory_space<vmem>> -> memref<128xi32, #tpu.memory_space<vmem>>
      %dma_start3A_445 = arith.constant 0 : i32
      %dma_start3A_446 = arith.constant 0 : i32
      %dma_start3A_447 = tpu.memref_slice %arg2[%dma_start3A_445, %dma_start3A_446] : memref<160000x128xf32, #tpu.memory_space<hbm>> -> memref<160000x128xf32, #tpu.memory_space<hbm>>
      tpu.enqueue_indirect_dma source(%dma_start3A_447 : memref<160000x128xf32, #tpu.memory_space<hbm>>) target(%arg10 : memref<128x128xf32, #tpu.memory_space<vmem>>) offsets(%dma_start3A_444 : memref<128xi32, #tpu.memory_space<vmem>>) semaphore(%arg13 : memref<!tpu.dma_semaphore, #tpu.memory_space<semaphore_mem>>)
      %dma_wait3A_448 = arith.constant 26 : i32
      %dma_wait3A_449 = arith.constant 0 : i32
      %dma_wait3A_450 = tpu.memref_slice %arg7[%dma_wait3A_448, %dma_wait3A_449] : memref<32x128xi32, #tpu.memory_space<vmem>> -> memref<1x128xi32, #tpu.memory_space<vmem>>
      %dma_wait3A_451 = tpu.memref_squeeze %dma_wait3A_450 : memref<1x128xi32, #tpu.memory_space<vmem>> -> memref<128xi32, #tpu.memory_space<vmem>>
      %dma_wait3A_452 = arith.constant 0 : i32
      %dma_wait3A_453 = arith.constant 0 : i32
      %dma_wait3A_454 = tpu.memref_slice %arg2[%dma_wait3A_452, %dma_wait3A_453] : memref<160000x128xf32, #tpu.memory_space<hbm>> -> memref<160000x128xf32, #tpu.memory_space<hbm>>
      tpu.wait_indirect_dma semaphore(%arg12 : memref<!tpu.dma_semaphore, #tpu.memory_space<semaphore_mem>>) src(%dma_wait3A_454 : memref<160000x128xf32, #tpu.memory_space<hbm>>) dst(%arg9 : memref<128x128xf32, #tpu.memory_space<vmem>>)
      %run_scoped3A_455 = arith.constant 26 : i32
      "tpu.region"() ({
        %run_scoped3A_524 = tpu.sem_alloc : memref<!tpu.dma_semaphore, #tpu.memory_space<semaphore_mem>>
        %dma_start3A_525 = arith.constant 0 : i32
        %dma_start3A_526 = tpu.memref_slice %arg8[%run_scoped3A_455, %dma_start3A_525] : memref<32x128xi32, #tpu.memory_space<vmem>> -> memref<1x128xi32, #tpu.memory_space<vmem>>
        %dma_start3A_527 = tpu.memref_squeeze %dma_start3A_526 : memref<1x128xi32, #tpu.memory_space<vmem>> -> memref<128xi32, #tpu.memory_space<vmem>>
        %dma_start3A_528 = arith.constant 0 : i32
        %dma_start3A_529 = arith.constant 0 : i32
        %dma_start3A_530 = tpu.memref_slice %arg11[%dma_start3A_528, %dma_start3A_529] : memref<10112x128xf32, #tpu.memory_space<vmem_shared>> -> memref<10112x128xf32, #tpu.memory_space<vmem_shared>>
        tpu.enqueue_indirect_dma source(%arg9 : memref<128x128xf32, #tpu.memory_space<vmem>>) target(%dma_start3A_530 : memref<10112x128xf32, #tpu.memory_space<vmem_shared>>) offsets(%dma_start3A_527 : memref<128xi32, #tpu.memory_space<vmem>>) semaphore(%run_scoped3A_524 : memref<!tpu.dma_semaphore, #tpu.memory_space<semaphore_mem>>) {add = true}
        %dma_wait3A_531 = arith.constant 0 : i32
        %dma_wait3A_532 = tpu.memref_slice %arg8[%run_scoped3A_455, %dma_wait3A_531] : memref<32x128xi32, #tpu.memory_space<vmem>> -> memref<1x128xi32, #tpu.memory_space<vmem>>
        %dma_wait3A_533 = tpu.memref_squeeze %dma_wait3A_532 : memref<1x128xi32, #tpu.memory_space<vmem>> -> memref<128xi32, #tpu.memory_space<vmem>>
        %dma_wait3A_534 = arith.constant 0 : i32
        %dma_wait3A_535 = arith.constant 0 : i32
        %dma_wait3A_536 = tpu.memref_slice %arg11[%dma_wait3A_534, %dma_wait3A_535] : memref<10112x128xf32, #tpu.memory_space<vmem_shared>> -> memref<10112x128xf32, #tpu.memory_space<vmem_shared>>
        tpu.wait_indirect_dma semaphore(%run_scoped3A_524 : memref<!tpu.dma_semaphore, #tpu.memory_space<semaphore_mem>>) src(%arg9 : memref<128x128xf32, #tpu.memory_space<vmem>>) dst(%dma_wait3A_536 : memref<10112x128xf32, #tpu.memory_space<vmem_shared>>)
        tpu.yield
      }) : () -> ()
      %dma_start3A_456 = arith.constant 28 : i32
      %dma_start3A_457 = arith.constant 0 : i32
      %dma_start3A_458 = tpu.memref_slice %arg7[%dma_start3A_456, %dma_start3A_457] : memref<32x128xi32, #tpu.memory_space<vmem>> -> memref<1x128xi32, #tpu.memory_space<vmem>>
      %dma_start3A_459 = tpu.memref_squeeze %dma_start3A_458 : memref<1x128xi32, #tpu.memory_space<vmem>> -> memref<128xi32, #tpu.memory_space<vmem>>
      %dma_start3A_460 = arith.constant 0 : i32
      %dma_start3A_461 = arith.constant 0 : i32
      %dma_start3A_462 = tpu.memref_slice %arg2[%dma_start3A_460, %dma_start3A_461] : memref<160000x128xf32, #tpu.memory_space<hbm>> -> memref<160000x128xf32, #tpu.memory_space<hbm>>
      tpu.enqueue_indirect_dma source(%dma_start3A_462 : memref<160000x128xf32, #tpu.memory_space<hbm>>) target(%arg9 : memref<128x128xf32, #tpu.memory_space<vmem>>) offsets(%dma_start3A_459 : memref<128xi32, #tpu.memory_space<vmem>>) semaphore(%arg12 : memref<!tpu.dma_semaphore, #tpu.memory_space<semaphore_mem>>)
      %dma_wait3A_463 = arith.constant 27 : i32
      %dma_wait3A_464 = arith.constant 0 : i32
      %dma_wait3A_465 = tpu.memref_slice %arg7[%dma_wait3A_463, %dma_wait3A_464] : memref<32x128xi32, #tpu.memory_space<vmem>> -> memref<1x128xi32, #tpu.memory_space<vmem>>
      %dma_wait3A_466 = tpu.memref_squeeze %dma_wait3A_465 : memref<1x128xi32, #tpu.memory_space<vmem>> -> memref<128xi32, #tpu.memory_space<vmem>>
      %dma_wait3A_467 = arith.constant 0 : i32
      %dma_wait3A_468 = arith.constant 0 : i32
      %dma_wait3A_469 = tpu.memref_slice %arg2[%dma_wait3A_467, %dma_wait3A_468] : memref<160000x128xf32, #tpu.memory_space<hbm>> -> memref<160000x128xf32, #tpu.memory_space<hbm>>
      tpu.wait_indirect_dma semaphore(%arg13 : memref<!tpu.dma_semaphore, #tpu.memory_space<semaphore_mem>>) src(%dma_wait3A_469 : memref<160000x128xf32, #tpu.memory_space<hbm>>) dst(%arg10 : memref<128x128xf32, #tpu.memory_space<vmem>>)
      %run_scoped3A_470 = arith.constant 27 : i32
      "tpu.region"() ({
        %run_scoped3A_524 = tpu.sem_alloc : memref<!tpu.dma_semaphore, #tpu.memory_space<semaphore_mem>>
        %dma_start3A_525 = arith.constant 0 : i32
        %dma_start3A_526 = tpu.memref_slice %arg8[%run_scoped3A_470, %dma_start3A_525] : memref<32x128xi32, #tpu.memory_space<vmem>> -> memref<1x128xi32, #tpu.memory_space<vmem>>
        %dma_start3A_527 = tpu.memref_squeeze %dma_start3A_526 : memref<1x128xi32, #tpu.memory_space<vmem>> -> memref<128xi32, #tpu.memory_space<vmem>>
        %dma_start3A_528 = arith.constant 0 : i32
        %dma_start3A_529 = arith.constant 0 : i32
        %dma_start3A_530 = tpu.memref_slice %arg11[%dma_start3A_528, %dma_start3A_529] : memref<10112x128xf32, #tpu.memory_space<vmem_shared>> -> memref<10112x128xf32, #tpu.memory_space<vmem_shared>>
        tpu.enqueue_indirect_dma source(%arg10 : memref<128x128xf32, #tpu.memory_space<vmem>>) target(%dma_start3A_530 : memref<10112x128xf32, #tpu.memory_space<vmem_shared>>) offsets(%dma_start3A_527 : memref<128xi32, #tpu.memory_space<vmem>>) semaphore(%run_scoped3A_524 : memref<!tpu.dma_semaphore, #tpu.memory_space<semaphore_mem>>) {add = true}
        %dma_wait3A_531 = arith.constant 0 : i32
        %dma_wait3A_532 = tpu.memref_slice %arg8[%run_scoped3A_470, %dma_wait3A_531] : memref<32x128xi32, #tpu.memory_space<vmem>> -> memref<1x128xi32, #tpu.memory_space<vmem>>
        %dma_wait3A_533 = tpu.memref_squeeze %dma_wait3A_532 : memref<1x128xi32, #tpu.memory_space<vmem>> -> memref<128xi32, #tpu.memory_space<vmem>>
        %dma_wait3A_534 = arith.constant 0 : i32
        %dma_wait3A_535 = arith.constant 0 : i32
        %dma_wait3A_536 = tpu.memref_slice %arg11[%dma_wait3A_534, %dma_wait3A_535] : memref<10112x128xf32, #tpu.memory_space<vmem_shared>> -> memref<10112x128xf32, #tpu.memory_space<vmem_shared>>
        tpu.wait_indirect_dma semaphore(%run_scoped3A_524 : memref<!tpu.dma_semaphore, #tpu.memory_space<semaphore_mem>>) src(%arg10 : memref<128x128xf32, #tpu.memory_space<vmem>>) dst(%dma_wait3A_536 : memref<10112x128xf32, #tpu.memory_space<vmem_shared>>)
        tpu.yield
      }) : () -> ()
      %dma_start3A_471 = arith.constant 29 : i32
      %dma_start3A_472 = arith.constant 0 : i32
      %dma_start3A_473 = tpu.memref_slice %arg7[%dma_start3A_471, %dma_start3A_472] : memref<32x128xi32, #tpu.memory_space<vmem>> -> memref<1x128xi32, #tpu.memory_space<vmem>>
      %dma_start3A_474 = tpu.memref_squeeze %dma_start3A_473 : memref<1x128xi32, #tpu.memory_space<vmem>> -> memref<128xi32, #tpu.memory_space<vmem>>
      %dma_start3A_475 = arith.constant 0 : i32
      %dma_start3A_476 = arith.constant 0 : i32
      %dma_start3A_477 = tpu.memref_slice %arg2[%dma_start3A_475, %dma_start3A_476] : memref<160000x128xf32, #tpu.memory_space<hbm>> -> memref<160000x128xf32, #tpu.memory_space<hbm>>
      tpu.enqueue_indirect_dma source(%dma_start3A_477 : memref<160000x128xf32, #tpu.memory_space<hbm>>) target(%arg10 : memref<128x128xf32, #tpu.memory_space<vmem>>) offsets(%dma_start3A_474 : memref<128xi32, #tpu.memory_space<vmem>>) semaphore(%arg13 : memref<!tpu.dma_semaphore, #tpu.memory_space<semaphore_mem>>)
      %dma_wait3A_478 = arith.constant 28 : i32
      %dma_wait3A_479 = arith.constant 0 : i32
      %dma_wait3A_480 = tpu.memref_slice %arg7[%dma_wait3A_478, %dma_wait3A_479] : memref<32x128xi32, #tpu.memory_space<vmem>> -> memref<1x128xi32, #tpu.memory_space<vmem>>
      %dma_wait3A_481 = tpu.memref_squeeze %dma_wait3A_480 : memref<1x128xi32, #tpu.memory_space<vmem>> -> memref<128xi32, #tpu.memory_space<vmem>>
      %dma_wait3A_482 = arith.constant 0 : i32
      %dma_wait3A_483 = arith.constant 0 : i32
      %dma_wait3A_484 = tpu.memref_slice %arg2[%dma_wait3A_482, %dma_wait3A_483] : memref<160000x128xf32, #tpu.memory_space<hbm>> -> memref<160000x128xf32, #tpu.memory_space<hbm>>
      tpu.wait_indirect_dma semaphore(%arg12 : memref<!tpu.dma_semaphore, #tpu.memory_space<semaphore_mem>>) src(%dma_wait3A_484 : memref<160000x128xf32, #tpu.memory_space<hbm>>) dst(%arg9 : memref<128x128xf32, #tpu.memory_space<vmem>>)
      %run_scoped3A_485 = arith.constant 28 : i32
      "tpu.region"() ({
        %run_scoped3A_524 = tpu.sem_alloc : memref<!tpu.dma_semaphore, #tpu.memory_space<semaphore_mem>>
        %dma_start3A_525 = arith.constant 0 : i32
        %dma_start3A_526 = tpu.memref_slice %arg8[%run_scoped3A_485, %dma_start3A_525] : memref<32x128xi32, #tpu.memory_space<vmem>> -> memref<1x128xi32, #tpu.memory_space<vmem>>
        %dma_start3A_527 = tpu.memref_squeeze %dma_start3A_526 : memref<1x128xi32, #tpu.memory_space<vmem>> -> memref<128xi32, #tpu.memory_space<vmem>>
        %dma_start3A_528 = arith.constant 0 : i32
        %dma_start3A_529 = arith.constant 0 : i32
        %dma_start3A_530 = tpu.memref_slice %arg11[%dma_start3A_528, %dma_start3A_529] : memref<10112x128xf32, #tpu.memory_space<vmem_shared>> -> memref<10112x128xf32, #tpu.memory_space<vmem_shared>>
        tpu.enqueue_indirect_dma source(%arg9 : memref<128x128xf32, #tpu.memory_space<vmem>>) target(%dma_start3A_530 : memref<10112x128xf32, #tpu.memory_space<vmem_shared>>) offsets(%dma_start3A_527 : memref<128xi32, #tpu.memory_space<vmem>>) semaphore(%run_scoped3A_524 : memref<!tpu.dma_semaphore, #tpu.memory_space<semaphore_mem>>) {add = true}
        %dma_wait3A_531 = arith.constant 0 : i32
        %dma_wait3A_532 = tpu.memref_slice %arg8[%run_scoped3A_485, %dma_wait3A_531] : memref<32x128xi32, #tpu.memory_space<vmem>> -> memref<1x128xi32, #tpu.memory_space<vmem>>
        %dma_wait3A_533 = tpu.memref_squeeze %dma_wait3A_532 : memref<1x128xi32, #tpu.memory_space<vmem>> -> memref<128xi32, #tpu.memory_space<vmem>>
        %dma_wait3A_534 = arith.constant 0 : i32
        %dma_wait3A_535 = arith.constant 0 : i32
        %dma_wait3A_536 = tpu.memref_slice %arg11[%dma_wait3A_534, %dma_wait3A_535] : memref<10112x128xf32, #tpu.memory_space<vmem_shared>> -> memref<10112x128xf32, #tpu.memory_space<vmem_shared>>
        tpu.wait_indirect_dma semaphore(%run_scoped3A_524 : memref<!tpu.dma_semaphore, #tpu.memory_space<semaphore_mem>>) src(%arg9 : memref<128x128xf32, #tpu.memory_space<vmem>>) dst(%dma_wait3A_536 : memref<10112x128xf32, #tpu.memory_space<vmem_shared>>)
        tpu.yield
      }) : () -> ()
      %dma_start3A_486 = arith.constant 30 : i32
      %dma_start3A_487 = arith.constant 0 : i32
      %dma_start3A_488 = tpu.memref_slice %arg7[%dma_start3A_486, %dma_start3A_487] : memref<32x128xi32, #tpu.memory_space<vmem>> -> memref<1x128xi32, #tpu.memory_space<vmem>>
      %dma_start3A_489 = tpu.memref_squeeze %dma_start3A_488 : memref<1x128xi32, #tpu.memory_space<vmem>> -> memref<128xi32, #tpu.memory_space<vmem>>
      %dma_start3A_490 = arith.constant 0 : i32
      %dma_start3A_491 = arith.constant 0 : i32
      %dma_start3A_492 = tpu.memref_slice %arg2[%dma_start3A_490, %dma_start3A_491] : memref<160000x128xf32, #tpu.memory_space<hbm>> -> memref<160000x128xf32, #tpu.memory_space<hbm>>
      tpu.enqueue_indirect_dma source(%dma_start3A_492 : memref<160000x128xf32, #tpu.memory_space<hbm>>) target(%arg9 : memref<128x128xf32, #tpu.memory_space<vmem>>) offsets(%dma_start3A_489 : memref<128xi32, #tpu.memory_space<vmem>>) semaphore(%arg12 : memref<!tpu.dma_semaphore, #tpu.memory_space<semaphore_mem>>)
      %dma_wait3A_493 = arith.constant 29 : i32
      %dma_wait3A_494 = arith.constant 0 : i32
      %dma_wait3A_495 = tpu.memref_slice %arg7[%dma_wait3A_493, %dma_wait3A_494] : memref<32x128xi32, #tpu.memory_space<vmem>> -> memref<1x128xi32, #tpu.memory_space<vmem>>
      %dma_wait3A_496 = tpu.memref_squeeze %dma_wait3A_495 : memref<1x128xi32, #tpu.memory_space<vmem>> -> memref<128xi32, #tpu.memory_space<vmem>>
      %dma_wait3A_497 = arith.constant 0 : i32
      %dma_wait3A_498 = arith.constant 0 : i32
      %dma_wait3A_499 = tpu.memref_slice %arg2[%dma_wait3A_497, %dma_wait3A_498] : memref<160000x128xf32, #tpu.memory_space<hbm>> -> memref<160000x128xf32, #tpu.memory_space<hbm>>
      tpu.wait_indirect_dma semaphore(%arg13 : memref<!tpu.dma_semaphore, #tpu.memory_space<semaphore_mem>>) src(%dma_wait3A_499 : memref<160000x128xf32, #tpu.memory_space<hbm>>) dst(%arg10 : memref<128x128xf32, #tpu.memory_space<vmem>>)
      %run_scoped3A_500 = arith.constant 29 : i32
      "tpu.region"() ({
        %run_scoped3A_524 = tpu.sem_alloc : memref<!tpu.dma_semaphore, #tpu.memory_space<semaphore_mem>>
        %dma_start3A_525 = arith.constant 0 : i32
        %dma_start3A_526 = tpu.memref_slice %arg8[%run_scoped3A_500, %dma_start3A_525] : memref<32x128xi32, #tpu.memory_space<vmem>> -> memref<1x128xi32, #tpu.memory_space<vmem>>
        %dma_start3A_527 = tpu.memref_squeeze %dma_start3A_526 : memref<1x128xi32, #tpu.memory_space<vmem>> -> memref<128xi32, #tpu.memory_space<vmem>>
        %dma_start3A_528 = arith.constant 0 : i32
        %dma_start3A_529 = arith.constant 0 : i32
        %dma_start3A_530 = tpu.memref_slice %arg11[%dma_start3A_528, %dma_start3A_529] : memref<10112x128xf32, #tpu.memory_space<vmem_shared>> -> memref<10112x128xf32, #tpu.memory_space<vmem_shared>>
        tpu.enqueue_indirect_dma source(%arg10 : memref<128x128xf32, #tpu.memory_space<vmem>>) target(%dma_start3A_530 : memref<10112x128xf32, #tpu.memory_space<vmem_shared>>) offsets(%dma_start3A_527 : memref<128xi32, #tpu.memory_space<vmem>>) semaphore(%run_scoped3A_524 : memref<!tpu.dma_semaphore, #tpu.memory_space<semaphore_mem>>) {add = true}
        %dma_wait3A_531 = arith.constant 0 : i32
        %dma_wait3A_532 = tpu.memref_slice %arg8[%run_scoped3A_500, %dma_wait3A_531] : memref<32x128xi32, #tpu.memory_space<vmem>> -> memref<1x128xi32, #tpu.memory_space<vmem>>
        %dma_wait3A_533 = tpu.memref_squeeze %dma_wait3A_532 : memref<1x128xi32, #tpu.memory_space<vmem>> -> memref<128xi32, #tpu.memory_space<vmem>>
        %dma_wait3A_534 = arith.constant 0 : i32
        %dma_wait3A_535 = arith.constant 0 : i32
        %dma_wait3A_536 = tpu.memref_slice %arg11[%dma_wait3A_534, %dma_wait3A_535] : memref<10112x128xf32, #tpu.memory_space<vmem_shared>> -> memref<10112x128xf32, #tpu.memory_space<vmem_shared>>
        tpu.wait_indirect_dma semaphore(%run_scoped3A_524 : memref<!tpu.dma_semaphore, #tpu.memory_space<semaphore_mem>>) src(%arg10 : memref<128x128xf32, #tpu.memory_space<vmem>>) dst(%dma_wait3A_536 : memref<10112x128xf32, #tpu.memory_space<vmem_shared>>)
        tpu.yield
      }) : () -> ()
      %dma_start3A_501 = arith.constant 31 : i32
      %dma_start3A_502 = arith.constant 0 : i32
      %dma_start3A_503 = tpu.memref_slice %arg7[%dma_start3A_501, %dma_start3A_502] : memref<32x128xi32, #tpu.memory_space<vmem>> -> memref<1x128xi32, #tpu.memory_space<vmem>>
      %dma_start3A_504 = tpu.memref_squeeze %dma_start3A_503 : memref<1x128xi32, #tpu.memory_space<vmem>> -> memref<128xi32, #tpu.memory_space<vmem>>
      %dma_start3A_505 = arith.constant 0 : i32
      %dma_start3A_506 = arith.constant 0 : i32
      %dma_start3A_507 = tpu.memref_slice %arg2[%dma_start3A_505, %dma_start3A_506] : memref<160000x128xf32, #tpu.memory_space<hbm>> -> memref<160000x128xf32, #tpu.memory_space<hbm>>
      tpu.enqueue_indirect_dma source(%dma_start3A_507 : memref<160000x128xf32, #tpu.memory_space<hbm>>) target(%arg10 : memref<128x128xf32, #tpu.memory_space<vmem>>) offsets(%dma_start3A_504 : memref<128xi32, #tpu.memory_space<vmem>>) semaphore(%arg13 : memref<!tpu.dma_semaphore, #tpu.memory_space<semaphore_mem>>)
      %dma_wait3A_508 = arith.constant 30 : i32
      %dma_wait3A_509 = arith.constant 0 : i32
      %dma_wait3A_510 = tpu.memref_slice %arg7[%dma_wait3A_508, %dma_wait3A_509] : memref<32x128xi32, #tpu.memory_space<vmem>> -> memref<1x128xi32, #tpu.memory_space<vmem>>
      %dma_wait3A_511 = tpu.memref_squeeze %dma_wait3A_510 : memref<1x128xi32, #tpu.memory_space<vmem>> -> memref<128xi32, #tpu.memory_space<vmem>>
      %dma_wait3A_512 = arith.constant 0 : i32
      %dma_wait3A_513 = arith.constant 0 : i32
      %dma_wait3A_514 = tpu.memref_slice %arg2[%dma_wait3A_512, %dma_wait3A_513] : memref<160000x128xf32, #tpu.memory_space<hbm>> -> memref<160000x128xf32, #tpu.memory_space<hbm>>
      tpu.wait_indirect_dma semaphore(%arg12 : memref<!tpu.dma_semaphore, #tpu.memory_space<semaphore_mem>>) src(%dma_wait3A_514 : memref<160000x128xf32, #tpu.memory_space<hbm>>) dst(%arg9 : memref<128x128xf32, #tpu.memory_space<vmem>>)
      %run_scoped3A_515 = arith.constant 30 : i32
      "tpu.region"() ({
        %run_scoped3A_524 = tpu.sem_alloc : memref<!tpu.dma_semaphore, #tpu.memory_space<semaphore_mem>>
        %dma_start3A_525 = arith.constant 0 : i32
        %dma_start3A_526 = tpu.memref_slice %arg8[%run_scoped3A_515, %dma_start3A_525] : memref<32x128xi32, #tpu.memory_space<vmem>> -> memref<1x128xi32, #tpu.memory_space<vmem>>
        %dma_start3A_527 = tpu.memref_squeeze %dma_start3A_526 : memref<1x128xi32, #tpu.memory_space<vmem>> -> memref<128xi32, #tpu.memory_space<vmem>>
        %dma_start3A_528 = arith.constant 0 : i32
        %dma_start3A_529 = arith.constant 0 : i32
        %dma_start3A_530 = tpu.memref_slice %arg11[%dma_start3A_528, %dma_start3A_529] : memref<10112x128xf32, #tpu.memory_space<vmem_shared>> -> memref<10112x128xf32, #tpu.memory_space<vmem_shared>>
        tpu.enqueue_indirect_dma source(%arg9 : memref<128x128xf32, #tpu.memory_space<vmem>>) target(%dma_start3A_530 : memref<10112x128xf32, #tpu.memory_space<vmem_shared>>) offsets(%dma_start3A_527 : memref<128xi32, #tpu.memory_space<vmem>>) semaphore(%run_scoped3A_524 : memref<!tpu.dma_semaphore, #tpu.memory_space<semaphore_mem>>) {add = true}
        %dma_wait3A_531 = arith.constant 0 : i32
        %dma_wait3A_532 = tpu.memref_slice %arg8[%run_scoped3A_515, %dma_wait3A_531] : memref<32x128xi32, #tpu.memory_space<vmem>> -> memref<1x128xi32, #tpu.memory_space<vmem>>
        %dma_wait3A_533 = tpu.memref_squeeze %dma_wait3A_532 : memref<1x128xi32, #tpu.memory_space<vmem>> -> memref<128xi32, #tpu.memory_space<vmem>>
        %dma_wait3A_534 = arith.constant 0 : i32
        %dma_wait3A_535 = arith.constant 0 : i32
        %dma_wait3A_536 = tpu.memref_slice %arg11[%dma_wait3A_534, %dma_wait3A_535] : memref<10112x128xf32, #tpu.memory_space<vmem_shared>> -> memref<10112x128xf32, #tpu.memory_space<vmem_shared>>
        tpu.wait_indirect_dma semaphore(%run_scoped3A_524 : memref<!tpu.dma_semaphore, #tpu.memory_space<semaphore_mem>>) src(%arg9 : memref<128x128xf32, #tpu.memory_space<vmem>>) dst(%dma_wait3A_536 : memref<10112x128xf32, #tpu.memory_space<vmem_shared>>)
        tpu.yield
      }) : () -> ()
      %dma_wait3A_516 = arith.constant 31 : i32
      %dma_wait3A_517 = arith.constant 0 : i32
      %dma_wait3A_518 = tpu.memref_slice %arg7[%dma_wait3A_516, %dma_wait3A_517] : memref<32x128xi32, #tpu.memory_space<vmem>> -> memref<1x128xi32, #tpu.memory_space<vmem>>
      %dma_wait3A_519 = tpu.memref_squeeze %dma_wait3A_518 : memref<1x128xi32, #tpu.memory_space<vmem>> -> memref<128xi32, #tpu.memory_space<vmem>>
      %dma_wait3A_520 = arith.constant 0 : i32
      %dma_wait3A_521 = arith.constant 0 : i32
      %dma_wait3A_522 = tpu.memref_slice %arg2[%dma_wait3A_520, %dma_wait3A_521] : memref<160000x128xf32, #tpu.memory_space<hbm>> -> memref<160000x128xf32, #tpu.memory_space<hbm>>
      tpu.wait_indirect_dma semaphore(%arg13 : memref<!tpu.dma_semaphore, #tpu.memory_space<semaphore_mem>>) src(%dma_wait3A_522 : memref<160000x128xf32, #tpu.memory_space<hbm>>) dst(%arg10 : memref<128x128xf32, #tpu.memory_space<vmem>>)
      %run_scoped3A_523 = arith.constant 31 : i32
      "tpu.region"() ({
        %run_scoped3A_524 = tpu.sem_alloc : memref<!tpu.dma_semaphore, #tpu.memory_space<semaphore_mem>>
        %dma_start3A_525 = arith.constant 0 : i32
        %dma_start3A_526 = tpu.memref_slice %arg8[%run_scoped3A_523, %dma_start3A_525] : memref<32x128xi32, #tpu.memory_space<vmem>> -> memref<1x128xi32, #tpu.memory_space<vmem>>
        %dma_start3A_527 = tpu.memref_squeeze %dma_start3A_526 : memref<1x128xi32, #tpu.memory_space<vmem>> -> memref<128xi32, #tpu.memory_space<vmem>>
        %dma_start3A_528 = arith.constant 0 : i32
        %dma_start3A_529 = arith.constant 0 : i32
        %dma_start3A_530 = tpu.memref_slice %arg11[%dma_start3A_528, %dma_start3A_529] : memref<10112x128xf32, #tpu.memory_space<vmem_shared>> -> memref<10112x128xf32, #tpu.memory_space<vmem_shared>>
        tpu.enqueue_indirect_dma source(%arg10 : memref<128x128xf32, #tpu.memory_space<vmem>>) target(%dma_start3A_530 : memref<10112x128xf32, #tpu.memory_space<vmem_shared>>) offsets(%dma_start3A_527 : memref<128xi32, #tpu.memory_space<vmem>>) semaphore(%run_scoped3A_524 : memref<!tpu.dma_semaphore, #tpu.memory_space<semaphore_mem>>) {add = true}
        %dma_wait3A_531 = arith.constant 0 : i32
        %dma_wait3A_532 = tpu.memref_slice %arg8[%run_scoped3A_523, %dma_wait3A_531] : memref<32x128xi32, #tpu.memory_space<vmem>> -> memref<1x128xi32, #tpu.memory_space<vmem>>
        %dma_wait3A_533 = tpu.memref_squeeze %dma_wait3A_532 : memref<1x128xi32, #tpu.memory_space<vmem>> -> memref<128xi32, #tpu.memory_space<vmem>>
        %dma_wait3A_534 = arith.constant 0 : i32
        %dma_wait3A_535 = arith.constant 0 : i32
        %dma_wait3A_536 = tpu.memref_slice %arg11[%dma_wait3A_534, %dma_wait3A_535] : memref<10112x128xf32, #tpu.memory_space<vmem_shared>> -> memref<10112x128xf32, #tpu.memory_space<vmem_shared>>
        tpu.wait_indirect_dma semaphore(%run_scoped3A_524 : memref<!tpu.dma_semaphore, #tpu.memory_space<semaphore_mem>>) src(%arg10 : memref<128x128xf32, #tpu.memory_space<vmem>>) dst(%dma_wait3A_536 : memref<10112x128xf32, #tpu.memory_space<vmem_shared>>)
        tpu.yield
      }) : () -> ()
    }
    %while3A_34 = arith.constant 1 : i32
    scf.for %while3A_40 = %while3A_32 to %while3A_28 step %while3A_34  : i32 {
      %mul3A_41 = arith.constant 32 : i32
      %mul3A_42 = arith.muli %while3A_40, %mul3A_41 : i32
      %add3A_43 = arith.addi %add3A, %mul3A_42 : i32
      "tpu.region"() ({
        %run_scoped3A_524 = tpu.sem_alloc : memref<!tpu.dma_semaphore, #tpu.memory_space<semaphore_mem>>
        %dma_start3A_525 = arith.constant 0 : i32
        %dma_start3A_526 = tpu.memref_slice %arg3[%add3A_43, %dma_start3A_525] : memref<5120x128xi32, #tpu.memory_space<hbm>> -> memref<32x128xi32, #tpu.memory_space<hbm>>
        %dma_start3A_527 = arith.constant 0 : i32
        %dma_start3A_528 = tpu.memref_slice %arg3[%add3A_43, %dma_start3A_527] : memref<5120x128xi32, #tpu.memory_space<hbm>> -> memref<32x128xi32, #tpu.memory_space<hbm>>
        tpu.enqueue_dma source(%dma_start3A_528 : memref<32x128xi32, #tpu.memory_space<hbm>>) target(%arg7 : memref<32x128xi32, #tpu.memory_space<vmem>>) target_semaphore(%run_scoped3A_524 : memref<!tpu.dma_semaphore, #tpu.memory_space<semaphore_mem>>)
        %dma_wait3A_529 = arith.constant 0 : i32
        %dma_wait3A_530 = tpu.memref_slice %arg3[%add3A_43, %dma_wait3A_529] : memref<5120x128xi32, #tpu.memory_space<hbm>> -> memref<32x128xi32, #tpu.memory_space<hbm>>
        %dma_wait3A_531 = arith.constant 0 : i32
        %dma_wait3A_532 = tpu.memref_slice %arg3[%add3A_43, %dma_wait3A_531] : memref<5120x128xi32, #tpu.memory_space<hbm>> -> memref<32x128xi32, #tpu.memory_space<hbm>>
        tpu.wait_dma2 semaphore(%run_scoped3A_524 : memref<!tpu.dma_semaphore, #tpu.memory_space<semaphore_mem>>) src(%dma_wait3A_532 : memref<32x128xi32, #tpu.memory_space<hbm>>) dst(%arg7 : memref<32x128xi32, #tpu.memory_space<vmem>>)
        tpu.yield
      }) : () -> ()
      %mul3A_44 = arith.constant 32 : i32
      %mul3A_45 = arith.muli %while3A_40, %mul3A_44 : i32
      %add3A_46 = arith.addi %add3A, %mul3A_45 : i32
      "tpu.region"() ({
        %run_scoped3A_524 = tpu.sem_alloc : memref<!tpu.dma_semaphore, #tpu.memory_space<semaphore_mem>>
        %dma_start3A_525 = arith.constant 0 : i32
        %dma_start3A_526 = tpu.memref_slice %arg4[%add3A_46, %dma_start3A_525] : memref<5120x128xi32, #tpu.memory_space<hbm>> -> memref<32x128xi32, #tpu.memory_space<hbm>>
        %dma_start3A_527 = arith.constant 0 : i32
        %dma_start3A_528 = tpu.memref_slice %arg4[%add3A_46, %dma_start3A_527] : memref<5120x128xi32, #tpu.memory_space<hbm>> -> memref<32x128xi32, #tpu.memory_space<hbm>>
        tpu.enqueue_dma source(%dma_start3A_528 : memref<32x128xi32, #tpu.memory_space<hbm>>) target(%arg8 : memref<32x128xi32, #tpu.memory_space<vmem>>) target_semaphore(%run_scoped3A_524 : memref<!tpu.dma_semaphore, #tpu.memory_space<semaphore_mem>>)
        %dma_wait3A_529 = arith.constant 0 : i32
        %dma_wait3A_530 = tpu.memref_slice %arg4[%add3A_46, %dma_wait3A_529] : memref<5120x128xi32, #tpu.memory_space<hbm>> -> memref<32x128xi32, #tpu.memory_space<hbm>>
        %dma_wait3A_531 = arith.constant 0 : i32
        %dma_wait3A_532 = tpu.memref_slice %arg4[%add3A_46, %dma_wait3A_531] : memref<5120x128xi32, #tpu.memory_space<hbm>> -> memref<32x128xi32, #tpu.memory_space<hbm>>
        tpu.wait_dma2 semaphore(%run_scoped3A_524 : memref<!tpu.dma_semaphore, #tpu.memory_space<semaphore_mem>>) src(%dma_wait3A_532 : memref<32x128xi32, #tpu.memory_space<hbm>>) dst(%arg8 : memref<32x128xi32, #tpu.memory_space<vmem>>)
        tpu.yield
      }) : () -> ()
      %dma_start3A = arith.constant 0 : i32
      %dma_start3A_47 = arith.constant 0 : i32
      %dma_start3A_48 = tpu.memref_slice %arg7[%dma_start3A, %dma_start3A_47] : memref<32x128xi32, #tpu.memory_space<vmem>> -> memref<1x128xi32, #tpu.memory_space<vmem>>
      %dma_start3A_49 = tpu.memref_squeeze %dma_start3A_48 : memref<1x128xi32, #tpu.memory_space<vmem>> -> memref<128xi32, #tpu.memory_space<vmem>>
      %dma_start3A_50 = arith.constant 0 : i32
      %dma_start3A_51 = arith.constant 0 : i32
      %dma_start3A_52 = tpu.memref_slice %arg2[%dma_start3A_50, %dma_start3A_51] : memref<160000x128xf32, #tpu.memory_space<hbm>> -> memref<160000x128xf32, #tpu.memory_space<hbm>>
      tpu.enqueue_indirect_dma source(%dma_start3A_52 : memref<160000x128xf32, #tpu.memory_space<hbm>>) target(%arg9 : memref<128x128xf32, #tpu.memory_space<vmem>>) offsets(%dma_start3A_49 : memref<128xi32, #tpu.memory_space<vmem>>) semaphore(%arg12 : memref<!tpu.dma_semaphore, #tpu.memory_space<semaphore_mem>>)
      %dma_start3A_53 = arith.constant 1 : i32
      %dma_start3A_54 = arith.constant 0 : i32
      %dma_start3A_55 = tpu.memref_slice %arg7[%dma_start3A_53, %dma_start3A_54] : memref<32x128xi32, #tpu.memory_space<vmem>> -> memref<1x128xi32, #tpu.memory_space<vmem>>
      %dma_start3A_56 = tpu.memref_squeeze %dma_start3A_55 : memref<1x128xi32, #tpu.memory_space<vmem>> -> memref<128xi32, #tpu.memory_space<vmem>>
      %dma_start3A_57 = arith.constant 0 : i32
      %dma_start3A_58 = arith.constant 0 : i32
      %dma_start3A_59 = tpu.memref_slice %arg2[%dma_start3A_57, %dma_start3A_58] : memref<160000x128xf32, #tpu.memory_space<hbm>> -> memref<160000x128xf32, #tpu.memory_space<hbm>>
      tpu.enqueue_indirect_dma source(%dma_start3A_59 : memref<160000x128xf32, #tpu.memory_space<hbm>>) target(%arg10 : memref<128x128xf32, #tpu.memory_space<vmem>>) offsets(%dma_start3A_56 : memref<128xi32, #tpu.memory_space<vmem>>) semaphore(%arg13 : memref<!tpu.dma_semaphore, #tpu.memory_space<semaphore_mem>>)
      %dma_wait3A = arith.constant 0 : i32
      %dma_wait3A_60 = arith.constant 0 : i32
      %dma_wait3A_61 = tpu.memref_slice %arg7[%dma_wait3A, %dma_wait3A_60] : memref<32x128xi32, #tpu.memory_space<vmem>> -> memref<1x128xi32, #tpu.memory_space<vmem>>
      %dma_wait3A_62 = tpu.memref_squeeze %dma_wait3A_61 : memref<1x128xi32, #tpu.memory_space<vmem>> -> memref<128xi32, #tpu.memory_space<vmem>>
      %dma_wait3A_63 = arith.constant 0 : i32
      %dma_wait3A_64 = arith.constant 0 : i32
      %dma_wait3A_65 = tpu.memref_slice %arg2[%dma_wait3A_63, %dma_wait3A_64] : memref<160000x128xf32, #tpu.memory_space<hbm>> -> memref<160000x128xf32, #tpu.memory_space<hbm>>
      tpu.wait_indirect_dma semaphore(%arg12 : memref<!tpu.dma_semaphore, #tpu.memory_space<semaphore_mem>>) src(%dma_wait3A_65 : memref<160000x128xf32, #tpu.memory_space<hbm>>) dst(%arg9 : memref<128x128xf32, #tpu.memory_space<vmem>>)
      %run_scoped3A = arith.constant 0 : i32
      "tpu.region"() ({
        %run_scoped3A_524 = tpu.sem_alloc : memref<!tpu.dma_semaphore, #tpu.memory_space<semaphore_mem>>
        %dma_start3A_525 = arith.constant 0 : i32
        %dma_start3A_526 = tpu.memref_slice %arg8[%run_scoped3A, %dma_start3A_525] : memref<32x128xi32, #tpu.memory_space<vmem>> -> memref<1x128xi32, #tpu.memory_space<vmem>>
        %dma_start3A_527 = tpu.memref_squeeze %dma_start3A_526 : memref<1x128xi32, #tpu.memory_space<vmem>> -> memref<128xi32, #tpu.memory_space<vmem>>
        %dma_start3A_528 = arith.constant 0 : i32
        %dma_start3A_529 = arith.constant 0 : i32
        %dma_start3A_530 = tpu.memref_slice %arg11[%dma_start3A_528, %dma_start3A_529] : memref<10112x128xf32, #tpu.memory_space<vmem_shared>> -> memref<10112x128xf32, #tpu.memory_space<vmem_shared>>
        tpu.enqueue_indirect_dma source(%arg9 : memref<128x128xf32, #tpu.memory_space<vmem>>) target(%dma_start3A_530 : memref<10112x128xf32, #tpu.memory_space<vmem_shared>>) offsets(%dma_start3A_527 : memref<128xi32, #tpu.memory_space<vmem>>) semaphore(%run_scoped3A_524 : memref<!tpu.dma_semaphore, #tpu.memory_space<semaphore_mem>>) {add = true}
        %dma_wait3A_531 = arith.constant 0 : i32
        %dma_wait3A_532 = tpu.memref_slice %arg8[%run_scoped3A, %dma_wait3A_531] : memref<32x128xi32, #tpu.memory_space<vmem>> -> memref<1x128xi32, #tpu.memory_space<vmem>>
        %dma_wait3A_533 = tpu.memref_squeeze %dma_wait3A_532 : memref<1x128xi32, #tpu.memory_space<vmem>> -> memref<128xi32, #tpu.memory_space<vmem>>
        %dma_wait3A_534 = arith.constant 0 : i32
        %dma_wait3A_535 = arith.constant 0 : i32
        %dma_wait3A_536 = tpu.memref_slice %arg11[%dma_wait3A_534, %dma_wait3A_535] : memref<10112x128xf32, #tpu.memory_space<vmem_shared>> -> memref<10112x128xf32, #tpu.memory_space<vmem_shared>>
        tpu.wait_indirect_dma semaphore(%run_scoped3A_524 : memref<!tpu.dma_semaphore, #tpu.memory_space<semaphore_mem>>) src(%arg9 : memref<128x128xf32, #tpu.memory_space<vmem>>) dst(%dma_wait3A_536 : memref<10112x128xf32, #tpu.memory_space<vmem_shared>>)
        tpu.yield
      }) : () -> ()
      %dma_start3A_66 = arith.constant 2 : i32
      %dma_start3A_67 = arith.constant 0 : i32
      %dma_start3A_68 = tpu.memref_slice %arg7[%dma_start3A_66, %dma_start3A_67] : memref<32x128xi32, #tpu.memory_space<vmem>> -> memref<1x128xi32, #tpu.memory_space<vmem>>
      %dma_start3A_69 = tpu.memref_squeeze %dma_start3A_68 : memref<1x128xi32, #tpu.memory_space<vmem>> -> memref<128xi32, #tpu.memory_space<vmem>>
      %dma_start3A_70 = arith.constant 0 : i32
      %dma_start3A_71 = arith.constant 0 : i32
      %dma_start3A_72 = tpu.memref_slice %arg2[%dma_start3A_70, %dma_start3A_71] : memref<160000x128xf32, #tpu.memory_space<hbm>> -> memref<160000x128xf32, #tpu.memory_space<hbm>>
      tpu.enqueue_indirect_dma source(%dma_start3A_72 : memref<160000x128xf32, #tpu.memory_space<hbm>>) target(%arg9 : memref<128x128xf32, #tpu.memory_space<vmem>>) offsets(%dma_start3A_69 : memref<128xi32, #tpu.memory_space<vmem>>) semaphore(%arg12 : memref<!tpu.dma_semaphore, #tpu.memory_space<semaphore_mem>>)
      %dma_wait3A_73 = arith.constant 1 : i32
      %dma_wait3A_74 = arith.constant 0 : i32
      %dma_wait3A_75 = tpu.memref_slice %arg7[%dma_wait3A_73, %dma_wait3A_74] : memref<32x128xi32, #tpu.memory_space<vmem>> -> memref<1x128xi32, #tpu.memory_space<vmem>>
      %dma_wait3A_76 = tpu.memref_squeeze %dma_wait3A_75 : memref<1x128xi32, #tpu.memory_space<vmem>> -> memref<128xi32, #tpu.memory_space<vmem>>
      %dma_wait3A_77 = arith.constant 0 : i32
      %dma_wait3A_78 = arith.constant 0 : i32
      %dma_wait3A_79 = tpu.memref_slice %arg2[%dma_wait3A_77, %dma_wait3A_78] : memref<160000x128xf32, #tpu.memory_space<hbm>> -> memref<160000x128xf32, #tpu.memory_space<hbm>>
      tpu.wait_indirect_dma semaphore(%arg13 : memref<!tpu.dma_semaphore, #tpu.memory_space<semaphore_mem>>) src(%dma_wait3A_79 : memref<160000x128xf32, #tpu.memory_space<hbm>>) dst(%arg10 : memref<128x128xf32, #tpu.memory_space<vmem>>)
      %run_scoped3A_80 = arith.constant 1 : i32
      "tpu.region"() ({
        %run_scoped3A_524 = tpu.sem_alloc : memref<!tpu.dma_semaphore, #tpu.memory_space<semaphore_mem>>
        %dma_start3A_525 = arith.constant 0 : i32
        %dma_start3A_526 = tpu.memref_slice %arg8[%run_scoped3A_80, %dma_start3A_525] : memref<32x128xi32, #tpu.memory_space<vmem>> -> memref<1x128xi32, #tpu.memory_space<vmem>>
        %dma_start3A_527 = tpu.memref_squeeze %dma_start3A_526 : memref<1x128xi32, #tpu.memory_space<vmem>> -> memref<128xi32, #tpu.memory_space<vmem>>
        %dma_start3A_528 = arith.constant 0 : i32
        %dma_start3A_529 = arith.constant 0 : i32
        %dma_start3A_530 = tpu.memref_slice %arg11[%dma_start3A_528, %dma_start3A_529] : memref<10112x128xf32, #tpu.memory_space<vmem_shared>> -> memref<10112x128xf32, #tpu.memory_space<vmem_shared>>
        tpu.enqueue_indirect_dma source(%arg10 : memref<128x128xf32, #tpu.memory_space<vmem>>) target(%dma_start3A_530 : memref<10112x128xf32, #tpu.memory_space<vmem_shared>>) offsets(%dma_start3A_527 : memref<128xi32, #tpu.memory_space<vmem>>) semaphore(%run_scoped3A_524 : memref<!tpu.dma_semaphore, #tpu.memory_space<semaphore_mem>>) {add = true}
        %dma_wait3A_531 = arith.constant 0 : i32
        %dma_wait3A_532 = tpu.memref_slice %arg8[%run_scoped3A_80, %dma_wait3A_531] : memref<32x128xi32, #tpu.memory_space<vmem>> -> memref<1x128xi32, #tpu.memory_space<vmem>>
        %dma_wait3A_533 = tpu.memref_squeeze %dma_wait3A_532 : memref<1x128xi32, #tpu.memory_space<vmem>> -> memref<128xi32, #tpu.memory_space<vmem>>
        %dma_wait3A_534 = arith.constant 0 : i32
        %dma_wait3A_535 = arith.constant 0 : i32
        %dma_wait3A_536 = tpu.memref_slice %arg11[%dma_wait3A_534, %dma_wait3A_535] : memref<10112x128xf32, #tpu.memory_space<vmem_shared>> -> memref<10112x128xf32, #tpu.memory_space<vmem_shared>>
        tpu.wait_indirect_dma semaphore(%run_scoped3A_524 : memref<!tpu.dma_semaphore, #tpu.memory_space<semaphore_mem>>) src(%arg10 : memref<128x128xf32, #tpu.memory_space<vmem>>) dst(%dma_wait3A_536 : memref<10112x128xf32, #tpu.memory_space<vmem_shared>>)
        tpu.yield
      }) : () -> ()
      %dma_start3A_81 = arith.constant 3 : i32
      %dma_start3A_82 = arith.constant 0 : i32
      %dma_start3A_83 = tpu.memref_slice %arg7[%dma_start3A_81, %dma_start3A_82] : memref<32x128xi32, #tpu.memory_space<vmem>> -> memref<1x128xi32, #tpu.memory_space<vmem>>
      %dma_start3A_84 = tpu.memref_squeeze %dma_start3A_83 : memref<1x128xi32, #tpu.memory_space<vmem>> -> memref<128xi32, #tpu.memory_space<vmem>>
      %dma_start3A_85 = arith.constant 0 : i32
      %dma_start3A_86 = arith.constant 0 : i32
      %dma_start3A_87 = tpu.memref_slice %arg2[%dma_start3A_85, %dma_start3A_86] : memref<160000x128xf32, #tpu.memory_space<hbm>> -> memref<160000x128xf32, #tpu.memory_space<hbm>>
      tpu.enqueue_indirect_dma source(%dma_start3A_87 : memref<160000x128xf32, #tpu.memory_space<hbm>>) target(%arg10 : memref<128x128xf32, #tpu.memory_space<vmem>>) offsets(%dma_start3A_84 : memref<128xi32, #tpu.memory_space<vmem>>) semaphore(%arg13 : memref<!tpu.dma_semaphore, #tpu.memory_space<semaphore_mem>>)
      %dma_wait3A_88 = arith.constant 2 : i32
      %dma_wait3A_89 = arith.constant 0 : i32
      %dma_wait3A_90 = tpu.memref_slice %arg7[%dma_wait3A_88, %dma_wait3A_89] : memref<32x128xi32, #tpu.memory_space<vmem>> -> memref<1x128xi32, #tpu.memory_space<vmem>>
      %dma_wait3A_91 = tpu.memref_squeeze %dma_wait3A_90 : memref<1x128xi32, #tpu.memory_space<vmem>> -> memref<128xi32, #tpu.memory_space<vmem>>
      %dma_wait3A_92 = arith.constant 0 : i32
      %dma_wait3A_93 = arith.constant 0 : i32
      %dma_wait3A_94 = tpu.memref_slice %arg2[%dma_wait3A_92, %dma_wait3A_93] : memref<160000x128xf32, #tpu.memory_space<hbm>> -> memref<160000x128xf32, #tpu.memory_space<hbm>>
      tpu.wait_indirect_dma semaphore(%arg12 : memref<!tpu.dma_semaphore, #tpu.memory_space<semaphore_mem>>) src(%dma_wait3A_94 : memref<160000x128xf32, #tpu.memory_space<hbm>>) dst(%arg9 : memref<128x128xf32, #tpu.memory_space<vmem>>)
      %run_scoped3A_95 = arith.constant 2 : i32
      "tpu.region"() ({
        %run_scoped3A_524 = tpu.sem_alloc : memref<!tpu.dma_semaphore, #tpu.memory_space<semaphore_mem>>
        %dma_start3A_525 = arith.constant 0 : i32
        %dma_start3A_526 = tpu.memref_slice %arg8[%run_scoped3A_95, %dma_start3A_525] : memref<32x128xi32, #tpu.memory_space<vmem>> -> memref<1x128xi32, #tpu.memory_space<vmem>>
        %dma_start3A_527 = tpu.memref_squeeze %dma_start3A_526 : memref<1x128xi32, #tpu.memory_space<vmem>> -> memref<128xi32, #tpu.memory_space<vmem>>
        %dma_start3A_528 = arith.constant 0 : i32
        %dma_start3A_529 = arith.constant 0 : i32
        %dma_start3A_530 = tpu.memref_slice %arg11[%dma_start3A_528, %dma_start3A_529] : memref<10112x128xf32, #tpu.memory_space<vmem_shared>> -> memref<10112x128xf32, #tpu.memory_space<vmem_shared>>
        tpu.enqueue_indirect_dma source(%arg9 : memref<128x128xf32, #tpu.memory_space<vmem>>) target(%dma_start3A_530 : memref<10112x128xf32, #tpu.memory_space<vmem_shared>>) offsets(%dma_start3A_527 : memref<128xi32, #tpu.memory_space<vmem>>) semaphore(%run_scoped3A_524 : memref<!tpu.dma_semaphore, #tpu.memory_space<semaphore_mem>>) {add = true}
        %dma_wait3A_531 = arith.constant 0 : i32
        %dma_wait3A_532 = tpu.memref_slice %arg8[%run_scoped3A_95, %dma_wait3A_531] : memref<32x128xi32, #tpu.memory_space<vmem>> -> memref<1x128xi32, #tpu.memory_space<vmem>>
        %dma_wait3A_533 = tpu.memref_squeeze %dma_wait3A_532 : memref<1x128xi32, #tpu.memory_space<vmem>> -> memref<128xi32, #tpu.memory_space<vmem>>
        %dma_wait3A_534 = arith.constant 0 : i32
        %dma_wait3A_535 = arith.constant 0 : i32
        %dma_wait3A_536 = tpu.memref_slice %arg11[%dma_wait3A_534, %dma_wait3A_535] : memref<10112x128xf32, #tpu.memory_space<vmem_shared>> -> memref<10112x128xf32, #tpu.memory_space<vmem_shared>>
        tpu.wait_indirect_dma semaphore(%run_scoped3A_524 : memref<!tpu.dma_semaphore, #tpu.memory_space<semaphore_mem>>) src(%arg9 : memref<128x128xf32, #tpu.memory_space<vmem>>) dst(%dma_wait3A_536 : memref<10112x128xf32, #tpu.memory_space<vmem_shared>>)
        tpu.yield
      }) : () -> ()
      %dma_start3A_96 = arith.constant 4 : i32
      %dma_start3A_97 = arith.constant 0 : i32
      %dma_start3A_98 = tpu.memref_slice %arg7[%dma_start3A_96, %dma_start3A_97] : memref<32x128xi32, #tpu.memory_space<vmem>> -> memref<1x128xi32, #tpu.memory_space<vmem>>
      %dma_start3A_99 = tpu.memref_squeeze %dma_start3A_98 : memref<1x128xi32, #tpu.memory_space<vmem>> -> memref<128xi32, #tpu.memory_space<vmem>>
      %dma_start3A_100 = arith.constant 0 : i32
      %dma_start3A_101 = arith.constant 0 : i32
      %dma_start3A_102 = tpu.memref_slice %arg2[%dma_start3A_100, %dma_start3A_101] : memref<160000x128xf32, #tpu.memory_space<hbm>> -> memref<160000x128xf32, #tpu.memory_space<hbm>>
      tpu.enqueue_indirect_dma source(%dma_start3A_102 : memref<160000x128xf32, #tpu.memory_space<hbm>>) target(%arg9 : memref<128x128xf32, #tpu.memory_space<vmem>>) offsets(%dma_start3A_99 : memref<128xi32, #tpu.memory_space<vmem>>) semaphore(%arg12 : memref<!tpu.dma_semaphore, #tpu.memory_space<semaphore_mem>>)
      %dma_wait3A_103 = arith.constant 3 : i32
      %dma_wait3A_104 = arith.constant 0 : i32
      %dma_wait3A_105 = tpu.memref_slice %arg7[%dma_wait3A_103, %dma_wait3A_104] : memref<32x128xi32, #tpu.memory_space<vmem>> -> memref<1x128xi32, #tpu.memory_space<vmem>>
      %dma_wait3A_106 = tpu.memref_squeeze %dma_wait3A_105 : memref<1x128xi32, #tpu.memory_space<vmem>> -> memref<128xi32, #tpu.memory_space<vmem>>
      %dma_wait3A_107 = arith.constant 0 : i32
      %dma_wait3A_108 = arith.constant 0 : i32
      %dma_wait3A_109 = tpu.memref_slice %arg2[%dma_wait3A_107, %dma_wait3A_108] : memref<160000x128xf32, #tpu.memory_space<hbm>> -> memref<160000x128xf32, #tpu.memory_space<hbm>>
      tpu.wait_indirect_dma semaphore(%arg13 : memref<!tpu.dma_semaphore, #tpu.memory_space<semaphore_mem>>) src(%dma_wait3A_109 : memref<160000x128xf32, #tpu.memory_space<hbm>>) dst(%arg10 : memref<128x128xf32, #tpu.memory_space<vmem>>)
      %run_scoped3A_110 = arith.constant 3 : i32
      "tpu.region"() ({
        %run_scoped3A_524 = tpu.sem_alloc : memref<!tpu.dma_semaphore, #tpu.memory_space<semaphore_mem>>
        %dma_start3A_525 = arith.constant 0 : i32
        %dma_start3A_526 = tpu.memref_slice %arg8[%run_scoped3A_110, %dma_start3A_525] : memref<32x128xi32, #tpu.memory_space<vmem>> -> memref<1x128xi32, #tpu.memory_space<vmem>>
        %dma_start3A_527 = tpu.memref_squeeze %dma_start3A_526 : memref<1x128xi32, #tpu.memory_space<vmem>> -> memref<128xi32, #tpu.memory_space<vmem>>
        %dma_start3A_528 = arith.constant 0 : i32
        %dma_start3A_529 = arith.constant 0 : i32
        %dma_start3A_530 = tpu.memref_slice %arg11[%dma_start3A_528, %dma_start3A_529] : memref<10112x128xf32, #tpu.memory_space<vmem_shared>> -> memref<10112x128xf32, #tpu.memory_space<vmem_shared>>
        tpu.enqueue_indirect_dma source(%arg10 : memref<128x128xf32, #tpu.memory_space<vmem>>) target(%dma_start3A_530 : memref<10112x128xf32, #tpu.memory_space<vmem_shared>>) offsets(%dma_start3A_527 : memref<128xi32, #tpu.memory_space<vmem>>) semaphore(%run_scoped3A_524 : memref<!tpu.dma_semaphore, #tpu.memory_space<semaphore_mem>>) {add = true}
        %dma_wait3A_531 = arith.constant 0 : i32
        %dma_wait3A_532 = tpu.memref_slice %arg8[%run_scoped3A_110, %dma_wait3A_531] : memref<32x128xi32, #tpu.memory_space<vmem>> -> memref<1x128xi32, #tpu.memory_space<vmem>>
        %dma_wait3A_533 = tpu.memref_squeeze %dma_wait3A_532 : memref<1x128xi32, #tpu.memory_space<vmem>> -> memref<128xi32, #tpu.memory_space<vmem>>
        %dma_wait3A_534 = arith.constant 0 : i32
        %dma_wait3A_535 = arith.constant 0 : i32
        %dma_wait3A_536 = tpu.memref_slice %arg11[%dma_wait3A_534, %dma_wait3A_535] : memref<10112x128xf32, #tpu.memory_space<vmem_shared>> -> memref<10112x128xf32, #tpu.memory_space<vmem_shared>>
        tpu.wait_indirect_dma semaphore(%run_scoped3A_524 : memref<!tpu.dma_semaphore, #tpu.memory_space<semaphore_mem>>) src(%arg10 : memref<128x128xf32, #tpu.memory_space<vmem>>) dst(%dma_wait3A_536 : memref<10112x128xf32, #tpu.memory_space<vmem_shared>>)
        tpu.yield
      }) : () -> ()
      %dma_start3A_111 = arith.constant 5 : i32
      %dma_start3A_112 = arith.constant 0 : i32
      %dma_start3A_113 = tpu.memref_slice %arg7[%dma_start3A_111, %dma_start3A_112] : memref<32x128xi32, #tpu.memory_space<vmem>> -> memref<1x128xi32, #tpu.memory_space<vmem>>
      %dma_start3A_114 = tpu.memref_squeeze %dma_start3A_113 : memref<1x128xi32, #tpu.memory_space<vmem>> -> memref<128xi32, #tpu.memory_space<vmem>>
      %dma_start3A_115 = arith.constant 0 : i32
      %dma_start3A_116 = arith.constant 0 : i32
      %dma_start3A_117 = tpu.memref_slice %arg2[%dma_start3A_115, %dma_start3A_116] : memref<160000x128xf32, #tpu.memory_space<hbm>> -> memref<160000x128xf32, #tpu.memory_space<hbm>>
      tpu.enqueue_indirect_dma source(%dma_start3A_117 : memref<160000x128xf32, #tpu.memory_space<hbm>>) target(%arg10 : memref<128x128xf32, #tpu.memory_space<vmem>>) offsets(%dma_start3A_114 : memref<128xi32, #tpu.memory_space<vmem>>) semaphore(%arg13 : memref<!tpu.dma_semaphore, #tpu.memory_space<semaphore_mem>>)
      %dma_wait3A_118 = arith.constant 4 : i32
      %dma_wait3A_119 = arith.constant 0 : i32
      %dma_wait3A_120 = tpu.memref_slice %arg7[%dma_wait3A_118, %dma_wait3A_119] : memref<32x128xi32, #tpu.memory_space<vmem>> -> memref<1x128xi32, #tpu.memory_space<vmem>>
      %dma_wait3A_121 = tpu.memref_squeeze %dma_wait3A_120 : memref<1x128xi32, #tpu.memory_space<vmem>> -> memref<128xi32, #tpu.memory_space<vmem>>
      %dma_wait3A_122 = arith.constant 0 : i32
      %dma_wait3A_123 = arith.constant 0 : i32
      %dma_wait3A_124 = tpu.memref_slice %arg2[%dma_wait3A_122, %dma_wait3A_123] : memref<160000x128xf32, #tpu.memory_space<hbm>> -> memref<160000x128xf32, #tpu.memory_space<hbm>>
      tpu.wait_indirect_dma semaphore(%arg12 : memref<!tpu.dma_semaphore, #tpu.memory_space<semaphore_mem>>) src(%dma_wait3A_124 : memref<160000x128xf32, #tpu.memory_space<hbm>>) dst(%arg9 : memref<128x128xf32, #tpu.memory_space<vmem>>)
      %run_scoped3A_125 = arith.constant 4 : i32
      "tpu.region"() ({
        %run_scoped3A_524 = tpu.sem_alloc : memref<!tpu.dma_semaphore, #tpu.memory_space<semaphore_mem>>
        %dma_start3A_525 = arith.constant 0 : i32
        %dma_start3A_526 = tpu.memref_slice %arg8[%run_scoped3A_125, %dma_start3A_525] : memref<32x128xi32, #tpu.memory_space<vmem>> -> memref<1x128xi32, #tpu.memory_space<vmem>>
        %dma_start3A_527 = tpu.memref_squeeze %dma_start3A_526 : memref<1x128xi32, #tpu.memory_space<vmem>> -> memref<128xi32, #tpu.memory_space<vmem>>
        %dma_start3A_528 = arith.constant 0 : i32
        %dma_start3A_529 = arith.constant 0 : i32
        %dma_start3A_530 = tpu.memref_slice %arg11[%dma_start3A_528, %dma_start3A_529] : memref<10112x128xf32, #tpu.memory_space<vmem_shared>> -> memref<10112x128xf32, #tpu.memory_space<vmem_shared>>
        tpu.enqueue_indirect_dma source(%arg9 : memref<128x128xf32, #tpu.memory_space<vmem>>) target(%dma_start3A_530 : memref<10112x128xf32, #tpu.memory_space<vmem_shared>>) offsets(%dma_start3A_527 : memref<128xi32, #tpu.memory_space<vmem>>) semaphore(%run_scoped3A_524 : memref<!tpu.dma_semaphore, #tpu.memory_space<semaphore_mem>>) {add = true}
        %dma_wait3A_531 = arith.constant 0 : i32
        %dma_wait3A_532 = tpu.memref_slice %arg8[%run_scoped3A_125, %dma_wait3A_531] : memref<32x128xi32, #tpu.memory_space<vmem>> -> memref<1x128xi32, #tpu.memory_space<vmem>>
        %dma_wait3A_533 = tpu.memref_squeeze %dma_wait3A_532 : memref<1x128xi32, #tpu.memory_space<vmem>> -> memref<128xi32, #tpu.memory_space<vmem>>
        %dma_wait3A_534 = arith.constant 0 : i32
        %dma_wait3A_535 = arith.constant 0 : i32
        %dma_wait3A_536 = tpu.memref_slice %arg11[%dma_wait3A_534, %dma_wait3A_535] : memref<10112x128xf32, #tpu.memory_space<vmem_shared>> -> memref<10112x128xf32, #tpu.memory_space<vmem_shared>>
        tpu.wait_indirect_dma semaphore(%run_scoped3A_524 : memref<!tpu.dma_semaphore, #tpu.memory_space<semaphore_mem>>) src(%arg9 : memref<128x128xf32, #tpu.memory_space<vmem>>) dst(%dma_wait3A_536 : memref<10112x128xf32, #tpu.memory_space<vmem_shared>>)
        tpu.yield
      }) : () -> ()
      %dma_start3A_126 = arith.constant 6 : i32
      %dma_start3A_127 = arith.constant 0 : i32
      %dma_start3A_128 = tpu.memref_slice %arg7[%dma_start3A_126, %dma_start3A_127] : memref<32x128xi32, #tpu.memory_space<vmem>> -> memref<1x128xi32, #tpu.memory_space<vmem>>
      %dma_start3A_129 = tpu.memref_squeeze %dma_start3A_128 : memref<1x128xi32, #tpu.memory_space<vmem>> -> memref<128xi32, #tpu.memory_space<vmem>>
      %dma_start3A_130 = arith.constant 0 : i32
      %dma_start3A_131 = arith.constant 0 : i32
      %dma_start3A_132 = tpu.memref_slice %arg2[%dma_start3A_130, %dma_start3A_131] : memref<160000x128xf32, #tpu.memory_space<hbm>> -> memref<160000x128xf32, #tpu.memory_space<hbm>>
      tpu.enqueue_indirect_dma source(%dma_start3A_132 : memref<160000x128xf32, #tpu.memory_space<hbm>>) target(%arg9 : memref<128x128xf32, #tpu.memory_space<vmem>>) offsets(%dma_start3A_129 : memref<128xi32, #tpu.memory_space<vmem>>) semaphore(%arg12 : memref<!tpu.dma_semaphore, #tpu.memory_space<semaphore_mem>>)
      %dma_wait3A_133 = arith.constant 5 : i32
      %dma_wait3A_134 = arith.constant 0 : i32
      %dma_wait3A_135 = tpu.memref_slice %arg7[%dma_wait3A_133, %dma_wait3A_134] : memref<32x128xi32, #tpu.memory_space<vmem>> -> memref<1x128xi32, #tpu.memory_space<vmem>>
      %dma_wait3A_136 = tpu.memref_squeeze %dma_wait3A_135 : memref<1x128xi32, #tpu.memory_space<vmem>> -> memref<128xi32, #tpu.memory_space<vmem>>
      %dma_wait3A_137 = arith.constant 0 : i32
      %dma_wait3A_138 = arith.constant 0 : i32
      %dma_wait3A_139 = tpu.memref_slice %arg2[%dma_wait3A_137, %dma_wait3A_138] : memref<160000x128xf32, #tpu.memory_space<hbm>> -> memref<160000x128xf32, #tpu.memory_space<hbm>>
      tpu.wait_indirect_dma semaphore(%arg13 : memref<!tpu.dma_semaphore, #tpu.memory_space<semaphore_mem>>) src(%dma_wait3A_139 : memref<160000x128xf32, #tpu.memory_space<hbm>>) dst(%arg10 : memref<128x128xf32, #tpu.memory_space<vmem>>)
      %run_scoped3A_140 = arith.constant 5 : i32
      "tpu.region"() ({
        %run_scoped3A_524 = tpu.sem_alloc : memref<!tpu.dma_semaphore, #tpu.memory_space<semaphore_mem>>
        %dma_start3A_525 = arith.constant 0 : i32
        %dma_start3A_526 = tpu.memref_slice %arg8[%run_scoped3A_140, %dma_start3A_525] : memref<32x128xi32, #tpu.memory_space<vmem>> -> memref<1x128xi32, #tpu.memory_space<vmem>>
        %dma_start3A_527 = tpu.memref_squeeze %dma_start3A_526 : memref<1x128xi32, #tpu.memory_space<vmem>> -> memref<128xi32, #tpu.memory_space<vmem>>
        %dma_start3A_528 = arith.constant 0 : i32
        %dma_start3A_529 = arith.constant 0 : i32
        %dma_start3A_530 = tpu.memref_slice %arg11[%dma_start3A_528, %dma_start3A_529] : memref<10112x128xf32, #tpu.memory_space<vmem_shared>> -> memref<10112x128xf32, #tpu.memory_space<vmem_shared>>
        tpu.enqueue_indirect_dma source(%arg10 : memref<128x128xf32, #tpu.memory_space<vmem>>) target(%dma_start3A_530 : memref<10112x128xf32, #tpu.memory_space<vmem_shared>>) offsets(%dma_start3A_527 : memref<128xi32, #tpu.memory_space<vmem>>) semaphore(%run_scoped3A_524 : memref<!tpu.dma_semaphore, #tpu.memory_space<semaphore_mem>>) {add = true}
        %dma_wait3A_531 = arith.constant 0 : i32
        %dma_wait3A_532 = tpu.memref_slice %arg8[%run_scoped3A_140, %dma_wait3A_531] : memref<32x128xi32, #tpu.memory_space<vmem>> -> memref<1x128xi32, #tpu.memory_space<vmem>>
        %dma_wait3A_533 = tpu.memref_squeeze %dma_wait3A_532 : memref<1x128xi32, #tpu.memory_space<vmem>> -> memref<128xi32, #tpu.memory_space<vmem>>
        %dma_wait3A_534 = arith.constant 0 : i32
        %dma_wait3A_535 = arith.constant 0 : i32
        %dma_wait3A_536 = tpu.memref_slice %arg11[%dma_wait3A_534, %dma_wait3A_535] : memref<10112x128xf32, #tpu.memory_space<vmem_shared>> -> memref<10112x128xf32, #tpu.memory_space<vmem_shared>>
        tpu.wait_indirect_dma semaphore(%run_scoped3A_524 : memref<!tpu.dma_semaphore, #tpu.memory_space<semaphore_mem>>) src(%arg10 : memref<128x128xf32, #tpu.memory_space<vmem>>) dst(%dma_wait3A_536 : memref<10112x128xf32, #tpu.memory_space<vmem_shared>>)
        tpu.yield
      }) : () -> ()
      %dma_start3A_141 = arith.constant 7 : i32
      %dma_start3A_142 = arith.constant 0 : i32
      %dma_start3A_143 = tpu.memref_slice %arg7[%dma_start3A_141, %dma_start3A_142] : memref<32x128xi32, #tpu.memory_space<vmem>> -> memref<1x128xi32, #tpu.memory_space<vmem>>
      %dma_start3A_144 = tpu.memref_squeeze %dma_start3A_143 : memref<1x128xi32, #tpu.memory_space<vmem>> -> memref<128xi32, #tpu.memory_space<vmem>>
      %dma_start3A_145 = arith.constant 0 : i32
      %dma_start3A_146 = arith.constant 0 : i32
      %dma_start3A_147 = tpu.memref_slice %arg2[%dma_start3A_145, %dma_start3A_146] : memref<160000x128xf32, #tpu.memory_space<hbm>> -> memref<160000x128xf32, #tpu.memory_space<hbm>>
      tpu.enqueue_indirect_dma source(%dma_start3A_147 : memref<160000x128xf32, #tpu.memory_space<hbm>>) target(%arg10 : memref<128x128xf32, #tpu.memory_space<vmem>>) offsets(%dma_start3A_144 : memref<128xi32, #tpu.memory_space<vmem>>) semaphore(%arg13 : memref<!tpu.dma_semaphore, #tpu.memory_space<semaphore_mem>>)
      %dma_wait3A_148 = arith.constant 6 : i32
      %dma_wait3A_149 = arith.constant 0 : i32
      %dma_wait3A_150 = tpu.memref_slice %arg7[%dma_wait3A_148, %dma_wait3A_149] : memref<32x128xi32, #tpu.memory_space<vmem>> -> memref<1x128xi32, #tpu.memory_space<vmem>>
      %dma_wait3A_151 = tpu.memref_squeeze %dma_wait3A_150 : memref<1x128xi32, #tpu.memory_space<vmem>> -> memref<128xi32, #tpu.memory_space<vmem>>
      %dma_wait3A_152 = arith.constant 0 : i32
      %dma_wait3A_153 = arith.constant 0 : i32
      %dma_wait3A_154 = tpu.memref_slice %arg2[%dma_wait3A_152, %dma_wait3A_153] : memref<160000x128xf32, #tpu.memory_space<hbm>> -> memref<160000x128xf32, #tpu.memory_space<hbm>>
      tpu.wait_indirect_dma semaphore(%arg12 : memref<!tpu.dma_semaphore, #tpu.memory_space<semaphore_mem>>) src(%dma_wait3A_154 : memref<160000x128xf32, #tpu.memory_space<hbm>>) dst(%arg9 : memref<128x128xf32, #tpu.memory_space<vmem>>)
      %run_scoped3A_155 = arith.constant 6 : i32
      "tpu.region"() ({
        %run_scoped3A_524 = tpu.sem_alloc : memref<!tpu.dma_semaphore, #tpu.memory_space<semaphore_mem>>
        %dma_start3A_525 = arith.constant 0 : i32
        %dma_start3A_526 = tpu.memref_slice %arg8[%run_scoped3A_155, %dma_start3A_525] : memref<32x128xi32, #tpu.memory_space<vmem>> -> memref<1x128xi32, #tpu.memory_space<vmem>>
        %dma_start3A_527 = tpu.memref_squeeze %dma_start3A_526 : memref<1x128xi32, #tpu.memory_space<vmem>> -> memref<128xi32, #tpu.memory_space<vmem>>
        %dma_start3A_528 = arith.constant 0 : i32
        %dma_start3A_529 = arith.constant 0 : i32
        %dma_start3A_530 = tpu.memref_slice %arg11[%dma_start3A_528, %dma_start3A_529] : memref<10112x128xf32, #tpu.memory_space<vmem_shared>> -> memref<10112x128xf32, #tpu.memory_space<vmem_shared>>
        tpu.enqueue_indirect_dma source(%arg9 : memref<128x128xf32, #tpu.memory_space<vmem>>) target(%dma_start3A_530 : memref<10112x128xf32, #tpu.memory_space<vmem_shared>>) offsets(%dma_start3A_527 : memref<128xi32, #tpu.memory_space<vmem>>) semaphore(%run_scoped3A_524 : memref<!tpu.dma_semaphore, #tpu.memory_space<semaphore_mem>>) {add = true}
        %dma_wait3A_531 = arith.constant 0 : i32
        %dma_wait3A_532 = tpu.memref_slice %arg8[%run_scoped3A_155, %dma_wait3A_531] : memref<32x128xi32, #tpu.memory_space<vmem>> -> memref<1x128xi32, #tpu.memory_space<vmem>>
        %dma_wait3A_533 = tpu.memref_squeeze %dma_wait3A_532 : memref<1x128xi32, #tpu.memory_space<vmem>> -> memref<128xi32, #tpu.memory_space<vmem>>
        %dma_wait3A_534 = arith.constant 0 : i32
        %dma_wait3A_535 = arith.constant 0 : i32
        %dma_wait3A_536 = tpu.memref_slice %arg11[%dma_wait3A_534, %dma_wait3A_535] : memref<10112x128xf32, #tpu.memory_space<vmem_shared>> -> memref<10112x128xf32, #tpu.memory_space<vmem_shared>>
        tpu.wait_indirect_dma semaphore(%run_scoped3A_524 : memref<!tpu.dma_semaphore, #tpu.memory_space<semaphore_mem>>) src(%arg9 : memref<128x128xf32, #tpu.memory_space<vmem>>) dst(%dma_wait3A_536 : memref<10112x128xf32, #tpu.memory_space<vmem_shared>>)
        tpu.yield
      }) : () -> ()
      %dma_start3A_156 = arith.constant 8 : i32
      %dma_start3A_157 = arith.constant 0 : i32
      %dma_start3A_158 = tpu.memref_slice %arg7[%dma_start3A_156, %dma_start3A_157] : memref<32x128xi32, #tpu.memory_space<vmem>> -> memref<1x128xi32, #tpu.memory_space<vmem>>
      %dma_start3A_159 = tpu.memref_squeeze %dma_start3A_158 : memref<1x128xi32, #tpu.memory_space<vmem>> -> memref<128xi32, #tpu.memory_space<vmem>>
      %dma_start3A_160 = arith.constant 0 : i32
      %dma_start3A_161 = arith.constant 0 : i32
      %dma_start3A_162 = tpu.memref_slice %arg2[%dma_start3A_160, %dma_start3A_161] : memref<160000x128xf32, #tpu.memory_space<hbm>> -> memref<160000x128xf32, #tpu.memory_space<hbm>>
      tpu.enqueue_indirect_dma source(%dma_start3A_162 : memref<160000x128xf32, #tpu.memory_space<hbm>>) target(%arg9 : memref<128x128xf32, #tpu.memory_space<vmem>>) offsets(%dma_start3A_159 : memref<128xi32, #tpu.memory_space<vmem>>) semaphore(%arg12 : memref<!tpu.dma_semaphore, #tpu.memory_space<semaphore_mem>>)
      %dma_wait3A_163 = arith.constant 7 : i32
      %dma_wait3A_164 = arith.constant 0 : i32
      %dma_wait3A_165 = tpu.memref_slice %arg7[%dma_wait3A_163, %dma_wait3A_164] : memref<32x128xi32, #tpu.memory_space<vmem>> -> memref<1x128xi32, #tpu.memory_space<vmem>>
      %dma_wait3A_166 = tpu.memref_squeeze %dma_wait3A_165 : memref<1x128xi32, #tpu.memory_space<vmem>> -> memref<128xi32, #tpu.memory_space<vmem>>
      %dma_wait3A_167 = arith.constant 0 : i32
      %dma_wait3A_168 = arith.constant 0 : i32
      %dma_wait3A_169 = tpu.memref_slice %arg2[%dma_wait3A_167, %dma_wait3A_168] : memref<160000x128xf32, #tpu.memory_space<hbm>> -> memref<160000x128xf32, #tpu.memory_space<hbm>>
      tpu.wait_indirect_dma semaphore(%arg13 : memref<!tpu.dma_semaphore, #tpu.memory_space<semaphore_mem>>) src(%dma_wait3A_169 : memref<160000x128xf32, #tpu.memory_space<hbm>>) dst(%arg10 : memref<128x128xf32, #tpu.memory_space<vmem>>)
      %run_scoped3A_170 = arith.constant 7 : i32
      "tpu.region"() ({
        %run_scoped3A_524 = tpu.sem_alloc : memref<!tpu.dma_semaphore, #tpu.memory_space<semaphore_mem>>
        %dma_start3A_525 = arith.constant 0 : i32
        %dma_start3A_526 = tpu.memref_slice %arg8[%run_scoped3A_170, %dma_start3A_525] : memref<32x128xi32, #tpu.memory_space<vmem>> -> memref<1x128xi32, #tpu.memory_space<vmem>>
        %dma_start3A_527 = tpu.memref_squeeze %dma_start3A_526 : memref<1x128xi32, #tpu.memory_space<vmem>> -> memref<128xi32, #tpu.memory_space<vmem>>
        %dma_start3A_528 = arith.constant 0 : i32
        %dma_start3A_529 = arith.constant 0 : i32
        %dma_start3A_530 = tpu.memref_slice %arg11[%dma_start3A_528, %dma_start3A_529] : memref<10112x128xf32, #tpu.memory_space<vmem_shared>> -> memref<10112x128xf32, #tpu.memory_space<vmem_shared>>
        tpu.enqueue_indirect_dma source(%arg10 : memref<128x128xf32, #tpu.memory_space<vmem>>) target(%dma_start3A_530 : memref<10112x128xf32, #tpu.memory_space<vmem_shared>>) offsets(%dma_start3A_527 : memref<128xi32, #tpu.memory_space<vmem>>) semaphore(%run_scoped3A_524 : memref<!tpu.dma_semaphore, #tpu.memory_space<semaphore_mem>>) {add = true}
        %dma_wait3A_531 = arith.constant 0 : i32
        %dma_wait3A_532 = tpu.memref_slice %arg8[%run_scoped3A_170, %dma_wait3A_531] : memref<32x128xi32, #tpu.memory_space<vmem>> -> memref<1x128xi32, #tpu.memory_space<vmem>>
        %dma_wait3A_533 = tpu.memref_squeeze %dma_wait3A_532 : memref<1x128xi32, #tpu.memory_space<vmem>> -> memref<128xi32, #tpu.memory_space<vmem>>
        %dma_wait3A_534 = arith.constant 0 : i32
        %dma_wait3A_535 = arith.constant 0 : i32
        %dma_wait3A_536 = tpu.memref_slice %arg11[%dma_wait3A_534, %dma_wait3A_535] : memref<10112x128xf32, #tpu.memory_space<vmem_shared>> -> memref<10112x128xf32, #tpu.memory_space<vmem_shared>>
        tpu.wait_indirect_dma semaphore(%run_scoped3A_524 : memref<!tpu.dma_semaphore, #tpu.memory_space<semaphore_mem>>) src(%arg10 : memref<128x128xf32, #tpu.memory_space<vmem>>) dst(%dma_wait3A_536 : memref<10112x128xf32, #tpu.memory_space<vmem_shared>>)
        tpu.yield
      }) : () -> ()
      %dma_start3A_171 = arith.constant 9 : i32
      %dma_start3A_172 = arith.constant 0 : i32
      %dma_start3A_173 = tpu.memref_slice %arg7[%dma_start3A_171, %dma_start3A_172] : memref<32x128xi32, #tpu.memory_space<vmem>> -> memref<1x128xi32, #tpu.memory_space<vmem>>
      %dma_start3A_174 = tpu.memref_squeeze %dma_start3A_173 : memref<1x128xi32, #tpu.memory_space<vmem>> -> memref<128xi32, #tpu.memory_space<vmem>>
      %dma_start3A_175 = arith.constant 0 : i32
      %dma_start3A_176 = arith.constant 0 : i32
      %dma_start3A_177 = tpu.memref_slice %arg2[%dma_start3A_175, %dma_start3A_176] : memref<160000x128xf32, #tpu.memory_space<hbm>> -> memref<160000x128xf32, #tpu.memory_space<hbm>>
      tpu.enqueue_indirect_dma source(%dma_start3A_177 : memref<160000x128xf32, #tpu.memory_space<hbm>>) target(%arg10 : memref<128x128xf32, #tpu.memory_space<vmem>>) offsets(%dma_start3A_174 : memref<128xi32, #tpu.memory_space<vmem>>) semaphore(%arg13 : memref<!tpu.dma_semaphore, #tpu.memory_space<semaphore_mem>>)
      %dma_wait3A_178 = arith.constant 8 : i32
      %dma_wait3A_179 = arith.constant 0 : i32
      %dma_wait3A_180 = tpu.memref_slice %arg7[%dma_wait3A_178, %dma_wait3A_179] : memref<32x128xi32, #tpu.memory_space<vmem>> -> memref<1x128xi32, #tpu.memory_space<vmem>>
      %dma_wait3A_181 = tpu.memref_squeeze %dma_wait3A_180 : memref<1x128xi32, #tpu.memory_space<vmem>> -> memref<128xi32, #tpu.memory_space<vmem>>
      %dma_wait3A_182 = arith.constant 0 : i32
      %dma_wait3A_183 = arith.constant 0 : i32
      %dma_wait3A_184 = tpu.memref_slice %arg2[%dma_wait3A_182, %dma_wait3A_183] : memref<160000x128xf32, #tpu.memory_space<hbm>> -> memref<160000x128xf32, #tpu.memory_space<hbm>>
      tpu.wait_indirect_dma semaphore(%arg12 : memref<!tpu.dma_semaphore, #tpu.memory_space<semaphore_mem>>) src(%dma_wait3A_184 : memref<160000x128xf32, #tpu.memory_space<hbm>>) dst(%arg9 : memref<128x128xf32, #tpu.memory_space<vmem>>)
      %run_scoped3A_185 = arith.constant 8 : i32
      "tpu.region"() ({
        %run_scoped3A_524 = tpu.sem_alloc : memref<!tpu.dma_semaphore, #tpu.memory_space<semaphore_mem>>
        %dma_start3A_525 = arith.constant 0 : i32
        %dma_start3A_526 = tpu.memref_slice %arg8[%run_scoped3A_185, %dma_start3A_525] : memref<32x128xi32, #tpu.memory_space<vmem>> -> memref<1x128xi32, #tpu.memory_space<vmem>>
        %dma_start3A_527 = tpu.memref_squeeze %dma_start3A_526 : memref<1x128xi32, #tpu.memory_space<vmem>> -> memref<128xi32, #tpu.memory_space<vmem>>
        %dma_start3A_528 = arith.constant 0 : i32
        %dma_start3A_529 = arith.constant 0 : i32
        %dma_start3A_530 = tpu.memref_slice %arg11[%dma_start3A_528, %dma_start3A_529] : memref<10112x128xf32, #tpu.memory_space<vmem_shared>> -> memref<10112x128xf32, #tpu.memory_space<vmem_shared>>
        tpu.enqueue_indirect_dma source(%arg9 : memref<128x128xf32, #tpu.memory_space<vmem>>) target(%dma_start3A_530 : memref<10112x128xf32, #tpu.memory_space<vmem_shared>>) offsets(%dma_start3A_527 : memref<128xi32, #tpu.memory_space<vmem>>) semaphore(%run_scoped3A_524 : memref<!tpu.dma_semaphore, #tpu.memory_space<semaphore_mem>>) {add = true}
        %dma_wait3A_531 = arith.constant 0 : i32
        %dma_wait3A_532 = tpu.memref_slice %arg8[%run_scoped3A_185, %dma_wait3A_531] : memref<32x128xi32, #tpu.memory_space<vmem>> -> memref<1x128xi32, #tpu.memory_space<vmem>>
        %dma_wait3A_533 = tpu.memref_squeeze %dma_wait3A_532 : memref<1x128xi32, #tpu.memory_space<vmem>> -> memref<128xi32, #tpu.memory_space<vmem>>
        %dma_wait3A_534 = arith.constant 0 : i32
        %dma_wait3A_535 = arith.constant 0 : i32
        %dma_wait3A_536 = tpu.memref_slice %arg11[%dma_wait3A_534, %dma_wait3A_535] : memref<10112x128xf32, #tpu.memory_space<vmem_shared>> -> memref<10112x128xf32, #tpu.memory_space<vmem_shared>>
        tpu.wait_indirect_dma semaphore(%run_scoped3A_524 : memref<!tpu.dma_semaphore, #tpu.memory_space<semaphore_mem>>) src(%arg9 : memref<128x128xf32, #tpu.memory_space<vmem>>) dst(%dma_wait3A_536 : memref<10112x128xf32, #tpu.memory_space<vmem_shared>>)
        tpu.yield
      }) : () -> ()
      %dma_start3A_186 = arith.constant 10 : i32
      %dma_start3A_187 = arith.constant 0 : i32
      %dma_start3A_188 = tpu.memref_slice %arg7[%dma_start3A_186, %dma_start3A_187] : memref<32x128xi32, #tpu.memory_space<vmem>> -> memref<1x128xi32, #tpu.memory_space<vmem>>
      %dma_start3A_189 = tpu.memref_squeeze %dma_start3A_188 : memref<1x128xi32, #tpu.memory_space<vmem>> -> memref<128xi32, #tpu.memory_space<vmem>>
      %dma_start3A_190 = arith.constant 0 : i32
      %dma_start3A_191 = arith.constant 0 : i32
      %dma_start3A_192 = tpu.memref_slice %arg2[%dma_start3A_190, %dma_start3A_191] : memref<160000x128xf32, #tpu.memory_space<hbm>> -> memref<160000x128xf32, #tpu.memory_space<hbm>>
      tpu.enqueue_indirect_dma source(%dma_start3A_192 : memref<160000x128xf32, #tpu.memory_space<hbm>>) target(%arg9 : memref<128x128xf32, #tpu.memory_space<vmem>>) offsets(%dma_start3A_189 : memref<128xi32, #tpu.memory_space<vmem>>) semaphore(%arg12 : memref<!tpu.dma_semaphore, #tpu.memory_space<semaphore_mem>>)
      %dma_wait3A_193 = arith.constant 9 : i32
      %dma_wait3A_194 = arith.constant 0 : i32
      %dma_wait3A_195 = tpu.memref_slice %arg7[%dma_wait3A_193, %dma_wait3A_194] : memref<32x128xi32, #tpu.memory_space<vmem>> -> memref<1x128xi32, #tpu.memory_space<vmem>>
      %dma_wait3A_196 = tpu.memref_squeeze %dma_wait3A_195 : memref<1x128xi32, #tpu.memory_space<vmem>> -> memref<128xi32, #tpu.memory_space<vmem>>
      %dma_wait3A_197 = arith.constant 0 : i32
      %dma_wait3A_198 = arith.constant 0 : i32
      %dma_wait3A_199 = tpu.memref_slice %arg2[%dma_wait3A_197, %dma_wait3A_198] : memref<160000x128xf32, #tpu.memory_space<hbm>> -> memref<160000x128xf32, #tpu.memory_space<hbm>>
      tpu.wait_indirect_dma semaphore(%arg13 : memref<!tpu.dma_semaphore, #tpu.memory_space<semaphore_mem>>) src(%dma_wait3A_199 : memref<160000x128xf32, #tpu.memory_space<hbm>>) dst(%arg10 : memref<128x128xf32, #tpu.memory_space<vmem>>)
      %run_scoped3A_200 = arith.constant 9 : i32
      "tpu.region"() ({
        %run_scoped3A_524 = tpu.sem_alloc : memref<!tpu.dma_semaphore, #tpu.memory_space<semaphore_mem>>
        %dma_start3A_525 = arith.constant 0 : i32
        %dma_start3A_526 = tpu.memref_slice %arg8[%run_scoped3A_200, %dma_start3A_525] : memref<32x128xi32, #tpu.memory_space<vmem>> -> memref<1x128xi32, #tpu.memory_space<vmem>>
        %dma_start3A_527 = tpu.memref_squeeze %dma_start3A_526 : memref<1x128xi32, #tpu.memory_space<vmem>> -> memref<128xi32, #tpu.memory_space<vmem>>
        %dma_start3A_528 = arith.constant 0 : i32
        %dma_start3A_529 = arith.constant 0 : i32
        %dma_start3A_530 = tpu.memref_slice %arg11[%dma_start3A_528, %dma_start3A_529] : memref<10112x128xf32, #tpu.memory_space<vmem_shared>> -> memref<10112x128xf32, #tpu.memory_space<vmem_shared>>
        tpu.enqueue_indirect_dma source(%arg10 : memref<128x128xf32, #tpu.memory_space<vmem>>) target(%dma_start3A_530 : memref<10112x128xf32, #tpu.memory_space<vmem_shared>>) offsets(%dma_start3A_527 : memref<128xi32, #tpu.memory_space<vmem>>) semaphore(%run_scoped3A_524 : memref<!tpu.dma_semaphore, #tpu.memory_space<semaphore_mem>>) {add = true}
        %dma_wait3A_531 = arith.constant 0 : i32
        %dma_wait3A_532 = tpu.memref_slice %arg8[%run_scoped3A_200, %dma_wait3A_531] : memref<32x128xi32, #tpu.memory_space<vmem>> -> memref<1x128xi32, #tpu.memory_space<vmem>>
        %dma_wait3A_533 = tpu.memref_squeeze %dma_wait3A_532 : memref<1x128xi32, #tpu.memory_space<vmem>> -> memref<128xi32, #tpu.memory_space<vmem>>
        %dma_wait3A_534 = arith.constant 0 : i32
        %dma_wait3A_535 = arith.constant 0 : i32
        %dma_wait3A_536 = tpu.memref_slice %arg11[%dma_wait3A_534, %dma_wait3A_535] : memref<10112x128xf32, #tpu.memory_space<vmem_shared>> -> memref<10112x128xf32, #tpu.memory_space<vmem_shared>>
        tpu.wait_indirect_dma semaphore(%run_scoped3A_524 : memref<!tpu.dma_semaphore, #tpu.memory_space<semaphore_mem>>) src(%arg10 : memref<128x128xf32, #tpu.memory_space<vmem>>) dst(%dma_wait3A_536 : memref<10112x128xf32, #tpu.memory_space<vmem_shared>>)
        tpu.yield
      }) : () -> ()
      %dma_start3A_201 = arith.constant 11 : i32
      %dma_start3A_202 = arith.constant 0 : i32
      %dma_start3A_203 = tpu.memref_slice %arg7[%dma_start3A_201, %dma_start3A_202] : memref<32x128xi32, #tpu.memory_space<vmem>> -> memref<1x128xi32, #tpu.memory_space<vmem>>
      %dma_start3A_204 = tpu.memref_squeeze %dma_start3A_203 : memref<1x128xi32, #tpu.memory_space<vmem>> -> memref<128xi32, #tpu.memory_space<vmem>>
      %dma_start3A_205 = arith.constant 0 : i32
      %dma_start3A_206 = arith.constant 0 : i32
      %dma_start3A_207 = tpu.memref_slice %arg2[%dma_start3A_205, %dma_start3A_206] : memref<160000x128xf32, #tpu.memory_space<hbm>> -> memref<160000x128xf32, #tpu.memory_space<hbm>>
      tpu.enqueue_indirect_dma source(%dma_start3A_207 : memref<160000x128xf32, #tpu.memory_space<hbm>>) target(%arg10 : memref<128x128xf32, #tpu.memory_space<vmem>>) offsets(%dma_start3A_204 : memref<128xi32, #tpu.memory_space<vmem>>) semaphore(%arg13 : memref<!tpu.dma_semaphore, #tpu.memory_space<semaphore_mem>>)
      %dma_wait3A_208 = arith.constant 10 : i32
      %dma_wait3A_209 = arith.constant 0 : i32
      %dma_wait3A_210 = tpu.memref_slice %arg7[%dma_wait3A_208, %dma_wait3A_209] : memref<32x128xi32, #tpu.memory_space<vmem>> -> memref<1x128xi32, #tpu.memory_space<vmem>>
      %dma_wait3A_211 = tpu.memref_squeeze %dma_wait3A_210 : memref<1x128xi32, #tpu.memory_space<vmem>> -> memref<128xi32, #tpu.memory_space<vmem>>
      %dma_wait3A_212 = arith.constant 0 : i32
      %dma_wait3A_213 = arith.constant 0 : i32
      %dma_wait3A_214 = tpu.memref_slice %arg2[%dma_wait3A_212, %dma_wait3A_213] : memref<160000x128xf32, #tpu.memory_space<hbm>> -> memref<160000x128xf32, #tpu.memory_space<hbm>>
      tpu.wait_indirect_dma semaphore(%arg12 : memref<!tpu.dma_semaphore, #tpu.memory_space<semaphore_mem>>) src(%dma_wait3A_214 : memref<160000x128xf32, #tpu.memory_space<hbm>>) dst(%arg9 : memref<128x128xf32, #tpu.memory_space<vmem>>)
      %run_scoped3A_215 = arith.constant 10 : i32
      "tpu.region"() ({
        %run_scoped3A_524 = tpu.sem_alloc : memref<!tpu.dma_semaphore, #tpu.memory_space<semaphore_mem>>
        %dma_start3A_525 = arith.constant 0 : i32
        %dma_start3A_526 = tpu.memref_slice %arg8[%run_scoped3A_215, %dma_start3A_525] : memref<32x128xi32, #tpu.memory_space<vmem>> -> memref<1x128xi32, #tpu.memory_space<vmem>>
        %dma_start3A_527 = tpu.memref_squeeze %dma_start3A_526 : memref<1x128xi32, #tpu.memory_space<vmem>> -> memref<128xi32, #tpu.memory_space<vmem>>
        %dma_start3A_528 = arith.constant 0 : i32
        %dma_start3A_529 = arith.constant 0 : i32
        %dma_start3A_530 = tpu.memref_slice %arg11[%dma_start3A_528, %dma_start3A_529] : memref<10112x128xf32, #tpu.memory_space<vmem_shared>> -> memref<10112x128xf32, #tpu.memory_space<vmem_shared>>
        tpu.enqueue_indirect_dma source(%arg9 : memref<128x128xf32, #tpu.memory_space<vmem>>) target(%dma_start3A_530 : memref<10112x128xf32, #tpu.memory_space<vmem_shared>>) offsets(%dma_start3A_527 : memref<128xi32, #tpu.memory_space<vmem>>) semaphore(%run_scoped3A_524 : memref<!tpu.dma_semaphore, #tpu.memory_space<semaphore_mem>>) {add = true}
        %dma_wait3A_531 = arith.constant 0 : i32
        %dma_wait3A_532 = tpu.memref_slice %arg8[%run_scoped3A_215, %dma_wait3A_531] : memref<32x128xi32, #tpu.memory_space<vmem>> -> memref<1x128xi32, #tpu.memory_space<vmem>>
        %dma_wait3A_533 = tpu.memref_squeeze %dma_wait3A_532 : memref<1x128xi32, #tpu.memory_space<vmem>> -> memref<128xi32, #tpu.memory_space<vmem>>
        %dma_wait3A_534 = arith.constant 0 : i32
        %dma_wait3A_535 = arith.constant 0 : i32
        %dma_wait3A_536 = tpu.memref_slice %arg11[%dma_wait3A_534, %dma_wait3A_535] : memref<10112x128xf32, #tpu.memory_space<vmem_shared>> -> memref<10112x128xf32, #tpu.memory_space<vmem_shared>>
        tpu.wait_indirect_dma semaphore(%run_scoped3A_524 : memref<!tpu.dma_semaphore, #tpu.memory_space<semaphore_mem>>) src(%arg9 : memref<128x128xf32, #tpu.memory_space<vmem>>) dst(%dma_wait3A_536 : memref<10112x128xf32, #tpu.memory_space<vmem_shared>>)
        tpu.yield
      }) : () -> ()
      %dma_start3A_216 = arith.constant 12 : i32
      %dma_start3A_217 = arith.constant 0 : i32
      %dma_start3A_218 = tpu.memref_slice %arg7[%dma_start3A_216, %dma_start3A_217] : memref<32x128xi32, #tpu.memory_space<vmem>> -> memref<1x128xi32, #tpu.memory_space<vmem>>
      %dma_start3A_219 = tpu.memref_squeeze %dma_start3A_218 : memref<1x128xi32, #tpu.memory_space<vmem>> -> memref<128xi32, #tpu.memory_space<vmem>>
      %dma_start3A_220 = arith.constant 0 : i32
      %dma_start3A_221 = arith.constant 0 : i32
      %dma_start3A_222 = tpu.memref_slice %arg2[%dma_start3A_220, %dma_start3A_221] : memref<160000x128xf32, #tpu.memory_space<hbm>> -> memref<160000x128xf32, #tpu.memory_space<hbm>>
      tpu.enqueue_indirect_dma source(%dma_start3A_222 : memref<160000x128xf32, #tpu.memory_space<hbm>>) target(%arg9 : memref<128x128xf32, #tpu.memory_space<vmem>>) offsets(%dma_start3A_219 : memref<128xi32, #tpu.memory_space<vmem>>) semaphore(%arg12 : memref<!tpu.dma_semaphore, #tpu.memory_space<semaphore_mem>>)
      %dma_wait3A_223 = arith.constant 11 : i32
      %dma_wait3A_224 = arith.constant 0 : i32
      %dma_wait3A_225 = tpu.memref_slice %arg7[%dma_wait3A_223, %dma_wait3A_224] : memref<32x128xi32, #tpu.memory_space<vmem>> -> memref<1x128xi32, #tpu.memory_space<vmem>>
      %dma_wait3A_226 = tpu.memref_squeeze %dma_wait3A_225 : memref<1x128xi32, #tpu.memory_space<vmem>> -> memref<128xi32, #tpu.memory_space<vmem>>
      %dma_wait3A_227 = arith.constant 0 : i32
      %dma_wait3A_228 = arith.constant 0 : i32
      %dma_wait3A_229 = tpu.memref_slice %arg2[%dma_wait3A_227, %dma_wait3A_228] : memref<160000x128xf32, #tpu.memory_space<hbm>> -> memref<160000x128xf32, #tpu.memory_space<hbm>>
      tpu.wait_indirect_dma semaphore(%arg13 : memref<!tpu.dma_semaphore, #tpu.memory_space<semaphore_mem>>) src(%dma_wait3A_229 : memref<160000x128xf32, #tpu.memory_space<hbm>>) dst(%arg10 : memref<128x128xf32, #tpu.memory_space<vmem>>)
      %run_scoped3A_230 = arith.constant 11 : i32
      "tpu.region"() ({
        %run_scoped3A_524 = tpu.sem_alloc : memref<!tpu.dma_semaphore, #tpu.memory_space<semaphore_mem>>
        %dma_start3A_525 = arith.constant 0 : i32
        %dma_start3A_526 = tpu.memref_slice %arg8[%run_scoped3A_230, %dma_start3A_525] : memref<32x128xi32, #tpu.memory_space<vmem>> -> memref<1x128xi32, #tpu.memory_space<vmem>>
        %dma_start3A_527 = tpu.memref_squeeze %dma_start3A_526 : memref<1x128xi32, #tpu.memory_space<vmem>> -> memref<128xi32, #tpu.memory_space<vmem>>
        %dma_start3A_528 = arith.constant 0 : i32
        %dma_start3A_529 = arith.constant 0 : i32
        %dma_start3A_530 = tpu.memref_slice %arg11[%dma_start3A_528, %dma_start3A_529] : memref<10112x128xf32, #tpu.memory_space<vmem_shared>> -> memref<10112x128xf32, #tpu.memory_space<vmem_shared>>
        tpu.enqueue_indirect_dma source(%arg10 : memref<128x128xf32, #tpu.memory_space<vmem>>) target(%dma_start3A_530 : memref<10112x128xf32, #tpu.memory_space<vmem_shared>>) offsets(%dma_start3A_527 : memref<128xi32, #tpu.memory_space<vmem>>) semaphore(%run_scoped3A_524 : memref<!tpu.dma_semaphore, #tpu.memory_space<semaphore_mem>>) {add = true}
        %dma_wait3A_531 = arith.constant 0 : i32
        %dma_wait3A_532 = tpu.memref_slice %arg8[%run_scoped3A_230, %dma_wait3A_531] : memref<32x128xi32, #tpu.memory_space<vmem>> -> memref<1x128xi32, #tpu.memory_space<vmem>>
        %dma_wait3A_533 = tpu.memref_squeeze %dma_wait3A_532 : memref<1x128xi32, #tpu.memory_space<vmem>> -> memref<128xi32, #tpu.memory_space<vmem>>
        %dma_wait3A_534 = arith.constant 0 : i32
        %dma_wait3A_535 = arith.constant 0 : i32
        %dma_wait3A_536 = tpu.memref_slice %arg11[%dma_wait3A_534, %dma_wait3A_535] : memref<10112x128xf32, #tpu.memory_space<vmem_shared>> -> memref<10112x128xf32, #tpu.memory_space<vmem_shared>>
        tpu.wait_indirect_dma semaphore(%run_scoped3A_524 : memref<!tpu.dma_semaphore, #tpu.memory_space<semaphore_mem>>) src(%arg10 : memref<128x128xf32, #tpu.memory_space<vmem>>) dst(%dma_wait3A_536 : memref<10112x128xf32, #tpu.memory_space<vmem_shared>>)
        tpu.yield
      }) : () -> ()
      %dma_start3A_231 = arith.constant 13 : i32
      %dma_start3A_232 = arith.constant 0 : i32
      %dma_start3A_233 = tpu.memref_slice %arg7[%dma_start3A_231, %dma_start3A_232] : memref<32x128xi32, #tpu.memory_space<vmem>> -> memref<1x128xi32, #tpu.memory_space<vmem>>
      %dma_start3A_234 = tpu.memref_squeeze %dma_start3A_233 : memref<1x128xi32, #tpu.memory_space<vmem>> -> memref<128xi32, #tpu.memory_space<vmem>>
      %dma_start3A_235 = arith.constant 0 : i32
      %dma_start3A_236 = arith.constant 0 : i32
      %dma_start3A_237 = tpu.memref_slice %arg2[%dma_start3A_235, %dma_start3A_236] : memref<160000x128xf32, #tpu.memory_space<hbm>> -> memref<160000x128xf32, #tpu.memory_space<hbm>>
      tpu.enqueue_indirect_dma source(%dma_start3A_237 : memref<160000x128xf32, #tpu.memory_space<hbm>>) target(%arg10 : memref<128x128xf32, #tpu.memory_space<vmem>>) offsets(%dma_start3A_234 : memref<128xi32, #tpu.memory_space<vmem>>) semaphore(%arg13 : memref<!tpu.dma_semaphore, #tpu.memory_space<semaphore_mem>>)
      %dma_wait3A_238 = arith.constant 12 : i32
      %dma_wait3A_239 = arith.constant 0 : i32
      %dma_wait3A_240 = tpu.memref_slice %arg7[%dma_wait3A_238, %dma_wait3A_239] : memref<32x128xi32, #tpu.memory_space<vmem>> -> memref<1x128xi32, #tpu.memory_space<vmem>>
      %dma_wait3A_241 = tpu.memref_squeeze %dma_wait3A_240 : memref<1x128xi32, #tpu.memory_space<vmem>> -> memref<128xi32, #tpu.memory_space<vmem>>
      %dma_wait3A_242 = arith.constant 0 : i32
      %dma_wait3A_243 = arith.constant 0 : i32
      %dma_wait3A_244 = tpu.memref_slice %arg2[%dma_wait3A_242, %dma_wait3A_243] : memref<160000x128xf32, #tpu.memory_space<hbm>> -> memref<160000x128xf32, #tpu.memory_space<hbm>>
      tpu.wait_indirect_dma semaphore(%arg12 : memref<!tpu.dma_semaphore, #tpu.memory_space<semaphore_mem>>) src(%dma_wait3A_244 : memref<160000x128xf32, #tpu.memory_space<hbm>>) dst(%arg9 : memref<128x128xf32, #tpu.memory_space<vmem>>)
      %run_scoped3A_245 = arith.constant 12 : i32
      "tpu.region"() ({
        %run_scoped3A_524 = tpu.sem_alloc : memref<!tpu.dma_semaphore, #tpu.memory_space<semaphore_mem>>
        %dma_start3A_525 = arith.constant 0 : i32
        %dma_start3A_526 = tpu.memref_slice %arg8[%run_scoped3A_245, %dma_start3A_525] : memref<32x128xi32, #tpu.memory_space<vmem>> -> memref<1x128xi32, #tpu.memory_space<vmem>>
        %dma_start3A_527 = tpu.memref_squeeze %dma_start3A_526 : memref<1x128xi32, #tpu.memory_space<vmem>> -> memref<128xi32, #tpu.memory_space<vmem>>
        %dma_start3A_528 = arith.constant 0 : i32
        %dma_start3A_529 = arith.constant 0 : i32
        %dma_start3A_530 = tpu.memref_slice %arg11[%dma_start3A_528, %dma_start3A_529] : memref<10112x128xf32, #tpu.memory_space<vmem_shared>> -> memref<10112x128xf32, #tpu.memory_space<vmem_shared>>
        tpu.enqueue_indirect_dma source(%arg9 : memref<128x128xf32, #tpu.memory_space<vmem>>) target(%dma_start3A_530 : memref<10112x128xf32, #tpu.memory_space<vmem_shared>>) offsets(%dma_start3A_527 : memref<128xi32, #tpu.memory_space<vmem>>) semaphore(%run_scoped3A_524 : memref<!tpu.dma_semaphore, #tpu.memory_space<semaphore_mem>>) {add = true}
        %dma_wait3A_531 = arith.constant 0 : i32
        %dma_wait3A_532 = tpu.memref_slice %arg8[%run_scoped3A_245, %dma_wait3A_531] : memref<32x128xi32, #tpu.memory_space<vmem>> -> memref<1x128xi32, #tpu.memory_space<vmem>>
        %dma_wait3A_533 = tpu.memref_squeeze %dma_wait3A_532 : memref<1x128xi32, #tpu.memory_space<vmem>> -> memref<128xi32, #tpu.memory_space<vmem>>
        %dma_wait3A_534 = arith.constant 0 : i32
        %dma_wait3A_535 = arith.constant 0 : i32
        %dma_wait3A_536 = tpu.memref_slice %arg11[%dma_wait3A_534, %dma_wait3A_535] : memref<10112x128xf32, #tpu.memory_space<vmem_shared>> -> memref<10112x128xf32, #tpu.memory_space<vmem_shared>>
        tpu.wait_indirect_dma semaphore(%run_scoped3A_524 : memref<!tpu.dma_semaphore, #tpu.memory_space<semaphore_mem>>) src(%arg9 : memref<128x128xf32, #tpu.memory_space<vmem>>) dst(%dma_wait3A_536 : memref<10112x128xf32, #tpu.memory_space<vmem_shared>>)
        tpu.yield
      }) : () -> ()
      %dma_start3A_246 = arith.constant 14 : i32
      %dma_start3A_247 = arith.constant 0 : i32
      %dma_start3A_248 = tpu.memref_slice %arg7[%dma_start3A_246, %dma_start3A_247] : memref<32x128xi32, #tpu.memory_space<vmem>> -> memref<1x128xi32, #tpu.memory_space<vmem>>
      %dma_start3A_249 = tpu.memref_squeeze %dma_start3A_248 : memref<1x128xi32, #tpu.memory_space<vmem>> -> memref<128xi32, #tpu.memory_space<vmem>>
      %dma_start3A_250 = arith.constant 0 : i32
      %dma_start3A_251 = arith.constant 0 : i32
      %dma_start3A_252 = tpu.memref_slice %arg2[%dma_start3A_250, %dma_start3A_251] : memref<160000x128xf32, #tpu.memory_space<hbm>> -> memref<160000x128xf32, #tpu.memory_space<hbm>>
      tpu.enqueue_indirect_dma source(%dma_start3A_252 : memref<160000x128xf32, #tpu.memory_space<hbm>>) target(%arg9 : memref<128x128xf32, #tpu.memory_space<vmem>>) offsets(%dma_start3A_249 : memref<128xi32, #tpu.memory_space<vmem>>) semaphore(%arg12 : memref<!tpu.dma_semaphore, #tpu.memory_space<semaphore_mem>>)
      %dma_wait3A_253 = arith.constant 13 : i32
      %dma_wait3A_254 = arith.constant 0 : i32
      %dma_wait3A_255 = tpu.memref_slice %arg7[%dma_wait3A_253, %dma_wait3A_254] : memref<32x128xi32, #tpu.memory_space<vmem>> -> memref<1x128xi32, #tpu.memory_space<vmem>>
      %dma_wait3A_256 = tpu.memref_squeeze %dma_wait3A_255 : memref<1x128xi32, #tpu.memory_space<vmem>> -> memref<128xi32, #tpu.memory_space<vmem>>
      %dma_wait3A_257 = arith.constant 0 : i32
      %dma_wait3A_258 = arith.constant 0 : i32
      %dma_wait3A_259 = tpu.memref_slice %arg2[%dma_wait3A_257, %dma_wait3A_258] : memref<160000x128xf32, #tpu.memory_space<hbm>> -> memref<160000x128xf32, #tpu.memory_space<hbm>>
      tpu.wait_indirect_dma semaphore(%arg13 : memref<!tpu.dma_semaphore, #tpu.memory_space<semaphore_mem>>) src(%dma_wait3A_259 : memref<160000x128xf32, #tpu.memory_space<hbm>>) dst(%arg10 : memref<128x128xf32, #tpu.memory_space<vmem>>)
      %run_scoped3A_260 = arith.constant 13 : i32
      "tpu.region"() ({
        %run_scoped3A_524 = tpu.sem_alloc : memref<!tpu.dma_semaphore, #tpu.memory_space<semaphore_mem>>
        %dma_start3A_525 = arith.constant 0 : i32
        %dma_start3A_526 = tpu.memref_slice %arg8[%run_scoped3A_260, %dma_start3A_525] : memref<32x128xi32, #tpu.memory_space<vmem>> -> memref<1x128xi32, #tpu.memory_space<vmem>>
        %dma_start3A_527 = tpu.memref_squeeze %dma_start3A_526 : memref<1x128xi32, #tpu.memory_space<vmem>> -> memref<128xi32, #tpu.memory_space<vmem>>
        %dma_start3A_528 = arith.constant 0 : i32
        %dma_start3A_529 = arith.constant 0 : i32
        %dma_start3A_530 = tpu.memref_slice %arg11[%dma_start3A_528, %dma_start3A_529] : memref<10112x128xf32, #tpu.memory_space<vmem_shared>> -> memref<10112x128xf32, #tpu.memory_space<vmem_shared>>
        tpu.enqueue_indirect_dma source(%arg10 : memref<128x128xf32, #tpu.memory_space<vmem>>) target(%dma_start3A_530 : memref<10112x128xf32, #tpu.memory_space<vmem_shared>>) offsets(%dma_start3A_527 : memref<128xi32, #tpu.memory_space<vmem>>) semaphore(%run_scoped3A_524 : memref<!tpu.dma_semaphore, #tpu.memory_space<semaphore_mem>>) {add = true}
        %dma_wait3A_531 = arith.constant 0 : i32
        %dma_wait3A_532 = tpu.memref_slice %arg8[%run_scoped3A_260, %dma_wait3A_531] : memref<32x128xi32, #tpu.memory_space<vmem>> -> memref<1x128xi32, #tpu.memory_space<vmem>>
        %dma_wait3A_533 = tpu.memref_squeeze %dma_wait3A_532 : memref<1x128xi32, #tpu.memory_space<vmem>> -> memref<128xi32, #tpu.memory_space<vmem>>
        %dma_wait3A_534 = arith.constant 0 : i32
        %dma_wait3A_535 = arith.constant 0 : i32
        %dma_wait3A_536 = tpu.memref_slice %arg11[%dma_wait3A_534, %dma_wait3A_535] : memref<10112x128xf32, #tpu.memory_space<vmem_shared>> -> memref<10112x128xf32, #tpu.memory_space<vmem_shared>>
        tpu.wait_indirect_dma semaphore(%run_scoped3A_524 : memref<!tpu.dma_semaphore, #tpu.memory_space<semaphore_mem>>) src(%arg10 : memref<128x128xf32, #tpu.memory_space<vmem>>) dst(%dma_wait3A_536 : memref<10112x128xf32, #tpu.memory_space<vmem_shared>>)
        tpu.yield
      }) : () -> ()
      %dma_start3A_261 = arith.constant 15 : i32
      %dma_start3A_262 = arith.constant 0 : i32
      %dma_start3A_263 = tpu.memref_slice %arg7[%dma_start3A_261, %dma_start3A_262] : memref<32x128xi32, #tpu.memory_space<vmem>> -> memref<1x128xi32, #tpu.memory_space<vmem>>
      %dma_start3A_264 = tpu.memref_squeeze %dma_start3A_263 : memref<1x128xi32, #tpu.memory_space<vmem>> -> memref<128xi32, #tpu.memory_space<vmem>>
      %dma_start3A_265 = arith.constant 0 : i32
      %dma_start3A_266 = arith.constant 0 : i32
      %dma_start3A_267 = tpu.memref_slice %arg2[%dma_start3A_265, %dma_start3A_266] : memref<160000x128xf32, #tpu.memory_space<hbm>> -> memref<160000x128xf32, #tpu.memory_space<hbm>>
      tpu.enqueue_indirect_dma source(%dma_start3A_267 : memref<160000x128xf32, #tpu.memory_space<hbm>>) target(%arg10 : memref<128x128xf32, #tpu.memory_space<vmem>>) offsets(%dma_start3A_264 : memref<128xi32, #tpu.memory_space<vmem>>) semaphore(%arg13 : memref<!tpu.dma_semaphore, #tpu.memory_space<semaphore_mem>>)
      %dma_wait3A_268 = arith.constant 14 : i32
      %dma_wait3A_269 = arith.constant 0 : i32
      %dma_wait3A_270 = tpu.memref_slice %arg7[%dma_wait3A_268, %dma_wait3A_269] : memref<32x128xi32, #tpu.memory_space<vmem>> -> memref<1x128xi32, #tpu.memory_space<vmem>>
      %dma_wait3A_271 = tpu.memref_squeeze %dma_wait3A_270 : memref<1x128xi32, #tpu.memory_space<vmem>> -> memref<128xi32, #tpu.memory_space<vmem>>
      %dma_wait3A_272 = arith.constant 0 : i32
      %dma_wait3A_273 = arith.constant 0 : i32
      %dma_wait3A_274 = tpu.memref_slice %arg2[%dma_wait3A_272, %dma_wait3A_273] : memref<160000x128xf32, #tpu.memory_space<hbm>> -> memref<160000x128xf32, #tpu.memory_space<hbm>>
      tpu.wait_indirect_dma semaphore(%arg12 : memref<!tpu.dma_semaphore, #tpu.memory_space<semaphore_mem>>) src(%dma_wait3A_274 : memref<160000x128xf32, #tpu.memory_space<hbm>>) dst(%arg9 : memref<128x128xf32, #tpu.memory_space<vmem>>)
      %run_scoped3A_275 = arith.constant 14 : i32
      "tpu.region"() ({
        %run_scoped3A_524 = tpu.sem_alloc : memref<!tpu.dma_semaphore, #tpu.memory_space<semaphore_mem>>
        %dma_start3A_525 = arith.constant 0 : i32
        %dma_start3A_526 = tpu.memref_slice %arg8[%run_scoped3A_275, %dma_start3A_525] : memref<32x128xi32, #tpu.memory_space<vmem>> -> memref<1x128xi32, #tpu.memory_space<vmem>>
        %dma_start3A_527 = tpu.memref_squeeze %dma_start3A_526 : memref<1x128xi32, #tpu.memory_space<vmem>> -> memref<128xi32, #tpu.memory_space<vmem>>
        %dma_start3A_528 = arith.constant 0 : i32
        %dma_start3A_529 = arith.constant 0 : i32
        %dma_start3A_530 = tpu.memref_slice %arg11[%dma_start3A_528, %dma_start3A_529] : memref<10112x128xf32, #tpu.memory_space<vmem_shared>> -> memref<10112x128xf32, #tpu.memory_space<vmem_shared>>
        tpu.enqueue_indirect_dma source(%arg9 : memref<128x128xf32, #tpu.memory_space<vmem>>) target(%dma_start3A_530 : memref<10112x128xf32, #tpu.memory_space<vmem_shared>>) offsets(%dma_start3A_527 : memref<128xi32, #tpu.memory_space<vmem>>) semaphore(%run_scoped3A_524 : memref<!tpu.dma_semaphore, #tpu.memory_space<semaphore_mem>>) {add = true}
        %dma_wait3A_531 = arith.constant 0 : i32
        %dma_wait3A_532 = tpu.memref_slice %arg8[%run_scoped3A_275, %dma_wait3A_531] : memref<32x128xi32, #tpu.memory_space<vmem>> -> memref<1x128xi32, #tpu.memory_space<vmem>>
        %dma_wait3A_533 = tpu.memref_squeeze %dma_wait3A_532 : memref<1x128xi32, #tpu.memory_space<vmem>> -> memref<128xi32, #tpu.memory_space<vmem>>
        %dma_wait3A_534 = arith.constant 0 : i32
        %dma_wait3A_535 = arith.constant 0 : i32
        %dma_wait3A_536 = tpu.memref_slice %arg11[%dma_wait3A_534, %dma_wait3A_535] : memref<10112x128xf32, #tpu.memory_space<vmem_shared>> -> memref<10112x128xf32, #tpu.memory_space<vmem_shared>>
        tpu.wait_indirect_dma semaphore(%run_scoped3A_524 : memref<!tpu.dma_semaphore, #tpu.memory_space<semaphore_mem>>) src(%arg9 : memref<128x128xf32, #tpu.memory_space<vmem>>) dst(%dma_wait3A_536 : memref<10112x128xf32, #tpu.memory_space<vmem_shared>>)
        tpu.yield
      }) : () -> ()
      %dma_start3A_276 = arith.constant 16 : i32
      %dma_start3A_277 = arith.constant 0 : i32
      %dma_start3A_278 = tpu.memref_slice %arg7[%dma_start3A_276, %dma_start3A_277] : memref<32x128xi32, #tpu.memory_space<vmem>> -> memref<1x128xi32, #tpu.memory_space<vmem>>
      %dma_start3A_279 = tpu.memref_squeeze %dma_start3A_278 : memref<1x128xi32, #tpu.memory_space<vmem>> -> memref<128xi32, #tpu.memory_space<vmem>>
      %dma_start3A_280 = arith.constant 0 : i32
      %dma_start3A_281 = arith.constant 0 : i32
      %dma_start3A_282 = tpu.memref_slice %arg2[%dma_start3A_280, %dma_start3A_281] : memref<160000x128xf32, #tpu.memory_space<hbm>> -> memref<160000x128xf32, #tpu.memory_space<hbm>>
      tpu.enqueue_indirect_dma source(%dma_start3A_282 : memref<160000x128xf32, #tpu.memory_space<hbm>>) target(%arg9 : memref<128x128xf32, #tpu.memory_space<vmem>>) offsets(%dma_start3A_279 : memref<128xi32, #tpu.memory_space<vmem>>) semaphore(%arg12 : memref<!tpu.dma_semaphore, #tpu.memory_space<semaphore_mem>>)
      %dma_wait3A_283 = arith.constant 15 : i32
      %dma_wait3A_284 = arith.constant 0 : i32
      %dma_wait3A_285 = tpu.memref_slice %arg7[%dma_wait3A_283, %dma_wait3A_284] : memref<32x128xi32, #tpu.memory_space<vmem>> -> memref<1x128xi32, #tpu.memory_space<vmem>>
      %dma_wait3A_286 = tpu.memref_squeeze %dma_wait3A_285 : memref<1x128xi32, #tpu.memory_space<vmem>> -> memref<128xi32, #tpu.memory_space<vmem>>
      %dma_wait3A_287 = arith.constant 0 : i32
      %dma_wait3A_288 = arith.constant 0 : i32
      %dma_wait3A_289 = tpu.memref_slice %arg2[%dma_wait3A_287, %dma_wait3A_288] : memref<160000x128xf32, #tpu.memory_space<hbm>> -> memref<160000x128xf32, #tpu.memory_space<hbm>>
      tpu.wait_indirect_dma semaphore(%arg13 : memref<!tpu.dma_semaphore, #tpu.memory_space<semaphore_mem>>) src(%dma_wait3A_289 : memref<160000x128xf32, #tpu.memory_space<hbm>>) dst(%arg10 : memref<128x128xf32, #tpu.memory_space<vmem>>)
      %run_scoped3A_290 = arith.constant 15 : i32
      "tpu.region"() ({
        %run_scoped3A_524 = tpu.sem_alloc : memref<!tpu.dma_semaphore, #tpu.memory_space<semaphore_mem>>
        %dma_start3A_525 = arith.constant 0 : i32
        %dma_start3A_526 = tpu.memref_slice %arg8[%run_scoped3A_290, %dma_start3A_525] : memref<32x128xi32, #tpu.memory_space<vmem>> -> memref<1x128xi32, #tpu.memory_space<vmem>>
        %dma_start3A_527 = tpu.memref_squeeze %dma_start3A_526 : memref<1x128xi32, #tpu.memory_space<vmem>> -> memref<128xi32, #tpu.memory_space<vmem>>
        %dma_start3A_528 = arith.constant 0 : i32
        %dma_start3A_529 = arith.constant 0 : i32
        %dma_start3A_530 = tpu.memref_slice %arg11[%dma_start3A_528, %dma_start3A_529] : memref<10112x128xf32, #tpu.memory_space<vmem_shared>> -> memref<10112x128xf32, #tpu.memory_space<vmem_shared>>
        tpu.enqueue_indirect_dma source(%arg10 : memref<128x128xf32, #tpu.memory_space<vmem>>) target(%dma_start3A_530 : memref<10112x128xf32, #tpu.memory_space<vmem_shared>>) offsets(%dma_start3A_527 : memref<128xi32, #tpu.memory_space<vmem>>) semaphore(%run_scoped3A_524 : memref<!tpu.dma_semaphore, #tpu.memory_space<semaphore_mem>>) {add = true}
        %dma_wait3A_531 = arith.constant 0 : i32
        %dma_wait3A_532 = tpu.memref_slice %arg8[%run_scoped3A_290, %dma_wait3A_531] : memref<32x128xi32, #tpu.memory_space<vmem>> -> memref<1x128xi32, #tpu.memory_space<vmem>>
        %dma_wait3A_533 = tpu.memref_squeeze %dma_wait3A_532 : memref<1x128xi32, #tpu.memory_space<vmem>> -> memref<128xi32, #tpu.memory_space<vmem>>
        %dma_wait3A_534 = arith.constant 0 : i32
        %dma_wait3A_535 = arith.constant 0 : i32
        %dma_wait3A_536 = tpu.memref_slice %arg11[%dma_wait3A_534, %dma_wait3A_535] : memref<10112x128xf32, #tpu.memory_space<vmem_shared>> -> memref<10112x128xf32, #tpu.memory_space<vmem_shared>>
        tpu.wait_indirect_dma semaphore(%run_scoped3A_524 : memref<!tpu.dma_semaphore, #tpu.memory_space<semaphore_mem>>) src(%arg10 : memref<128x128xf32, #tpu.memory_space<vmem>>) dst(%dma_wait3A_536 : memref<10112x128xf32, #tpu.memory_space<vmem_shared>>)
        tpu.yield
      }) : () -> ()
      %dma_start3A_291 = arith.constant 17 : i32
      %dma_start3A_292 = arith.constant 0 : i32
      %dma_start3A_293 = tpu.memref_slice %arg7[%dma_start3A_291, %dma_start3A_292] : memref<32x128xi32, #tpu.memory_space<vmem>> -> memref<1x128xi32, #tpu.memory_space<vmem>>
      %dma_start3A_294 = tpu.memref_squeeze %dma_start3A_293 : memref<1x128xi32, #tpu.memory_space<vmem>> -> memref<128xi32, #tpu.memory_space<vmem>>
      %dma_start3A_295 = arith.constant 0 : i32
      %dma_start3A_296 = arith.constant 0 : i32
      %dma_start3A_297 = tpu.memref_slice %arg2[%dma_start3A_295, %dma_start3A_296] : memref<160000x128xf32, #tpu.memory_space<hbm>> -> memref<160000x128xf32, #tpu.memory_space<hbm>>
      tpu.enqueue_indirect_dma source(%dma_start3A_297 : memref<160000x128xf32, #tpu.memory_space<hbm>>) target(%arg10 : memref<128x128xf32, #tpu.memory_space<vmem>>) offsets(%dma_start3A_294 : memref<128xi32, #tpu.memory_space<vmem>>) semaphore(%arg13 : memref<!tpu.dma_semaphore, #tpu.memory_space<semaphore_mem>>)
      %dma_wait3A_298 = arith.constant 16 : i32
      %dma_wait3A_299 = arith.constant 0 : i32
      %dma_wait3A_300 = tpu.memref_slice %arg7[%dma_wait3A_298, %dma_wait3A_299] : memref<32x128xi32, #tpu.memory_space<vmem>> -> memref<1x128xi32, #tpu.memory_space<vmem>>
      %dma_wait3A_301 = tpu.memref_squeeze %dma_wait3A_300 : memref<1x128xi32, #tpu.memory_space<vmem>> -> memref<128xi32, #tpu.memory_space<vmem>>
      %dma_wait3A_302 = arith.constant 0 : i32
      %dma_wait3A_303 = arith.constant 0 : i32
      %dma_wait3A_304 = tpu.memref_slice %arg2[%dma_wait3A_302, %dma_wait3A_303] : memref<160000x128xf32, #tpu.memory_space<hbm>> -> memref<160000x128xf32, #tpu.memory_space<hbm>>
      tpu.wait_indirect_dma semaphore(%arg12 : memref<!tpu.dma_semaphore, #tpu.memory_space<semaphore_mem>>) src(%dma_wait3A_304 : memref<160000x128xf32, #tpu.memory_space<hbm>>) dst(%arg9 : memref<128x128xf32, #tpu.memory_space<vmem>>)
      %run_scoped3A_305 = arith.constant 16 : i32
      "tpu.region"() ({
        %run_scoped3A_524 = tpu.sem_alloc : memref<!tpu.dma_semaphore, #tpu.memory_space<semaphore_mem>>
        %dma_start3A_525 = arith.constant 0 : i32
        %dma_start3A_526 = tpu.memref_slice %arg8[%run_scoped3A_305, %dma_start3A_525] : memref<32x128xi32, #tpu.memory_space<vmem>> -> memref<1x128xi32, #tpu.memory_space<vmem>>
        %dma_start3A_527 = tpu.memref_squeeze %dma_start3A_526 : memref<1x128xi32, #tpu.memory_space<vmem>> -> memref<128xi32, #tpu.memory_space<vmem>>
        %dma_start3A_528 = arith.constant 0 : i32
        %dma_start3A_529 = arith.constant 0 : i32
        %dma_start3A_530 = tpu.memref_slice %arg11[%dma_start3A_528, %dma_start3A_529] : memref<10112x128xf32, #tpu.memory_space<vmem_shared>> -> memref<10112x128xf32, #tpu.memory_space<vmem_shared>>
        tpu.enqueue_indirect_dma source(%arg9 : memref<128x128xf32, #tpu.memory_space<vmem>>) target(%dma_start3A_530 : memref<10112x128xf32, #tpu.memory_space<vmem_shared>>) offsets(%dma_start3A_527 : memref<128xi32, #tpu.memory_space<vmem>>) semaphore(%run_scoped3A_524 : memref<!tpu.dma_semaphore, #tpu.memory_space<semaphore_mem>>) {add = true}
        %dma_wait3A_531 = arith.constant 0 : i32
        %dma_wait3A_532 = tpu.memref_slice %arg8[%run_scoped3A_305, %dma_wait3A_531] : memref<32x128xi32, #tpu.memory_space<vmem>> -> memref<1x128xi32, #tpu.memory_space<vmem>>
        %dma_wait3A_533 = tpu.memref_squeeze %dma_wait3A_532 : memref<1x128xi32, #tpu.memory_space<vmem>> -> memref<128xi32, #tpu.memory_space<vmem>>
        %dma_wait3A_534 = arith.constant 0 : i32
        %dma_wait3A_535 = arith.constant 0 : i32
        %dma_wait3A_536 = tpu.memref_slice %arg11[%dma_wait3A_534, %dma_wait3A_535] : memref<10112x128xf32, #tpu.memory_space<vmem_shared>> -> memref<10112x128xf32, #tpu.memory_space<vmem_shared>>
        tpu.wait_indirect_dma semaphore(%run_scoped3A_524 : memref<!tpu.dma_semaphore, #tpu.memory_space<semaphore_mem>>) src(%arg9 : memref<128x128xf32, #tpu.memory_space<vmem>>) dst(%dma_wait3A_536 : memref<10112x128xf32, #tpu.memory_space<vmem_shared>>)
        tpu.yield
      }) : () -> ()
      %dma_start3A_306 = arith.constant 18 : i32
      %dma_start3A_307 = arith.constant 0 : i32
      %dma_start3A_308 = tpu.memref_slice %arg7[%dma_start3A_306, %dma_start3A_307] : memref<32x128xi32, #tpu.memory_space<vmem>> -> memref<1x128xi32, #tpu.memory_space<vmem>>
      %dma_start3A_309 = tpu.memref_squeeze %dma_start3A_308 : memref<1x128xi32, #tpu.memory_space<vmem>> -> memref<128xi32, #tpu.memory_space<vmem>>
      %dma_start3A_310 = arith.constant 0 : i32
      %dma_start3A_311 = arith.constant 0 : i32
      %dma_start3A_312 = tpu.memref_slice %arg2[%dma_start3A_310, %dma_start3A_311] : memref<160000x128xf32, #tpu.memory_space<hbm>> -> memref<160000x128xf32, #tpu.memory_space<hbm>>
      tpu.enqueue_indirect_dma source(%dma_start3A_312 : memref<160000x128xf32, #tpu.memory_space<hbm>>) target(%arg9 : memref<128x128xf32, #tpu.memory_space<vmem>>) offsets(%dma_start3A_309 : memref<128xi32, #tpu.memory_space<vmem>>) semaphore(%arg12 : memref<!tpu.dma_semaphore, #tpu.memory_space<semaphore_mem>>)
      %dma_wait3A_313 = arith.constant 17 : i32
      %dma_wait3A_314 = arith.constant 0 : i32
      %dma_wait3A_315 = tpu.memref_slice %arg7[%dma_wait3A_313, %dma_wait3A_314] : memref<32x128xi32, #tpu.memory_space<vmem>> -> memref<1x128xi32, #tpu.memory_space<vmem>>
      %dma_wait3A_316 = tpu.memref_squeeze %dma_wait3A_315 : memref<1x128xi32, #tpu.memory_space<vmem>> -> memref<128xi32, #tpu.memory_space<vmem>>
      %dma_wait3A_317 = arith.constant 0 : i32
      %dma_wait3A_318 = arith.constant 0 : i32
      %dma_wait3A_319 = tpu.memref_slice %arg2[%dma_wait3A_317, %dma_wait3A_318] : memref<160000x128xf32, #tpu.memory_space<hbm>> -> memref<160000x128xf32, #tpu.memory_space<hbm>>
      tpu.wait_indirect_dma semaphore(%arg13 : memref<!tpu.dma_semaphore, #tpu.memory_space<semaphore_mem>>) src(%dma_wait3A_319 : memref<160000x128xf32, #tpu.memory_space<hbm>>) dst(%arg10 : memref<128x128xf32, #tpu.memory_space<vmem>>)
      %run_scoped3A_320 = arith.constant 17 : i32
      "tpu.region"() ({
        %run_scoped3A_524 = tpu.sem_alloc : memref<!tpu.dma_semaphore, #tpu.memory_space<semaphore_mem>>
        %dma_start3A_525 = arith.constant 0 : i32
        %dma_start3A_526 = tpu.memref_slice %arg8[%run_scoped3A_320, %dma_start3A_525] : memref<32x128xi32, #tpu.memory_space<vmem>> -> memref<1x128xi32, #tpu.memory_space<vmem>>
        %dma_start3A_527 = tpu.memref_squeeze %dma_start3A_526 : memref<1x128xi32, #tpu.memory_space<vmem>> -> memref<128xi32, #tpu.memory_space<vmem>>
        %dma_start3A_528 = arith.constant 0 : i32
        %dma_start3A_529 = arith.constant 0 : i32
        %dma_start3A_530 = tpu.memref_slice %arg11[%dma_start3A_528, %dma_start3A_529] : memref<10112x128xf32, #tpu.memory_space<vmem_shared>> -> memref<10112x128xf32, #tpu.memory_space<vmem_shared>>
        tpu.enqueue_indirect_dma source(%arg10 : memref<128x128xf32, #tpu.memory_space<vmem>>) target(%dma_start3A_530 : memref<10112x128xf32, #tpu.memory_space<vmem_shared>>) offsets(%dma_start3A_527 : memref<128xi32, #tpu.memory_space<vmem>>) semaphore(%run_scoped3A_524 : memref<!tpu.dma_semaphore, #tpu.memory_space<semaphore_mem>>) {add = true}
        %dma_wait3A_531 = arith.constant 0 : i32
        %dma_wait3A_532 = tpu.memref_slice %arg8[%run_scoped3A_320, %dma_wait3A_531] : memref<32x128xi32, #tpu.memory_space<vmem>> -> memref<1x128xi32, #tpu.memory_space<vmem>>
        %dma_wait3A_533 = tpu.memref_squeeze %dma_wait3A_532 : memref<1x128xi32, #tpu.memory_space<vmem>> -> memref<128xi32, #tpu.memory_space<vmem>>
        %dma_wait3A_534 = arith.constant 0 : i32
        %dma_wait3A_535 = arith.constant 0 : i32
        %dma_wait3A_536 = tpu.memref_slice %arg11[%dma_wait3A_534, %dma_wait3A_535] : memref<10112x128xf32, #tpu.memory_space<vmem_shared>> -> memref<10112x128xf32, #tpu.memory_space<vmem_shared>>
        tpu.wait_indirect_dma semaphore(%run_scoped3A_524 : memref<!tpu.dma_semaphore, #tpu.memory_space<semaphore_mem>>) src(%arg10 : memref<128x128xf32, #tpu.memory_space<vmem>>) dst(%dma_wait3A_536 : memref<10112x128xf32, #tpu.memory_space<vmem_shared>>)
        tpu.yield
      }) : () -> ()
      %dma_start3A_321 = arith.constant 19 : i32
      %dma_start3A_322 = arith.constant 0 : i32
      %dma_start3A_323 = tpu.memref_slice %arg7[%dma_start3A_321, %dma_start3A_322] : memref<32x128xi32, #tpu.memory_space<vmem>> -> memref<1x128xi32, #tpu.memory_space<vmem>>
      %dma_start3A_324 = tpu.memref_squeeze %dma_start3A_323 : memref<1x128xi32, #tpu.memory_space<vmem>> -> memref<128xi32, #tpu.memory_space<vmem>>
      %dma_start3A_325 = arith.constant 0 : i32
      %dma_start3A_326 = arith.constant 0 : i32
      %dma_start3A_327 = tpu.memref_slice %arg2[%dma_start3A_325, %dma_start3A_326] : memref<160000x128xf32, #tpu.memory_space<hbm>> -> memref<160000x128xf32, #tpu.memory_space<hbm>>
      tpu.enqueue_indirect_dma source(%dma_start3A_327 : memref<160000x128xf32, #tpu.memory_space<hbm>>) target(%arg10 : memref<128x128xf32, #tpu.memory_space<vmem>>) offsets(%dma_start3A_324 : memref<128xi32, #tpu.memory_space<vmem>>) semaphore(%arg13 : memref<!tpu.dma_semaphore, #tpu.memory_space<semaphore_mem>>)
      %dma_wait3A_328 = arith.constant 18 : i32
      %dma_wait3A_329 = arith.constant 0 : i32
      %dma_wait3A_330 = tpu.memref_slice %arg7[%dma_wait3A_328, %dma_wait3A_329] : memref<32x128xi32, #tpu.memory_space<vmem>> -> memref<1x128xi32, #tpu.memory_space<vmem>>
      %dma_wait3A_331 = tpu.memref_squeeze %dma_wait3A_330 : memref<1x128xi32, #tpu.memory_space<vmem>> -> memref<128xi32, #tpu.memory_space<vmem>>
      %dma_wait3A_332 = arith.constant 0 : i32
      %dma_wait3A_333 = arith.constant 0 : i32
      %dma_wait3A_334 = tpu.memref_slice %arg2[%dma_wait3A_332, %dma_wait3A_333] : memref<160000x128xf32, #tpu.memory_space<hbm>> -> memref<160000x128xf32, #tpu.memory_space<hbm>>
      tpu.wait_indirect_dma semaphore(%arg12 : memref<!tpu.dma_semaphore, #tpu.memory_space<semaphore_mem>>) src(%dma_wait3A_334 : memref<160000x128xf32, #tpu.memory_space<hbm>>) dst(%arg9 : memref<128x128xf32, #tpu.memory_space<vmem>>)
      %run_scoped3A_335 = arith.constant 18 : i32
      "tpu.region"() ({
        %run_scoped3A_524 = tpu.sem_alloc : memref<!tpu.dma_semaphore, #tpu.memory_space<semaphore_mem>>
        %dma_start3A_525 = arith.constant 0 : i32
        %dma_start3A_526 = tpu.memref_slice %arg8[%run_scoped3A_335, %dma_start3A_525] : memref<32x128xi32, #tpu.memory_space<vmem>> -> memref<1x128xi32, #tpu.memory_space<vmem>>
        %dma_start3A_527 = tpu.memref_squeeze %dma_start3A_526 : memref<1x128xi32, #tpu.memory_space<vmem>> -> memref<128xi32, #tpu.memory_space<vmem>>
        %dma_start3A_528 = arith.constant 0 : i32
        %dma_start3A_529 = arith.constant 0 : i32
        %dma_start3A_530 = tpu.memref_slice %arg11[%dma_start3A_528, %dma_start3A_529] : memref<10112x128xf32, #tpu.memory_space<vmem_shared>> -> memref<10112x128xf32, #tpu.memory_space<vmem_shared>>
        tpu.enqueue_indirect_dma source(%arg9 : memref<128x128xf32, #tpu.memory_space<vmem>>) target(%dma_start3A_530 : memref<10112x128xf32, #tpu.memory_space<vmem_shared>>) offsets(%dma_start3A_527 : memref<128xi32, #tpu.memory_space<vmem>>) semaphore(%run_scoped3A_524 : memref<!tpu.dma_semaphore, #tpu.memory_space<semaphore_mem>>) {add = true}
        %dma_wait3A_531 = arith.constant 0 : i32
        %dma_wait3A_532 = tpu.memref_slice %arg8[%run_scoped3A_335, %dma_wait3A_531] : memref<32x128xi32, #tpu.memory_space<vmem>> -> memref<1x128xi32, #tpu.memory_space<vmem>>
        %dma_wait3A_533 = tpu.memref_squeeze %dma_wait3A_532 : memref<1x128xi32, #tpu.memory_space<vmem>> -> memref<128xi32, #tpu.memory_space<vmem>>
        %dma_wait3A_534 = arith.constant 0 : i32
        %dma_wait3A_535 = arith.constant 0 : i32
        %dma_wait3A_536 = tpu.memref_slice %arg11[%dma_wait3A_534, %dma_wait3A_535] : memref<10112x128xf32, #tpu.memory_space<vmem_shared>> -> memref<10112x128xf32, #tpu.memory_space<vmem_shared>>
        tpu.wait_indirect_dma semaphore(%run_scoped3A_524 : memref<!tpu.dma_semaphore, #tpu.memory_space<semaphore_mem>>) src(%arg9 : memref<128x128xf32, #tpu.memory_space<vmem>>) dst(%dma_wait3A_536 : memref<10112x128xf32, #tpu.memory_space<vmem_shared>>)
        tpu.yield
      }) : () -> ()
      %dma_start3A_336 = arith.constant 20 : i32
      %dma_start3A_337 = arith.constant 0 : i32
      %dma_start3A_338 = tpu.memref_slice %arg7[%dma_start3A_336, %dma_start3A_337] : memref<32x128xi32, #tpu.memory_space<vmem>> -> memref<1x128xi32, #tpu.memory_space<vmem>>
      %dma_start3A_339 = tpu.memref_squeeze %dma_start3A_338 : memref<1x128xi32, #tpu.memory_space<vmem>> -> memref<128xi32, #tpu.memory_space<vmem>>
      %dma_start3A_340 = arith.constant 0 : i32
      %dma_start3A_341 = arith.constant 0 : i32
      %dma_start3A_342 = tpu.memref_slice %arg2[%dma_start3A_340, %dma_start3A_341] : memref<160000x128xf32, #tpu.memory_space<hbm>> -> memref<160000x128xf32, #tpu.memory_space<hbm>>
      tpu.enqueue_indirect_dma source(%dma_start3A_342 : memref<160000x128xf32, #tpu.memory_space<hbm>>) target(%arg9 : memref<128x128xf32, #tpu.memory_space<vmem>>) offsets(%dma_start3A_339 : memref<128xi32, #tpu.memory_space<vmem>>) semaphore(%arg12 : memref<!tpu.dma_semaphore, #tpu.memory_space<semaphore_mem>>)
      %dma_wait3A_343 = arith.constant 19 : i32
      %dma_wait3A_344 = arith.constant 0 : i32
      %dma_wait3A_345 = tpu.memref_slice %arg7[%dma_wait3A_343, %dma_wait3A_344] : memref<32x128xi32, #tpu.memory_space<vmem>> -> memref<1x128xi32, #tpu.memory_space<vmem>>
      %dma_wait3A_346 = tpu.memref_squeeze %dma_wait3A_345 : memref<1x128xi32, #tpu.memory_space<vmem>> -> memref<128xi32, #tpu.memory_space<vmem>>
      %dma_wait3A_347 = arith.constant 0 : i32
      %dma_wait3A_348 = arith.constant 0 : i32
      %dma_wait3A_349 = tpu.memref_slice %arg2[%dma_wait3A_347, %dma_wait3A_348] : memref<160000x128xf32, #tpu.memory_space<hbm>> -> memref<160000x128xf32, #tpu.memory_space<hbm>>
      tpu.wait_indirect_dma semaphore(%arg13 : memref<!tpu.dma_semaphore, #tpu.memory_space<semaphore_mem>>) src(%dma_wait3A_349 : memref<160000x128xf32, #tpu.memory_space<hbm>>) dst(%arg10 : memref<128x128xf32, #tpu.memory_space<vmem>>)
      %run_scoped3A_350 = arith.constant 19 : i32
      "tpu.region"() ({
        %run_scoped3A_524 = tpu.sem_alloc : memref<!tpu.dma_semaphore, #tpu.memory_space<semaphore_mem>>
        %dma_start3A_525 = arith.constant 0 : i32
        %dma_start3A_526 = tpu.memref_slice %arg8[%run_scoped3A_350, %dma_start3A_525] : memref<32x128xi32, #tpu.memory_space<vmem>> -> memref<1x128xi32, #tpu.memory_space<vmem>>
        %dma_start3A_527 = tpu.memref_squeeze %dma_start3A_526 : memref<1x128xi32, #tpu.memory_space<vmem>> -> memref<128xi32, #tpu.memory_space<vmem>>
        %dma_start3A_528 = arith.constant 0 : i32
        %dma_start3A_529 = arith.constant 0 : i32
        %dma_start3A_530 = tpu.memref_slice %arg11[%dma_start3A_528, %dma_start3A_529] : memref<10112x128xf32, #tpu.memory_space<vmem_shared>> -> memref<10112x128xf32, #tpu.memory_space<vmem_shared>>
        tpu.enqueue_indirect_dma source(%arg10 : memref<128x128xf32, #tpu.memory_space<vmem>>) target(%dma_start3A_530 : memref<10112x128xf32, #tpu.memory_space<vmem_shared>>) offsets(%dma_start3A_527 : memref<128xi32, #tpu.memory_space<vmem>>) semaphore(%run_scoped3A_524 : memref<!tpu.dma_semaphore, #tpu.memory_space<semaphore_mem>>) {add = true}
        %dma_wait3A_531 = arith.constant 0 : i32
        %dma_wait3A_532 = tpu.memref_slice %arg8[%run_scoped3A_350, %dma_wait3A_531] : memref<32x128xi32, #tpu.memory_space<vmem>> -> memref<1x128xi32, #tpu.memory_space<vmem>>
        %dma_wait3A_533 = tpu.memref_squeeze %dma_wait3A_532 : memref<1x128xi32, #tpu.memory_space<vmem>> -> memref<128xi32, #tpu.memory_space<vmem>>
        %dma_wait3A_534 = arith.constant 0 : i32
        %dma_wait3A_535 = arith.constant 0 : i32
        %dma_wait3A_536 = tpu.memref_slice %arg11[%dma_wait3A_534, %dma_wait3A_535] : memref<10112x128xf32, #tpu.memory_space<vmem_shared>> -> memref<10112x128xf32, #tpu.memory_space<vmem_shared>>
        tpu.wait_indirect_dma semaphore(%run_scoped3A_524 : memref<!tpu.dma_semaphore, #tpu.memory_space<semaphore_mem>>) src(%arg10 : memref<128x128xf32, #tpu.memory_space<vmem>>) dst(%dma_wait3A_536 : memref<10112x128xf32, #tpu.memory_space<vmem_shared>>)
        tpu.yield
      }) : () -> ()
      %dma_start3A_351 = arith.constant 21 : i32
      %dma_start3A_352 = arith.constant 0 : i32
      %dma_start3A_353 = tpu.memref_slice %arg7[%dma_start3A_351, %dma_start3A_352] : memref<32x128xi32, #tpu.memory_space<vmem>> -> memref<1x128xi32, #tpu.memory_space<vmem>>
      %dma_start3A_354 = tpu.memref_squeeze %dma_start3A_353 : memref<1x128xi32, #tpu.memory_space<vmem>> -> memref<128xi32, #tpu.memory_space<vmem>>
      %dma_start3A_355 = arith.constant 0 : i32
      %dma_start3A_356 = arith.constant 0 : i32
      %dma_start3A_357 = tpu.memref_slice %arg2[%dma_start3A_355, %dma_start3A_356] : memref<160000x128xf32, #tpu.memory_space<hbm>> -> memref<160000x128xf32, #tpu.memory_space<hbm>>
      tpu.enqueue_indirect_dma source(%dma_start3A_357 : memref<160000x128xf32, #tpu.memory_space<hbm>>) target(%arg10 : memref<128x128xf32, #tpu.memory_space<vmem>>) offsets(%dma_start3A_354 : memref<128xi32, #tpu.memory_space<vmem>>) semaphore(%arg13 : memref<!tpu.dma_semaphore, #tpu.memory_space<semaphore_mem>>)
      %dma_wait3A_358 = arith.constant 20 : i32
      %dma_wait3A_359 = arith.constant 0 : i32
      %dma_wait3A_360 = tpu.memref_slice %arg7[%dma_wait3A_358, %dma_wait3A_359] : memref<32x128xi32, #tpu.memory_space<vmem>> -> memref<1x128xi32, #tpu.memory_space<vmem>>
      %dma_wait3A_361 = tpu.memref_squeeze %dma_wait3A_360 : memref<1x128xi32, #tpu.memory_space<vmem>> -> memref<128xi32, #tpu.memory_space<vmem>>
      %dma_wait3A_362 = arith.constant 0 : i32
      %dma_wait3A_363 = arith.constant 0 : i32
      %dma_wait3A_364 = tpu.memref_slice %arg2[%dma_wait3A_362, %dma_wait3A_363] : memref<160000x128xf32, #tpu.memory_space<hbm>> -> memref<160000x128xf32, #tpu.memory_space<hbm>>
      tpu.wait_indirect_dma semaphore(%arg12 : memref<!tpu.dma_semaphore, #tpu.memory_space<semaphore_mem>>) src(%dma_wait3A_364 : memref<160000x128xf32, #tpu.memory_space<hbm>>) dst(%arg9 : memref<128x128xf32, #tpu.memory_space<vmem>>)
      %run_scoped3A_365 = arith.constant 20 : i32
      "tpu.region"() ({
        %run_scoped3A_524 = tpu.sem_alloc : memref<!tpu.dma_semaphore, #tpu.memory_space<semaphore_mem>>
        %dma_start3A_525 = arith.constant 0 : i32
        %dma_start3A_526 = tpu.memref_slice %arg8[%run_scoped3A_365, %dma_start3A_525] : memref<32x128xi32, #tpu.memory_space<vmem>> -> memref<1x128xi32, #tpu.memory_space<vmem>>
        %dma_start3A_527 = tpu.memref_squeeze %dma_start3A_526 : memref<1x128xi32, #tpu.memory_space<vmem>> -> memref<128xi32, #tpu.memory_space<vmem>>
        %dma_start3A_528 = arith.constant 0 : i32
        %dma_start3A_529 = arith.constant 0 : i32
        %dma_start3A_530 = tpu.memref_slice %arg11[%dma_start3A_528, %dma_start3A_529] : memref<10112x128xf32, #tpu.memory_space<vmem_shared>> -> memref<10112x128xf32, #tpu.memory_space<vmem_shared>>
        tpu.enqueue_indirect_dma source(%arg9 : memref<128x128xf32, #tpu.memory_space<vmem>>) target(%dma_start3A_530 : memref<10112x128xf32, #tpu.memory_space<vmem_shared>>) offsets(%dma_start3A_527 : memref<128xi32, #tpu.memory_space<vmem>>) semaphore(%run_scoped3A_524 : memref<!tpu.dma_semaphore, #tpu.memory_space<semaphore_mem>>) {add = true}
        %dma_wait3A_531 = arith.constant 0 : i32
        %dma_wait3A_532 = tpu.memref_slice %arg8[%run_scoped3A_365, %dma_wait3A_531] : memref<32x128xi32, #tpu.memory_space<vmem>> -> memref<1x128xi32, #tpu.memory_space<vmem>>
        %dma_wait3A_533 = tpu.memref_squeeze %dma_wait3A_532 : memref<1x128xi32, #tpu.memory_space<vmem>> -> memref<128xi32, #tpu.memory_space<vmem>>
        %dma_wait3A_534 = arith.constant 0 : i32
        %dma_wait3A_535 = arith.constant 0 : i32
        %dma_wait3A_536 = tpu.memref_slice %arg11[%dma_wait3A_534, %dma_wait3A_535] : memref<10112x128xf32, #tpu.memory_space<vmem_shared>> -> memref<10112x128xf32, #tpu.memory_space<vmem_shared>>
        tpu.wait_indirect_dma semaphore(%run_scoped3A_524 : memref<!tpu.dma_semaphore, #tpu.memory_space<semaphore_mem>>) src(%arg9 : memref<128x128xf32, #tpu.memory_space<vmem>>) dst(%dma_wait3A_536 : memref<10112x128xf32, #tpu.memory_space<vmem_shared>>)
        tpu.yield
      }) : () -> ()
      %dma_start3A_366 = arith.constant 22 : i32
      %dma_start3A_367 = arith.constant 0 : i32
      %dma_start3A_368 = tpu.memref_slice %arg7[%dma_start3A_366, %dma_start3A_367] : memref<32x128xi32, #tpu.memory_space<vmem>> -> memref<1x128xi32, #tpu.memory_space<vmem>>
      %dma_start3A_369 = tpu.memref_squeeze %dma_start3A_368 : memref<1x128xi32, #tpu.memory_space<vmem>> -> memref<128xi32, #tpu.memory_space<vmem>>
      %dma_start3A_370 = arith.constant 0 : i32
      %dma_start3A_371 = arith.constant 0 : i32
      %dma_start3A_372 = tpu.memref_slice %arg2[%dma_start3A_370, %dma_start3A_371] : memref<160000x128xf32, #tpu.memory_space<hbm>> -> memref<160000x128xf32, #tpu.memory_space<hbm>>
      tpu.enqueue_indirect_dma source(%dma_start3A_372 : memref<160000x128xf32, #tpu.memory_space<hbm>>) target(%arg9 : memref<128x128xf32, #tpu.memory_space<vmem>>) offsets(%dma_start3A_369 : memref<128xi32, #tpu.memory_space<vmem>>) semaphore(%arg12 : memref<!tpu.dma_semaphore, #tpu.memory_space<semaphore_mem>>)
      %dma_wait3A_373 = arith.constant 21 : i32
      %dma_wait3A_374 = arith.constant 0 : i32
      %dma_wait3A_375 = tpu.memref_slice %arg7[%dma_wait3A_373, %dma_wait3A_374] : memref<32x128xi32, #tpu.memory_space<vmem>> -> memref<1x128xi32, #tpu.memory_space<vmem>>
      %dma_wait3A_376 = tpu.memref_squeeze %dma_wait3A_375 : memref<1x128xi32, #tpu.memory_space<vmem>> -> memref<128xi32, #tpu.memory_space<vmem>>
      %dma_wait3A_377 = arith.constant 0 : i32
      %dma_wait3A_378 = arith.constant 0 : i32
      %dma_wait3A_379 = tpu.memref_slice %arg2[%dma_wait3A_377, %dma_wait3A_378] : memref<160000x128xf32, #tpu.memory_space<hbm>> -> memref<160000x128xf32, #tpu.memory_space<hbm>>
      tpu.wait_indirect_dma semaphore(%arg13 : memref<!tpu.dma_semaphore, #tpu.memory_space<semaphore_mem>>) src(%dma_wait3A_379 : memref<160000x128xf32, #tpu.memory_space<hbm>>) dst(%arg10 : memref<128x128xf32, #tpu.memory_space<vmem>>)
      %run_scoped3A_380 = arith.constant 21 : i32
      "tpu.region"() ({
        %run_scoped3A_524 = tpu.sem_alloc : memref<!tpu.dma_semaphore, #tpu.memory_space<semaphore_mem>>
        %dma_start3A_525 = arith.constant 0 : i32
        %dma_start3A_526 = tpu.memref_slice %arg8[%run_scoped3A_380, %dma_start3A_525] : memref<32x128xi32, #tpu.memory_space<vmem>> -> memref<1x128xi32, #tpu.memory_space<vmem>>
        %dma_start3A_527 = tpu.memref_squeeze %dma_start3A_526 : memref<1x128xi32, #tpu.memory_space<vmem>> -> memref<128xi32, #tpu.memory_space<vmem>>
        %dma_start3A_528 = arith.constant 0 : i32
        %dma_start3A_529 = arith.constant 0 : i32
        %dma_start3A_530 = tpu.memref_slice %arg11[%dma_start3A_528, %dma_start3A_529] : memref<10112x128xf32, #tpu.memory_space<vmem_shared>> -> memref<10112x128xf32, #tpu.memory_space<vmem_shared>>
        tpu.enqueue_indirect_dma source(%arg10 : memref<128x128xf32, #tpu.memory_space<vmem>>) target(%dma_start3A_530 : memref<10112x128xf32, #tpu.memory_space<vmem_shared>>) offsets(%dma_start3A_527 : memref<128xi32, #tpu.memory_space<vmem>>) semaphore(%run_scoped3A_524 : memref<!tpu.dma_semaphore, #tpu.memory_space<semaphore_mem>>) {add = true}
        %dma_wait3A_531 = arith.constant 0 : i32
        %dma_wait3A_532 = tpu.memref_slice %arg8[%run_scoped3A_380, %dma_wait3A_531] : memref<32x128xi32, #tpu.memory_space<vmem>> -> memref<1x128xi32, #tpu.memory_space<vmem>>
        %dma_wait3A_533 = tpu.memref_squeeze %dma_wait3A_532 : memref<1x128xi32, #tpu.memory_space<vmem>> -> memref<128xi32, #tpu.memory_space<vmem>>
        %dma_wait3A_534 = arith.constant 0 : i32
        %dma_wait3A_535 = arith.constant 0 : i32
        %dma_wait3A_536 = tpu.memref_slice %arg11[%dma_wait3A_534, %dma_wait3A_535] : memref<10112x128xf32, #tpu.memory_space<vmem_shared>> -> memref<10112x128xf32, #tpu.memory_space<vmem_shared>>
        tpu.wait_indirect_dma semaphore(%run_scoped3A_524 : memref<!tpu.dma_semaphore, #tpu.memory_space<semaphore_mem>>) src(%arg10 : memref<128x128xf32, #tpu.memory_space<vmem>>) dst(%dma_wait3A_536 : memref<10112x128xf32, #tpu.memory_space<vmem_shared>>)
        tpu.yield
      }) : () -> ()
      %dma_start3A_381 = arith.constant 23 : i32
      %dma_start3A_382 = arith.constant 0 : i32
      %dma_start3A_383 = tpu.memref_slice %arg7[%dma_start3A_381, %dma_start3A_382] : memref<32x128xi32, #tpu.memory_space<vmem>> -> memref<1x128xi32, #tpu.memory_space<vmem>>
      %dma_start3A_384 = tpu.memref_squeeze %dma_start3A_383 : memref<1x128xi32, #tpu.memory_space<vmem>> -> memref<128xi32, #tpu.memory_space<vmem>>
      %dma_start3A_385 = arith.constant 0 : i32
      %dma_start3A_386 = arith.constant 0 : i32
      %dma_start3A_387 = tpu.memref_slice %arg2[%dma_start3A_385, %dma_start3A_386] : memref<160000x128xf32, #tpu.memory_space<hbm>> -> memref<160000x128xf32, #tpu.memory_space<hbm>>
      tpu.enqueue_indirect_dma source(%dma_start3A_387 : memref<160000x128xf32, #tpu.memory_space<hbm>>) target(%arg10 : memref<128x128xf32, #tpu.memory_space<vmem>>) offsets(%dma_start3A_384 : memref<128xi32, #tpu.memory_space<vmem>>) semaphore(%arg13 : memref<!tpu.dma_semaphore, #tpu.memory_space<semaphore_mem>>)
      %dma_wait3A_388 = arith.constant 22 : i32
      %dma_wait3A_389 = arith.constant 0 : i32
      %dma_wait3A_390 = tpu.memref_slice %arg7[%dma_wait3A_388, %dma_wait3A_389] : memref<32x128xi32, #tpu.memory_space<vmem>> -> memref<1x128xi32, #tpu.memory_space<vmem>>
      %dma_wait3A_391 = tpu.memref_squeeze %dma_wait3A_390 : memref<1x128xi32, #tpu.memory_space<vmem>> -> memref<128xi32, #tpu.memory_space<vmem>>
      %dma_wait3A_392 = arith.constant 0 : i32
      %dma_wait3A_393 = arith.constant 0 : i32
      %dma_wait3A_394 = tpu.memref_slice %arg2[%dma_wait3A_392, %dma_wait3A_393] : memref<160000x128xf32, #tpu.memory_space<hbm>> -> memref<160000x128xf32, #tpu.memory_space<hbm>>
      tpu.wait_indirect_dma semaphore(%arg12 : memref<!tpu.dma_semaphore, #tpu.memory_space<semaphore_mem>>) src(%dma_wait3A_394 : memref<160000x128xf32, #tpu.memory_space<hbm>>) dst(%arg9 : memref<128x128xf32, #tpu.memory_space<vmem>>)
      %run_scoped3A_395 = arith.constant 22 : i32
      "tpu.region"() ({
        %run_scoped3A_524 = tpu.sem_alloc : memref<!tpu.dma_semaphore, #tpu.memory_space<semaphore_mem>>
        %dma_start3A_525 = arith.constant 0 : i32
        %dma_start3A_526 = tpu.memref_slice %arg8[%run_scoped3A_395, %dma_start3A_525] : memref<32x128xi32, #tpu.memory_space<vmem>> -> memref<1x128xi32, #tpu.memory_space<vmem>>
        %dma_start3A_527 = tpu.memref_squeeze %dma_start3A_526 : memref<1x128xi32, #tpu.memory_space<vmem>> -> memref<128xi32, #tpu.memory_space<vmem>>
        %dma_start3A_528 = arith.constant 0 : i32
        %dma_start3A_529 = arith.constant 0 : i32
        %dma_start3A_530 = tpu.memref_slice %arg11[%dma_start3A_528, %dma_start3A_529] : memref<10112x128xf32, #tpu.memory_space<vmem_shared>> -> memref<10112x128xf32, #tpu.memory_space<vmem_shared>>
        tpu.enqueue_indirect_dma source(%arg9 : memref<128x128xf32, #tpu.memory_space<vmem>>) target(%dma_start3A_530 : memref<10112x128xf32, #tpu.memory_space<vmem_shared>>) offsets(%dma_start3A_527 : memref<128xi32, #tpu.memory_space<vmem>>) semaphore(%run_scoped3A_524 : memref<!tpu.dma_semaphore, #tpu.memory_space<semaphore_mem>>) {add = true}
        %dma_wait3A_531 = arith.constant 0 : i32
        %dma_wait3A_532 = tpu.memref_slice %arg8[%run_scoped3A_395, %dma_wait3A_531] : memref<32x128xi32, #tpu.memory_space<vmem>> -> memref<1x128xi32, #tpu.memory_space<vmem>>
        %dma_wait3A_533 = tpu.memref_squeeze %dma_wait3A_532 : memref<1x128xi32, #tpu.memory_space<vmem>> -> memref<128xi32, #tpu.memory_space<vmem>>
        %dma_wait3A_534 = arith.constant 0 : i32
        %dma_wait3A_535 = arith.constant 0 : i32
        %dma_wait3A_536 = tpu.memref_slice %arg11[%dma_wait3A_534, %dma_wait3A_535] : memref<10112x128xf32, #tpu.memory_space<vmem_shared>> -> memref<10112x128xf32, #tpu.memory_space<vmem_shared>>
        tpu.wait_indirect_dma semaphore(%run_scoped3A_524 : memref<!tpu.dma_semaphore, #tpu.memory_space<semaphore_mem>>) src(%arg9 : memref<128x128xf32, #tpu.memory_space<vmem>>) dst(%dma_wait3A_536 : memref<10112x128xf32, #tpu.memory_space<vmem_shared>>)
        tpu.yield
      }) : () -> ()
      %dma_start3A_396 = arith.constant 24 : i32
      %dma_start3A_397 = arith.constant 0 : i32
      %dma_start3A_398 = tpu.memref_slice %arg7[%dma_start3A_396, %dma_start3A_397] : memref<32x128xi32, #tpu.memory_space<vmem>> -> memref<1x128xi32, #tpu.memory_space<vmem>>
      %dma_start3A_399 = tpu.memref_squeeze %dma_start3A_398 : memref<1x128xi32, #tpu.memory_space<vmem>> -> memref<128xi32, #tpu.memory_space<vmem>>
      %dma_start3A_400 = arith.constant 0 : i32
      %dma_start3A_401 = arith.constant 0 : i32
      %dma_start3A_402 = tpu.memref_slice %arg2[%dma_start3A_400, %dma_start3A_401] : memref<160000x128xf32, #tpu.memory_space<hbm>> -> memref<160000x128xf32, #tpu.memory_space<hbm>>
      tpu.enqueue_indirect_dma source(%dma_start3A_402 : memref<160000x128xf32, #tpu.memory_space<hbm>>) target(%arg9 : memref<128x128xf32, #tpu.memory_space<vmem>>) offsets(%dma_start3A_399 : memref<128xi32, #tpu.memory_space<vmem>>) semaphore(%arg12 : memref<!tpu.dma_semaphore, #tpu.memory_space<semaphore_mem>>)
      %dma_wait3A_403 = arith.constant 23 : i32
      %dma_wait3A_404 = arith.constant 0 : i32
      %dma_wait3A_405 = tpu.memref_slice %arg7[%dma_wait3A_403, %dma_wait3A_404] : memref<32x128xi32, #tpu.memory_space<vmem>> -> memref<1x128xi32, #tpu.memory_space<vmem>>
      %dma_wait3A_406 = tpu.memref_squeeze %dma_wait3A_405 : memref<1x128xi32, #tpu.memory_space<vmem>> -> memref<128xi32, #tpu.memory_space<vmem>>
      %dma_wait3A_407 = arith.constant 0 : i32
      %dma_wait3A_408 = arith.constant 0 : i32
      %dma_wait3A_409 = tpu.memref_slice %arg2[%dma_wait3A_407, %dma_wait3A_408] : memref<160000x128xf32, #tpu.memory_space<hbm>> -> memref<160000x128xf32, #tpu.memory_space<hbm>>
      tpu.wait_indirect_dma semaphore(%arg13 : memref<!tpu.dma_semaphore, #tpu.memory_space<semaphore_mem>>) src(%dma_wait3A_409 : memref<160000x128xf32, #tpu.memory_space<hbm>>) dst(%arg10 : memref<128x128xf32, #tpu.memory_space<vmem>>)
      %run_scoped3A_410 = arith.constant 23 : i32
      "tpu.region"() ({
        %run_scoped3A_524 = tpu.sem_alloc : memref<!tpu.dma_semaphore, #tpu.memory_space<semaphore_mem>>
        %dma_start3A_525 = arith.constant 0 : i32
        %dma_start3A_526 = tpu.memref_slice %arg8[%run_scoped3A_410, %dma_start3A_525] : memref<32x128xi32, #tpu.memory_space<vmem>> -> memref<1x128xi32, #tpu.memory_space<vmem>>
        %dma_start3A_527 = tpu.memref_squeeze %dma_start3A_526 : memref<1x128xi32, #tpu.memory_space<vmem>> -> memref<128xi32, #tpu.memory_space<vmem>>
        %dma_start3A_528 = arith.constant 0 : i32
        %dma_start3A_529 = arith.constant 0 : i32
        %dma_start3A_530 = tpu.memref_slice %arg11[%dma_start3A_528, %dma_start3A_529] : memref<10112x128xf32, #tpu.memory_space<vmem_shared>> -> memref<10112x128xf32, #tpu.memory_space<vmem_shared>>
        tpu.enqueue_indirect_dma source(%arg10 : memref<128x128xf32, #tpu.memory_space<vmem>>) target(%dma_start3A_530 : memref<10112x128xf32, #tpu.memory_space<vmem_shared>>) offsets(%dma_start3A_527 : memref<128xi32, #tpu.memory_space<vmem>>) semaphore(%run_scoped3A_524 : memref<!tpu.dma_semaphore, #tpu.memory_space<semaphore_mem>>) {add = true}
        %dma_wait3A_531 = arith.constant 0 : i32
        %dma_wait3A_532 = tpu.memref_slice %arg8[%run_scoped3A_410, %dma_wait3A_531] : memref<32x128xi32, #tpu.memory_space<vmem>> -> memref<1x128xi32, #tpu.memory_space<vmem>>
        %dma_wait3A_533 = tpu.memref_squeeze %dma_wait3A_532 : memref<1x128xi32, #tpu.memory_space<vmem>> -> memref<128xi32, #tpu.memory_space<vmem>>
        %dma_wait3A_534 = arith.constant 0 : i32
        %dma_wait3A_535 = arith.constant 0 : i32
        %dma_wait3A_536 = tpu.memref_slice %arg11[%dma_wait3A_534, %dma_wait3A_535] : memref<10112x128xf32, #tpu.memory_space<vmem_shared>> -> memref<10112x128xf32, #tpu.memory_space<vmem_shared>>
        tpu.wait_indirect_dma semaphore(%run_scoped3A_524 : memref<!tpu.dma_semaphore, #tpu.memory_space<semaphore_mem>>) src(%arg10 : memref<128x128xf32, #tpu.memory_space<vmem>>) dst(%dma_wait3A_536 : memref<10112x128xf32, #tpu.memory_space<vmem_shared>>)
        tpu.yield
      }) : () -> ()
      %dma_start3A_411 = arith.constant 25 : i32
      %dma_start3A_412 = arith.constant 0 : i32
      %dma_start3A_413 = tpu.memref_slice %arg7[%dma_start3A_411, %dma_start3A_412] : memref<32x128xi32, #tpu.memory_space<vmem>> -> memref<1x128xi32, #tpu.memory_space<vmem>>
      %dma_start3A_414 = tpu.memref_squeeze %dma_start3A_413 : memref<1x128xi32, #tpu.memory_space<vmem>> -> memref<128xi32, #tpu.memory_space<vmem>>
      %dma_start3A_415 = arith.constant 0 : i32
      %dma_start3A_416 = arith.constant 0 : i32
      %dma_start3A_417 = tpu.memref_slice %arg2[%dma_start3A_415, %dma_start3A_416] : memref<160000x128xf32, #tpu.memory_space<hbm>> -> memref<160000x128xf32, #tpu.memory_space<hbm>>
      tpu.enqueue_indirect_dma source(%dma_start3A_417 : memref<160000x128xf32, #tpu.memory_space<hbm>>) target(%arg10 : memref<128x128xf32, #tpu.memory_space<vmem>>) offsets(%dma_start3A_414 : memref<128xi32, #tpu.memory_space<vmem>>) semaphore(%arg13 : memref<!tpu.dma_semaphore, #tpu.memory_space<semaphore_mem>>)
      %dma_wait3A_418 = arith.constant 24 : i32
      %dma_wait3A_419 = arith.constant 0 : i32
      %dma_wait3A_420 = tpu.memref_slice %arg7[%dma_wait3A_418, %dma_wait3A_419] : memref<32x128xi32, #tpu.memory_space<vmem>> -> memref<1x128xi32, #tpu.memory_space<vmem>>
      %dma_wait3A_421 = tpu.memref_squeeze %dma_wait3A_420 : memref<1x128xi32, #tpu.memory_space<vmem>> -> memref<128xi32, #tpu.memory_space<vmem>>
      %dma_wait3A_422 = arith.constant 0 : i32
      %dma_wait3A_423 = arith.constant 0 : i32
      %dma_wait3A_424 = tpu.memref_slice %arg2[%dma_wait3A_422, %dma_wait3A_423] : memref<160000x128xf32, #tpu.memory_space<hbm>> -> memref<160000x128xf32, #tpu.memory_space<hbm>>
      tpu.wait_indirect_dma semaphore(%arg12 : memref<!tpu.dma_semaphore, #tpu.memory_space<semaphore_mem>>) src(%dma_wait3A_424 : memref<160000x128xf32, #tpu.memory_space<hbm>>) dst(%arg9 : memref<128x128xf32, #tpu.memory_space<vmem>>)
      %run_scoped3A_425 = arith.constant 24 : i32
      "tpu.region"() ({
        %run_scoped3A_524 = tpu.sem_alloc : memref<!tpu.dma_semaphore, #tpu.memory_space<semaphore_mem>>
        %dma_start3A_525 = arith.constant 0 : i32
        %dma_start3A_526 = tpu.memref_slice %arg8[%run_scoped3A_425, %dma_start3A_525] : memref<32x128xi32, #tpu.memory_space<vmem>> -> memref<1x128xi32, #tpu.memory_space<vmem>>
        %dma_start3A_527 = tpu.memref_squeeze %dma_start3A_526 : memref<1x128xi32, #tpu.memory_space<vmem>> -> memref<128xi32, #tpu.memory_space<vmem>>
        %dma_start3A_528 = arith.constant 0 : i32
        %dma_start3A_529 = arith.constant 0 : i32
        %dma_start3A_530 = tpu.memref_slice %arg11[%dma_start3A_528, %dma_start3A_529] : memref<10112x128xf32, #tpu.memory_space<vmem_shared>> -> memref<10112x128xf32, #tpu.memory_space<vmem_shared>>
        tpu.enqueue_indirect_dma source(%arg9 : memref<128x128xf32, #tpu.memory_space<vmem>>) target(%dma_start3A_530 : memref<10112x128xf32, #tpu.memory_space<vmem_shared>>) offsets(%dma_start3A_527 : memref<128xi32, #tpu.memory_space<vmem>>) semaphore(%run_scoped3A_524 : memref<!tpu.dma_semaphore, #tpu.memory_space<semaphore_mem>>) {add = true}
        %dma_wait3A_531 = arith.constant 0 : i32
        %dma_wait3A_532 = tpu.memref_slice %arg8[%run_scoped3A_425, %dma_wait3A_531] : memref<32x128xi32, #tpu.memory_space<vmem>> -> memref<1x128xi32, #tpu.memory_space<vmem>>
        %dma_wait3A_533 = tpu.memref_squeeze %dma_wait3A_532 : memref<1x128xi32, #tpu.memory_space<vmem>> -> memref<128xi32, #tpu.memory_space<vmem>>
        %dma_wait3A_534 = arith.constant 0 : i32
        %dma_wait3A_535 = arith.constant 0 : i32
        %dma_wait3A_536 = tpu.memref_slice %arg11[%dma_wait3A_534, %dma_wait3A_535] : memref<10112x128xf32, #tpu.memory_space<vmem_shared>> -> memref<10112x128xf32, #tpu.memory_space<vmem_shared>>
        tpu.wait_indirect_dma semaphore(%run_scoped3A_524 : memref<!tpu.dma_semaphore, #tpu.memory_space<semaphore_mem>>) src(%arg9 : memref<128x128xf32, #tpu.memory_space<vmem>>) dst(%dma_wait3A_536 : memref<10112x128xf32, #tpu.memory_space<vmem_shared>>)
        tpu.yield
      }) : () -> ()
      %dma_start3A_426 = arith.constant 26 : i32
      %dma_start3A_427 = arith.constant 0 : i32
      %dma_start3A_428 = tpu.memref_slice %arg7[%dma_start3A_426, %dma_start3A_427] : memref<32x128xi32, #tpu.memory_space<vmem>> -> memref<1x128xi32, #tpu.memory_space<vmem>>
      %dma_start3A_429 = tpu.memref_squeeze %dma_start3A_428 : memref<1x128xi32, #tpu.memory_space<vmem>> -> memref<128xi32, #tpu.memory_space<vmem>>
      %dma_start3A_430 = arith.constant 0 : i32
      %dma_start3A_431 = arith.constant 0 : i32
      %dma_start3A_432 = tpu.memref_slice %arg2[%dma_start3A_430, %dma_start3A_431] : memref<160000x128xf32, #tpu.memory_space<hbm>> -> memref<160000x128xf32, #tpu.memory_space<hbm>>
      tpu.enqueue_indirect_dma source(%dma_start3A_432 : memref<160000x128xf32, #tpu.memory_space<hbm>>) target(%arg9 : memref<128x128xf32, #tpu.memory_space<vmem>>) offsets(%dma_start3A_429 : memref<128xi32, #tpu.memory_space<vmem>>) semaphore(%arg12 : memref<!tpu.dma_semaphore, #tpu.memory_space<semaphore_mem>>)
      %dma_wait3A_433 = arith.constant 25 : i32
      %dma_wait3A_434 = arith.constant 0 : i32
      %dma_wait3A_435 = tpu.memref_slice %arg7[%dma_wait3A_433, %dma_wait3A_434] : memref<32x128xi32, #tpu.memory_space<vmem>> -> memref<1x128xi32, #tpu.memory_space<vmem>>
      %dma_wait3A_436 = tpu.memref_squeeze %dma_wait3A_435 : memref<1x128xi32, #tpu.memory_space<vmem>> -> memref<128xi32, #tpu.memory_space<vmem>>
      %dma_wait3A_437 = arith.constant 0 : i32
      %dma_wait3A_438 = arith.constant 0 : i32
      %dma_wait3A_439 = tpu.memref_slice %arg2[%dma_wait3A_437, %dma_wait3A_438] : memref<160000x128xf32, #tpu.memory_space<hbm>> -> memref<160000x128xf32, #tpu.memory_space<hbm>>
      tpu.wait_indirect_dma semaphore(%arg13 : memref<!tpu.dma_semaphore, #tpu.memory_space<semaphore_mem>>) src(%dma_wait3A_439 : memref<160000x128xf32, #tpu.memory_space<hbm>>) dst(%arg10 : memref<128x128xf32, #tpu.memory_space<vmem>>)
      %run_scoped3A_440 = arith.constant 25 : i32
      "tpu.region"() ({
        %run_scoped3A_524 = tpu.sem_alloc : memref<!tpu.dma_semaphore, #tpu.memory_space<semaphore_mem>>
        %dma_start3A_525 = arith.constant 0 : i32
        %dma_start3A_526 = tpu.memref_slice %arg8[%run_scoped3A_440, %dma_start3A_525] : memref<32x128xi32, #tpu.memory_space<vmem>> -> memref<1x128xi32, #tpu.memory_space<vmem>>
        %dma_start3A_527 = tpu.memref_squeeze %dma_start3A_526 : memref<1x128xi32, #tpu.memory_space<vmem>> -> memref<128xi32, #tpu.memory_space<vmem>>
        %dma_start3A_528 = arith.constant 0 : i32
        %dma_start3A_529 = arith.constant 0 : i32
        %dma_start3A_530 = tpu.memref_slice %arg11[%dma_start3A_528, %dma_start3A_529] : memref<10112x128xf32, #tpu.memory_space<vmem_shared>> -> memref<10112x128xf32, #tpu.memory_space<vmem_shared>>
        tpu.enqueue_indirect_dma source(%arg10 : memref<128x128xf32, #tpu.memory_space<vmem>>) target(%dma_start3A_530 : memref<10112x128xf32, #tpu.memory_space<vmem_shared>>) offsets(%dma_start3A_527 : memref<128xi32, #tpu.memory_space<vmem>>) semaphore(%run_scoped3A_524 : memref<!tpu.dma_semaphore, #tpu.memory_space<semaphore_mem>>) {add = true}
        %dma_wait3A_531 = arith.constant 0 : i32
        %dma_wait3A_532 = tpu.memref_slice %arg8[%run_scoped3A_440, %dma_wait3A_531] : memref<32x128xi32, #tpu.memory_space<vmem>> -> memref<1x128xi32, #tpu.memory_space<vmem>>
        %dma_wait3A_533 = tpu.memref_squeeze %dma_wait3A_532 : memref<1x128xi32, #tpu.memory_space<vmem>> -> memref<128xi32, #tpu.memory_space<vmem>>
        %dma_wait3A_534 = arith.constant 0 : i32
        %dma_wait3A_535 = arith.constant 0 : i32
        %dma_wait3A_536 = tpu.memref_slice %arg11[%dma_wait3A_534, %dma_wait3A_535] : memref<10112x128xf32, #tpu.memory_space<vmem_shared>> -> memref<10112x128xf32, #tpu.memory_space<vmem_shared>>
        tpu.wait_indirect_dma semaphore(%run_scoped3A_524 : memref<!tpu.dma_semaphore, #tpu.memory_space<semaphore_mem>>) src(%arg10 : memref<128x128xf32, #tpu.memory_space<vmem>>) dst(%dma_wait3A_536 : memref<10112x128xf32, #tpu.memory_space<vmem_shared>>)
        tpu.yield
      }) : () -> ()
      %dma_start3A_441 = arith.constant 27 : i32
      %dma_start3A_442 = arith.constant 0 : i32
      %dma_start3A_443 = tpu.memref_slice %arg7[%dma_start3A_441, %dma_start3A_442] : memref<32x128xi32, #tpu.memory_space<vmem>> -> memref<1x128xi32, #tpu.memory_space<vmem>>
      %dma_start3A_444 = tpu.memref_squeeze %dma_start3A_443 : memref<1x128xi32, #tpu.memory_space<vmem>> -> memref<128xi32, #tpu.memory_space<vmem>>
      %dma_start3A_445 = arith.constant 0 : i32
      %dma_start3A_446 = arith.constant 0 : i32
      %dma_start3A_447 = tpu.memref_slice %arg2[%dma_start3A_445, %dma_start3A_446] : memref<160000x128xf32, #tpu.memory_space<hbm>> -> memref<160000x128xf32, #tpu.memory_space<hbm>>
      tpu.enqueue_indirect_dma source(%dma_start3A_447 : memref<160000x128xf32, #tpu.memory_space<hbm>>) target(%arg10 : memref<128x128xf32, #tpu.memory_space<vmem>>) offsets(%dma_start3A_444 : memref<128xi32, #tpu.memory_space<vmem>>) semaphore(%arg13 : memref<!tpu.dma_semaphore, #tpu.memory_space<semaphore_mem>>)
      %dma_wait3A_448 = arith.constant 26 : i32
      %dma_wait3A_449 = arith.constant 0 : i32
      %dma_wait3A_450 = tpu.memref_slice %arg7[%dma_wait3A_448, %dma_wait3A_449] : memref<32x128xi32, #tpu.memory_space<vmem>> -> memref<1x128xi32, #tpu.memory_space<vmem>>
      %dma_wait3A_451 = tpu.memref_squeeze %dma_wait3A_450 : memref<1x128xi32, #tpu.memory_space<vmem>> -> memref<128xi32, #tpu.memory_space<vmem>>
      %dma_wait3A_452 = arith.constant 0 : i32
      %dma_wait3A_453 = arith.constant 0 : i32
      %dma_wait3A_454 = tpu.memref_slice %arg2[%dma_wait3A_452, %dma_wait3A_453] : memref<160000x128xf32, #tpu.memory_space<hbm>> -> memref<160000x128xf32, #tpu.memory_space<hbm>>
      tpu.wait_indirect_dma semaphore(%arg12 : memref<!tpu.dma_semaphore, #tpu.memory_space<semaphore_mem>>) src(%dma_wait3A_454 : memref<160000x128xf32, #tpu.memory_space<hbm>>) dst(%arg9 : memref<128x128xf32, #tpu.memory_space<vmem>>)
      %run_scoped3A_455 = arith.constant 26 : i32
      "tpu.region"() ({
        %run_scoped3A_524 = tpu.sem_alloc : memref<!tpu.dma_semaphore, #tpu.memory_space<semaphore_mem>>
        %dma_start3A_525 = arith.constant 0 : i32
        %dma_start3A_526 = tpu.memref_slice %arg8[%run_scoped3A_455, %dma_start3A_525] : memref<32x128xi32, #tpu.memory_space<vmem>> -> memref<1x128xi32, #tpu.memory_space<vmem>>
        %dma_start3A_527 = tpu.memref_squeeze %dma_start3A_526 : memref<1x128xi32, #tpu.memory_space<vmem>> -> memref<128xi32, #tpu.memory_space<vmem>>
        %dma_start3A_528 = arith.constant 0 : i32
        %dma_start3A_529 = arith.constant 0 : i32
        %dma_start3A_530 = tpu.memref_slice %arg11[%dma_start3A_528, %dma_start3A_529] : memref<10112x128xf32, #tpu.memory_space<vmem_shared>> -> memref<10112x128xf32, #tpu.memory_space<vmem_shared>>
        tpu.enqueue_indirect_dma source(%arg9 : memref<128x128xf32, #tpu.memory_space<vmem>>) target(%dma_start3A_530 : memref<10112x128xf32, #tpu.memory_space<vmem_shared>>) offsets(%dma_start3A_527 : memref<128xi32, #tpu.memory_space<vmem>>) semaphore(%run_scoped3A_524 : memref<!tpu.dma_semaphore, #tpu.memory_space<semaphore_mem>>) {add = true}
        %dma_wait3A_531 = arith.constant 0 : i32
        %dma_wait3A_532 = tpu.memref_slice %arg8[%run_scoped3A_455, %dma_wait3A_531] : memref<32x128xi32, #tpu.memory_space<vmem>> -> memref<1x128xi32, #tpu.memory_space<vmem>>
        %dma_wait3A_533 = tpu.memref_squeeze %dma_wait3A_532 : memref<1x128xi32, #tpu.memory_space<vmem>> -> memref<128xi32, #tpu.memory_space<vmem>>
        %dma_wait3A_534 = arith.constant 0 : i32
        %dma_wait3A_535 = arith.constant 0 : i32
        %dma_wait3A_536 = tpu.memref_slice %arg11[%dma_wait3A_534, %dma_wait3A_535] : memref<10112x128xf32, #tpu.memory_space<vmem_shared>> -> memref<10112x128xf32, #tpu.memory_space<vmem_shared>>
        tpu.wait_indirect_dma semaphore(%run_scoped3A_524 : memref<!tpu.dma_semaphore, #tpu.memory_space<semaphore_mem>>) src(%arg9 : memref<128x128xf32, #tpu.memory_space<vmem>>) dst(%dma_wait3A_536 : memref<10112x128xf32, #tpu.memory_space<vmem_shared>>)
        tpu.yield
      }) : () -> ()
      %dma_start3A_456 = arith.constant 28 : i32
      %dma_start3A_457 = arith.constant 0 : i32
      %dma_start3A_458 = tpu.memref_slice %arg7[%dma_start3A_456, %dma_start3A_457] : memref<32x128xi32, #tpu.memory_space<vmem>> -> memref<1x128xi32, #tpu.memory_space<vmem>>
      %dma_start3A_459 = tpu.memref_squeeze %dma_start3A_458 : memref<1x128xi32, #tpu.memory_space<vmem>> -> memref<128xi32, #tpu.memory_space<vmem>>
      %dma_start3A_460 = arith.constant 0 : i32
      %dma_start3A_461 = arith.constant 0 : i32
      %dma_start3A_462 = tpu.memref_slice %arg2[%dma_start3A_460, %dma_start3A_461] : memref<160000x128xf32, #tpu.memory_space<hbm>> -> memref<160000x128xf32, #tpu.memory_space<hbm>>
      tpu.enqueue_indirect_dma source(%dma_start3A_462 : memref<160000x128xf32, #tpu.memory_space<hbm>>) target(%arg9 : memref<128x128xf32, #tpu.memory_space<vmem>>) offsets(%dma_start3A_459 : memref<128xi32, #tpu.memory_space<vmem>>) semaphore(%arg12 : memref<!tpu.dma_semaphore, #tpu.memory_space<semaphore_mem>>)
      %dma_wait3A_463 = arith.constant 27 : i32
      %dma_wait3A_464 = arith.constant 0 : i32
      %dma_wait3A_465 = tpu.memref_slice %arg7[%dma_wait3A_463, %dma_wait3A_464] : memref<32x128xi32, #tpu.memory_space<vmem>> -> memref<1x128xi32, #tpu.memory_space<vmem>>
      %dma_wait3A_466 = tpu.memref_squeeze %dma_wait3A_465 : memref<1x128xi32, #tpu.memory_space<vmem>> -> memref<128xi32, #tpu.memory_space<vmem>>
      %dma_wait3A_467 = arith.constant 0 : i32
      %dma_wait3A_468 = arith.constant 0 : i32
      %dma_wait3A_469 = tpu.memref_slice %arg2[%dma_wait3A_467, %dma_wait3A_468] : memref<160000x128xf32, #tpu.memory_space<hbm>> -> memref<160000x128xf32, #tpu.memory_space<hbm>>
      tpu.wait_indirect_dma semaphore(%arg13 : memref<!tpu.dma_semaphore, #tpu.memory_space<semaphore_mem>>) src(%dma_wait3A_469 : memref<160000x128xf32, #tpu.memory_space<hbm>>) dst(%arg10 : memref<128x128xf32, #tpu.memory_space<vmem>>)
      %run_scoped3A_470 = arith.constant 27 : i32
      "tpu.region"() ({
        %run_scoped3A_524 = tpu.sem_alloc : memref<!tpu.dma_semaphore, #tpu.memory_space<semaphore_mem>>
        %dma_start3A_525 = arith.constant 0 : i32
        %dma_start3A_526 = tpu.memref_slice %arg8[%run_scoped3A_470, %dma_start3A_525] : memref<32x128xi32, #tpu.memory_space<vmem>> -> memref<1x128xi32, #tpu.memory_space<vmem>>
        %dma_start3A_527 = tpu.memref_squeeze %dma_start3A_526 : memref<1x128xi32, #tpu.memory_space<vmem>> -> memref<128xi32, #tpu.memory_space<vmem>>
        %dma_start3A_528 = arith.constant 0 : i32
        %dma_start3A_529 = arith.constant 0 : i32
        %dma_start3A_530 = tpu.memref_slice %arg11[%dma_start3A_528, %dma_start3A_529] : memref<10112x128xf32, #tpu.memory_space<vmem_shared>> -> memref<10112x128xf32, #tpu.memory_space<vmem_shared>>
        tpu.enqueue_indirect_dma source(%arg10 : memref<128x128xf32, #tpu.memory_space<vmem>>) target(%dma_start3A_530 : memref<10112x128xf32, #tpu.memory_space<vmem_shared>>) offsets(%dma_start3A_527 : memref<128xi32, #tpu.memory_space<vmem>>) semaphore(%run_scoped3A_524 : memref<!tpu.dma_semaphore, #tpu.memory_space<semaphore_mem>>) {add = true}
        %dma_wait3A_531 = arith.constant 0 : i32
        %dma_wait3A_532 = tpu.memref_slice %arg8[%run_scoped3A_470, %dma_wait3A_531] : memref<32x128xi32, #tpu.memory_space<vmem>> -> memref<1x128xi32, #tpu.memory_space<vmem>>
        %dma_wait3A_533 = tpu.memref_squeeze %dma_wait3A_532 : memref<1x128xi32, #tpu.memory_space<vmem>> -> memref<128xi32, #tpu.memory_space<vmem>>
        %dma_wait3A_534 = arith.constant 0 : i32
        %dma_wait3A_535 = arith.constant 0 : i32
        %dma_wait3A_536 = tpu.memref_slice %arg11[%dma_wait3A_534, %dma_wait3A_535] : memref<10112x128xf32, #tpu.memory_space<vmem_shared>> -> memref<10112x128xf32, #tpu.memory_space<vmem_shared>>
        tpu.wait_indirect_dma semaphore(%run_scoped3A_524 : memref<!tpu.dma_semaphore, #tpu.memory_space<semaphore_mem>>) src(%arg10 : memref<128x128xf32, #tpu.memory_space<vmem>>) dst(%dma_wait3A_536 : memref<10112x128xf32, #tpu.memory_space<vmem_shared>>)
        tpu.yield
      }) : () -> ()
      %dma_start3A_471 = arith.constant 29 : i32
      %dma_start3A_472 = arith.constant 0 : i32
      %dma_start3A_473 = tpu.memref_slice %arg7[%dma_start3A_471, %dma_start3A_472] : memref<32x128xi32, #tpu.memory_space<vmem>> -> memref<1x128xi32, #tpu.memory_space<vmem>>
      %dma_start3A_474 = tpu.memref_squeeze %dma_start3A_473 : memref<1x128xi32, #tpu.memory_space<vmem>> -> memref<128xi32, #tpu.memory_space<vmem>>
      %dma_start3A_475 = arith.constant 0 : i32
      %dma_start3A_476 = arith.constant 0 : i32
      %dma_start3A_477 = tpu.memref_slice %arg2[%dma_start3A_475, %dma_start3A_476] : memref<160000x128xf32, #tpu.memory_space<hbm>> -> memref<160000x128xf32, #tpu.memory_space<hbm>>
      tpu.enqueue_indirect_dma source(%dma_start3A_477 : memref<160000x128xf32, #tpu.memory_space<hbm>>) target(%arg10 : memref<128x128xf32, #tpu.memory_space<vmem>>) offsets(%dma_start3A_474 : memref<128xi32, #tpu.memory_space<vmem>>) semaphore(%arg13 : memref<!tpu.dma_semaphore, #tpu.memory_space<semaphore_mem>>)
      %dma_wait3A_478 = arith.constant 28 : i32
      %dma_wait3A_479 = arith.constant 0 : i32
      %dma_wait3A_480 = tpu.memref_slice %arg7[%dma_wait3A_478, %dma_wait3A_479] : memref<32x128xi32, #tpu.memory_space<vmem>> -> memref<1x128xi32, #tpu.memory_space<vmem>>
      %dma_wait3A_481 = tpu.memref_squeeze %dma_wait3A_480 : memref<1x128xi32, #tpu.memory_space<vmem>> -> memref<128xi32, #tpu.memory_space<vmem>>
      %dma_wait3A_482 = arith.constant 0 : i32
      %dma_wait3A_483 = arith.constant 0 : i32
      %dma_wait3A_484 = tpu.memref_slice %arg2[%dma_wait3A_482, %dma_wait3A_483] : memref<160000x128xf32, #tpu.memory_space<hbm>> -> memref<160000x128xf32, #tpu.memory_space<hbm>>
      tpu.wait_indirect_dma semaphore(%arg12 : memref<!tpu.dma_semaphore, #tpu.memory_space<semaphore_mem>>) src(%dma_wait3A_484 : memref<160000x128xf32, #tpu.memory_space<hbm>>) dst(%arg9 : memref<128x128xf32, #tpu.memory_space<vmem>>)
      %run_scoped3A_485 = arith.constant 28 : i32
      "tpu.region"() ({
        %run_scoped3A_524 = tpu.sem_alloc : memref<!tpu.dma_semaphore, #tpu.memory_space<semaphore_mem>>
        %dma_start3A_525 = arith.constant 0 : i32
        %dma_start3A_526 = tpu.memref_slice %arg8[%run_scoped3A_485, %dma_start3A_525] : memref<32x128xi32, #tpu.memory_space<vmem>> -> memref<1x128xi32, #tpu.memory_space<vmem>>
        %dma_start3A_527 = tpu.memref_squeeze %dma_start3A_526 : memref<1x128xi32, #tpu.memory_space<vmem>> -> memref<128xi32, #tpu.memory_space<vmem>>
        %dma_start3A_528 = arith.constant 0 : i32
        %dma_start3A_529 = arith.constant 0 : i32
        %dma_start3A_530 = tpu.memref_slice %arg11[%dma_start3A_528, %dma_start3A_529] : memref<10112x128xf32, #tpu.memory_space<vmem_shared>> -> memref<10112x128xf32, #tpu.memory_space<vmem_shared>>
        tpu.enqueue_indirect_dma source(%arg9 : memref<128x128xf32, #tpu.memory_space<vmem>>) target(%dma_start3A_530 : memref<10112x128xf32, #tpu.memory_space<vmem_shared>>) offsets(%dma_start3A_527 : memref<128xi32, #tpu.memory_space<vmem>>) semaphore(%run_scoped3A_524 : memref<!tpu.dma_semaphore, #tpu.memory_space<semaphore_mem>>) {add = true}
        %dma_wait3A_531 = arith.constant 0 : i32
        %dma_wait3A_532 = tpu.memref_slice %arg8[%run_scoped3A_485, %dma_wait3A_531] : memref<32x128xi32, #tpu.memory_space<vmem>> -> memref<1x128xi32, #tpu.memory_space<vmem>>
        %dma_wait3A_533 = tpu.memref_squeeze %dma_wait3A_532 : memref<1x128xi32, #tpu.memory_space<vmem>> -> memref<128xi32, #tpu.memory_space<vmem>>
        %dma_wait3A_534 = arith.constant 0 : i32
        %dma_wait3A_535 = arith.constant 0 : i32
        %dma_wait3A_536 = tpu.memref_slice %arg11[%dma_wait3A_534, %dma_wait3A_535] : memref<10112x128xf32, #tpu.memory_space<vmem_shared>> -> memref<10112x128xf32, #tpu.memory_space<vmem_shared>>
        tpu.wait_indirect_dma semaphore(%run_scoped3A_524 : memref<!tpu.dma_semaphore, #tpu.memory_space<semaphore_mem>>) src(%arg9 : memref<128x128xf32, #tpu.memory_space<vmem>>) dst(%dma_wait3A_536 : memref<10112x128xf32, #tpu.memory_space<vmem_shared>>)
        tpu.yield
      }) : () -> ()
      %dma_start3A_486 = arith.constant 30 : i32
      %dma_start3A_487 = arith.constant 0 : i32
      %dma_start3A_488 = tpu.memref_slice %arg7[%dma_start3A_486, %dma_start3A_487] : memref<32x128xi32, #tpu.memory_space<vmem>> -> memref<1x128xi32, #tpu.memory_space<vmem>>
      %dma_start3A_489 = tpu.memref_squeeze %dma_start3A_488 : memref<1x128xi32, #tpu.memory_space<vmem>> -> memref<128xi32, #tpu.memory_space<vmem>>
      %dma_start3A_490 = arith.constant 0 : i32
      %dma_start3A_491 = arith.constant 0 : i32
      %dma_start3A_492 = tpu.memref_slice %arg2[%dma_start3A_490, %dma_start3A_491] : memref<160000x128xf32, #tpu.memory_space<hbm>> -> memref<160000x128xf32, #tpu.memory_space<hbm>>
      tpu.enqueue_indirect_dma source(%dma_start3A_492 : memref<160000x128xf32, #tpu.memory_space<hbm>>) target(%arg9 : memref<128x128xf32, #tpu.memory_space<vmem>>) offsets(%dma_start3A_489 : memref<128xi32, #tpu.memory_space<vmem>>) semaphore(%arg12 : memref<!tpu.dma_semaphore, #tpu.memory_space<semaphore_mem>>)
      %dma_wait3A_493 = arith.constant 29 : i32
      %dma_wait3A_494 = arith.constant 0 : i32
      %dma_wait3A_495 = tpu.memref_slice %arg7[%dma_wait3A_493, %dma_wait3A_494] : memref<32x128xi32, #tpu.memory_space<vmem>> -> memref<1x128xi32, #tpu.memory_space<vmem>>
      %dma_wait3A_496 = tpu.memref_squeeze %dma_wait3A_495 : memref<1x128xi32, #tpu.memory_space<vmem>> -> memref<128xi32, #tpu.memory_space<vmem>>
      %dma_wait3A_497 = arith.constant 0 : i32
      %dma_wait3A_498 = arith.constant 0 : i32
      %dma_wait3A_499 = tpu.memref_slice %arg2[%dma_wait3A_497, %dma_wait3A_498] : memref<160000x128xf32, #tpu.memory_space<hbm>> -> memref<160000x128xf32, #tpu.memory_space<hbm>>
      tpu.wait_indirect_dma semaphore(%arg13 : memref<!tpu.dma_semaphore, #tpu.memory_space<semaphore_mem>>) src(%dma_wait3A_499 : memref<160000x128xf32, #tpu.memory_space<hbm>>) dst(%arg10 : memref<128x128xf32, #tpu.memory_space<vmem>>)
      %run_scoped3A_500 = arith.constant 29 : i32
      "tpu.region"() ({
        %run_scoped3A_524 = tpu.sem_alloc : memref<!tpu.dma_semaphore, #tpu.memory_space<semaphore_mem>>
        %dma_start3A_525 = arith.constant 0 : i32
        %dma_start3A_526 = tpu.memref_slice %arg8[%run_scoped3A_500, %dma_start3A_525] : memref<32x128xi32, #tpu.memory_space<vmem>> -> memref<1x128xi32, #tpu.memory_space<vmem>>
        %dma_start3A_527 = tpu.memref_squeeze %dma_start3A_526 : memref<1x128xi32, #tpu.memory_space<vmem>> -> memref<128xi32, #tpu.memory_space<vmem>>
        %dma_start3A_528 = arith.constant 0 : i32
        %dma_start3A_529 = arith.constant 0 : i32
        %dma_start3A_530 = tpu.memref_slice %arg11[%dma_start3A_528, %dma_start3A_529] : memref<10112x128xf32, #tpu.memory_space<vmem_shared>> -> memref<10112x128xf32, #tpu.memory_space<vmem_shared>>
        tpu.enqueue_indirect_dma source(%arg10 : memref<128x128xf32, #tpu.memory_space<vmem>>) target(%dma_start3A_530 : memref<10112x128xf32, #tpu.memory_space<vmem_shared>>) offsets(%dma_start3A_527 : memref<128xi32, #tpu.memory_space<vmem>>) semaphore(%run_scoped3A_524 : memref<!tpu.dma_semaphore, #tpu.memory_space<semaphore_mem>>) {add = true}
        %dma_wait3A_531 = arith.constant 0 : i32
        %dma_wait3A_532 = tpu.memref_slice %arg8[%run_scoped3A_500, %dma_wait3A_531] : memref<32x128xi32, #tpu.memory_space<vmem>> -> memref<1x128xi32, #tpu.memory_space<vmem>>
        %dma_wait3A_533 = tpu.memref_squeeze %dma_wait3A_532 : memref<1x128xi32, #tpu.memory_space<vmem>> -> memref<128xi32, #tpu.memory_space<vmem>>
        %dma_wait3A_534 = arith.constant 0 : i32
        %dma_wait3A_535 = arith.constant 0 : i32
        %dma_wait3A_536 = tpu.memref_slice %arg11[%dma_wait3A_534, %dma_wait3A_535] : memref<10112x128xf32, #tpu.memory_space<vmem_shared>> -> memref<10112x128xf32, #tpu.memory_space<vmem_shared>>
        tpu.wait_indirect_dma semaphore(%run_scoped3A_524 : memref<!tpu.dma_semaphore, #tpu.memory_space<semaphore_mem>>) src(%arg10 : memref<128x128xf32, #tpu.memory_space<vmem>>) dst(%dma_wait3A_536 : memref<10112x128xf32, #tpu.memory_space<vmem_shared>>)
        tpu.yield
      }) : () -> ()
      %dma_start3A_501 = arith.constant 31 : i32
      %dma_start3A_502 = arith.constant 0 : i32
      %dma_start3A_503 = tpu.memref_slice %arg7[%dma_start3A_501, %dma_start3A_502] : memref<32x128xi32, #tpu.memory_space<vmem>> -> memref<1x128xi32, #tpu.memory_space<vmem>>
      %dma_start3A_504 = tpu.memref_squeeze %dma_start3A_503 : memref<1x128xi32, #tpu.memory_space<vmem>> -> memref<128xi32, #tpu.memory_space<vmem>>
      %dma_start3A_505 = arith.constant 0 : i32
      %dma_start3A_506 = arith.constant 0 : i32
      %dma_start3A_507 = tpu.memref_slice %arg2[%dma_start3A_505, %dma_start3A_506] : memref<160000x128xf32, #tpu.memory_space<hbm>> -> memref<160000x128xf32, #tpu.memory_space<hbm>>
      tpu.enqueue_indirect_dma source(%dma_start3A_507 : memref<160000x128xf32, #tpu.memory_space<hbm>>) target(%arg10 : memref<128x128xf32, #tpu.memory_space<vmem>>) offsets(%dma_start3A_504 : memref<128xi32, #tpu.memory_space<vmem>>) semaphore(%arg13 : memref<!tpu.dma_semaphore, #tpu.memory_space<semaphore_mem>>)
      %dma_wait3A_508 = arith.constant 30 : i32
      %dma_wait3A_509 = arith.constant 0 : i32
      %dma_wait3A_510 = tpu.memref_slice %arg7[%dma_wait3A_508, %dma_wait3A_509] : memref<32x128xi32, #tpu.memory_space<vmem>> -> memref<1x128xi32, #tpu.memory_space<vmem>>
      %dma_wait3A_511 = tpu.memref_squeeze %dma_wait3A_510 : memref<1x128xi32, #tpu.memory_space<vmem>> -> memref<128xi32, #tpu.memory_space<vmem>>
      %dma_wait3A_512 = arith.constant 0 : i32
      %dma_wait3A_513 = arith.constant 0 : i32
      %dma_wait3A_514 = tpu.memref_slice %arg2[%dma_wait3A_512, %dma_wait3A_513] : memref<160000x128xf32, #tpu.memory_space<hbm>> -> memref<160000x128xf32, #tpu.memory_space<hbm>>
      tpu.wait_indirect_dma semaphore(%arg12 : memref<!tpu.dma_semaphore, #tpu.memory_space<semaphore_mem>>) src(%dma_wait3A_514 : memref<160000x128xf32, #tpu.memory_space<hbm>>) dst(%arg9 : memref<128x128xf32, #tpu.memory_space<vmem>>)
      %run_scoped3A_515 = arith.constant 30 : i32
      "tpu.region"() ({
        %run_scoped3A_524 = tpu.sem_alloc : memref<!tpu.dma_semaphore, #tpu.memory_space<semaphore_mem>>
        %dma_start3A_525 = arith.constant 0 : i32
        %dma_start3A_526 = tpu.memref_slice %arg8[%run_scoped3A_515, %dma_start3A_525] : memref<32x128xi32, #tpu.memory_space<vmem>> -> memref<1x128xi32, #tpu.memory_space<vmem>>
        %dma_start3A_527 = tpu.memref_squeeze %dma_start3A_526 : memref<1x128xi32, #tpu.memory_space<vmem>> -> memref<128xi32, #tpu.memory_space<vmem>>
        %dma_start3A_528 = arith.constant 0 : i32
        %dma_start3A_529 = arith.constant 0 : i32
        %dma_start3A_530 = tpu.memref_slice %arg11[%dma_start3A_528, %dma_start3A_529] : memref<10112x128xf32, #tpu.memory_space<vmem_shared>> -> memref<10112x128xf32, #tpu.memory_space<vmem_shared>>
        tpu.enqueue_indirect_dma source(%arg9 : memref<128x128xf32, #tpu.memory_space<vmem>>) target(%dma_start3A_530 : memref<10112x128xf32, #tpu.memory_space<vmem_shared>>) offsets(%dma_start3A_527 : memref<128xi32, #tpu.memory_space<vmem>>) semaphore(%run_scoped3A_524 : memref<!tpu.dma_semaphore, #tpu.memory_space<semaphore_mem>>) {add = true}
        %dma_wait3A_531 = arith.constant 0 : i32
        %dma_wait3A_532 = tpu.memref_slice %arg8[%run_scoped3A_515, %dma_wait3A_531] : memref<32x128xi32, #tpu.memory_space<vmem>> -> memref<1x128xi32, #tpu.memory_space<vmem>>
        %dma_wait3A_533 = tpu.memref_squeeze %dma_wait3A_532 : memref<1x128xi32, #tpu.memory_space<vmem>> -> memref<128xi32, #tpu.memory_space<vmem>>
        %dma_wait3A_534 = arith.constant 0 : i32
        %dma_wait3A_535 = arith.constant 0 : i32
        %dma_wait3A_536 = tpu.memref_slice %arg11[%dma_wait3A_534, %dma_wait3A_535] : memref<10112x128xf32, #tpu.memory_space<vmem_shared>> -> memref<10112x128xf32, #tpu.memory_space<vmem_shared>>
        tpu.wait_indirect_dma semaphore(%run_scoped3A_524 : memref<!tpu.dma_semaphore, #tpu.memory_space<semaphore_mem>>) src(%arg9 : memref<128x128xf32, #tpu.memory_space<vmem>>) dst(%dma_wait3A_536 : memref<10112x128xf32, #tpu.memory_space<vmem_shared>>)
        tpu.yield
      }) : () -> ()
      %dma_wait3A_516 = arith.constant 31 : i32
      %dma_wait3A_517 = arith.constant 0 : i32
      %dma_wait3A_518 = tpu.memref_slice %arg7[%dma_wait3A_516, %dma_wait3A_517] : memref<32x128xi32, #tpu.memory_space<vmem>> -> memref<1x128xi32, #tpu.memory_space<vmem>>
      %dma_wait3A_519 = tpu.memref_squeeze %dma_wait3A_518 : memref<1x128xi32, #tpu.memory_space<vmem>> -> memref<128xi32, #tpu.memory_space<vmem>>
      %dma_wait3A_520 = arith.constant 0 : i32
      %dma_wait3A_521 = arith.constant 0 : i32
      %dma_wait3A_522 = tpu.memref_slice %arg2[%dma_wait3A_520, %dma_wait3A_521] : memref<160000x128xf32, #tpu.memory_space<hbm>> -> memref<160000x128xf32, #tpu.memory_space<hbm>>
      tpu.wait_indirect_dma semaphore(%arg13 : memref<!tpu.dma_semaphore, #tpu.memory_space<semaphore_mem>>) src(%dma_wait3A_522 : memref<160000x128xf32, #tpu.memory_space<hbm>>) dst(%arg10 : memref<128x128xf32, #tpu.memory_space<vmem>>)
      %run_scoped3A_523 = arith.constant 31 : i32
      "tpu.region"() ({
        %run_scoped3A_524 = tpu.sem_alloc : memref<!tpu.dma_semaphore, #tpu.memory_space<semaphore_mem>>
        %dma_start3A_525 = arith.constant 0 : i32
        %dma_start3A_526 = tpu.memref_slice %arg8[%run_scoped3A_523, %dma_start3A_525] : memref<32x128xi32, #tpu.memory_space<vmem>> -> memref<1x128xi32, #tpu.memory_space<vmem>>
        %dma_start3A_527 = tpu.memref_squeeze %dma_start3A_526 : memref<1x128xi32, #tpu.memory_space<vmem>> -> memref<128xi32, #tpu.memory_space<vmem>>
        %dma_start3A_528 = arith.constant 0 : i32
        %dma_start3A_529 = arith.constant 0 : i32
        %dma_start3A_530 = tpu.memref_slice %arg11[%dma_start3A_528, %dma_start3A_529] : memref<10112x128xf32, #tpu.memory_space<vmem_shared>> -> memref<10112x128xf32, #tpu.memory_space<vmem_shared>>
        tpu.enqueue_indirect_dma source(%arg10 : memref<128x128xf32, #tpu.memory_space<vmem>>) target(%dma_start3A_530 : memref<10112x128xf32, #tpu.memory_space<vmem_shared>>) offsets(%dma_start3A_527 : memref<128xi32, #tpu.memory_space<vmem>>) semaphore(%run_scoped3A_524 : memref<!tpu.dma_semaphore, #tpu.memory_space<semaphore_mem>>) {add = true}
        %dma_wait3A_531 = arith.constant 0 : i32
        %dma_wait3A_532 = tpu.memref_slice %arg8[%run_scoped3A_523, %dma_wait3A_531] : memref<32x128xi32, #tpu.memory_space<vmem>> -> memref<1x128xi32, #tpu.memory_space<vmem>>
        %dma_wait3A_533 = tpu.memref_squeeze %dma_wait3A_532 : memref<1x128xi32, #tpu.memory_space<vmem>> -> memref<128xi32, #tpu.memory_space<vmem>>
        %dma_wait3A_534 = arith.constant 0 : i32
        %dma_wait3A_535 = arith.constant 0 : i32
        %dma_wait3A_536 = tpu.memref_slice %arg11[%dma_wait3A_534, %dma_wait3A_535] : memref<10112x128xf32, #tpu.memory_space<vmem_shared>> -> memref<10112x128xf32, #tpu.memory_space<vmem_shared>>
        tpu.wait_indirect_dma semaphore(%run_scoped3A_524 : memref<!tpu.dma_semaphore, #tpu.memory_space<semaphore_mem>>) src(%arg10 : memref<128x128xf32, #tpu.memory_space<vmem>>) dst(%dma_wait3A_536 : memref<10112x128xf32, #tpu.memory_space<vmem_shared>>)
        tpu.yield
      }) : () -> ()
    }
    %barrier3A_35 = arith.constant 0 : index
    tpu.barrier barrier_id(%barrier3A_35)
    %mul3A_36 = arith.constant 632 : i32
    %mul3A_37 = arith.muli %arg1, %mul3A_36 : i32
    %mul3A_38 = arith.constant 632 : i32
    %mul3A_39 = arith.muli %arg1, %mul3A_38 : i32
    "tpu.region"() ({
      %run_scoped3A = tpu.sem_alloc : memref<!tpu.dma_semaphore, #tpu.memory_space<semaphore_mem>>
      %dma_start3A = arith.constant 0 : i32
      %dma_start3A_40 = tpu.memref_slice %arg6[%arg0, %mul3A_39, %dma_start3A] : memref<2x10112x128xf32, #tpu.memory_space<hbm>> -> memref<1x632x128xf32, #tpu.memory_space<hbm>>
      %dma_start3A_41 = tpu.memref_squeeze %dma_start3A_40 : memref<1x632x128xf32, #tpu.memory_space<hbm>> -> memref<632x128xf32, #tpu.memory_space<hbm>>
      %dma_start3A_42 = arith.constant 0 : i32
      %dma_start3A_43 = tpu.memref_slice %arg11[%mul3A_37, %dma_start3A_42] : memref<10112x128xf32, #tpu.memory_space<vmem_shared>> -> memref<632x128xf32, #tpu.memory_space<vmem_shared>>
      tpu.enqueue_dma source(%dma_start3A_43 : memref<632x128xf32, #tpu.memory_space<vmem_shared>>) target(%dma_start3A_41 : memref<632x128xf32, #tpu.memory_space<hbm>>) target_semaphore(%run_scoped3A : memref<!tpu.dma_semaphore, #tpu.memory_space<semaphore_mem>>)
      %dma_wait3A = arith.constant 0 : i32
      %dma_wait3A_44 = tpu.memref_slice %arg6[%arg0, %mul3A_39, %dma_wait3A] : memref<2x10112x128xf32, #tpu.memory_space<hbm>> -> memref<1x632x128xf32, #tpu.memory_space<hbm>>
      %dma_wait3A_45 = tpu.memref_squeeze %dma_wait3A_44 : memref<1x632x128xf32, #tpu.memory_space<hbm>> -> memref<632x128xf32, #tpu.memory_space<hbm>>
      %dma_wait3A_46 = arith.constant 0 : i32
      %dma_wait3A_47 = tpu.memref_slice %arg11[%mul3A_37, %dma_wait3A_46] : memref<10112x128xf32, #tpu.memory_space<vmem_shared>> -> memref<632x128xf32, #tpu.memory_space<vmem_shared>>
      tpu.wait_dma2 semaphore(%run_scoped3A : memref<!tpu.dma_semaphore, #tpu.memory_space<semaphore_mem>>) src(%dma_wait3A_47 : memref<632x128xf32, #tpu.memory_space<vmem_shared>>) dst(%dma_wait3A_45 : memref<632x128xf32, #tpu.memory_space<hbm>>)
      tpu.yield
    }) : () -> ()
    return
  }
}

module attributes {stable_mosaic.version = 14 : i64} {
  func.func @_table_body(%arg0: i32, %arg1: memref<1000x128xf32, #tpu.memory_space<vmem>>, %arg2: memref<128x128xf32, #tpu.memory_space<vmem>>, %arg3: memref<16x128xf32, #tpu.memory_space<vmem>>, %arg4: memref<16000x128xf32, #tpu.memory_space<vmem>>) attributes {dimension_semantics = [#tpu.dimension_semantics<arbitrary>], iteration_bounds = array<i64: 10>, scalar_prefetch = 0 : i64, scratch_operands = 0 : i64, tpu.core_type = #tpu.core_type<tc>, window_params = [{transform_indices = @transform_0, window_bounds = array<i64: 1000, 128>}, {pipeline_mode = #tpu.pipeline_mode<synchronous>, transform_indices = @transform_1, window_bounds = array<i64: 128, 128>}, {pipeline_mode = #tpu.pipeline_mode<synchronous>, transform_indices = @transform_2, window_bounds = array<i64: 16, 128>}, {transform_indices = @transform_3, window_bounds = array<i64: 16000, 128>}]} {
    %get3A = arith.constant 0 : index
    %get3A_0 = arith.constant 0 : index
    %get3A_1 = vector.load %arg1[%get3A, %get3A_0] : memref<1000x128xf32, #tpu.memory_space<vmem>>, vector<1000x128xf32>
    %get3A_2 = arith.constant 0 : index
    %get3A_3 = arith.constant 0 : index
    %get3A_4 = vector.load %arg2[%get3A_2, %get3A_3] : memref<128x128xf32, #tpu.memory_space<vmem>>, vector<128x128xf32>
    %dot_general3A = arith.constant dense<0.000000e+00> : vector<1000x128xf32>
    %dot_general3A_5 = tpu.matmul %get3A_1, %get3A_4, %dot_general3A {dimension_numbers = #tpu.dot_dimension_numbers<[1], [0], [0], [1], [0, 0, 1, 1], [], []>, transpose_lhs_hint = false} : vector<1000x128xf32>, vector<128x128xf32>, vector<1000x128xf32> -> vector<1000x128xf32>
    %broadcast_in_dim3A = vector.shape_cast %dot_general3A_5 : vector<1000x128xf32> to vector<1000x1x128xf32>
    %get3A_6 = arith.constant 0 : index
    %get3A_7 = arith.constant 0 : index
    %get3A_8 = vector.load %arg3[%get3A_6, %get3A_7] : memref<16x128xf32, #tpu.memory_space<vmem>>, vector<16x128xf32>
    %broadcast_in_dim3A_9 = vector.shape_cast %get3A_8 : vector<16x128xf32> to vector<1x16x128xf32>
    %add3A = vector.broadcast %broadcast_in_dim3A : vector<1000x1x128xf32> to vector<1000x16x128xf32>
    %add3A_10 = vector.broadcast %broadcast_in_dim3A_9 : vector<1x16x128xf32> to vector<1000x16x128xf32>
    %add3A_11 = arith.addf %add3A, %add3A_10 : vector<1000x16x128xf32>
    %reshape3A = vector.shape_cast %add3A_11 : vector<1000x16x128xf32> to vector<16000x128xf32>
    %swap3A = arith.constant 0 : index
    %swap3A_12 = arith.constant 0 : index
    %swap3A_13 = vector.load %arg4[%swap3A, %swap3A_12] : memref<16000x128xf32, #tpu.memory_space<vmem>>, vector<16000x128xf32>
    tpu.vector_store %arg4[%swap3A, %swap3A_12], %reshape3A {strides = array<i32>} : memref<16000x128xf32, #tpu.memory_space<vmem>>, vector<16000x128xf32>,
    return
  }
  func.func @transform_0(%arg0: i32) -> (i32, i32) {
    %c0_i32 = arith.constant 0 : i32
    %c0_i32_0 = arith.constant 0 : i32
    return %arg0, %c0_i32 : i32, i32
  }
  func.func @transform_1(%arg0: i32) -> (i32, i32) {
    %c0_i32 = arith.constant 0 : i32
    %c0_i32_0 = arith.constant 0 : i32
    %c0_i32_1 = arith.constant 0 : i32
    return %c0_i32, %c0_i32_0 : i32, i32
  }
  func.func @transform_2(%arg0: i32) -> (i32, i32) {
    %c0_i32 = arith.constant 0 : i32
    %c0_i32_0 = arith.constant 0 : i32
    %c0_i32_1 = arith.constant 0 : i32
    return %c0_i32, %c0_i32_0 : i32, i32
  }
  func.func @transform_3(%arg0: i32) -> (i32, i32) {
    %c0_i32 = arith.constant 0 : i32
    %c0_i32_0 = arith.constant 0 : i32
    return %arg0, %c0_i32 : i32, i32
  }
}

module attributes {stable_mosaic.version = 14 : i64} {
  func.func @_final_body(%arg0: i32, %arg1: memref<1000x128xf32, #tpu.memory_space<vmem>>, %arg2: memref<128x128xf32, #tpu.memory_space<vmem>>, %arg3: memref<1x128xf32, #tpu.memory_space<vmem>>, %arg4: memref<1000x128xf32, #tpu.memory_space<vmem>>, %arg5: memref<1000x128xf32, #tpu.memory_space<vmem>>, %arg6: memref<1000x128xf32, #tpu.memory_space<vmem>>) attributes {dimension_semantics = [#tpu.dimension_semantics<arbitrary>], iteration_bounds = array<i64: 10>, scalar_prefetch = 0 : i64, scratch_operands = 0 : i64, tpu.core_type = #tpu.core_type<tc>, window_params = [{transform_indices = @transform_0, window_bounds = array<i64: 1000, 128>}, {pipeline_mode = #tpu.pipeline_mode<synchronous>, transform_indices = @transform_1, window_bounds = array<i64: 128, 128>}, {pipeline_mode = #tpu.pipeline_mode<synchronous>, transform_indices = @transform_2, window_bounds = array<i64: 1, 128>}, {transform_indices = @transform_3, window_bounds = array<i64: 1000, 128>}, {transform_indices = @transform_4, window_bounds = array<i64: 1000, 128>}, {transform_indices = @transform_5, window_bounds = array<i64: 1000, 128>}]} {
    %get3A = arith.constant 0 : index
    %get3A_0 = arith.constant 0 : index
    %get3A_1 = vector.load %arg1[%get3A, %get3A_0] : memref<1000x128xf32, #tpu.memory_space<vmem>>, vector<1000x128xf32>
    %get3A_2 = arith.constant 0 : index
    %get3A_3 = arith.constant 0 : index
    %get3A_4 = vector.load %arg2[%get3A_2, %get3A_3] : memref<128x128xf32, #tpu.memory_space<vmem>>, vector<128x128xf32>
    %dot_general3A = arith.constant dense<0.000000e+00> : vector<1000x128xf32>
    %dot_general3A_5 = tpu.matmul %get3A_1, %get3A_4, %dot_general3A {dimension_numbers = #tpu.dot_dimension_numbers<[1], [1], [0], [0], [0, 0, 1, 0], [], []>, transpose_lhs_hint = false} : vector<1000x128xf32>, vector<128x128xf32>, vector<1000x128xf32> -> vector<1000x128xf32>
    %get3A_6 = arith.constant 0 : index
    %get3A_7 = arith.constant 0 : index
    %get3A_8 = vector.load %arg3[%get3A_6, %get3A_7] : memref<1x128xf32, #tpu.memory_space<vmem>>, vector<1x128xf32>
    %add3A = vector.broadcast %get3A_8 : vector<1x128xf32> to vector<1000x128xf32>
    %add3A_9 = arith.addf %dot_general3A_5, %add3A : vector<1000x128xf32>
    %get3A_10 = arith.constant 0 : index
    %get3A_11 = arith.constant 0 : index
    %get3A_12 = vector.load %arg4[%get3A_10, %get3A_11] : memref<1000x128xf32, #tpu.memory_space<vmem>>, vector<1000x128xf32>
    %add3A_13 = arith.addf %add3A_9, %get3A_12 : vector<1000x128xf32>
    %get3A_14 = arith.constant 0 : index
    %get3A_15 = arith.constant 0 : index
    %get3A_16 = vector.load %arg5[%get3A_14, %get3A_15] : memref<1000x128xf32, #tpu.memory_space<vmem>>, vector<1000x128xf32>
    %add3A_17 = arith.addf %add3A_13, %get3A_16 : vector<1000x128xf32>
    %max3A = arith.constant 0.000000e+00 : f32
    %max3A_18 = vector.broadcast %max3A : f32 to vector<1000x128xf32>
    %max3A_19 = arith.maximumf %add3A_17, %max3A_18 : vector<1000x128xf32>
    %swap3A = arith.constant 0 : index
    %swap3A_20 = arith.constant 0 : index
    %swap3A_21 = vector.load %arg6[%swap3A, %swap3A_20] : memref<1000x128xf32, #tpu.memory_space<vmem>>, vector<1000x128xf32>
    tpu.vector_store %arg6[%swap3A, %swap3A_20], %max3A_19 {strides = array<i32>} : memref<1000x128xf32, #tpu.memory_space<vmem>>, vector<1000x128xf32>,
    return
  }
  func.func @transform_0(%arg0: i32) -> (i32, i32) {
    %c0_i32 = arith.constant 0 : i32
    %c0_i32_0 = arith.constant 0 : i32
    return %arg0, %c0_i32 : i32, i32
  }
  func.func @transform_1(%arg0: i32) -> (i32, i32) {
    %c0_i32 = arith.constant 0 : i32
    %c0_i32_0 = arith.constant 0 : i32
    %c0_i32_1 = arith.constant 0 : i32
    return %c0_i32, %c0_i32_0 : i32, i32
  }
  func.func @transform_2(%arg0: i32) -> (i32, i32) {
    %c0_i32 = arith.constant 0 : i32
    %c0_i32_0 = arith.constant 0 : i32
    %c0_i32_1 = arith.constant 0 : i32
    return %c0_i32, %c0_i32_0 : i32, i32
  }
  func.func @transform_3(%arg0: i32) -> (i32, i32) {
    %c0_i32 = arith.constant 0 : i32
    %c0_i32_0 = arith.constant 0 : i32
    return %arg0, %c0_i32 : i32, i32
  }
  func.func @transform_4(%arg0: i32) -> (i32, i32) {
    %c0_i32 = arith.constant 0 : i32
    %c0_i32_0 = arith.constant 0 : i32
    return %arg0, %c0_i32 : i32, i32
  }
  func.func @transform_5(%arg0: i32) -> (i32, i32) {
    %c0_i32 = arith.constant 0 : i32
    %c0_i32_0 = arith.constant 0 : i32
    return %arg0, %c0_i32 : i32, i32
  }
}

</mosaic_0001>

<sc_bundles>
// kernel: kernel.5.cloned.1.call-start
scs
__scs_entry_jumppad:
0x0: {  	(pc) =	sbr.rel $0x88, $3  }
0x1: {  	(tag) =	ssettag $0x0;
	lr =	simm.s32 $0x1  }
0x2: {  	[smem:$0x3F9A] =	sst lr;
	_ =	strace $0xD0000000  }
0x3: {  	_ = 	snop  }
0x4: {  	_ = 	snop  }
0x5: {  	_ = 	snop  }
0x6: {  	_ = 	snop  }
0x7: {  	_ = 	snop  }
__scs_overlays_trampoline_lowered:
0x8: {  	[smem:$0x3FA9] =	sst s0  }
0x9: {  	[smem:$0x3FAA] =	sst s1  }
0xa: {  	[smem:$0x3FAB] =	sst s2  }
0xb: {  	[smem:$0x3FAC] =	sst s3  }
0xc: {  	[smem:$0x3FAD] =	sst s4  }
0xd: {  	[smem:$0x3FAE] =	sst s5  }
0xe: {  	[smem:$0x3FAF] =	sst s6  }
0xf: {  	[smem:$0x3FB0] =	sst s7  }
0x10: {  	[smem:$0x3FB1] =	sst s8  }
0x11: {  	[smem:$0x3FB2] =	sst s9;
	s0 =	simm.s32 @!p0 $0x0  }
0x12: {  	s1 =	sld [smem:$0x3F98];
	s0 =	simm.s32 @p0 $0x1  }
0x13: {  	[smem:$0x3FB3] =	sst s0;
	s0 =	simm.s32 @!p1 $0x0  }
0x14: {  	s2 =	sld [smem:$0x3F97];
	s0 =	simm.s32 @p1 $0x1  }
0x15: {  	[smem:$0x3FB4] =	sst s0;
	s0 =	simm.s32 @!p2 $0x0  }
0x16: {  	s3 =	sld [smem:$0x3FDB];
	s0 =	simm.s32 @p2 $0x1  }
0x17: {  	s4 =	simm.s32 $0x1BF5;
	[smem:$0x3FB6] =	sst s0  }
0x18: {  	s0 =	sld [smem:$0x3F99];
	_ =	swait.ge [sflag:s4], $0x0  }
0x19: {  	s7 =	sld [smem:$0x3F9A]  }
0x1a: {  	s8 =	sadd.s32 $0xFFFFE003, lr  }
0x1b: {  	s9 =	sadd.s32 $0xFFFFFEF7, lr;
	s5 =	simm.s32 $0xFFFFFFFF;
	p2 =	slt.u32 s8, $0xFFFFF086  }
0x1c: {  	p1 =	slt.u32 s9, $0xF7A;
	s5 =	simm.s32 @!p2 $0x0  }
0x1d: {  	s5 =	simm.s32 @p1 $0x1;
	p0 =	seq.s32 s7, s2  }
0x1e: {  	s7 =	smul.u32 @!p0 $0xF7A, s2;
	p2 =	seq.s32 @!p0 s5, $0x0  }
0x1f: {  	s9 =	smul.u32 $0xF7A, s1;
	s8 =	simm.s32 @!p0 $0x1BF5;
	p2 =	por !p2, p0  }
0x20: {  	[sflag:s8] =	ssyncset.s32 @!p0 $0xFFFFF086;
	s6 =	sadd.s32 @!p0 s3, s7;
	s7 =	simm.s32 @!p0 $0x108  }
0x21: {  	s3 =	sadd.s32 s3, s9;
	s6 =	sadd.s32 @!p0 $0x88, s6;
	s7 =	simm.s32 @p2 $0x1082  }
0x22: {  	[simem:s7], [sflag:s8] =	dma.local @!p0 [hbm:s6], $0xF7A  }
0x23: {  	s9 =	sor.u32 $0xD0000000, s2;
	s6 =	simm.s32 $0x108;
	_ =	swait.ge @!p0 [sflag:s8], $0x0  }
0x24: {  	s3 =	sadd.s32 $0x88, s3;
	s6 =	simm.s32 @!p1 $0x1082;
	[sflag:s4] =	ssyncset.s32 $0xFFFFF086  }
0x25: {  	[simem:s6], [sflag:s4] =	dma.local [hbm:s3], $0xF7A  }
0x26: {  	[smem:$0x3F9A] =	sst s1;
	(tag) =	ssettag s2;
	_ =	strace s9  }
0x27: {  	s1 =	sld [smem:$0x3FAA]  }
0x28: {  	s2 =	sld [smem:$0x3FAB]  }
0x29: {  	s4 =	sld [smem:$0x3FAD]  }
0x2a: {  	p0 =	seq.s32 s5, $0x0;
	s5 =	sld [smem:$0x3FAE]  }
0x2b: {  	s6 =	sld [smem:$0x3FAF]  }
0x2c: {  	s7 =	sld [smem:$0x3FB0]  }
0x2d: {  	s3 =	simm.s32 $0x108;
	s8 =	sld [smem:$0x3FB1]  }
0x2e: {  	s3 =	simm.s32 @!p0 $0x1082;
	s9 =	sld [smem:$0x3FB2]  }
0x2f: {  	lr =	sadd.s32 s0, s3;
	s0 =	sld [smem:$0x3FA9]  }
0x30: {  	s3 =	sld [smem:$0x3FAC]  }
0x31: {  	[smem:$0x3FB5] =	sst s10  }
0x32: {  	s10 =	sld [smem:$0x3FB3];
	_ =	sdelay $0x3  }
0x33: {  	p0 =	seq.s32 s10, $0x1;
	s10 =	sld [smem:$0x3FB5];
	_ =	sdelay $0x3  }
0x34: {  	[smem:$0x3FB5] =	sst s10  }
0x35: {  	s10 =	sld [smem:$0x3FB4];
	_ =	sdelay $0x3  }
0x36: {  	p1 =	seq.s32 s10, $0x1;
	s10 =	sld [smem:$0x3FB5];
	_ =	sdelay $0x3  }
0x37: {  	[smem:$0x3FB5] =	sst s10  }
0x38: {  	s10 =	sld [smem:$0x3FB6]  }
0x39: {  	_ = 	snop;
	(pc) =	sbr.ind lr, $3  }
0x3a: {  	_ = 	snop  }
0x3b: {  	_ = 	snop  }
0x3c: {  	p2 =	seq.s32 s10, $0x1;
	s10 =	sld [smem:$0x3FB5]  }
0x3d: {  	_ =	shalt  }
0x3e: {  	_ =	shalt  }
0x3f: {  	_ =	shalt  }
0x40: {  	_ =	shalt  }
0x41: {  	_ =	shalt  }
0x42: {  	_ =	shalt  }
0x43: {  	_ =	shalt  }
0x44: {  	_ =	shalt  }
0x45: {  	_ =	shalt  }
0x46: {  	_ =	shalt  }
0x47: {  	_ =	shalt  }
0x48: {  	_ =	shalt  }
0x49: {  	_ =	shalt  }
0x4a: {  	_ =	shalt  }
0x4b: {  	_ =	shalt  }
0x4c: {  	_ =	shalt  }
0x4d: {  	_ =	shalt  }
0x4e: {  	_ =	shalt  }
0x4f: {  	_ =	shalt  }
0x50: {  	_ =	shalt  }
0x51: {  	_ =	shalt  }
0x52: {  	_ =	shalt  }
0x53: {  	_ =	shalt  }
0x54: {  	_ =	shalt  }
0x55: {  	_ =	shalt  }
0x56: {  	_ =	shalt  }
0x57: {  	_ =	shalt  }
0x58: {  	_ =	shalt  }
0x59: {  	_ =	shalt  }
0x5a: {  	_ =	shalt  }
0x5b: {  	_ =	shalt  }
0x5c: {  	_ =	shalt  }
0x5d: {  	_ =	shalt  }
0x5e: {  	_ =	shalt  }
0x5f: {  	_ =	shalt  }
0x60: {  	_ =	shalt  }
0x61: {  	_ =	shalt  }
0x62: {  	_ =	shalt  }
0x63: {  	_ =	shalt  }
0x64: {  	_ =	shalt  }
0x65: {  	_ =	shalt  }
0x66: {  	_ =	shalt  }
0x67: {  	_ =	shalt  }
0x68: {  	_ =	shalt  }
0x69: {  	_ =	shalt  }
0x6a: {  	_ =	shalt  }
0x6b: {  	_ =	shalt  }
0x6c: {  	_ =	shalt  }
0x6d: {  	_ =	shalt  }
0x6e: {  	_ =	shalt  }
0x6f: {  	_ =	shalt  }
0x70: {  	_ =	shalt  }
0x71: {  	_ =	shalt  }
0x72: {  	_ =	shalt  }
0x73: {  	_ =	shalt  }
0x74: {  	_ =	shalt  }
0x75: {  	_ =	shalt  }
0x76: {  	_ =	shalt  }
0x77: {  	_ =	shalt  }
0x78: {  	_ =	shalt  }
0x79: {  	_ =	shalt  }
0x7a: {  	_ =	shalt  }
0x7b: {  	_ =	shalt  }
0x7c: {  	_ =	shalt  }
0x7d: {  	_ =	shalt  }
0x7e: {  	_ =	shalt  }
0x7f: {  	_ =	shalt  }
0x80: {  	_ =	shalt  }
0x81: {  	_ =	shalt  }
0x82: {  	_ =	shalt  }
0x83: {  	_ =	shalt  }
0x84: {  	_ =	shalt  }
0x85: {  	_ =	shalt  }
0x86: {  	_ =	shalt  }
0x87: {  	_ =	shalt  }
.Lfunc_end0:
.L_simem_size_0:
called_computation_lowered:
.L_overlay_start_0:
0x88: {  	s2 =	sld [smem:$0x3FD9]  }
0x89: {  	s3 =	sld [smem:$0x3FFE];
	_ =	sdelay $0x1  }
0x8a: {  	s1 =	srdreg.scid  }
0x8b: {  	s0 =	sand.u32 $0x1, s1  }
0x8c: {  	s17 =	sshll.u32 s0, $0xA;
	s2 =	sadd.s32 s3, s2  }
0x8d: {  	s2 =	sadd.s32 s2, s17  }
0x8e: {  	[smem:$0x3FC1] =	sst s2  }
0x8f: {  	_ = 	snop  }
0x90: {  	s2 =	sld [smem:$0x3FD0];
	(tm) =	ssettm $0x1  }
0x91: {  	s18 =	sld [smem:$0x3FFB];
	_ =	sdelay $0x3  }
0x92: {  	_ =	strace s18  }
0x93: {  	s3 =	sld [smem:$0x3FFC];
	_ =	sdelay $0x3  }
0x94: {  	_ =	strace s3  }
0x95: {  	s3 =	sld [smem:$0x3FFD];
	_ =	sdelay $0x3  }
0x96: {  	_ =	strace s3  }
0x97: {  	_ =	strace $0x8FFFFFFF  }
0x98: {  	s19 =	sld [smem:$0x3FDB];
	_ =	sdelay $0x1  }
0x99: {  	s4 =	simm.s32 $_scs_section_size  }
0x9a: {  	s5 =	simm.s32 $_size__tile_overlayer_lowered;
	s6 =	simm.s32 $_tile_overlayer_lowered  }
0x9b: {  	s22 =	simm.s32 $0x1BFF;
	s21 =	sshll.u32 s6, $0x1;
	s3 =	sadd.s32 s4, s19  }
0x9c: {  	s7 =	simm.s32 $0x0;
	s20 =	sshll.u32 s5, $0x1;
	s5 =	sadd.s32 s21, s3  }
0x9d: {  	[timem:s7], [sflag:s22] =	dma.local [hbm:s5], s20  }
0x9e: {  	_ =	swait.ge [sflag:s22], s20  }
0x9f: {  	s4 =	ssub.s32 $0x0, s20;
	[sflag:s22] =	ssyncset.done $0x0  }
0xa0: {  	[sflag:s22] =	ssyncadd.s32 s4;
	_ =	sdelay $0x1  }
0xa1: {  	s23 =	simm.s32 $0x1B8B  }
0xa2: {  	_ =	swait.ge [sflag:s23], $0x1  }
0xa3: {  	[sflag:s23] =	ssyncset.done $0x0  }
0xa4: {  	s25 =	simm.s32 $0x1B8E;
	s24 =	sld [smem:$0x3FFE];
	[sflag:s23] =	ssyncadd.s32 $0xFFFFFFFF  }
0xa5: {  	s26 =	simm.s32 $execute0_lowered;
	[smem:$0x3FD2] =	sst s25  }
0xa6: {  	s5 =	sshll.u32 s26, $0x1;
	_ =	strace $0x80000046;
	[dreg:$0x1] =	wrdreg $0xFFFFFFFF  }
0xa7: {  	s28 =	simm.s32 $_size_execute0_lowered;
	s3 =	sadd.s32 s3, s5;
	[dreg:$0x0] =	wrdreg $0x0  }
0xa8: {  	s5 =	sshll.u32 s28, $0x1;
	[dreg:$0x2] =	wrdreg s3  }
0xa9: {  	[dreg:$0x3] =	wrdreg s5  }
0xaa: {  	[dreg:$0x4] =	wrdreg $0xC0  }
0xab: {  	_ =	task [dreg:s7], $0x5FFFF  }
0xac: {  	[dreg:$0x1] =	wrdreg $0xFFFFFFFF  }
0xad: {  	[dreg:$0x0] =	wrdreg $0x60  }
0xae: {  	[dreg:$0x2] =	wrdreg s24  }
0xaf: {  	[dreg:$0x3] =	wrdreg s2  }
0xb0: {  	[dreg:$0x4] =	wrdreg $0xA0000  }
0xb1: {  	[dreg:$0x5] =	wrdreg $0x9  }
0xb2: {  	_ =	task.clear_ibuf [dreg:s7], $0x6FFFF;
	_ =	strace $0x90000046  }
0xb3: {  	s29 =	simm.s32 $0x9;
	_ =	strace $0x80000048  }
0xb4: {  	_ =	swait.ge [sflag:s29], $0x1  }
0xb5: {  	[sflag:s29] =	ssyncadd.s32 $0xFFFFFFFF  }
0xb6: {  	_ =	strace $0x90000048  }
0xb7: {  	_ =	sfence  }
0xb8: {  	s30 =	sld [smem:$0x0];
	_ =	sdelay $0x2  }
0xb9: {  	s31 =	sshll.u32 s1, $0xD;
	s1 =	sshrl.u32 s1, $0x2  }
0xba: {  	s3 =	sand.u32 $0x4000, s31;
	s1 =	sadd.s32 s1, s30  }
0xbb: {  	s0 =	sor.u32 s3, s0;
	s1 =	sshll.u32 s1, $0x11  }
0xbc: {  	s0 =	sor.u32 s1, s0  }
0xbd: {  	s0 =	sadd.s32 $0x8F2B, s0  }
0xbe: {  	[sflag:s0] =	ssyncadd.remote.s32 $0x1  }
0xbf: {  	_ =	sfence.sel $0xFFFF  }
0xc0: {  	[dreg:$0x0] =	wrdreg $0xFFFFFFFF;
	(pc) =	sbr.abs _section_cstart, $3  }
0xc1: {  	[dreg:$0x1] =	wrdreg $0xFFFFFFFF  }
0xc2: {  	_ =	task.clear_ibuf [dreg:s7], $0x2FFFF;
	_ =	strace $0x9FFFFFFF  }
0xc3: {  	(tm) =	ssettm $0x7FFFFFFF  }
tec
execute0_lowered:
.L_overlay_start_1:
0x0: {  	(tag) =	ssettag $0x1  }
0x1: {  	s5 =	rddreg [dreg:$0x0]  }
0x2: {  	s0 =	rddreg [dreg:$0x1]  }
0x3: {  	s1 =	rddreg [dreg:$0x2]  }
0x4: {  	s3 =	simm.s32 $0x0;
	[dreg:$0x4] =	wrdreg s0  }
0x5: {  	[smem:$0x7FF] =	sst s3;
	s4 =	sadd.s32 $0x1000, s5  }
0x6: {  	s6 =	simm.s32 $0x100;
	_ =	strace $0x80000047;
	[dreg:$0x5] =	wrdreg s4  }
0x7: {  	s7 =	simm.s32 $0x1080;
	[dreg:$0x7] =	wrdreg s6  }
0x8: {  	s8 =	simm.s32 $0x180;
	[dreg:$0x8] =	wrdreg s7  }
0x9: {  	s9 =	simm.s32 $0x1100;
	[dreg:$0x9] =	wrdreg s8  }
0xa: {  	s10 =	simm.s32 $0x200;
	[dreg:$0xa] =	wrdreg s9  }
0xb: {  	s12 =	simm.s32 $0x1180;
	[dreg:$0xb] =	wrdreg s10  }
0xc: {  	s13 =	simm.s32 $0x280;
	[dreg:$0xc] =	wrdreg s12  }
0xd: {  	s14 =	simm.s32 $0x1200;
	[dreg:$0xd] =	wrdreg s13  }
0xe: {  	s15 =	simm.s32 $0x300;
	[dreg:$0xe] =	wrdreg s14  }
0xf: {  	s16 =	simm.s32 $0x1280;
	[dreg:$0xf] =	wrdreg s15  }
0x10: {  	s17 =	simm.s32 $0x380;
	[dreg:$0x10] =	wrdreg s16  }
0x11: {  	s18 =	simm.s32 $0x1300;
	[dreg:$0x11] =	wrdreg s17  }
0x12: {  	s19 =	simm.s32 $0x400;
	[dreg:$0x12] =	wrdreg s18  }
0x13: {  	s20 =	simm.s32 $0x1380;
	[dreg:$0x13] =	wrdreg s19  }
0x14: {  	s25 =	srdreg.scid;
	s21 =	simm.s32 $0x480;
	[dreg:$0x14] =	wrdreg s20  }
0x15: {  	s2 =	simm.s32 $0x8;
	s22 =	simm.s32 $0x1400;
	[dreg:$0x15] =	wrdreg s21  }
0x16: {  	s11 =	stileid.u32;
	s23 =	simm.s32 $0x500;
	[dreg:$0x16] =	wrdreg s22  }
0x17: {  	s24 =	simm.s32 $0x580;
	s28 =	simm.s32 $0xF00;
	[dreg:$0x17] =	wrdreg s23  }
0x18: {  	s0 =	sand.u32 $0x1, s25;
	s25 =	simm.s32 $0x1500;
	[dreg:$0x19] =	wrdreg s24  }
0x19: {  	s29 =	simm.s32 $0x1E80;
	s7 =	simm.s32 $0x1480;
	[dreg:$0x1a] =	wrdreg s25  }
0x1a: {  	s30 =	simm.s32 $0xF80;
	s10 =	simm.s32 $0x1580;
	[dreg:$0x18] =	wrdreg s7  }
0x1b: {  	s31 =	simm.s32 $0x1F00;
	s12 =	simm.s32 $0x680;
	[dreg:$0x1c] =	wrdreg s10  }
0x1c: {  	p0 =	seq.s32 s0, $0x0;
	s13 =	simm.s32 $0x1600;
	[dreg:$0x1d] =	wrdreg s12  }
0x1d: {  	s6 =	smul.u32 $0x13C00, s11;
	s14 =	simm.s32 $0x700;
	[dreg:$0x1e] =	wrdreg s13  }
0x1e: {  	s4 =	sadd.s32 $0x15000, s5;
	s16 =	simm.s32 $0x1680;
	[dreg:$0x1f] =	wrdreg s14  }
0x1f: {  	s9 =	smul.u32 $0x13C000, s0;
	s18 =	simm.s32 $0x780;
	[smem:$0x7E2] =	sst s16  }
0x20: {  	s15 =	ssub.s32 $0x2, s0;
	s19 =	simm.s32 $0x1700;
	[smem:$0x7E3] =	sst s18  }
0x21: {  	s20 =	simm.s32 $0x800;
	s22 =	simm.s32 $0x1780;
	[smem:$0x7E4] =	sst s19  }
0x22: {  	s23 =	simm.s32 $0x880;
	s25 =	simm.s32 $0x1800;
	[smem:$0x7E5] =	sst s20  }
0x23: {  	s0 =	sshll.u32 s0, $0x13;
	s2 =	simm.s32 @!p0 $0x6;
	[smem:$0x7E6] =	sst s22  }
0x24: {  	s17 =	sshrl.u32 s15, $0x1;
	s10 =	smul.u32 $0x4F000, s11;
	[smem:$0x7E8] =	sst s23  }
0x25: {  	[smem:$0x7E9] =	sst s25;
	s12 =	simm.s32 $0x980;
	s13 =	simm.s32 $0x1900  }
0x26: {  	s14 =	simm.s32 $0xA00;
	s18 =	simm.s32 $0x1A00;
	[smem:$0x7ED] =	sst s12  }
0x27: {  	s19 =	simm.s32 $0xB00;
	s20 =	simm.s32 $0x1A80;
	[smem:$0x7EE] =	sst s13  }
0x28: {  	s22 =	simm.s32 $0x1B00;
	s23 =	simm.s32 $0xC00;
	[smem:$0x7F0] =	sst s14  }
0x29: {  	s25 =	simm.s32 $0xC80;
	s2 =	sshll.u32 s11, s2;
	[smem:$0x7F4] =	sst s18  }
0x2a: {  	s8 =	sshrl.u32 s6, $0x3;
	s6 =	sadd.s32 s6, s9;
	[smem:$0x7F5] =	sst s19  }
0x2b: {  	s9 =	ssub.s32 s15, s17;
	s15 =	simm.s32 $0x1980;
	[smem:$0x7F6] =	sst s20  }
0x2c: {  	s17 =	simm.s32 $0xA80;
	s12 =	simm.s32 $0x3;
	[smem:$0x7F8] =	sst s22  }
0x2d: {  	s13 =	simm.s32 $0x1000;
	s14 =	simm.s32 $0x80;
	[smem:$0x7F9] =	sst s23  }
0x2e: {  	s18 =	simm.s32 $0x2;
	[smem:$0x7FB] =	sst s25;
	s19 =	simm.s32 $0xD00  }
0x2f: {  	s20 =	simm.s32 $0x1C80;
	s22 =	simm.s32 $0x1D00;
	s23 =	simm.s32 $0xE00  }
0x30: {  	s25 =	simm.s32 $0xE80;
	s2 =	sshll.u32 s2, $0x7;
	s8 =	sadd.s32 s8, s5  }
0x31: {  	s6 =	sshrl.u32 s6, $0x3;
	s21 =	sshrl.u32 s10, $0x2;
	[smem:$0x7F2] =	sst s15  }
0x32: {  	s16 =	smax.u32 s9, $0x1;
	[smem:$0x7F3] =	sst s17;
	s15 =	simm.s32 $0x2000  }
0x33: {  	s17 =	simm.s32 $0x1;
	s26 =	sand.u32 $0x200, s2;
	[smem:$0x7F1] =	sst s16  }
0x34: {  	s5 =	sadd.s32 s6, s5;
	s24 =	sadd.s32 $0x286000, s8;
	[dreg:$0x6] =	wrdreg s26  }
0x35: {  	s10 =	sadd.s32 s21, s1;
	s6 =	simm.s32 $0x900;
	[smem:$0x7E7] =	sst s24  }
0x36: {  	s21 =	simm.s32 $0xB80;
	s16 =	simm.s32 $0x6000;
	[smem:$0x7EA] =	sst s6  }
0x37: {  	s26 =	simm.s32 $0x600;
	s6 =	simm.s32 $0x8;
	[smem:$0x7F7] =	sst s21  }
0x38: {  	s5 =	sadd.s32 $0x2AD800, s5;
	s24 =	simm.s32 $0x1B80;
	[dreg:$0x1b] =	wrdreg s26  }
0x39: {  	s21 =	simm.s32 $0xD80;
	s26 =	sshll.u32 s11, $0x6;
	[smem:$0x7EF] =	sst s5  }
0x3a: {  	s11 =	simm.s32 $0x1880;
	s6 =	simm.s32 @!p0 $0x2;
	[smem:$0x7FA] =	sst s24  }
0x3b: {  	s5 =	sadd.s32 s2, s0;
	s24 =	simm.s32 $0x1D80;
	[smem:$0x7EB] =	sst s11  }
0x3c: {  	s7 =	sor.u32 $0x1C03, s26;
	[smem:$0x7EC] =	sst s6;
	s26 =	simm.s32 $0x1C00  }
0x3d: {  	s0 =	simm.s32 $0x1F80;
	s11 =	sshrl.u32 s10, $0x3;
	[smem:$0x7FC] =	sst s26  }
0x3e: {  	s2 =	simm.s32 $0x0;
	s26 =	simm.s32 $0x1E00;
	[smem:$0x7FD] =	sst s11  }
.LBB2_1:
0x3f: {  	s6 =	sld [smem:$0x7E7];
	_ =	sdelay $0x2  }
0x40: {  	[spmem:s11], [sflag:s7] =	dma.local [hbm:s6], $0x2780  }
0x41: {  	_ =	swait.ge [sflag:s12], $0x2780  }
0x42: {  	[sflag:s12] =	ssyncset.done $0x0  }
0x43: {  	[sflag:s12] =	ssyncadd.s32 $0xFFFFD880  }
0x44: {  	[bflag:$0x0] =	sbarrier.arrive $0xFFFF  }
0x45: {  	s10 =	sld [smem:$0x7EC];
	_ =	sdelay $0x2  }
0x46: {  	p1 =	sne.s32 s10, $0x1  }
.Ltmp0:
0x47: {  	_ = 	snop;
	(pc) =	sbr.rel @!p1 .LBB2_2-.Ltmp0, $2  }
0x48: {  	_ =	sdelay $0x2  }
0x49: {  	p0 =	por $0x0, $0x0;
	s9 =	rddreg [dreg:$0x6];
	s8 =	sadd.s32 $0xFFFFFFFF, s10  }
0x4a: {  	s10 =	sand.u32 $0xFFFFFC00, s5  }
0x4b: {  	s9 =	sor.u32 s9, s10  }
0x4c: {  	s6 =	rddreg [dreg:$0x4];
	s9 =	sshrl.u32 s9, $0x3  }
0x4d: {  	s6 =	sadd.s32 s6, s9  }
0x4e: {  	[tilespmem:s3], [sflag:$0x3] =	stream.linear.gather [hbm4b:s6+s3], $0x1000, $0x38;
	[tilespmem:$0x1DC00] =	vst v63  }
0x4f: {  	_ =	swait.ge [sflag:s12], $0x1000  }
0x50: {  	s11 =	rddreg [dreg:$0x5];
	[sflag:s12] =	ssyncset.done $0x0  }
0x51: {  	[sflag:s12] =	ssyncadd.s32 $0xFFFFF000;
	s6 =	sadd.s32 s11, s9  }
0x52: {  	[tilespmem:s13], [sflag:$0x3] =	stream.linear.gather [hbm4b:s6+s3], $0x1000, $0x38;
	[tilespmem:$0x1DC00] =	vst v63  }
0x53: {  	_ =	swait.ge [sflag:s12], $0x1000  }
0x54: {  	[sflag:s12] =	ssyncset.done $0x0  }
0x55: {  	[sflag:s12] =	ssyncadd.s32 $0xFFFFF000  }
0x56: {  	[tilespmem:s15], [sflag:$0x1] =	stream.indirect.gather [hbm4b:s4+s14], $0x80, s3, s14, $0xb8;
	[tilespmem:$0x1DC00] =	vst v63  }
0x57: {  	_ = 	snop  }
0x58: {  	[tilespmem:s16], [sflag:$0x2] =	stream.indirect.gather [hbm4b:s4+s14], $0x80, s14, s14, $0xb8;
	[tilespmem:$0x1DC00] =	vst v63  }
0x59: {  	_ =	swait.ge [sflag:s17], $0x4000  }
0x5a: {  	[sflag:s17] =	ssyncset.done $0x0  }
0x5b: {  	[sflag:s17] =	ssyncadd.s32 $0xFFFFC000  }
0x5c: {  	[spmem:s1] =	stream.indirect.scatter.add.f32 [tilespmem:s15], [sflag:$0x3], $0x80, s13, s14, $0xb8;
	[tilespmem:$0x1DC00] =	vst v63  }
0x5d: {  	_ =	swait.ge [sflag:s12], $0x4000  }
0x5e: {  	[sflag:s12] =	ssyncset.done $0x0  }
0x5f: {  	s9 =	rddreg [dreg:$0x7];
	[sflag:s12] =	ssyncadd.s32 $0xFFFFC000  }
0x60: {  	[tilespmem:s15], [sflag:$0x1] =	stream.indirect.gather [hbm4b:s4+s14], $0x80, s9, s14, $0xb8;
	[tilespmem:$0x1DC00] =	vst v63  }
0x61: {  	_ =	swait.ge [sflag:s18], $0x4000  }
0x62: {  	[sflag:s18] =	ssyncset.done $0x0  }
0x63: {  	s10 =	rddreg [dreg:$0x8];
	[sflag:s18] =	ssyncadd.s32 $0xFFFFC000  }
0x64: {  	[spmem:s1] =	stream.indirect.scatter.add.f32 [tilespmem:s16], [sflag:$0x3], $0x80, s10, s14, $0xb8;
	[tilespmem:$0x1DC00] =	vst v63  }
0x65: {  	_ =	swait.ge [sflag:s12], $0x4000  }
0x66: {  	[sflag:s12] =	ssyncset.done $0x0  }
0x67: {  	s11 =	rddreg [dreg:$0x9];
	[sflag:s12] =	ssyncadd.s32 $0xFFFFC000  }
0x68: {  	[tilespmem:s16], [sflag:$0x2] =	stream.indirect.gather [hbm4b:s4+s14], $0x80, s11, s14, $0xb8;
	[tilespmem:$0x1DC00] =	vst v63  }
0x69: {  	_ =	swait.ge [sflag:s17], $0x4000  }
0x6a: {  	[sflag:s17] =	ssyncset.done $0x0  }
0x6b: {  	s9 =	rddreg [dreg:$0xa];
	[sflag:s17] =	ssyncadd.s32 $0xFFFFC000  }
0x6c: {  	[spmem:s1] =	stream.indirect.scatter.add.f32 [tilespmem:s15], [sflag:$0x3], $0x80, s9, s14, $0xb8;
	[tilespmem:$0x1DC00] =	vst v63  }
0x6d: {  	_ =	swait.ge [sflag:s12], $0x4000  }
0x6e: {  	[sflag:s12] =	ssyncset.done $0x0  }
0x6f: {  	s10 =	rddreg [dreg:$0xb];
	[sflag:s12] =	ssyncadd.s32 $0xFFFFC000  }
0x70: {  	[tilespmem:s15], [sflag:$0x1] =	stream.indirect.gather [hbm4b:s4+s14], $0x80, s10, s14, $0xb8;
	[tilespmem:$0x1DC00] =	vst v63  }
0x71: {  	_ =	swait.ge [sflag:s18], $0x4000  }
0x72: {  	[sflag:s18] =	ssyncset.done $0x0  }
0x73: {  	s11 =	rddreg [dreg:$0xc];
	[sflag:s18] =	ssyncadd.s32 $0xFFFFC000  }
0x74: {  	[spmem:s1] =	stream.indirect.scatter.add.f32 [tilespmem:s16], [sflag:$0x3], $0x80, s11, s14, $0xb8;
	[tilespmem:$0x1DC00] =	vst v63  }
0x75: {  	_ =	swait.ge [sflag:s12], $0x4000  }
0x76: {  	[sflag:s12] =	ssyncset.done $0x0  }
0x77: {  	s9 =	rddreg [dreg:$0xd];
	[sflag:s12] =	ssyncadd.s32 $0xFFFFC000  }
0x78: {  	[tilespmem:s16], [sflag:$0x2] =	stream.indirect.gather [hbm4b:s4+s14], $0x80, s9, s14, $0xb8;
	[tilespmem:$0x1DC00] =	vst v63  }
0x79: {  	_ =	swait.ge [sflag:s17], $0x4000  }
0x7a: {  	[sflag:s17] =	ssyncset.done $0x0  }
0x7b: {  	s10 =	rddreg [dreg:$0xe];
	[sflag:s17] =	ssyncadd.s32 $0xFFFFC000  }
0x7c: {  	[spmem:s1] =	stream.indirect.scatter.add.f32 [tilespmem:s15], [sflag:$0x3], $0x80, s10, s14, $0xb8;
	[tilespmem:$0x1DC00] =	vst v63  }
0x7d: {  	_ =	swait.ge [sflag:s12], $0x4000  }
0x7e: {  	[sflag:s12] =	ssyncset.done $0x0  }
0x7f: {  	s11 =	rddreg [dreg:$0xf];
	[sflag:s12] =	ssyncadd.s32 $0xFFFFC000  }
0x80: {  	[tilespmem:s15], [sflag:$0x1] =	stream.indirect.gather [hbm4b:s4+s14], $0x80, s11, s14, $0xb8;
	[tilespmem:$0x1DC00] =	vst v63  }
0x81: {  	_ =	swait.ge [sflag:s18], $0x4000  }
0x82: {  	[sflag:s18] =	ssyncset.done $0x0  }
0x83: {  	s9 =	rddreg [dreg:$0x10];
	[sflag:s18] =	ssyncadd.s32 $0xFFFFC000  }
0x84: {  	[spmem:s1] =	stream.indirect.scatter.add.f32 [tilespmem:s16], [sflag:$0x3], $0x80, s9, s14, $0xb8;
	[tilespmem:$0x1DC00] =	vst v63  }
0x85: {  	_ =	swait.ge [sflag:s12], $0x4000  }
0x86: {  	[sflag:s12] =	ssyncset.done $0x0  }
0x87: {  	s10 =	rddreg [dreg:$0x11];
	[sflag:s12] =	ssyncadd.s32 $0xFFFFC000  }
0x88: {  	[tilespmem:s16], [sflag:$0x2] =	stream.indirect.gather [hbm4b:s4+s14], $0x80, s10, s14, $0xb8;
	[tilespmem:$0x1DC00] =	vst v63  }
0x89: {  	_ =	swait.ge [sflag:s17], $0x4000  }
0x8a: {  	[sflag:s17] =	ssyncset.done $0x0  }
0x8b: {  	s11 =	rddreg [dreg:$0x12];
	[sflag:s17] =	ssyncadd.s32 $0xFFFFC000  }
0x8c: {  	[spmem:s1] =	stream.indirect.scatter.add.f32 [tilespmem:s15], [sflag:$0x3], $0x80, s11, s14, $0xb8;
	[tilespmem:$0x1DC00] =	vst v63  }
0x8d: {  	_ =	swait.ge [sflag:s12], $0x4000  }
0x8e: {  	[sflag:s12] =	ssyncset.done $0x0  }
0x8f: {  	s9 =	rddreg [dreg:$0x13];
	[sflag:s12] =	ssyncadd.s32 $0xFFFFC000  }
0x90: {  	[tilespmem:s15], [sflag:$0x1] =	stream.indirect.gather [hbm4b:s4+s14], $0x80, s9, s14, $0xb8;
	[tilespmem:$0x1DC00] =	vst v63  }
0x91: {  	_ =	swait.ge [sflag:s18], $0x4000  }
0x92: {  	[sflag:s18] =	ssyncset.done $0x0  }
0x93: {  	s10 =	rddreg [dreg:$0x14];
	[sflag:s18] =	ssyncadd.s32 $0xFFFFC000  }
0x94: {  	[spmem:s1] =	stream.indirect.scatter.add.f32 [tilespmem:s16], [sflag:$0x3], $0x80, s10, s14, $0xb8;
	[tilespmem:$0x1DC00] =	vst v63  }
0x95: {  	_ =	swait.ge [sflag:s12], $0x4000  }
0x96: {  	[sflag:s12] =	ssyncset.done $0x0  }
0x97: {  	s11 =	rddreg [dreg:$0x15];
	[sflag:s12] =	ssyncadd.s32 $0xFFFFC000  }
0x98: {  	[tilespmem:s16], [sflag:$0x2] =	stream.indirect.gather [hbm4b:s4+s14], $0x80, s11, s14, $0xb8;
	[tilespmem:$0x1DC00] =	vst v63  }
0x99: {  	_ =	swait.ge [sflag:s17], $0x4000  }
0x9a: {  	[sflag:s17] =	ssyncset.done $0x0  }
0x9b: {  	s9 =	rddreg [dreg:$0x16];
	[sflag:s17] =	ssyncadd.s32 $0xFFFFC000  }
0x9c: {  	[spmem:s1] =	stream.indirect.scatter.add.f32 [tilespmem:s15], [sflag:$0x3], $0x80, s9, s14, $0xb8;
	[tilespmem:$0x1DC00] =	vst v63  }
0x9d: {  	_ =	swait.ge [sflag:s12], $0x4000  }
0x9e: {  	[sflag:s12] =	ssyncset.done $0x0  }
0x9f: {  	s10 =	rddreg [dreg:$0x17];
	[sflag:s12] =	ssyncadd.s32 $0xFFFFC000  }
0xa0: {  	[tilespmem:s15], [sflag:$0x1] =	stream.indirect.gather [hbm4b:s4+s14], $0x80, s10, s14, $0xb8;
	[tilespmem:$0x1DC00] =	vst v63  }
0xa1: {  	_ =	swait.ge [sflag:s18], $0x4000  }
0xa2: {  	[sflag:s18] =	ssyncset.done $0x0  }
0xa3: {  	s11 =	rddreg [dreg:$0x18];
	[sflag:s18] =	ssyncadd.s32 $0xFFFFC000  }
0xa4: {  	[spmem:s1] =	stream.indirect.scatter.add.f32 [tilespmem:s16], [sflag:$0x3], $0x80, s11, s14, $0xb8;
	[tilespmem:$0x1DC00] =	vst v63  }
0xa5: {  	_ =	swait.ge [sflag:s12], $0x4000  }
0xa6: {  	[sflag:s12] =	ssyncset.done $0x0  }
0xa7: {  	s9 =	rddreg [dreg:$0x19];
	[sflag:s12] =	ssyncadd.s32 $0xFFFFC000  }
0xa8: {  	[tilespmem:s16], [sflag:$0x2] =	stream.indirect.gather [hbm4b:s4+s14], $0x80, s9, s14, $0xb8;
	[tilespmem:$0x1DC00] =	vst v63  }
0xa9: {  	_ =	swait.ge [sflag:s17], $0x4000  }
0xaa: {  	[sflag:s17] =	ssyncset.done $0x0  }
0xab: {  	s10 =	rddreg [dreg:$0x1a];
	[sflag:s17] =	ssyncadd.s32 $0xFFFFC000  }
0xac: {  	[spmem:s1] =	stream.indirect.scatter.add.f32 [tilespmem:s15], [sflag:$0x3], $0x80, s10, s14, $0xb8;
	[tilespmem:$0x1DC00] =	vst v63  }
0xad: {  	_ =	swait.ge [sflag:s12], $0x4000  }
0xae: {  	[sflag:s12] =	ssyncset.done $0x0  }
0xaf: {  	s11 =	rddreg [dreg:$0x1b];
	[sflag:s12] =	ssyncadd.s32 $0xFFFFC000  }
0xb0: {  	[tilespmem:s15], [sflag:$0x1] =	stream.indirect.gather [hbm4b:s4+s14], $0x80, s11, s14, $0xb8;
	[tilespmem:$0x1DC00] =	vst v63  }
0xb1: {  	_ =	swait.ge [sflag:s18], $0x4000  }
0xb2: {  	[sflag:s18] =	ssyncset.done $0x0  }
0xb3: {  	s9 =	rddreg [dreg:$0x1c];
	[sflag:s18] =	ssyncadd.s32 $0xFFFFC000  }
0xb4: {  	[spmem:s1] =	stream.indirect.scatter.add.f32 [tilespmem:s16], [sflag:$0x3], $0x80, s9, s14, $0xb8;
	[tilespmem:$0x1DC00] =	vst v63  }
0xb5: {  	_ =	swait.ge [sflag:s12], $0x4000  }
0xb6: {  	[sflag:s12] =	ssyncset.done $0x0  }
0xb7: {  	s10 =	rddreg [dreg:$0x1d];
	[sflag:s12] =	ssyncadd.s32 $0xFFFFC000  }
0xb8: {  	[tilespmem:s16], [sflag:$0x2] =	stream.indirect.gather [hbm4b:s4+s14], $0x80, s10, s14, $0xb8;
	[tilespmem:$0x1DC00] =	vst v63  }
0xb9: {  	_ =	swait.ge [sflag:s17], $0x4000  }
0xba: {  	[sflag:s17] =	ssyncset.done $0x0  }
0xbb: {  	s11 =	rddreg [dreg:$0x1e];
	[sflag:s17] =	ssyncadd.s32 $0xFFFFC000  }
0xbc: {  	[spmem:s1] =	stream.indirect.scatter.add.f32 [tilespmem:s15], [sflag:$0x3], $0x80, s11, s14, $0xb8;
	[tilespmem:$0x1DC00] =	vst v63  }
0xbd: {  	_ =	swait.ge [sflag:s12], $0x4000  }
0xbe: {  	[sflag:s12] =	ssyncset.done $0x0  }
0xbf: {  	s9 =	rddreg [dreg:$0x1f];
	[sflag:s12] =	ssyncadd.s32 $0xFFFFC000  }
0xc0: {  	[tilespmem:s15], [sflag:$0x1] =	stream.indirect.gather [hbm4b:s4+s14], $0x80, s9, s14, $0xb8;
	[tilespmem:$0x1DC00] =	vst v63  }
0xc1: {  	_ =	swait.ge [sflag:s18], $0x4000  }
0xc2: {  	s10 =	sld [smem:$0x7E2]  }
0xc3: {  	[sflag:s18] =	ssyncset.done $0x0  }
0xc4: {  	[sflag:s18] =	ssyncadd.s32 $0xFFFFC000  }
0xc5: {  	[spmem:s1] =	stream.indirect.scatter.add.f32 [tilespmem:s16], [sflag:$0x3], $0x80, s10, s14, $0xb8;
	[tilespmem:$0x1DC00] =	vst v63  }
0xc6: {  	_ =	swait.ge [sflag:s12], $0x4000  }
0xc7: {  	s11 =	sld [smem:$0x7E3]  }
0xc8: {  	[sflag:s12] =	ssyncset.done $0x0  }
0xc9: {  	[sflag:s12] =	ssyncadd.s32 $0xFFFFC000  }
0xca: {  	[tilespmem:s16], [sflag:$0x2] =	stream.indirect.gather [hbm4b:s4+s14], $0x80, s11, s14, $0xb8;
	[tilespmem:$0x1DC00] =	vst v63  }
0xcb: {  	_ =	swait.ge [sflag:s17], $0x4000  }
0xcc: {  	s9 =	sld [smem:$0x7E4]  }
0xcd: {  	[sflag:s17] =	ssyncset.done $0x0  }
0xce: {  	[sflag:s17] =	ssyncadd.s32 $0xFFFFC000  }
0xcf: {  	[spmem:s1] =	stream.indirect.scatter.add.f32 [tilespmem:s15], [sflag:$0x3], $0x80, s9, s14, $0xb8;
	[tilespmem:$0x1DC00] =	vst v63  }
0xd0: {  	_ =	swait.ge [sflag:s12], $0x4000  }
0xd1: {  	s10 =	sld [smem:$0x7E5]  }
0xd2: {  	[sflag:s12] =	ssyncset.done $0x0  }
0xd3: {  	[sflag:s12] =	ssyncadd.s32 $0xFFFFC000  }
0xd4: {  	[tilespmem:s15], [sflag:$0x1] =	stream.indirect.gather [hbm4b:s4+s14], $0x80, s10, s14, $0xb8;
	[tilespmem:$0x1DC00] =	vst v63  }
0xd5: {  	_ =	swait.ge [sflag:s18], $0x4000  }
0xd6: {  	s11 =	sld [smem:$0x7E6]  }
0xd7: {  	[sflag:s18] =	ssyncset.done $0x0  }
0xd8: {  	[sflag:s18] =	ssyncadd.s32 $0xFFFFC000  }
0xd9: {  	[spmem:s1] =	stream.indirect.scatter.add.f32 [tilespmem:s16], [sflag:$0x3], $0x80, s11, s14, $0xb8;
	[tilespmem:$0x1DC00] =	vst v63  }
0xda: {  	_ =	swait.ge [sflag:s12], $0x4000  }
0xdb: {  	s9 =	sld [smem:$0x7E8]  }
0xdc: {  	[sflag:s12] =	ssyncset.done $0x0  }
0xdd: {  	[sflag:s12] =	ssyncadd.s32 $0xFFFFC000  }
0xde: {  	[tilespmem:s16], [sflag:$0x2] =	stream.indirect.gather [hbm4b:s4+s14], $0x80, s9, s14, $0xb8;
	[tilespmem:$0x1DC00] =	vst v63  }
0xdf: {  	_ =	swait.ge [sflag:s17], $0x4000  }
0xe0: {  	s10 =	sld [smem:$0x7E9]  }
0xe1: {  	[sflag:s17] =	ssyncset.done $0x0  }
0xe2: {  	[sflag:s17] =	ssyncadd.s32 $0xFFFFC000  }
0xe3: {  	[spmem:s1] =	stream.indirect.scatter.add.f32 [tilespmem:s15], [sflag:$0x3], $0x80, s10, s14, $0xb8;
	[tilespmem:$0x1DC00] =	vst v63  }
0xe4: {  	_ =	swait.ge [sflag:s12], $0x4000  }
0xe5: {  	s11 =	sld [smem:$0x7EA]  }
0xe6: {  	[sflag:s12] =	ssyncset.done $0x0  }
0xe7: {  	[sflag:s12] =	ssyncadd.s32 $0xFFFFC000  }
0xe8: {  	[tilespmem:s15], [sflag:$0x1] =	stream.indirect.gather [hbm4b:s4+s14], $0x80, s11, s14, $0xb8;
	[tilespmem:$0x1DC00] =	vst v63  }
0xe9: {  	_ =	swait.ge [sflag:s18], $0x4000  }
0xea: {  	s9 =	sld [smem:$0x7EB]  }
0xeb: {  	[sflag:s18] =	ssyncset.done $0x0  }
0xec: {  	[sflag:s18] =	ssyncadd.s32 $0xFFFFC000  }
0xed: {  	[spmem:s1] =	stream.indirect.scatter.add.f32 [tilespmem:s16], [sflag:$0x3], $0x80, s9, s14, $0xb8;
	[tilespmem:$0x1DC00] =	vst v63  }
0xee: {  	_ =	swait.ge [sflag:s12], $0x4000  }
0xef: {  	s10 =	sld [smem:$0x7ED]  }
0xf0: {  	[sflag:s12] =	ssyncset.done $0x0  }
0xf1: {  	[sflag:s12] =	ssyncadd.s32 $0xFFFFC000  }
0xf2: {  	[tilespmem:s16], [sflag:$0x2] =	stream.indirect.gather [hbm4b:s4+s14], $0x80, s10, s14, $0xb8;
	[tilespmem:$0x1DC00] =	vst v63  }
0xf3: {  	_ =	swait.ge [sflag:s17], $0x4000  }
0xf4: {  	s11 =	sld [smem:$0x7EE]  }
0xf5: {  	[sflag:s17] =	ssyncset.done $0x0  }
0xf6: {  	[sflag:s17] =	ssyncadd.s32 $0xFFFFC000  }
0xf7: {  	[spmem:s1] =	stream.indirect.scatter.add.f32 [tilespmem:s15], [sflag:$0x3], $0x80, s11, s14, $0xb8;
	[tilespmem:$0x1DC00] =	vst v63  }
0xf8: {  	_ =	swait.ge [sflag:s12], $0x4000  }
0xf9: {  	s9 =	sld [smem:$0x7F0]  }
0xfa: {  	[sflag:s12] =	ssyncset.done $0x0  }
0xfb: {  	[sflag:s12] =	ssyncadd.s32 $0xFFFFC000  }
0xfc: {  	[tilespmem:s15], [sflag:$0x1] =	stream.indirect.gather [hbm4b:s4+s14], $0x80, s9, s14, $0xb8;
	[tilespmem:$0x1DC00] =	vst v63  }
0xfd: {  	_ =	swait.ge [sflag:s18], $0x4000  }
0xfe: {  	s10 =	sld [smem:$0x7F2]  }
0xff: {  	[sflag:s18] =	ssyncset.done $0x0  }
0x100: {  	[sflag:s18] =	ssyncadd.s32 $0xFFFFC000  }
0x101: {  	[spmem:s1] =	stream.indirect.scatter.add.f32 [tilespmem:s16], [sflag:$0x3], $0x80, s10, s14, $0xb8;
	[tilespmem:$0x1DC00] =	vst v63  }
0x102: {  	_ =	swait.ge [sflag:s12], $0x4000  }
0x103: {  	s11 =	sld [smem:$0x7F3]  }
0x104: {  	[sflag:s12] =	ssyncset.done $0x0  }
0x105: {  	[sflag:s12] =	ssyncadd.s32 $0xFFFFC000  }
0x106: {  	[tilespmem:s16], [sflag:$0x2] =	stream.indirect.gather [hbm4b:s4+s14], $0x80, s11, s14, $0xb8;
	[tilespmem:$0x1DC00] =	vst v63  }
0x107: {  	_ =	swait.ge [sflag:s17], $0x4000  }
0x108: {  	s9 =	sld [smem:$0x7F4]  }
0x109: {  	[sflag:s17] =	ssyncset.done $0x0  }
0x10a: {  	[sflag:s17] =	ssyncadd.s32 $0xFFFFC000  }
0x10b: {  	[spmem:s1] =	stream.indirect.scatter.add.f32 [tilespmem:s15], [sflag:$0x3], $0x80, s9, s14, $0xb8;
	[tilespmem:$0x1DC00] =	vst v63  }
0x10c: {  	_ =	swait.ge [sflag:s12], $0x4000  }
0x10d: {  	s10 =	sld [smem:$0x7F5]  }
0x10e: {  	[sflag:s12] =	ssyncset.done $0x0  }
0x10f: {  	[sflag:s12] =	ssyncadd.s32 $0xFFFFC000  }
0x110: {  	[tilespmem:s15], [sflag:$0x1] =	stream.indirect.gather [hbm4b:s4+s14], $0x80, s10, s14, $0xb8;
	[tilespmem:$0x1DC00] =	vst v63  }
0x111: {  	_ =	swait.ge [sflag:s18], $0x4000  }
0x112: {  	s11 =	sld [smem:$0x7F6]  }
0x113: {  	[sflag:s18] =	ssyncset.done $0x0  }
0x114: {  	[sflag:s18] =	ssyncadd.s32 $0xFFFFC000  }
0x115: {  	[spmem:s1] =	stream.indirect.scatter.add.f32 [tilespmem:s16], [sflag:$0x3], $0x80, s11, s14, $0xb8;
	[tilespmem:$0x1DC00] =	vst v63  }
0x116: {  	_ =	swait.ge [sflag:s12], $0x4000  }
0x117: {  	s9 =	sld [smem:$0x7F7]  }
0x118: {  	[sflag:s12] =	ssyncset.done $0x0  }
0x119: {  	[sflag:s12] =	ssyncadd.s32 $0xFFFFC000  }
0x11a: {  	[tilespmem:s16], [sflag:$0x2] =	stream.indirect.gather [hbm4b:s4+s14], $0x80, s9, s14, $0xb8;
	[tilespmem:$0x1DC00] =	vst v63  }
0x11b: {  	_ =	swait.ge [sflag:s17], $0x4000  }
0x11c: {  	s10 =	sld [smem:$0x7F8]  }
0x11d: {  	[sflag:s17] =	ssyncset.done $0x0  }
0x11e: {  	[sflag:s17] =	ssyncadd.s32 $0xFFFFC000  }
0x11f: {  	[spmem:s1] =	stream.indirect.scatter.add.f32 [tilespmem:s15], [sflag:$0x3], $0x80, s10, s14, $0xb8;
	[tilespmem:$0x1DC00] =	vst v63  }
0x120: {  	_ =	swait.ge [sflag:s12], $0x4000  }
0x121: {  	s11 =	sld [smem:$0x7F9]  }
0x122: {  	[sflag:s12] =	ssyncset.done $0x0  }
0x123: {  	[sflag:s12] =	ssyncadd.s32 $0xFFFFC000  }
0x124: {  	[tilespmem:s15], [sflag:$0x1] =	stream.indirect.gather [hbm4b:s4+s14], $0x80, s11, s14, $0xb8;
	[tilespmem:$0x1DC00] =	vst v63  }
0x125: {  	_ =	swait.ge [sflag:s18], $0x4000  }
0x126: {  	s9 =	sld [smem:$0x7FA]  }
0x127: {  	[sflag:s18] =	ssyncset.done $0x0  }
0x128: {  	[sflag:s18] =	ssyncadd.s32 $0xFFFFC000  }
0x129: {  	[spmem:s1] =	stream.indirect.scatter.add.f32 [tilespmem:s16], [sflag:$0x3], $0x80, s9, s14, $0xb8;
	[tilespmem:$0x1DC00] =	vst v63  }
0x12a: {  	_ =	swait.ge [sflag:s12], $0x4000  }
0x12b: {  	s10 =	sld [smem:$0x7FB]  }
0x12c: {  	[sflag:s12] =	ssyncset.done $0x0  }
0x12d: {  	[sflag:s12] =	ssyncadd.s32 $0xFFFFC000  }
0x12e: {  	[tilespmem:s16], [sflag:$0x2] =	stream.indirect.gather [hbm4b:s4+s14], $0x80, s10, s14, $0xb8;
	[tilespmem:$0x1DC00] =	vst v63  }
0x12f: {  	_ =	swait.ge [sflag:s17], $0x4000  }
0x130: {  	s11 =	sld [smem:$0x7FC]  }
0x131: {  	[sflag:s17] =	ssyncset.done $0x0  }
0x132: {  	[sflag:s17] =	ssyncadd.s32 $0xFFFFC000  }
0x133: {  	[spmem:s1] =	stream.indirect.scatter.add.f32 [tilespmem:s15], [sflag:$0x3], $0x80, s11, s14, $0xb8;
	[tilespmem:$0x1DC00] =	vst v63  }
0x134: {  	_ =	swait.ge [sflag:s12], $0x4000  }
0x135: {  	[sflag:s12] =	ssyncset.done $0x0  }
0x136: {  	[sflag:s12] =	ssyncadd.s32 $0xFFFFC000  }
0x137: {  	[tilespmem:s15], [sflag:$0x1] =	stream.indirect.gather [hbm4b:s4+s14], $0x80, s19, s14, $0xb8;
	[tilespmem:$0x1DC00] =	vst v63  }
0x138: {  	_ =	swait.ge [sflag:s18], $0x4000  }
0x139: {  	[sflag:s18] =	ssyncset.done $0x0  }
0x13a: {  	[sflag:s18] =	ssyncadd.s32 $0xFFFFC000  }
0x13b: {  	[spmem:s1] =	stream.indirect.scatter.add.f32 [tilespmem:s16], [sflag:$0x3], $0x80, s20, s14, $0xb8;
	[tilespmem:$0x1DC00] =	vst v63  }
0x13c: {  	_ =	swait.ge [sflag:s12], $0x4000  }
0x13d: {  	[sflag:s12] =	ssyncset.done $0x0  }
0x13e: {  	[sflag:s12] =	ssyncadd.s32 $0xFFFFC000  }
0x13f: {  	[tilespmem:s16], [sflag:$0x2] =	stream.indirect.gather [hbm4b:s4+s14], $0x80, s21, s14, $0xb8;
	[tilespmem:$0x1DC00] =	vst v63  }
0x140: {  	_ =	swait.ge [sflag:s17], $0x4000  }
0x141: {  	[sflag:s17] =	ssyncset.done $0x0  }
0x142: {  	[sflag:s17] =	ssyncadd.s32 $0xFFFFC000  }
0x143: {  	[spmem:s1] =	stream.indirect.scatter.add.f32 [tilespmem:s15], [sflag:$0x3], $0x80, s22, s14, $0xb8;
	[tilespmem:$0x1DC00] =	vst v63  }
0x144: {  	_ =	swait.ge [sflag:s12], $0x4000  }
0x145: {  	[sflag:s12] =	ssyncset.done $0x0  }
0x146: {  	[sflag:s12] =	ssyncadd.s32 $0xFFFFC000  }
0x147: {  	[tilespmem:s15], [sflag:$0x1] =	stream.indirect.gather [hbm4b:s4+s14], $0x80, s23, s14, $0xb8;
	[tilespmem:$0x1DC00] =	vst v63  }
0x148: {  	_ =	swait.ge [sflag:s18], $0x4000  }
0x149: {  	[sflag:s18] =	ssyncset.done $0x0  }
0x14a: {  	[sflag:s18] =	ssyncadd.s32 $0xFFFFC000  }
0x14b: {  	[spmem:s1] =	stream.indirect.scatter.add.f32 [tilespmem:s16], [sflag:$0x3], $0x80, s24, s14, $0xb8;
	[tilespmem:$0x1DC00] =	vst v63  }
0x14c: {  	_ =	swait.ge [sflag:s12], $0x4000  }
0x14d: {  	[sflag:s12] =	ssyncset.done $0x0  }
0x14e: {  	[sflag:s12] =	ssyncadd.s32 $0xFFFFC000  }
0x14f: {  	[tilespmem:s16], [sflag:$0x2] =	stream.indirect.gather [hbm4b:s4+s14], $0x80, s25, s14, $0xb8;
	[tilespmem:$0x1DC00] =	vst v63  }
0x150: {  	_ =	swait.ge [sflag:s17], $0x4000  }
0x151: {  	[sflag:s17] =	ssyncset.done $0x0  }
0x152: {  	[sflag:s17] =	ssyncadd.s32 $0xFFFFC000  }
0x153: {  	[spmem:s1] =	stream.indirect.scatter.add.f32 [tilespmem:s15], [sflag:$0x3], $0x80, s26, s14, $0xb8;
	[tilespmem:$0x1DC00] =	vst v63  }
0x154: {  	_ =	swait.ge [sflag:s12], $0x4000  }
0x155: {  	[sflag:s12] =	ssyncset.done $0x0  }
0x156: {  	[sflag:s12] =	ssyncadd.s32 $0xFFFFC000  }
0x157: {  	[tilespmem:s15], [sflag:$0x1] =	stream.indirect.gather [hbm4b:s4+s14], $0x80, s28, s14, $0xb8;
	[tilespmem:$0x1DC00] =	vst v63  }
0x158: {  	_ =	swait.ge [sflag:s18], $0x4000  }
0x159: {  	[sflag:s18] =	ssyncset.done $0x0  }
0x15a: {  	[sflag:s18] =	ssyncadd.s32 $0xFFFFC000  }
0x15b: {  	[spmem:s1] =	stream.indirect.scatter.add.f32 [tilespmem:s16], [sflag:$0x3], $0x80, s29, s14, $0xb8;
	[tilespmem:$0x1DC00] =	vst v63  }
0x15c: {  	_ =	swait.ge [sflag:s12], $0x4000  }
0x15d: {  	[sflag:s12] =	ssyncset.done $0x0  }
0x15e: {  	[sflag:s12] =	ssyncadd.s32 $0xFFFFC000  }
0x15f: {  	[tilespmem:s16], [sflag:$0x2] =	stream.indirect.gather [hbm4b:s4+s14], $0x80, s30, s14, $0xb8;
	[tilespmem:$0x1DC00] =	vst v63  }
0x160: {  	_ =	swait.ge [sflag:s17], $0x4000  }
0x161: {  	[sflag:s17] =	ssyncset.done $0x0  }
0x162: {  	[sflag:s17] =	ssyncadd.s32 $0xFFFFC000  }
0x163: {  	[spmem:s1] =	stream.indirect.scatter.add.f32 [tilespmem:s15], [sflag:$0x3], $0x80, s31, s14, $0xb8;
	[tilespmem:$0x1DC00] =	vst v63  }
0x164: {  	_ =	swait.ge [sflag:s12], $0x4000  }
0x165: {  	[sflag:s12] =	ssyncset.done $0x0  }
0x166: {  	[sflag:s12] =	ssyncadd.s32 $0xFFFFC000  }
0x167: {  	p1 =	sne.s32 s8, $0x1;
	_ =	swait.ge [sflag:s18], $0x4000  }
.Ltmp1:
0x168: {  	[sflag:s18] =	ssyncset.done $0x0;
	(pc) =	sbr.rel @!p1 .LBB2_4-.Ltmp1, $4  }
0x169: {  	[sflag:s18] =	ssyncadd.s32 $0xFFFFC000  }
0x16a: {  	[spmem:s1] =	stream.indirect.scatter.add.f32 [tilespmem:s16], [sflag:$0x3], $0x80, s0, s14, $0xb8;
	[tilespmem:$0x1DC00] =	vst v63  }
0x16b: {  	s8 =	sadd.s32 $0xFFFFFFFF, s8;
	p0 =	por $0x1, $0x1;
	_ =	swait.ge [sflag:s12], $0x4000  }
0x16c: {  	s10 =	smov.u32 s5;
	s9 =	rddreg [dreg:$0x6];
	[sflag:s12] =	ssyncset.done $0x0  }
.LBB2_5:
0x16d: {  	s10 =	sadd.s32 $0x1000, s10  }
0x16e: {  	s6 =	sand.u32 $0xFFFFFC00, s10  }
0x16f: {  	s6 =	sor.u32 s9, s6  }
0x170: {  	s11 =	rddreg [dreg:$0x4];
	s6 =	sshrl.u32 s6, $0x3  }
0x171: {  	[sflag:s12] =	ssyncadd.s32 $0xFFFFC000;
	s11 =	sadd.s32 s11, s6  }
0x172: {  	[tilespmem:s3], [sflag:$0x3] =	stream.linear.gather [hbm4b:s11+s3], $0x1000, $0x38;
	[tilespmem:$0x1DC00] =	vst v63  }
0x173: {  	_ =	swait.ge [sflag:s12], $0x1000  }
0x174: {  	s11 =	rddreg [dreg:$0x5];
	[sflag:s12] =	ssyncset.done $0x0  }
0x175: {  	[sflag:s12] =	ssyncadd.s32 $0xFFFFF000;
	s6 =	sadd.s32 s11, s6  }
0x176: {  	[tilespmem:s13], [sflag:$0x3] =	stream.linear.gather [hbm4b:s6+s3], $0x1000, $0x38;
	[tilespmem:$0x1DC00] =	vst v63  }
0x177: {  	_ =	swait.ge [sflag:s12], $0x1000  }
0x178: {  	[sflag:s12] =	ssyncset.done $0x0  }
0x179: {  	[sflag:s12] =	ssyncadd.s32 $0xFFFFF000  }
0x17a: {  	[tilespmem:s15], [sflag:$0x1] =	stream.indirect.gather [hbm4b:s4+s14], $0x80, s3, s14, $0xb8;
	[tilespmem:$0x1DC00] =	vst v63  }
0x17b: {  	_ = 	snop  }
0x17c: {  	[tilespmem:s16], [sflag:$0x2] =	stream.indirect.gather [hbm4b:s4+s14], $0x80, s14, s14, $0xb8;
	[tilespmem:$0x1DC00] =	vst v63  }
0x17d: {  	_ =	swait.ge [sflag:s17], $0x4000  }
0x17e: {  	[sflag:s17] =	ssyncset.done $0x0  }
0x17f: {  	[sflag:s17] =	ssyncadd.s32 $0xFFFFC000  }
0x180: {  	[spmem:s1] =	stream.indirect.scatter.add.f32 [tilespmem:s15], [sflag:$0x3], $0x80, s13, s14, $0xb8;
	[tilespmem:$0x1DC00] =	vst v63  }
0x181: {  	_ =	swait.ge [sflag:s12], $0x4000  }
0x182: {  	[sflag:s12] =	ssyncset.done $0x0  }
0x183: {  	s9 =	rddreg [dreg:$0x7];
	[sflag:s12] =	ssyncadd.s32 $0xFFFFC000  }
0x184: {  	[tilespmem:s15], [sflag:$0x1] =	stream.indirect.gather [hbm4b:s4+s14], $0x80, s9, s14, $0xb8;
	[tilespmem:$0x1DC00] =	vst v63  }
0x185: {  	_ =	swait.ge [sflag:s18], $0x4000  }
0x186: {  	[sflag:s18] =	ssyncset.done $0x0  }
0x187: {  	s11 =	rddreg [dreg:$0x8];
	[sflag:s18] =	ssyncadd.s32 $0xFFFFC000  }
0x188: {  	[spmem:s1] =	stream.indirect.scatter.add.f32 [tilespmem:s16], [sflag:$0x3], $0x80, s11, s14, $0xb8;
	[tilespmem:$0x1DC00] =	vst v63  }
0x189: {  	_ =	swait.ge [sflag:s12], $0x4000  }
0x18a: {  	[sflag:s12] =	ssyncset.done $0x0  }
0x18b: {  	s9 =	rddreg [dreg:$0x9];
	[sflag:s12] =	ssyncadd.s32 $0xFFFFC000  }
0x18c: {  	[tilespmem:s16], [sflag:$0x2] =	stream.indirect.gather [hbm4b:s4+s14], $0x80, s9, s14, $0xb8;
	[tilespmem:$0x1DC00] =	vst v63  }
0x18d: {  	_ =	swait.ge [sflag:s17], $0x4000  }
0x18e: {  	[sflag:s17] =	ssyncset.done $0x0  }
0x18f: {  	s11 =	rddreg [dreg:$0xa];
	[sflag:s17] =	ssyncadd.s32 $0xFFFFC000  }
0x190: {  	[spmem:s1] =	stream.indirect.scatter.add.f32 [tilespmem:s15], [sflag:$0x3], $0x80, s11, s14, $0xb8;
	[tilespmem:$0x1DC00] =	vst v63  }
0x191: {  	_ =	swait.ge [sflag:s12], $0x4000  }
0x192: {  	[sflag:s12] =	ssyncset.done $0x0  }
0x193: {  	s9 =	rddreg [dreg:$0xb];
	[sflag:s12] =	ssyncadd.s32 $0xFFFFC000  }
0x194: {  	[tilespmem:s15], [sflag:$0x1] =	stream.indirect.gather [hbm4b:s4+s14], $0x80, s9, s14, $0xb8;
	[tilespmem:$0x1DC00] =	vst v63  }
0x195: {  	_ =	swait.ge [sflag:s18], $0x4000  }
0x196: {  	[sflag:s18] =	ssyncset.done $0x0  }
0x197: {  	s11 =	rddreg [dreg:$0xc];
	[sflag:s18] =	ssyncadd.s32 $0xFFFFC000  }
0x198: {  	[spmem:s1] =	stream.indirect.scatter.add.f32 [tilespmem:s16], [sflag:$0x3], $0x80, s11, s14, $0xb8;
	[tilespmem:$0x1DC00] =	vst v63  }
0x199: {  	_ =	swait.ge [sflag:s12], $0x4000  }
0x19a: {  	[sflag:s12] =	ssyncset.done $0x0  }
0x19b: {  	s9 =	rddreg [dreg:$0xd];
	[sflag:s12] =	ssyncadd.s32 $0xFFFFC000  }
0x19c: {  	[tilespmem:s16], [sflag:$0x2] =	stream.indirect.gather [hbm4b:s4+s14], $0x80, s9, s14, $0xb8;
	[tilespmem:$0x1DC00] =	vst v63  }
0x19d: {  	_ =	swait.ge [sflag:s17], $0x4000  }
0x19e: {  	[sflag:s17] =	ssyncset.done $0x0  }
0x19f: {  	s11 =	rddreg [dreg:$0xe];
	[sflag:s17] =	ssyncadd.s32 $0xFFFFC000  }
0x1a0: {  	[spmem:s1] =	stream.indirect.scatter.add.f32 [tilespmem:s15], [sflag:$0x3], $0x80, s11, s14, $0xb8;
	[tilespmem:$0x1DC00] =	vst v63  }
0x1a1: {  	_ =	swait.ge [sflag:s12], $0x4000  }
0x1a2: {  	[sflag:s12] =	ssyncset.done $0x0  }
0x1a3: {  	s9 =	rddreg [dreg:$0xf];
	[sflag:s12] =	ssyncadd.s32 $0xFFFFC000  }
0x1a4: {  	[tilespmem:s15], [sflag:$0x1] =	stream.indirect.gather [hbm4b:s4+s14], $0x80, s9, s14, $0xb8;
	[tilespmem:$0x1DC00] =	vst v63  }
0x1a5: {  	_ =	swait.ge [sflag:s18], $0x4000  }
0x1a6: {  	[sflag:s18] =	ssyncset.done $0x0  }
0x1a7: {  	s11 =	rddreg [dreg:$0x10];
	[sflag:s18] =	ssyncadd.s32 $0xFFFFC000  }
0x1a8: {  	[spmem:s1] =	stream.indirect.scatter.add.f32 [tilespmem:s16], [sflag:$0x3], $0x80, s11, s14, $0xb8;
	[tilespmem:$0x1DC00] =	vst v63  }
0x1a9: {  	_ =	swait.ge [sflag:s12], $0x4000  }
0x1aa: {  	[sflag:s12] =	ssyncset.done $0x0  }
0x1ab: {  	s9 =	rddreg [dreg:$0x11];
	[sflag:s12] =	ssyncadd.s32 $0xFFFFC000  }
0x1ac: {  	[tilespmem:s16], [sflag:$0x2] =	stream.indirect.gather [hbm4b:s4+s14], $0x80, s9, s14, $0xb8;
	[tilespmem:$0x1DC00] =	vst v63  }
0x1ad: {  	_ =	swait.ge [sflag:s17], $0x4000  }
0x1ae: {  	[sflag:s17] =	ssyncset.done $0x0  }
0x1af: {  	s11 =	rddreg [dreg:$0x12];
	[sflag:s17] =	ssyncadd.s32 $0xFFFFC000  }
0x1b0: {  	[spmem:s1] =	stream.indirect.scatter.add.f32 [tilespmem:s15], [sflag:$0x3], $0x80, s11, s14, $0xb8;
	[tilespmem:$0x1DC00] =	vst v63  }
0x1b1: {  	_ =	swait.ge [sflag:s12], $0x4000  }
0x1b2: {  	[sflag:s12] =	ssyncset.done $0x0  }
0x1b3: {  	s9 =	rddreg [dreg:$0x13];
	[sflag:s12] =	ssyncadd.s32 $0xFFFFC000  }
0x1b4: {  	[tilespmem:s15], [sflag:$0x1] =	stream.indirect.gather [hbm4b:s4+s14], $0x80, s9, s14, $0xb8;
	[tilespmem:$0x1DC00] =	vst v63  }
0x1b5: {  	_ =	swait.ge [sflag:s18], $0x4000  }
0x1b6: {  	[sflag:s18] =	ssyncset.done $0x0  }
0x1b7: {  	s11 =	rddreg [dreg:$0x14];
	[sflag:s18] =	ssyncadd.s32 $0xFFFFC000  }
0x1b8: {  	[spmem:s1] =	stream.indirect.scatter.add.f32 [tilespmem:s16], [sflag:$0x3], $0x80, s11, s14, $0xb8;
	[tilespmem:$0x1DC00] =	vst v63  }
0x1b9: {  	_ =	swait.ge [sflag:s12], $0x4000  }
0x1ba: {  	[sflag:s12] =	ssyncset.done $0x0  }
0x1bb: {  	s9 =	rddreg [dreg:$0x15];
	[sflag:s12] =	ssyncadd.s32 $0xFFFFC000  }
0x1bc: {  	[tilespmem:s16], [sflag:$0x2] =	stream.indirect.gather [hbm4b:s4+s14], $0x80, s9, s14, $0xb8;
	[tilespmem:$0x1DC00] =	vst v63  }
0x1bd: {  	_ =	swait.ge [sflag:s17], $0x4000  }
0x1be: {  	[sflag:s17] =	ssyncset.done $0x0  }
0x1bf: {  	s11 =	rddreg [dreg:$0x16];
	[sflag:s17] =	ssyncadd.s32 $0xFFFFC000  }
0x1c0: {  	[spmem:s1] =	stream.indirect.scatter.add.f32 [tilespmem:s15], [sflag:$0x3], $0x80, s11, s14, $0xb8;
	[tilespmem:$0x1DC00] =	vst v63  }
0x1c1: {  	_ =	swait.ge [sflag:s12], $0x4000  }
0x1c2: {  	[sflag:s12] =	ssyncset.done $0x0  }
0x1c3: {  	s9 =	rddreg [dreg:$0x17];
	[sflag:s12] =	ssyncadd.s32 $0xFFFFC000  }
0x1c4: {  	[tilespmem:s15], [sflag:$0x1] =	stream.indirect.gather [hbm4b:s4+s14], $0x80, s9, s14, $0xb8;
	[tilespmem:$0x1DC00] =	vst v63  }
0x1c5: {  	_ =	swait.ge [sflag:s18], $0x4000  }
0x1c6: {  	[sflag:s18] =	ssyncset.done $0x0  }
0x1c7: {  	s11 =	rddreg [dreg:$0x18];
	[sflag:s18] =	ssyncadd.s32 $0xFFFFC000  }
0x1c8: {  	[spmem:s1] =	stream.indirect.scatter.add.f32 [tilespmem:s16], [sflag:$0x3], $0x80, s11, s14, $0xb8;
	[tilespmem:$0x1DC00] =	vst v63  }
0x1c9: {  	_ =	swait.ge [sflag:s12], $0x4000  }
0x1ca: {  	[sflag:s12] =	ssyncset.done $0x0  }
0x1cb: {  	s9 =	rddreg [dreg:$0x19];
	[sflag:s12] =	ssyncadd.s32 $0xFFFFC000  }
0x1cc: {  	[tilespmem:s16], [sflag:$0x2] =	stream.indirect.gather [hbm4b:s4+s14], $0x80, s9, s14, $0xb8;
	[tilespmem:$0x1DC00] =	vst v63  }
0x1cd: {  	_ =	swait.ge [sflag:s17], $0x4000  }
0x1ce: {  	[sflag:s17] =	ssyncset.done $0x0  }
0x1cf: {  	s11 =	rddreg [dreg:$0x1a];
	[sflag:s17] =	ssyncadd.s32 $0xFFFFC000  }
0x1d0: {  	[spmem:s1] =	stream.indirect.scatter.add.f32 [tilespmem:s15], [sflag:$0x3], $0x80, s11, s14, $0xb8;
	[tilespmem:$0x1DC00] =	vst v63  }
0x1d1: {  	_ =	swait.ge [sflag:s12], $0x4000  }
0x1d2: {  	[sflag:s12] =	ssyncset.done $0x0  }
0x1d3: {  	s9 =	rddreg [dreg:$0x1b];
	[sflag:s12] =	ssyncadd.s32 $0xFFFFC000  }
0x1d4: {  	[tilespmem:s15], [sflag:$0x1] =	stream.indirect.gather [hbm4b:s4+s14], $0x80, s9, s14, $0xb8;
	[tilespmem:$0x1DC00] =	vst v63  }
0x1d5: {  	_ =	swait.ge [sflag:s18], $0x4000  }
0x1d6: {  	[sflag:s18] =	ssyncset.done $0x0  }
0x1d7: {  	s11 =	rddreg [dreg:$0x1c];
	[sflag:s18] =	ssyncadd.s32 $0xFFFFC000  }
0x1d8: {  	[spmem:s1] =	stream.indirect.scatter.add.f32 [tilespmem:s16], [sflag:$0x3], $0x80, s11, s14, $0xb8;
	[tilespmem:$0x1DC00] =	vst v63  }
0x1d9: {  	_ =	swait.ge [sflag:s12], $0x4000  }
0x1da: {  	[sflag:s12] =	ssyncset.done $0x0  }
0x1db: {  	s9 =	rddreg [dreg:$0x1d];
	[sflag:s12] =	ssyncadd.s32 $0xFFFFC000  }
0x1dc: {  	[tilespmem:s16], [sflag:$0x2] =	stream.indirect.gather [hbm4b:s4+s14], $0x80, s9, s14, $0xb8;
	[tilespmem:$0x1DC00] =	vst v63  }
0x1dd: {  	_ =	swait.ge [sflag:s17], $0x4000  }
0x1de: {  	[sflag:s17] =	ssyncset.done $0x0  }
0x1df: {  	s11 =	rddreg [dreg:$0x1e];
	[sflag:s17] =	ssyncadd.s32 $0xFFFFC000  }
0x1e0: {  	[spmem:s1] =	stream.indirect.scatter.add.f32 [tilespmem:s15], [sflag:$0x3], $0x80, s11, s14, $0xb8;
	[tilespmem:$0x1DC00] =	vst v63  }
0x1e1: {  	_ =	swait.ge [sflag:s12], $0x4000  }
0x1e2: {  	[sflag:s12] =	ssyncset.done $0x0  }
0x1e3: {  	s9 =	rddreg [dreg:$0x1f];
	[sflag:s12] =	ssyncadd.s32 $0xFFFFC000  }
0x1e4: {  	[tilespmem:s15], [sflag:$0x1] =	stream.indirect.gather [hbm4b:s4+s14], $0x80, s9, s14, $0xb8;
	[tilespmem:$0x1DC00] =	vst v63  }
0x1e5: {  	_ =	swait.ge [sflag:s18], $0x4000  }
0x1e6: {  	s11 =	sld [smem:$0x7E2]  }
0x1e7: {  	[sflag:s18] =	ssyncset.done $0x0  }
0x1e8: {  	[sflag:s18] =	ssyncadd.s32 $0xFFFFC000  }
0x1e9: {  	[spmem:s1] =	stream.indirect.scatter.add.f32 [tilespmem:s16], [sflag:$0x3], $0x80, s11, s14, $0xb8;
	[tilespmem:$0x1DC00] =	vst v63  }
0x1ea: {  	_ =	swait.ge [sflag:s12], $0x4000  }
0x1eb: {  	s9 =	sld [smem:$0x7E3]  }
0x1ec: {  	[sflag:s12] =	ssyncset.done $0x0  }
0x1ed: {  	[sflag:s12] =	ssyncadd.s32 $0xFFFFC000  }
0x1ee: {  	[tilespmem:s16], [sflag:$0x2] =	stream.indirect.gather [hbm4b:s4+s14], $0x80, s9, s14, $0xb8;
	[tilespmem:$0x1DC00] =	vst v63  }
0x1ef: {  	_ =	swait.ge [sflag:s17], $0x4000  }
0x1f0: {  	s11 =	sld [smem:$0x7E4]  }
0x1f1: {  	[sflag:s17] =	ssyncset.done $0x0  }
0x1f2: {  	[sflag:s17] =	ssyncadd.s32 $0xFFFFC000  }
0x1f3: {  	[spmem:s1] =	stream.indirect.scatter.add.f32 [tilespmem:s15], [sflag:$0x3], $0x80, s11, s14, $0xb8;
	[tilespmem:$0x1DC00] =	vst v63  }
0x1f4: {  	_ =	swait.ge [sflag:s12], $0x4000  }
0x1f5: {  	s9 =	sld [smem:$0x7E5]  }
0x1f6: {  	[sflag:s12] =	ssyncset.done $0x0  }
0x1f7: {  	[sflag:s12] =	ssyncadd.s32 $0xFFFFC000  }
0x1f8: {  	[tilespmem:s15], [sflag:$0x1] =	stream.indirect.gather [hbm4b:s4+s14], $0x80, s9, s14, $0xb8;
	[tilespmem:$0x1DC00] =	vst v63  }
0x1f9: {  	_ =	swait.ge [sflag:s18], $0x4000  }
0x1fa: {  	s11 =	sld [smem:$0x7E6]  }
0x1fb: {  	[sflag:s18] =	ssyncset.done $0x0  }
0x1fc: {  	[sflag:s18] =	ssyncadd.s32 $0xFFFFC000  }
0x1fd: {  	[spmem:s1] =	stream.indirect.scatter.add.f32 [tilespmem:s16], [sflag:$0x3], $0x80, s11, s14, $0xb8;
	[tilespmem:$0x1DC00] =	vst v63  }
0x1fe: {  	_ =	swait.ge [sflag:s12], $0x4000  }
0x1ff: {  	s9 =	sld [smem:$0x7E8]  }
0x200: {  	[sflag:s12] =	ssyncset.done $0x0  }
0x201: {  	[sflag:s12] =	ssyncadd.s32 $0xFFFFC000  }
0x202: {  	[tilespmem:s16], [sflag:$0x2] =	stream.indirect.gather [hbm4b:s4+s14], $0x80, s9, s14, $0xb8;
	[tilespmem:$0x1DC00] =	vst v63  }
0x203: {  	_ =	swait.ge [sflag:s17], $0x4000  }
0x204: {  	s11 =	sld [smem:$0x7E9]  }
0x205: {  	[sflag:s17] =	ssyncset.done $0x0  }
0x206: {  	[sflag:s17] =	ssyncadd.s32 $0xFFFFC000  }
0x207: {  	[spmem:s1] =	stream.indirect.scatter.add.f32 [tilespmem:s15], [sflag:$0x3], $0x80, s11, s14, $0xb8;
	[tilespmem:$0x1DC00] =	vst v63  }
0x208: {  	_ =	swait.ge [sflag:s12], $0x4000  }
0x209: {  	s9 =	sld [smem:$0x7EA]  }
0x20a: {  	[sflag:s12] =	ssyncset.done $0x0  }
0x20b: {  	[sflag:s12] =	ssyncadd.s32 $0xFFFFC000  }
0x20c: {  	[tilespmem:s15], [sflag:$0x1] =	stream.indirect.gather [hbm4b:s4+s14], $0x80, s9, s14, $0xb8;
	[tilespmem:$0x1DC00] =	vst v63  }
0x20d: {  	_ =	swait.ge [sflag:s18], $0x4000  }
0x20e: {  	s11 =	sld [smem:$0x7EB]  }
0x20f: {  	[sflag:s18] =	ssyncset.done $0x0  }
0x210: {  	[sflag:s18] =	ssyncadd.s32 $0xFFFFC000  }
0x211: {  	[spmem:s1] =	stream.indirect.scatter.add.f32 [tilespmem:s16], [sflag:$0x3], $0x80, s11, s14, $0xb8;
	[tilespmem:$0x1DC00] =	vst v63  }
0x212: {  	_ =	swait.ge [sflag:s12], $0x4000  }
0x213: {  	s9 =	sld [smem:$0x7ED]  }
0x214: {  	[sflag:s12] =	ssyncset.done $0x0  }
0x215: {  	[sflag:s12] =	ssyncadd.s32 $0xFFFFC000  }
0x216: {  	[tilespmem:s16], [sflag:$0x2] =	stream.indirect.gather [hbm4b:s4+s14], $0x80, s9, s14, $0xb8;
	[tilespmem:$0x1DC00] =	vst v63  }
0x217: {  	_ =	swait.ge [sflag:s17], $0x4000  }
0x218: {  	s11 =	sld [smem:$0x7EE]  }
0x219: {  	[sflag:s17] =	ssyncset.done $0x0  }
0x21a: {  	[sflag:s17] =	ssyncadd.s32 $0xFFFFC000  }
0x21b: {  	[spmem:s1] =	stream.indirect.scatter.add.f32 [tilespmem:s15], [sflag:$0x3], $0x80, s11, s14, $0xb8;
	[tilespmem:$0x1DC00] =	vst v63  }
0x21c: {  	_ =	swait.ge [sflag:s12], $0x4000  }
0x21d: {  	s9 =	sld [smem:$0x7F0]  }
0x21e: {  	[sflag:s12] =	ssyncset.done $0x0  }
0x21f: {  	[sflag:s12] =	ssyncadd.s32 $0xFFFFC000  }
0x220: {  	[tilespmem:s15], [sflag:$0x1] =	stream.indirect.gather [hbm4b:s4+s14], $0x80, s9, s14, $0xb8;
	[tilespmem:$0x1DC00] =	vst v63  }
0x221: {  	_ =	swait.ge [sflag:s18], $0x4000  }
0x222: {  	s11 =	sld [smem:$0x7F2]  }
0x223: {  	[sflag:s18] =	ssyncset.done $0x0  }
0x224: {  	[sflag:s18] =	ssyncadd.s32 $0xFFFFC000  }
0x225: {  	[spmem:s1] =	stream.indirect.scatter.add.f32 [tilespmem:s16], [sflag:$0x3], $0x80, s11, s14, $0xb8;
	[tilespmem:$0x1DC00] =	vst v63  }
0x226: {  	_ =	swait.ge [sflag:s12], $0x4000  }
0x227: {  	s9 =	sld [smem:$0x7F3]  }
0x228: {  	[sflag:s12] =	ssyncset.done $0x0  }
0x229: {  	[sflag:s12] =	ssyncadd.s32 $0xFFFFC000  }
0x22a: {  	[tilespmem:s16], [sflag:$0x2] =	stream.indirect.gather [hbm4b:s4+s14], $0x80, s9, s14, $0xb8;
	[tilespmem:$0x1DC00] =	vst v63  }
0x22b: {  	_ =	swait.ge [sflag:s17], $0x4000  }
0x22c: {  	s11 =	sld [smem:$0x7F4]  }
0x22d: {  	[sflag:s17] =	ssyncset.done $0x0  }
0x22e: {  	[sflag:s17] =	ssyncadd.s32 $0xFFFFC000  }
0x22f: {  	[spmem:s1] =	stream.indirect.scatter.add.f32 [tilespmem:s15], [sflag:$0x3], $0x80, s11, s14, $0xb8;
	[tilespmem:$0x1DC00] =	vst v63  }
0x230: {  	_ =	swait.ge [sflag:s12], $0x4000  }
0x231: {  	s9 =	sld [smem:$0x7F5]  }
0x232: {  	[sflag:s12] =	ssyncset.done $0x0  }
0x233: {  	[sflag:s12] =	ssyncadd.s32 $0xFFFFC000  }
0x234: {  	[tilespmem:s15], [sflag:$0x1] =	stream.indirect.gather [hbm4b:s4+s14], $0x80, s9, s14, $0xb8;
	[tilespmem:$0x1DC00] =	vst v63  }
0x235: {  	_ =	swait.ge [sflag:s18], $0x4000  }
0x236: {  	s11 =	sld [smem:$0x7F6]  }
0x237: {  	[sflag:s18] =	ssyncset.done $0x0  }
0x238: {  	[sflag:s18] =	ssyncadd.s32 $0xFFFFC000  }
0x239: {  	[spmem:s1] =	stream.indirect.scatter.add.f32 [tilespmem:s16], [sflag:$0x3], $0x80, s11, s14, $0xb8;
	[tilespmem:$0x1DC00] =	vst v63  }
0x23a: {  	_ =	swait.ge [sflag:s12], $0x4000  }
0x23b: {  	s9 =	sld [smem:$0x7F7]  }
0x23c: {  	[sflag:s12] =	ssyncset.done $0x0  }
0x23d: {  	[sflag:s12] =	ssyncadd.s32 $0xFFFFC000  }
0x23e: {  	[tilespmem:s16], [sflag:$0x2] =	stream.indirect.gather [hbm4b:s4+s14], $0x80, s9, s14, $0xb8;
	[tilespmem:$0x1DC00] =	vst v63  }
0x23f: {  	_ =	swait.ge [sflag:s17], $0x4000  }
0x240: {  	s11 =	sld [smem:$0x7F8]  }
0x241: {  	[sflag:s17] =	ssyncset.done $0x0  }
0x242: {  	[sflag:s17] =	ssyncadd.s32 $0xFFFFC000  }
0x243: {  	[spmem:s1] =	stream.indirect.scatter.add.f32 [tilespmem:s15], [sflag:$0x3], $0x80, s11, s14, $0xb8;
	[tilespmem:$0x1DC00] =	vst v63  }
0x244: {  	_ =	swait.ge [sflag:s12], $0x4000  }
0x245: {  	s9 =	sld [smem:$0x7F9]  }
0x246: {  	[sflag:s12] =	ssyncset.done $0x0  }
0x247: {  	[sflag:s12] =	ssyncadd.s32 $0xFFFFC000  }
0x248: {  	[tilespmem:s15], [sflag:$0x1] =	stream.indirect.gather [hbm4b:s4+s14], $0x80, s9, s14, $0xb8;
	[tilespmem:$0x1DC00] =	vst v63  }
0x249: {  	_ =	swait.ge [sflag:s18], $0x4000  }
0x24a: {  	s11 =	sld [smem:$0x7FA]  }
0x24b: {  	[sflag:s18] =	ssyncset.done $0x0  }
0x24c: {  	[sflag:s18] =	ssyncadd.s32 $0xFFFFC000  }
0x24d: {  	[spmem:s1] =	stream.indirect.scatter.add.f32 [tilespmem:s16], [sflag:$0x3], $0x80, s11, s14, $0xb8;
	[tilespmem:$0x1DC00] =	vst v63  }
0x24e: {  	_ =	swait.ge [sflag:s12], $0x4000  }
0x24f: {  	s9 =	sld [smem:$0x7FB]  }
0x250: {  	[sflag:s12] =	ssyncset.done $0x0  }
0x251: {  	[sflag:s12] =	ssyncadd.s32 $0xFFFFC000  }
0x252: {  	[tilespmem:s16], [sflag:$0x2] =	stream.indirect.gather [hbm4b:s4+s14], $0x80, s9, s14, $0xb8;
	[tilespmem:$0x1DC00] =	vst v63  }
0x253: {  	_ =	swait.ge [sflag:s17], $0x4000  }
0x254: {  	s11 =	sld [smem:$0x7FC]  }
0x255: {  	[sflag:s17] =	ssyncset.done $0x0  }
0x256: {  	[sflag:s17] =	ssyncadd.s32 $0xFFFFC000  }
0x257: {  	[spmem:s1] =	stream.indirect.scatter.add.f32 [tilespmem:s15], [sflag:$0x3], $0x80, s11, s14, $0xb8;
	[tilespmem:$0x1DC00] =	vst v63  }
0x258: {  	_ =	swait.ge [sflag:s12], $0x4000  }
0x259: {  	[sflag:s12] =	ssyncset.done $0x0  }
0x25a: {  	[sflag:s12] =	ssyncadd.s32 $0xFFFFC000  }
0x25b: {  	[tilespmem:s15], [sflag:$0x1] =	stream.indirect.gather [hbm4b:s4+s14], $0x80, s19, s14, $0xb8;
	[tilespmem:$0x1DC00] =	vst v63  }
0x25c: {  	_ =	swait.ge [sflag:s18], $0x4000  }
0x25d: {  	[sflag:s18] =	ssyncset.done $0x0  }
0x25e: {  	[sflag:s18] =	ssyncadd.s32 $0xFFFFC000  }
0x25f: {  	[spmem:s1] =	stream.indirect.scatter.add.f32 [tilespmem:s16], [sflag:$0x3], $0x80, s20, s14, $0xb8;
	[tilespmem:$0x1DC00] =	vst v63  }
0x260: {  	_ =	swait.ge [sflag:s12], $0x4000  }
0x261: {  	[sflag:s12] =	ssyncset.done $0x0  }
0x262: {  	[sflag:s12] =	ssyncadd.s32 $0xFFFFC000  }
0x263: {  	[tilespmem:s16], [sflag:$0x2] =	stream.indirect.gather [hbm4b:s4+s14], $0x80, s21, s14, $0xb8;
	[tilespmem:$0x1DC00] =	vst v63  }
0x264: {  	_ =	swait.ge [sflag:s17], $0x4000  }
0x265: {  	[sflag:s17] =	ssyncset.done $0x0  }
0x266: {  	[sflag:s17] =	ssyncadd.s32 $0xFFFFC000  }
0x267: {  	[spmem:s1] =	stream.indirect.scatter.add.f32 [tilespmem:s15], [sflag:$0x3], $0x80, s22, s14, $0xb8;
	[tilespmem:$0x1DC00] =	vst v63  }
0x268: {  	_ =	swait.ge [sflag:s12], $0x4000  }
0x269: {  	[sflag:s12] =	ssyncset.done $0x0  }
0x26a: {  	[sflag:s12] =	ssyncadd.s32 $0xFFFFC000  }
0x26b: {  	[tilespmem:s15], [sflag:$0x1] =	stream.indirect.gather [hbm4b:s4+s14], $0x80, s23, s14, $0xb8;
	[tilespmem:$0x1DC00] =	vst v63  }
0x26c: {  	_ =	swait.ge [sflag:s18], $0x4000  }
0x26d: {  	[sflag:s18] =	ssyncset.done $0x0  }
0x26e: {  	[sflag:s18] =	ssyncadd.s32 $0xFFFFC000  }
0x26f: {  	[spmem:s1] =	stream.indirect.scatter.add.f32 [tilespmem:s16], [sflag:$0x3], $0x80, s24, s14, $0xb8;
	[tilespmem:$0x1DC00] =	vst v63  }
0x270: {  	_ =	swait.ge [sflag:s12], $0x4000  }
0x271: {  	[sflag:s12] =	ssyncset.done $0x0  }
0x272: {  	[sflag:s12] =	ssyncadd.s32 $0xFFFFC000  }
0x273: {  	[tilespmem:s16], [sflag:$0x2] =	stream.indirect.gather [hbm4b:s4+s14], $0x80, s25, s14, $0xb8;
	[tilespmem:$0x1DC00] =	vst v63  }
0x274: {  	_ =	swait.ge [sflag:s17], $0x4000  }
0x275: {  	[sflag:s17] =	ssyncset.done $0x0  }
0x276: {  	[sflag:s17] =	ssyncadd.s32 $0xFFFFC000  }
0x277: {  	[spmem:s1] =	stream.indirect.scatter.add.f32 [tilespmem:s15], [sflag:$0x3], $0x80, s26, s14, $0xb8;
	[tilespmem:$0x1DC00] =	vst v63  }
0x278: {  	_ =	swait.ge [sflag:s12], $0x4000  }
0x279: {  	[sflag:s12] =	ssyncset.done $0x0  }
0x27a: {  	[sflag:s12] =	ssyncadd.s32 $0xFFFFC000  }
0x27b: {  	[tilespmem:s15], [sflag:$0x1] =	stream.indirect.gather [hbm4b:s4+s14], $0x80, s28, s14, $0xb8;
	[tilespmem:$0x1DC00] =	vst v63  }
0x27c: {  	_ =	swait.ge [sflag:s18], $0x4000  }
0x27d: {  	[sflag:s18] =	ssyncset.done $0x0  }
0x27e: {  	[sflag:s18] =	ssyncadd.s32 $0xFFFFC000  }
0x27f: {  	[spmem:s1] =	stream.indirect.scatter.add.f32 [tilespmem:s16], [sflag:$0x3], $0x80, s29, s14, $0xb8;
	[tilespmem:$0x1DC00] =	vst v63  }
0x280: {  	_ =	swait.ge [sflag:s12], $0x4000  }
0x281: {  	[sflag:s12] =	ssyncset.done $0x0  }
0x282: {  	[sflag:s12] =	ssyncadd.s32 $0xFFFFC000  }
0x283: {  	[tilespmem:s16], [sflag:$0x2] =	stream.indirect.gather [hbm4b:s4+s14], $0x80, s30, s14, $0xb8;
	[tilespmem:$0x1DC00] =	vst v63  }
0x284: {  	_ =	swait.ge [sflag:s17], $0x4000  }
0x285: {  	[sflag:s17] =	ssyncset.done $0x0  }
0x286: {  	[sflag:s17] =	ssyncadd.s32 $0xFFFFC000  }
0x287: {  	[spmem:s1] =	stream.indirect.scatter.add.f32 [tilespmem:s15], [sflag:$0x3], $0x80, s31, s14, $0xb8;
	[tilespmem:$0x1DC00] =	vst v63  }
0x288: {  	_ =	swait.ge [sflag:s12], $0x4000  }
0x289: {  	[sflag:s12] =	ssyncset.done $0x0  }
0x28a: {  	[sflag:s12] =	ssyncadd.s32 $0xFFFFC000  }
0x28b: {  	p1 =	sne.s32 s8, $0x1;
	_ =	swait.ge [sflag:s18], $0x4000  }
.Ltmp2:
0x28c: {  	[sflag:s18] =	ssyncset.done $0x0;
	(pc) =	sbr.rel @p1 .LBB2_5-.Ltmp2, $4  }
0x28d: {  	[sflag:s18] =	ssyncadd.s32 $0xFFFFC000  }
0x28e: {  	[spmem:s1] =	stream.indirect.scatter.add.f32 [tilespmem:s16], [sflag:$0x3], $0x80, s0, s14, $0xb8;
	[tilespmem:$0x1DC00] =	vst v63  }
0x28f: {  	_ =	swait.ge [sflag:s12], $0x4000  }
0x290: {  	s8 =	sadd.s32 $0xFFFFFFFF, s8;
	s9 =	rddreg [dreg:$0x6];
	[sflag:s12] =	ssyncset.done $0x0  }
0x291: {  	s11 =	sld [smem:$0x7FD]  }
.LBB2_7:
0x292: {  	s6 =	sadd.s32 @p0 $0x1000, s10;
	s8 =	smov.u32 s5  }
0x293: {  	s8 =	smov.u32 @p0 s6  }
0x294: {  	s6 =	sand.u32 $0xFFFFFC00, s8  }
0x295: {  	s6 =	sor.u32 s9, s6  }
0x296: {  	s10 =	rddreg [dreg:$0x4];
	s6 =	sshrl.u32 s6, $0x3  }
0x297: {  	[sflag:s12] =	ssyncadd.s32 @p0 $0xFFFFC000;
	s8 =	sadd.s32 s10, s6  }
0x298: {  	[tilespmem:s3], [sflag:$0x3] =	stream.linear.gather [hbm4b:s8+s3], $0x1000, $0x38;
	[tilespmem:$0x1DC00] =	vst v63  }
0x299: {  	_ =	swait.ge [sflag:s12], $0x1000  }
0x29a: {  	s10 =	rddreg [dreg:$0x5];
	[sflag:s12] =	ssyncset.done $0x0  }
0x29b: {  	s6 =	sadd.s32 s10, s6;
	[sflag:s12] =	ssyncadd.s32 $0xFFFFF000  }
0x29c: {  	[tilespmem:s13], [sflag:$0x3] =	stream.linear.gather [hbm4b:s6+s3], $0x1000, $0x38;
	[tilespmem:$0x1DC00] =	vst v63  }
0x29d: {  	_ =	swait.ge [sflag:s12], $0x1000  }
0x29e: {  	[sflag:s12] =	ssyncset.done $0x0  }
0x29f: {  	[sflag:s12] =	ssyncadd.s32 $0xFFFFF000  }
0x2a0: {  	[tilespmem:s15], [sflag:$0x1] =	stream.indirect.gather [hbm4b:s4+s14], $0x80, s3, s14, $0xb8;
	[tilespmem:$0x1DC00] =	vst v63  }
0x2a1: {  	_ = 	snop  }
0x2a2: {  	[tilespmem:s16], [sflag:$0x2] =	stream.indirect.gather [hbm4b:s4+s14], $0x80, s14, s14, $0xb8;
	[tilespmem:$0x1DC00] =	vst v63  }
0x2a3: {  	_ =	swait.ge [sflag:s17], $0x4000  }
0x2a4: {  	[sflag:s17] =	ssyncset.done $0x0  }
0x2a5: {  	[sflag:s17] =	ssyncadd.s32 $0xFFFFC000  }
0x2a6: {  	[spmem:s1] =	stream.indirect.scatter.add.f32 [tilespmem:s15], [sflag:$0x3], $0x80, s13, s14, $0xb8;
	[tilespmem:$0x1DC00] =	vst v63  }
0x2a7: {  	_ =	swait.ge [sflag:s12], $0x4000  }
0x2a8: {  	[sflag:s12] =	ssyncset.done $0x0  }
0x2a9: {  	s9 =	rddreg [dreg:$0x7];
	[sflag:s12] =	ssyncadd.s32 $0xFFFFC000  }
0x2aa: {  	[tilespmem:s15], [sflag:$0x1] =	stream.indirect.gather [hbm4b:s4+s14], $0x80, s9, s14, $0xb8;
	[tilespmem:$0x1DC00] =	vst v63  }
0x2ab: {  	_ =	swait.ge [sflag:s18], $0x4000  }
0x2ac: {  	[sflag:s18] =	ssyncset.done $0x0  }
0x2ad: {  	s10 =	rddreg [dreg:$0x8];
	[sflag:s18] =	ssyncadd.s32 $0xFFFFC000  }
0x2ae: {  	[spmem:s1] =	stream.indirect.scatter.add.f32 [tilespmem:s16], [sflag:$0x3], $0x80, s10, s14, $0xb8;
	[tilespmem:$0x1DC00] =	vst v63  }
0x2af: {  	_ =	swait.ge [sflag:s12], $0x4000  }
0x2b0: {  	[sflag:s12] =	ssyncset.done $0x0  }
0x2b1: {  	s8 =	rddreg [dreg:$0x9];
	[sflag:s12] =	ssyncadd.s32 $0xFFFFC000  }
0x2b2: {  	[tilespmem:s16], [sflag:$0x2] =	stream.indirect.gather [hbm4b:s4+s14], $0x80, s8, s14, $0xb8;
	[tilespmem:$0x1DC00] =	vst v63  }
0x2b3: {  	_ =	swait.ge [sflag:s17], $0x4000  }
0x2b4: {  	[sflag:s17] =	ssyncset.done $0x0  }
0x2b5: {  	s9 =	rddreg [dreg:$0xa];
	[sflag:s17] =	ssyncadd.s32 $0xFFFFC000  }
0x2b6: {  	[spmem:s1] =	stream.indirect.scatter.add.f32 [tilespmem:s15], [sflag:$0x3], $0x80, s9, s14, $0xb8;
	[tilespmem:$0x1DC00] =	vst v63  }
0x2b7: {  	_ =	swait.ge [sflag:s12], $0x4000  }
0x2b8: {  	[sflag:s12] =	ssyncset.done $0x0  }
0x2b9: {  	s10 =	rddreg [dreg:$0xb];
	[sflag:s12] =	ssyncadd.s32 $0xFFFFC000  }
0x2ba: {  	[tilespmem:s15], [sflag:$0x1] =	stream.indirect.gather [hbm4b:s4+s14], $0x80, s10, s14, $0xb8;
	[tilespmem:$0x1DC00] =	vst v63  }
0x2bb: {  	_ =	swait.ge [sflag:s18], $0x4000  }
0x2bc: {  	[sflag:s18] =	ssyncset.done $0x0  }
0x2bd: {  	s8 =	rddreg [dreg:$0xc];
	[sflag:s18] =	ssyncadd.s32 $0xFFFFC000  }
0x2be: {  	[spmem:s1] =	stream.indirect.scatter.add.f32 [tilespmem:s16], [sflag:$0x3], $0x80, s8, s14, $0xb8;
	[tilespmem:$0x1DC00] =	vst v63  }
0x2bf: {  	_ =	swait.ge [sflag:s12], $0x4000  }
0x2c0: {  	[sflag:s12] =	ssyncset.done $0x0  }
0x2c1: {  	s9 =	rddreg [dreg:$0xd];
	[sflag:s12] =	ssyncadd.s32 $0xFFFFC000  }
0x2c2: {  	[tilespmem:s16], [sflag:$0x2] =	stream.indirect.gather [hbm4b:s4+s14], $0x80, s9, s14, $0xb8;
	[tilespmem:$0x1DC00] =	vst v63  }
0x2c3: {  	_ =	swait.ge [sflag:s17], $0x4000  }
0x2c4: {  	[sflag:s17] =	ssyncset.done $0x0  }
0x2c5: {  	s10 =	rddreg [dreg:$0xe];
	[sflag:s17] =	ssyncadd.s32 $0xFFFFC000  }
0x2c6: {  	[spmem:s1] =	stream.indirect.scatter.add.f32 [tilespmem:s15], [sflag:$0x3], $0x80, s10, s14, $0xb8;
	[tilespmem:$0x1DC00] =	vst v63  }
0x2c7: {  	_ =	swait.ge [sflag:s12], $0x4000  }
0x2c8: {  	[sflag:s12] =	ssyncset.done $0x0  }
0x2c9: {  	s8 =	rddreg [dreg:$0xf];
	[sflag:s12] =	ssyncadd.s32 $0xFFFFC000  }
0x2ca: {  	[tilespmem:s15], [sflag:$0x1] =	stream.indirect.gather [hbm4b:s4+s14], $0x80, s8, s14, $0xb8;
	[tilespmem:$0x1DC00] =	vst v63  }
0x2cb: {  	_ =	swait.ge [sflag:s18], $0x4000  }
0x2cc: {  	[sflag:s18] =	ssyncset.done $0x0  }
0x2cd: {  	s9 =	rddreg [dreg:$0x10];
	[sflag:s18] =	ssyncadd.s32 $0xFFFFC000  }
0x2ce: {  	[spmem:s1] =	stream.indirect.scatter.add.f32 [tilespmem:s16], [sflag:$0x3], $0x80, s9, s14, $0xb8;
	[tilespmem:$0x1DC00] =	vst v63  }
0x2cf: {  	_ =	swait.ge [sflag:s12], $0x4000  }
0x2d0: {  	[sflag:s12] =	ssyncset.done $0x0  }
0x2d1: {  	s10 =	rddreg [dreg:$0x11];
	[sflag:s12] =	ssyncadd.s32 $0xFFFFC000  }
0x2d2: {  	[tilespmem:s16], [sflag:$0x2] =	stream.indirect.gather [hbm4b:s4+s14], $0x80, s10, s14, $0xb8;
	[tilespmem:$0x1DC00] =	vst v63  }
0x2d3: {  	_ =	swait.ge [sflag:s17], $0x4000  }
0x2d4: {  	[sflag:s17] =	ssyncset.done $0x0  }
0x2d5: {  	s8 =	rddreg [dreg:$0x12];
	[sflag:s17] =	ssyncadd.s32 $0xFFFFC000  }
0x2d6: {  	[spmem:s1] =	stream.indirect.scatter.add.f32 [tilespmem:s15], [sflag:$0x3], $0x80, s8, s14, $0xb8;
	[tilespmem:$0x1DC00] =	vst v63  }
0x2d7: {  	_ =	swait.ge [sflag:s12], $0x4000  }
0x2d8: {  	[sflag:s12] =	ssyncset.done $0x0  }
0x2d9: {  	s9 =	rddreg [dreg:$0x13];
	[sflag:s12] =	ssyncadd.s32 $0xFFFFC000  }
0x2da: {  	[tilespmem:s15], [sflag:$0x1] =	stream.indirect.gather [hbm4b:s4+s14], $0x80, s9, s14, $0xb8;
	[tilespmem:$0x1DC00] =	vst v63  }
0x2db: {  	_ =	swait.ge [sflag:s18], $0x4000  }
0x2dc: {  	[sflag:s18] =	ssyncset.done $0x0  }
0x2dd: {  	s10 =	rddreg [dreg:$0x14];
	[sflag:s18] =	ssyncadd.s32 $0xFFFFC000  }
0x2de: {  	[spmem:s1] =	stream.indirect.scatter.add.f32 [tilespmem:s16], [sflag:$0x3], $0x80, s10, s14, $0xb8;
	[tilespmem:$0x1DC00] =	vst v63  }
0x2df: {  	_ =	swait.ge [sflag:s12], $0x4000  }
0x2e0: {  	[sflag:s12] =	ssyncset.done $0x0  }
0x2e1: {  	s8 =	rddreg [dreg:$0x15];
	[sflag:s12] =	ssyncadd.s32 $0xFFFFC000  }
0x2e2: {  	[tilespmem:s16], [sflag:$0x2] =	stream.indirect.gather [hbm4b:s4+s14], $0x80, s8, s14, $0xb8;
	[tilespmem:$0x1DC00] =	vst v63  }
0x2e3: {  	_ =	swait.ge [sflag:s17], $0x4000  }
0x2e4: {  	[sflag:s17] =	ssyncset.done $0x0  }
0x2e5: {  	s9 =	rddreg [dreg:$0x16];
	[sflag:s17] =	ssyncadd.s32 $0xFFFFC000  }
0x2e6: {  	[spmem:s1] =	stream.indirect.scatter.add.f32 [tilespmem:s15], [sflag:$0x3], $0x80, s9, s14, $0xb8;
	[tilespmem:$0x1DC00] =	vst v63  }
0x2e7: {  	_ =	swait.ge [sflag:s12], $0x4000  }
0x2e8: {  	[sflag:s12] =	ssyncset.done $0x0  }
0x2e9: {  	s10 =	rddreg [dreg:$0x17];
	[sflag:s12] =	ssyncadd.s32 $0xFFFFC000  }
0x2ea: {  	[tilespmem:s15], [sflag:$0x1] =	stream.indirect.gather [hbm4b:s4+s14], $0x80, s10, s14, $0xb8;
	[tilespmem:$0x1DC00] =	vst v63  }
0x2eb: {  	_ =	swait.ge [sflag:s18], $0x4000  }
0x2ec: {  	[sflag:s18] =	ssyncset.done $0x0  }
0x2ed: {  	s8 =	rddreg [dreg:$0x18];
	[sflag:s18] =	ssyncadd.s32 $0xFFFFC000  }
0x2ee: {  	[spmem:s1] =	stream.indirect.scatter.add.f32 [tilespmem:s16], [sflag:$0x3], $0x80, s8, s14, $0xb8;
	[tilespmem:$0x1DC00] =	vst v63  }
0x2ef: {  	_ =	swait.ge [sflag:s12], $0x4000  }
0x2f0: {  	[sflag:s12] =	ssyncset.done $0x0  }
0x2f1: {  	s9 =	rddreg [dreg:$0x19];
	[sflag:s12] =	ssyncadd.s32 $0xFFFFC000  }
0x2f2: {  	[tilespmem:s16], [sflag:$0x2] =	stream.indirect.gather [hbm4b:s4+s14], $0x80, s9, s14, $0xb8;
	[tilespmem:$0x1DC00] =	vst v63  }
0x2f3: {  	_ =	swait.ge [sflag:s17], $0x4000  }
0x2f4: {  	[sflag:s17] =	ssyncset.done $0x0  }
0x2f5: {  	s10 =	rddreg [dreg:$0x1a];
	[sflag:s17] =	ssyncadd.s32 $0xFFFFC000  }
0x2f6: {  	[spmem:s1] =	stream.indirect.scatter.add.f32 [tilespmem:s15], [sflag:$0x3], $0x80, s10, s14, $0xb8;
	[tilespmem:$0x1DC00] =	vst v63  }
0x2f7: {  	_ =	swait.ge [sflag:s12], $0x4000  }
0x2f8: {  	[sflag:s12] =	ssyncset.done $0x0  }
0x2f9: {  	s8 =	rddreg [dreg:$0x1b];
	[sflag:s12] =	ssyncadd.s32 $0xFFFFC000  }
0x2fa: {  	[tilespmem:s15], [sflag:$0x1] =	stream.indirect.gather [hbm4b:s4+s14], $0x80, s8, s14, $0xb8;
	[tilespmem:$0x1DC00] =	vst v63  }
0x2fb: {  	_ =	swait.ge [sflag:s18], $0x4000  }
0x2fc: {  	[sflag:s18] =	ssyncset.done $0x0  }
0x2fd: {  	s9 =	rddreg [dreg:$0x1c];
	[sflag:s18] =	ssyncadd.s32 $0xFFFFC000  }
0x2fe: {  	[spmem:s1] =	stream.indirect.scatter.add.f32 [tilespmem:s16], [sflag:$0x3], $0x80, s9, s14, $0xb8;
	[tilespmem:$0x1DC00] =	vst v63  }
0x2ff: {  	_ =	swait.ge [sflag:s12], $0x4000  }
0x300: {  	[sflag:s12] =	ssyncset.done $0x0  }
0x301: {  	s10 =	rddreg [dreg:$0x1d];
	[sflag:s12] =	ssyncadd.s32 $0xFFFFC000  }
0x302: {  	[tilespmem:s16], [sflag:$0x2] =	stream.indirect.gather [hbm4b:s4+s14], $0x80, s10, s14, $0xb8;
	[tilespmem:$0x1DC00] =	vst v63  }
0x303: {  	_ =	swait.ge [sflag:s17], $0x4000  }
0x304: {  	[sflag:s17] =	ssyncset.done $0x0  }
0x305: {  	s8 =	rddreg [dreg:$0x1e];
	[sflag:s17] =	ssyncadd.s32 $0xFFFFC000  }
0x306: {  	[spmem:s1] =	stream.indirect.scatter.add.f32 [tilespmem:s15], [sflag:$0x3], $0x80, s8, s14, $0xb8;
	[tilespmem:$0x1DC00] =	vst v63  }
0x307: {  	_ =	swait.ge [sflag:s12], $0x4000  }
0x308: {  	[sflag:s12] =	ssyncset.done $0x0  }
0x309: {  	s9 =	rddreg [dreg:$0x1f];
	[sflag:s12] =	ssyncadd.s32 $0xFFFFC000  }
0x30a: {  	[tilespmem:s15], [sflag:$0x1] =	stream.indirect.gather [hbm4b:s4+s14], $0x80, s9, s14, $0xb8;
	[tilespmem:$0x1DC00] =	vst v63  }
0x30b: {  	_ =	swait.ge [sflag:s18], $0x4000  }
0x30c: {  	s10 =	sld [smem:$0x7E2]  }
0x30d: {  	[sflag:s18] =	ssyncset.done $0x0  }
0x30e: {  	[sflag:s18] =	ssyncadd.s32 $0xFFFFC000  }
0x30f: {  	[spmem:s1] =	stream.indirect.scatter.add.f32 [tilespmem:s16], [sflag:$0x3], $0x80, s10, s14, $0xb8;
	[tilespmem:$0x1DC00] =	vst v63  }
0x310: {  	_ =	swait.ge [sflag:s12], $0x4000  }
0x311: {  	s8 =	sld [smem:$0x7E3]  }
0x312: {  	[sflag:s12] =	ssyncset.done $0x0  }
0x313: {  	[sflag:s12] =	ssyncadd.s32 $0xFFFFC000  }
0x314: {  	[tilespmem:s16], [sflag:$0x2] =	stream.indirect.gather [hbm4b:s4+s14], $0x80, s8, s14, $0xb8;
	[tilespmem:$0x1DC00] =	vst v63  }
0x315: {  	_ =	swait.ge [sflag:s17], $0x4000  }
0x316: {  	s9 =	sld [smem:$0x7E4]  }
0x317: {  	[sflag:s17] =	ssyncset.done $0x0  }
0x318: {  	[sflag:s17] =	ssyncadd.s32 $0xFFFFC000  }
0x319: {  	[spmem:s1] =	stream.indirect.scatter.add.f32 [tilespmem:s15], [sflag:$0x3], $0x80, s9, s14, $0xb8;
	[tilespmem:$0x1DC00] =	vst v63  }
0x31a: {  	_ =	swait.ge [sflag:s12], $0x4000  }
0x31b: {  	s10 =	sld [smem:$0x7E5]  }
0x31c: {  	[sflag:s12] =	ssyncset.done $0x0  }
0x31d: {  	[sflag:s12] =	ssyncadd.s32 $0xFFFFC000  }
0x31e: {  	[tilespmem:s15], [sflag:$0x1] =	stream.indirect.gather [hbm4b:s4+s14], $0x80, s10, s14, $0xb8;
	[tilespmem:$0x1DC00] =	vst v63  }
0x31f: {  	_ =	swait.ge [sflag:s18], $0x4000  }
0x320: {  	s8 =	sld [smem:$0x7E6]  }
0x321: {  	[sflag:s18] =	ssyncset.done $0x0  }
0x322: {  	[sflag:s18] =	ssyncadd.s32 $0xFFFFC000  }
0x323: {  	[spmem:s1] =	stream.indirect.scatter.add.f32 [tilespmem:s16], [sflag:$0x3], $0x80, s8, s14, $0xb8;
	[tilespmem:$0x1DC00] =	vst v63  }
0x324: {  	_ =	swait.ge [sflag:s12], $0x4000  }
0x325: {  	s9 =	sld [smem:$0x7E8]  }
0x326: {  	[sflag:s12] =	ssyncset.done $0x0  }
0x327: {  	[sflag:s12] =	ssyncadd.s32 $0xFFFFC000  }
0x328: {  	[tilespmem:s16], [sflag:$0x2] =	stream.indirect.gather [hbm4b:s4+s14], $0x80, s9, s14, $0xb8;
	[tilespmem:$0x1DC00] =	vst v63  }
0x329: {  	_ =	swait.ge [sflag:s17], $0x4000  }
0x32a: {  	s10 =	sld [smem:$0x7E9]  }
0x32b: {  	[sflag:s17] =	ssyncset.done $0x0  }
0x32c: {  	[sflag:s17] =	ssyncadd.s32 $0xFFFFC000  }
0x32d: {  	[spmem:s1] =	stream.indirect.scatter.add.f32 [tilespmem:s15], [sflag:$0x3], $0x80, s10, s14, $0xb8;
	[tilespmem:$0x1DC00] =	vst v63  }
0x32e: {  	_ =	swait.ge [sflag:s12], $0x4000  }
0x32f: {  	s8 =	sld [smem:$0x7EA]  }
0x330: {  	[sflag:s12] =	ssyncset.done $0x0  }
0x331: {  	[sflag:s12] =	ssyncadd.s32 $0xFFFFC000  }
0x332: {  	[tilespmem:s15], [sflag:$0x1] =	stream.indirect.gather [hbm4b:s4+s14], $0x80, s8, s14, $0xb8;
	[tilespmem:$0x1DC00] =	vst v63  }
0x333: {  	_ =	swait.ge [sflag:s18], $0x4000  }
0x334: {  	s9 =	sld [smem:$0x7EB]  }
0x335: {  	[sflag:s18] =	ssyncset.done $0x0  }
0x336: {  	[sflag:s18] =	ssyncadd.s32 $0xFFFFC000  }
0x337: {  	[spmem:s1] =	stream.indirect.scatter.add.f32 [tilespmem:s16], [sflag:$0x3], $0x80, s9, s14, $0xb8;
	[tilespmem:$0x1DC00] =	vst v63  }
0x338: {  	_ =	swait.ge [sflag:s12], $0x4000  }
0x339: {  	s10 =	sld [smem:$0x7ED]  }
0x33a: {  	[sflag:s12] =	ssyncset.done $0x0  }
0x33b: {  	[sflag:s12] =	ssyncadd.s32 $0xFFFFC000  }
0x33c: {  	[tilespmem:s16], [sflag:$0x2] =	stream.indirect.gather [hbm4b:s4+s14], $0x80, s10, s14, $0xb8;
	[tilespmem:$0x1DC00] =	vst v63  }
0x33d: {  	_ =	swait.ge [sflag:s17], $0x4000  }
0x33e: {  	s8 =	sld [smem:$0x7EE]  }
0x33f: {  	[sflag:s17] =	ssyncset.done $0x0  }
0x340: {  	[sflag:s17] =	ssyncadd.s32 $0xFFFFC000  }
0x341: {  	[spmem:s1] =	stream.indirect.scatter.add.f32 [tilespmem:s15], [sflag:$0x3], $0x80, s8, s14, $0xb8;
	[tilespmem:$0x1DC00] =	vst v63  }
0x342: {  	_ =	swait.ge [sflag:s12], $0x4000  }
0x343: {  	s9 =	sld [smem:$0x7F0]  }
0x344: {  	[sflag:s12] =	ssyncset.done $0x0  }
0x345: {  	[sflag:s12] =	ssyncadd.s32 $0xFFFFC000  }
0x346: {  	[tilespmem:s15], [sflag:$0x1] =	stream.indirect.gather [hbm4b:s4+s14], $0x80, s9, s14, $0xb8;
	[tilespmem:$0x1DC00] =	vst v63  }
0x347: {  	_ =	swait.ge [sflag:s18], $0x4000  }
0x348: {  	s10 =	sld [smem:$0x7F2]  }
0x349: {  	[sflag:s18] =	ssyncset.done $0x0  }
0x34a: {  	[sflag:s18] =	ssyncadd.s32 $0xFFFFC000  }
0x34b: {  	[spmem:s1] =	stream.indirect.scatter.add.f32 [tilespmem:s16], [sflag:$0x3], $0x80, s10, s14, $0xb8;
	[tilespmem:$0x1DC00] =	vst v63  }
0x34c: {  	_ =	swait.ge [sflag:s12], $0x4000  }
0x34d: {  	s8 =	sld [smem:$0x7F3]  }
0x34e: {  	[sflag:s12] =	ssyncset.done $0x0  }
0x34f: {  	[sflag:s12] =	ssyncadd.s32 $0xFFFFC000  }
0x350: {  	[tilespmem:s16], [sflag:$0x2] =	stream.indirect.gather [hbm4b:s4+s14], $0x80, s8, s14, $0xb8;
	[tilespmem:$0x1DC00] =	vst v63  }
0x351: {  	_ =	swait.ge [sflag:s17], $0x4000  }
0x352: {  	s9 =	sld [smem:$0x7F4]  }
0x353: {  	[sflag:s17] =	ssyncset.done $0x0  }
0x354: {  	[sflag:s17] =	ssyncadd.s32 $0xFFFFC000  }
0x355: {  	[spmem:s1] =	stream.indirect.scatter.add.f32 [tilespmem:s15], [sflag:$0x3], $0x80, s9, s14, $0xb8;
	[tilespmem:$0x1DC00] =	vst v63  }
0x356: {  	_ =	swait.ge [sflag:s12], $0x4000  }
0x357: {  	s10 =	sld [smem:$0x7F5]  }
0x358: {  	[sflag:s12] =	ssyncset.done $0x0  }
0x359: {  	[sflag:s12] =	ssyncadd.s32 $0xFFFFC000  }
0x35a: {  	[tilespmem:s15], [sflag:$0x1] =	stream.indirect.gather [hbm4b:s4+s14], $0x80, s10, s14, $0xb8;
	[tilespmem:$0x1DC00] =	vst v63  }
0x35b: {  	_ =	swait.ge [sflag:s18], $0x4000  }
0x35c: {  	s8 =	sld [smem:$0x7F6]  }
0x35d: {  	[sflag:s18] =	ssyncset.done $0x0  }
0x35e: {  	[sflag:s18] =	ssyncadd.s32 $0xFFFFC000  }
0x35f: {  	[spmem:s1] =	stream.indirect.scatter.add.f32 [tilespmem:s16], [sflag:$0x3], $0x80, s8, s14, $0xb8;
	[tilespmem:$0x1DC00] =	vst v63  }
0x360: {  	_ =	swait.ge [sflag:s12], $0x4000  }
0x361: {  	s9 =	sld [smem:$0x7F7]  }
0x362: {  	[sflag:s12] =	ssyncset.done $0x0  }
0x363: {  	[sflag:s12] =	ssyncadd.s32 $0xFFFFC000  }
0x364: {  	[tilespmem:s16], [sflag:$0x2] =	stream.indirect.gather [hbm4b:s4+s14], $0x80, s9, s14, $0xb8;
	[tilespmem:$0x1DC00] =	vst v63  }
0x365: {  	_ =	swait.ge [sflag:s17], $0x4000  }
0x366: {  	s10 =	sld [smem:$0x7F8]  }
0x367: {  	[sflag:s17] =	ssyncset.done $0x0  }
0x368: {  	[sflag:s17] =	ssyncadd.s32 $0xFFFFC000  }
0x369: {  	[spmem:s1] =	stream.indirect.scatter.add.f32 [tilespmem:s15], [sflag:$0x3], $0x80, s10, s14, $0xb8;
	[tilespmem:$0x1DC00] =	vst v63  }
0x36a: {  	_ =	swait.ge [sflag:s12], $0x4000  }
0x36b: {  	s8 =	sld [smem:$0x7F9]  }
0x36c: {  	[sflag:s12] =	ssyncset.done $0x0  }
0x36d: {  	[sflag:s12] =	ssyncadd.s32 $0xFFFFC000  }
0x36e: {  	[tilespmem:s15], [sflag:$0x1] =	stream.indirect.gather [hbm4b:s4+s14], $0x80, s8, s14, $0xb8;
	[tilespmem:$0x1DC00] =	vst v63  }
0x36f: {  	_ =	swait.ge [sflag:s18], $0x4000  }
0x370: {  	s9 =	sld [smem:$0x7FA]  }
0x371: {  	[sflag:s18] =	ssyncset.done $0x0  }
0x372: {  	[sflag:s18] =	ssyncadd.s32 $0xFFFFC000  }
0x373: {  	[spmem:s1] =	stream.indirect.scatter.add.f32 [tilespmem:s16], [sflag:$0x3], $0x80, s9, s14, $0xb8;
	[tilespmem:$0x1DC00] =	vst v63  }
0x374: {  	_ =	swait.ge [sflag:s12], $0x4000  }
0x375: {  	s10 =	sld [smem:$0x7FB]  }
0x376: {  	[sflag:s12] =	ssyncset.done $0x0  }
0x377: {  	[sflag:s12] =	ssyncadd.s32 $0xFFFFC000  }
0x378: {  	[tilespmem:s16], [sflag:$0x2] =	stream.indirect.gather [hbm4b:s4+s14], $0x80, s10, s14, $0xb8;
	[tilespmem:$0x1DC00] =	vst v63  }
0x379: {  	_ =	swait.ge [sflag:s17], $0x4000  }
0x37a: {  	s8 =	sld [smem:$0x7FC]  }
0x37b: {  	[sflag:s17] =	ssyncset.done $0x0  }
0x37c: {  	[sflag:s17] =	ssyncadd.s32 $0xFFFFC000  }
0x37d: {  	[spmem:s1] =	stream.indirect.scatter.add.f32 [tilespmem:s15], [sflag:$0x3], $0x80, s8, s14, $0xb8;
	[tilespmem:$0x1DC00] =	vst v63  }
0x37e: {  	_ =	swait.ge [sflag:s12], $0x4000  }
0x37f: {  	[sflag:s12] =	ssyncset.done $0x0  }
0x380: {  	[sflag:s12] =	ssyncadd.s32 $0xFFFFC000  }
0x381: {  	[tilespmem:s15], [sflag:$0x1] =	stream.indirect.gather [hbm4b:s4+s14], $0x80, s19, s14, $0xb8;
	[tilespmem:$0x1DC00] =	vst v63  }
0x382: {  	_ =	swait.ge [sflag:s18], $0x4000  }
0x383: {  	[sflag:s18] =	ssyncset.done $0x0  }
0x384: {  	[sflag:s18] =	ssyncadd.s32 $0xFFFFC000  }
0x385: {  	[spmem:s1] =	stream.indirect.scatter.add.f32 [tilespmem:s16], [sflag:$0x3], $0x80, s20, s14, $0xb8;
	[tilespmem:$0x1DC00] =	vst v63  }
0x386: {  	_ =	swait.ge [sflag:s12], $0x4000  }
0x387: {  	[sflag:s12] =	ssyncset.done $0x0  }
0x388: {  	[sflag:s12] =	ssyncadd.s32 $0xFFFFC000  }
0x389: {  	[tilespmem:s16], [sflag:$0x2] =	stream.indirect.gather [hbm4b:s4+s14], $0x80, s21, s14, $0xb8;
	[tilespmem:$0x1DC00] =	vst v63  }
0x38a: {  	_ =	swait.ge [sflag:s17], $0x4000  }
0x38b: {  	[sflag:s17] =	ssyncset.done $0x0  }
0x38c: {  	[sflag:s17] =	ssyncadd.s32 $0xFFFFC000  }
0x38d: {  	[spmem:s1] =	stream.indirect.scatter.add.f32 [tilespmem:s15], [sflag:$0x3], $0x80, s22, s14, $0xb8;
	[tilespmem:$0x1DC00] =	vst v63  }
0x38e: {  	_ =	swait.ge [sflag:s12], $0x4000  }
0x38f: {  	[sflag:s12] =	ssyncset.done $0x0  }
0x390: {  	[sflag:s12] =	ssyncadd.s32 $0xFFFFC000  }
0x391: {  	[tilespmem:s15], [sflag:$0x1] =	stream.indirect.gather [hbm4b:s4+s14], $0x80, s23, s14, $0xb8;
	[tilespmem:$0x1DC00] =	vst v63  }
0x392: {  	_ =	swait.ge [sflag:s18], $0x4000  }
0x393: {  	[sflag:s18] =	ssyncset.done $0x0  }
0x394: {  	[sflag:s18] =	ssyncadd.s32 $0xFFFFC000  }
0x395: {  	[spmem:s1] =	stream.indirect.scatter.add.f32 [tilespmem:s16], [sflag:$0x3], $0x80, s24, s14, $0xb8;
	[tilespmem:$0x1DC00] =	vst v63  }
0x396: {  	_ =	swait.ge [sflag:s12], $0x4000  }
0x397: {  	[sflag:s12] =	ssyncset.done $0x0  }
0x398: {  	[sflag:s12] =	ssyncadd.s32 $0xFFFFC000  }
0x399: {  	[tilespmem:s16], [sflag:$0x2] =	stream.indirect.gather [hbm4b:s4+s14], $0x80, s25, s14, $0xb8;
	[tilespmem:$0x1DC00] =	vst v63  }
0x39a: {  	_ =	swait.ge [sflag:s17], $0x4000  }
0x39b: {  	[sflag:s17] =	ssyncset.done $0x0  }
0x39c: {  	[sflag:s17] =	ssyncadd.s32 $0xFFFFC000  }
0x39d: {  	[spmem:s1] =	stream.indirect.scatter.add.f32 [tilespmem:s15], [sflag:$0x3], $0x80, s26, s14, $0xb8;
	[tilespmem:$0x1DC00] =	vst v63  }
0x39e: {  	_ =	swait.ge [sflag:s12], $0x4000  }
0x39f: {  	[sflag:s12] =	ssyncset.done $0x0  }
0x3a0: {  	[sflag:s12] =	ssyncadd.s32 $0xFFFFC000  }
0x3a1: {  	[tilespmem:s15], [sflag:$0x1] =	stream.indirect.gather [hbm4b:s4+s14], $0x80, s28, s14, $0xb8;
	[tilespmem:$0x1DC00] =	vst v63  }
0x3a2: {  	_ =	swait.ge [sflag:s18], $0x4000  }
0x3a3: {  	[sflag:s18] =	ssyncset.done $0x0  }
0x3a4: {  	[sflag:s18] =	ssyncadd.s32 $0xFFFFC000  }
0x3a5: {  	[spmem:s1] =	stream.indirect.scatter.add.f32 [tilespmem:s16], [sflag:$0x3], $0x80, s29, s14, $0xb8;
	[tilespmem:$0x1DC00] =	vst v63  }
0x3a6: {  	_ =	swait.ge [sflag:s12], $0x4000  }
0x3a7: {  	[sflag:s12] =	ssyncset.done $0x0  }
0x3a8: {  	[sflag:s12] =	ssyncadd.s32 $0xFFFFC000  }
0x3a9: {  	[tilespmem:s16], [sflag:$0x2] =	stream.indirect.gather [hbm4b:s4+s14], $0x80, s30, s14, $0xb8;
	[tilespmem:$0x1DC00] =	vst v63  }
0x3aa: {  	_ =	swait.ge [sflag:s17], $0x4000  }
0x3ab: {  	[sflag:s17] =	ssyncset.done $0x0  }
0x3ac: {  	[sflag:s17] =	ssyncadd.s32 $0xFFFFC000  }
0x3ad: {  	[spmem:s1] =	stream.indirect.scatter.add.f32 [tilespmem:s15], [sflag:$0x3], $0x80, s31, s14, $0xb8;
	[tilespmem:$0x1DC00] =	vst v63  }
0x3ae: {  	_ =	swait.ge [sflag:s12], $0x4000  }
0x3af: {  	[sflag:s12] =	ssyncset.done $0x0  }
0x3b0: {  	[sflag:s12] =	ssyncadd.s32 $0xFFFFC000  }
0x3b1: {  	_ =	swait.ge [sflag:s18], $0x4000  }
0x3b2: {  	[sflag:s18] =	ssyncset.done $0x0  }
0x3b3: {  	[sflag:s18] =	ssyncadd.s32 $0xFFFFC000  }
0x3b4: {  	[spmem:s1] =	stream.indirect.scatter.add.f32 [tilespmem:s16], [sflag:$0x3], $0x80, s0, s14, $0xb8;
	[tilespmem:$0x1DC00] =	vst v63  }
0x3b5: {  	_ =	swait.ge [sflag:s12], $0x4000  }
0x3b6: {  	[sflag:s12] =	ssyncset.done $0x0  }
0x3b7: {  	[sflag:s12] =	ssyncadd.s32 $0xFFFFC000  }
0x3b8: {  	[bflag:$0x0] =	sbarrier.arrive $0xFFFF  }
0x3b9: {  	s9 =	sld [smem:$0x7EF];
	_ =	sdelay $0x2  }
0x3ba: {  	[hbm:s9], [sflag:s7] =	dma.local [spmem:s11], $0x2780  }
0x3bb: {  	_ =	swait.ge [sflag:s12], $0x2780  }
0x3bc: {  	s10 =	sld [smem:$0x7F1];
	_ =	sdelay $0x1  }
0x3bd: {  	s2 =	sadd.s32 $0x1, s2  }
0x3be: {  	p0 =	sne.s32 s2, s10  }
.Ltmp3:
0x3bf: {  	_ = 	snop;
	(pc) =	sbr.rel @p0 .LBB2_1-.Ltmp3, $4  }
.Ltmp4:
0x3c0: {  	_ = 	snop;
	(pc) =	sbr.rel @!p0 .LBB2_8-.Ltmp4, $4  }
0x3c1: {  	_ = 	snop  }
0x3c2: {  	[sflag:s12] =	ssyncset.done $0x0  }
0x3c3: {  	[sflag:s12] =	ssyncadd.s32 $0xFFFFD880  }
0x3c4: {  	_ = 	snop  }
.LBB2_2:
.Ltmp5:
0x3c5: {  	(pc) =	sbr.rel .LBB2_7-.Ltmp5, $2  }
0x3c6: {  	_ =	sdelay $0x2  }
0x3c7: {  	s10 =	smov.u32 s5  }
.LBB2_4:
.Ltmp6:
0x3c8: {  	(pc) =	sbr.rel .LBB2_7-.Ltmp6, $2  }
0x3c9: {  	_ =	sdelay $0x2  }
0x3ca: {  	s10 =	smov.u32 s5;
	s11 =	sld [smem:$0x7FD]  }
.LBB2_8:
0x3cb: {  	_ =	sfence.sel $0x180000  }
0x3cc: {  	[bflag:$0x0] =	sbarrier.arrive $0xFFFF  }
0x3cd: {  	_ =	strace $0x90000047  }
0x3ce: {  	s0 =	stileid.u32;
	[bflag:$0x2] =	sbarrier.arrive $0xFFFF  }
0x3cf: {  	p0 =	sne.s32 s0, $0x0;
	s0 =	rddreg [dreg:$0x3]  }
0x3d0: {  	s0 =	sadd.s32 @!p0 $0x100000, s0  }
0x3d1: {  	[sflag:s0] =	ssyncadd.tile.s32 @!p0 $0x1;
	_ =	shalt  }
.Lfunc_end2:
_tile_overlayer_lowered:
.L_overlay_start_2:
0x3d2: {  	(tag) =	ssettag $0x2  }
0x3d3: {  	s0 =	rddreg [dreg:$0x0];
	s2 =	stileid.u32  }
0x3d4: {  	s1 =	rddreg [dreg:$0x1];
	p0 =	sne.s32 s2, $0x0  }
0x3d5: {  	s3 =	rddreg [dreg:$0x2];
	[bflag:$0x3] =	sbarrier.arrive $0xFFFF;
	s2 =	simm.s32 @!p0 $0x1C03  }
0x3d6: {  	[timem:s3], [sflag:s2] =	dma.local @!p0 [hbm:s0], s1  }
0x3d7: {  	s0 =	simm.s32 @!p0 $0x3  }
0x3d8: {  	_ =	swait.ge @!p0 [sflag:s0], s1  }
0x3d9: {  	s1 =	ssub.s32 @!p0 $0x0, s1;
	[sflag:s0] =	ssyncset.done @!p0 $0x0  }
0x3da: {  	[sflag:s0] =	ssyncadd.s32 @!p0 s1  }
0x3db: {  	[bflag:$0x3] =	sbarrier.arrive $0xFFFF  }
0x3dc: {  	_ =	shalt  }

</sc_bundles>
